<compile_context>
chip_gen: v7x
topology: tpu7x:2x2x1
jax: 0.10.2.dev20260603
libtpu: 0.0.44.dev20260713+nightly
codegen_flags: <defaults>
</compile_context>

<pallas_src>
import functools

import jax
import jax.numpy as jnp
from jax import lax
from jax.experimental import pallas as pl
from jax.experimental.pallas import tpu as pltpu
from jax.experimental.pallas import tpu_sc as plsc

N_NODES = 16384
EXPR_LEN = 50
IDENT_DIM = 128
HALF = IDENT_DIM // 2
CONTROL_VOCAB = 32
CONTROL_DIM = 8
OUT_DIM = IDENT_DIM + CONTROL_DIM
N_IDENT = 100000

GROUP = 4
NBUF = 4
FLUSH_GROUPS = 32
PACK_CHUNK = 125
PACK_NBUF = 4


def _sc_mesh_info():
    info = plsc.get_sparse_core_info()
    return info.num_cores, info.num_subcores, info.num_lanes


def _sc_pack_table(table_f32):
    nc, ns, nlanes = _sc_mesh_info()
    nw = nc * ns
    rpw = N_IDENT // nw
    nsteps = rpw // PACK_CHUNK

    mesh = plsc.VectorSubcoreMesh(core_axis_name="c", subcore_axis_name="s")

    @functools.partial(
        pl.kernel,
        mesh=mesh,
        compiler_params=pltpu.CompilerParams(
            needs_layout_passes=False, use_tc_tiling_on_sc=False),
        out_type=jax.ShapeDtypeStruct((N_IDENT, HALF), jnp.int32),
        scratch_types=[
            pltpu.VMEM((PACK_NBUF, PACK_CHUNK, IDENT_DIM), jnp.float32),
            pltpu.VMEM((PACK_NBUF, PACK_CHUNK, HALF), jnp.int32),
        ]
        + [pltpu.SemaphoreType.DMA for _ in range(2 * PACK_NBUF)],
    )
    def body(tab_hbm, out_hbm, in_v, out_v, *sems):
        wid = lax.axis_index("s") * nc + lax.axis_index("c")
        base = wid * rpw
        rnd = jnp.int32(0x8000)
        hi_mask = jnp.int32(-65536)
        sin = sems[:PACK_NBUF]
        sout = sems[PACK_NBUF:]

        def start_in(s, b):
            pltpu.async_copy(
                tab_hbm.at[pl.ds(base + s * PACK_CHUNK, PACK_CHUNK)],
                in_v.at[b], sin[b])

        def wait_in(b):
            pltpu.make_async_copy(
                tab_hbm.at[pl.ds(base, PACK_CHUNK)], in_v.at[b],
                sin[b]).wait()

        def start_out(s, b):
            pltpu.async_copy(
                out_v.at[b],
                out_hbm.at[pl.ds(base + s * PACK_CHUNK, PACK_CHUNK)],
                sout[b])

        def wait_out(b):
            pltpu.make_async_copy(
                out_v.at[b], out_hbm.at[pl.ds(base, PACK_CHUNK)],
                sout[b]).wait()

        for b in range(PACK_NBUF):
            start_in(b, b)

        def compute(b):
            @plsc.parallel_loop(0, PACK_CHUNK, unroll=10)
            def _rows(r):
                for c in range(HALF // 16):
                    a = in_v[b, r, pl.ds(16 * c, 16)]
                    bv = in_v[b, r, pl.ds(HALF + 16 * c, 16)]
                    pk = plsc.pack(a, bv, format=plsc.PackFormat.INTERLEAVED)
                    out_v[b, r, pl.ds(16 * c, 16)] = plsc.bitcast(
                        pk, jnp.int32)

        def step(s2, carry):
            for b in range(PACK_NBUF):
                s = s2 * PACK_NBUF + b
                wait_in(b)

                @pl.when(s2 >= 1)
                def _drain_out():
                    wait_out(b)

                compute(b)
                start_out(s, b)

                @pl.when(s + PACK_NBUF < nsteps)
                def _prefetch():
                    start_in(s + PACK_NBUF, b)

            return carry

        lax.fori_loop(0, nsteps // PACK_NBUF, step, 0, unroll=False)
        for t in range(nsteps - nsteps % PACK_NBUF, nsteps):
            b = t % PACK_NBUF
            wait_in(b)
            wait_out(b)
            compute(b)
            start_out(t, b)
        for b in range(PACK_NBUF):
            wait_out(b)

    return body(table_f32)


def _sc_pool_sum(flat_idx, packed_table):
    nc, ns, nlanes = _sc_mesh_info()
    nw = nc * ns
    npw = N_NODES // nw
    ngroups = npw // GROUP
    rows = GROUP * EXPR_LEN
    ipw = npw * EXPR_LEN
    out_rows = FLUSH_GROUPS * GROUP
    nchunks = HALF // nlanes

    mesh = plsc.VectorSubcoreMesh(core_axis_name="c", subcore_axis_name="s")

    @functools.partial(
        pl.kernel,
        mesh=mesh,
        compiler_params=pltpu.CompilerParams(
            needs_layout_passes=False, use_tc_tiling_on_sc=False),
        out_type=jax.ShapeDtypeStruct((N_NODES, IDENT_DIM), jnp.float32),
        scratch_types=[
            pltpu.VMEM((ipw,), jnp.int32),
            pltpu.VMEM((NBUF, rows, HALF), jnp.int32),
            pltpu.VMEM((out_rows, IDENT_DIM), jnp.float32),
        ]
        + [pltpu.SemaphoreType.DMA for _ in range(2 * NBUF)],
    )
    def body(idx_hbm, table_hbm, out_hbm, idx_v, ring_v, out_v, *sems):
        wid = lax.axis_index("s") * nc + lax.axis_index("c")
        nbase = wid * npw
        pltpu.sync_copy(idx_hbm.at[pl.ds(wid * ipw, ipw)], idx_v)

        split = 104

        def start(g, b):
            off = g * rows
            pltpu.async_copy(
                table_hbm.at[idx_v.at[pl.ds(off, split)]],
                ring_v.at[b, pl.ds(0, split)], sems[2 * b])
            pltpu.async_copy(
                table_hbm.at[idx_v.at[pl.ds(off + split, rows - split)]],
                ring_v.at[b, pl.ds(split, rows - split)], sems[2 * b + 1])

        def wait(b):
            pltpu.make_async_copy(
                table_hbm.at[idx_v.at[pl.ds(0, split)]],
                ring_v.at[b, pl.ds(0, split)], sems[2 * b]).wait()
            pltpu.make_async_copy(
                table_hbm.at[idx_v.at[pl.ds(0, rows - split)]],
                ring_v.at[b, pl.ds(split, rows - split)], sems[2 * b + 1]).wait()

        for b in range(NBUF):
            start(b, b)

        hi_mask = jnp.int32(-65536)

        def outer(gg, carry):
            g0 = gg * NBUF
            kk = gg // (FLUSH_GROUPS // NBUF)
            for b in range(NBUF):
                g = g0 + b
                wait(b)
                for h in range(GROUP):
                    row0 = h * EXPR_LEN
                    orow = (g - kk * FLUSH_GROUPS) * GROUP + h

                    zero = jnp.zeros((nlanes,), jnp.float32)

                    @plsc.parallel_loop(
                        0, EXPR_LEN, unroll=2,
                        carry=(zero,) * (2 * nchunks))
                    def accs(r, acc_in):
                        out = []
                        for c in range(nchunks):
                            w = ring_v[b, row0 + r, pl.ds(16 * c, 16)]
                            lo = lax.bitcast_convert_type(
                                lax.shift_left(w, 16), jnp.float32)
                            hi = lax.bitcast_convert_type(w, jnp.float32)
                            out.append(acc_in[2 * c] + lo)
                            out.append(acc_in[2 * c + 1] + hi)
                        return tuple(out)
                    for c in range(nchunks):
                        out_v[orow, pl.ds(16 * c, 16)] = accs[2 * c]
                        out_v[orow, pl.ds(HALF + 16 * c, 16)] = accs[2 * c + 1]

                    if h == GROUP - 1:
                        @pl.when(g + NBUF < ngroups)
                        def _start_next():
                            start(g + NBUF, b)

            @pl.when(gg % (FLUSH_GROUPS // NBUF) == FLUSH_GROUPS // NBUF - 1)
            def _flush():
                pltpu.sync_copy(
                    out_v,
                    out_hbm.at[pl.ds(nbase + kk * out_rows, out_rows)])

            return carry

        lax.fori_loop(0, ngroups // NBUF, outer, 0, unroll=False)

    return body(flat_idx, packed_table)


def _tc_project(pooled_sum, W_expr, b_expr, control_kind, control_kind_table):
    bn = 2048
    grid = (N_NODES // bn,)

    def body(x_ref, w_ref, b_ref, ck_ref, ctab_ref, o_ref):
        x = x_ref[...] * (1.0 / EXPR_LEN)
        y = jnp.dot(x, w_ref[...], preferred_element_type=jnp.float32)
        y = y + b_ref[...]
        ck = ck_ref[...]
        onehot = (
            ck == lax.broadcasted_iota(jnp.int32, (bn, CONTROL_VOCAB), 1)
        ).astype(jnp.float32)
        ctl = jnp.dot(onehot, ctab_ref[...], preferred_element_type=jnp.float32)
        o_ref[...] = jnp.concatenate([y, ctl], axis=-1)

    return pl.pallas_call(
        body,
        grid=grid,
        in_specs=[
            pl.BlockSpec((bn, IDENT_DIM), lambda i: (i, 0)),
            pl.BlockSpec((IDENT_DIM, IDENT_DIM), lambda i: (0, 0)),
            pl.BlockSpec((1, IDENT_DIM), lambda i: (0, 0)),
            pl.BlockSpec((bn, 1), lambda i: (i, 0)),
            pl.BlockSpec((CONTROL_VOCAB, CONTROL_DIM), lambda i: (0, 0)),
        ],
        out_specs=pl.BlockSpec((bn, OUT_DIM), lambda i: (i, 0)),
        out_shape=jax.ShapeDtypeStruct((N_NODES, OUT_DIM), jnp.float32),
    )(pooled_sum, W_expr, b_expr, control_kind, control_kind_table)


def kernel(encoded_identifiers, cfg_nodes_expressions, cfg_nodes_control_kind,
           W_expr, b_expr, control_kind_table):
    flat_idx = cfg_nodes_expressions.astype(jnp.int32).reshape(-1)
    ck = cfg_nodes_control_kind.astype(jnp.int32).reshape(N_NODES, 1)

    packed = _sc_pack_table(encoded_identifiers)
    pooled_sum = _sc_pool_sum(flat_idx, packed)
    return _tc_project(
        pooled_sum,
        W_expr,
        b_expr.reshape(1, IDENT_DIM),
        ck,
        control_kind_table,
    )

# --- scband reference (transcript-rebuilt; emitter-appended) ---
"""Pipeline reference for scband-cfgnode-encoder-78993038508082 (READ-ONLY COPY).

The authoritative reference and input builder live on the scoring server;
editing this copy changes nothing except your own understanding.
"""

import jax, jax.numpy as jnp
import numpy as np

NUM_IDENTIFIERS = 100000
IDENT_DIM = 128
NUM_CFG_NODES = 16384
EXPR_LEN = 50
CONTROL_VOCAB = 32
CONTROL_DIM = 8
EXPR_OUT_DIM = 128


def setup_inputs(seed: int = 0) -> dict:
    key = jax.random.key(seed)
    k1, k2, k3, k4, k5, k6 = jax.random.split(key, 6)
    encoded_identifiers = jax.random.normal(k1, (NUM_IDENTIFIERS, IDENT_DIM), dtype=jnp.float32)
    cfg_nodes_expressions = jax.random.randint(k2, (NUM_CFG_NODES, EXPR_LEN), 0, NUM_IDENTIFIERS, dtype=jnp.int64 if jax.config.jax_enable_x64 else jnp.int32)
    cfg_nodes_control_kind = jax.random.randint(k3, (NUM_CFG_NODES,), 0, CONTROL_VOCAB, dtype=jnp.int64 if jax.config.jax_enable_x64 else jnp.int32)
    # expression_encoder parameters (mean-pool over gathered identifier encodings + linear projection)
    W_expr = jax.random.normal(k4, (IDENT_DIM, EXPR_OUT_DIM), dtype=jnp.float32) * (1.0 / np.sqrt(IDENT_DIM))
    b_expr = jnp.zeros((EXPR_OUT_DIM,), dtype=jnp.float32)
    # nn.Embedding table for control kinds
    control_kind_table = jax.random.normal(k5, (CONTROL_VOCAB, CONTROL_DIM), dtype=jnp.float32)
    return {
        "encoded_identifiers": encoded_identifiers,
        "cfg_nodes_expressions": cfg_nodes_expressions,
        "cfg_nodes_control_kind": cfg_nodes_control_kind,
        "W_expr": W_expr,
        "b_expr": b_expr,
        "control_kind_table": control_kind_table,
    }


def reference(encoded_identifiers, cfg_nodes_expressions, cfg_nodes_control_kind, W_expr, b_expr, control_kind_table):
    # expression_encoder(expressions=cfg_nodes_expressions, encoded_identifiers=encoded_identifiers):
    #   gather identifier encodings for each expression token, mean-pool, linear project
    gathered = jnp.take(encoded_identifiers, cfg_nodes_expressions, axis=0)  # [N, L, d]
    pooled = jnp.mean(gathered, axis=1)                                      # [N, d]
    encoded_expressions = pooled @ W_expr + b_expr                           # [N, d_out]
    # pdg_node_control_kinds_embeddings(cfg_nodes_control_kind)
    embedded_control_kind = jnp.take(control_kind_table, cfg_nodes_control_kind, axis=0)  # [N, 8]
    return jnp.concatenate([encoded_expressions, embedded_control_kind], axis=-1)

if __name__ == "__main__":
    import jax
    _d = setup_inputs()
    print(jax.jit(kernel)(*tuple(_d.values())))

</pallas_src>

<mosaic_0001>
#map = affine_map<(d0, d1) -> (0)>
#map1 = affine_map<(d0, d1) -> (0, 0)>
module attributes {stable_mosaic.version = 14 : i64} {
  func.func @body(%arg0: i32, %arg1: i32, %arg2: memref<819200xi32, #tpu.memory_space<hbm>>, %arg3: memref<100000x64xi32, #tpu.memory_space<hbm>>, %arg4: memref<16384x128xf32, #tpu.memory_space<hbm>>, %arg5: memref<25600xi32, #tpu.memory_space<vmem>>, %arg6: memref<4x200x64xi32, #tpu.memory_space<vmem>>, %arg7: memref<128x128xf32, #tpu.memory_space<vmem>>, %arg8: memref<!tpu.dma_semaphore, #tpu.memory_space<semaphore_mem>>, %arg9: memref<!tpu.dma_semaphore, #tpu.memory_space<semaphore_mem>>, %arg10: memref<!tpu.dma_semaphore, #tpu.memory_space<semaphore_mem>>, %arg11: memref<!tpu.dma_semaphore, #tpu.memory_space<semaphore_mem>>, %arg12: memref<!tpu.dma_semaphore, #tpu.memory_space<semaphore_mem>>, %arg13: memref<!tpu.dma_semaphore, #tpu.memory_space<semaphore_mem>>, %arg14: memref<!tpu.dma_semaphore, #tpu.memory_space<semaphore_mem>>, %arg15: memref<!tpu.dma_semaphore, #tpu.memory_space<semaphore_mem>>) attributes {dimension_semantics = [#tpu.dimension_semantics<core_parallel>, #tpu.dimension_semantics<subcore_parallel>], iteration_bounds = array<i64: 2, 16>, scalar_prefetch = 0 : i64, scratch_operands = 11 : i64, tpu.core_type = #tpu.core_type<sc_vector_subcore>, window_params = [{transform_indices = #map}, {transform_indices = #map1}, {transform_indices = #map1}]} {
    %mul3A = arith.constant 2 : i32
    %mul3A_0 = arith.muli %arg1, %mul3A : i32
    %add3A = arith.addi %mul3A_0, %arg0 : i32
    %mul3A_1 = arith.constant 512 : i32
    %mul3A_2 = arith.muli %add3A, %mul3A_1 : i32
    %mul3A_3 = arith.constant 25600 : i32
    %mul3A_4 = arith.muli %add3A, %mul3A_3 : i32
    "tpu.region"() ({
      %run_scoped3A = tpu.sem_alloc : memref<!tpu.dma_semaphore, #tpu.memory_space<semaphore_mem>>
      %dma_start3A_89 = tpu.memref_slice %arg2[%mul3A_4] : memref<819200xi32, #tpu.memory_space<hbm>> -> memref<25600xi32, #tpu.memory_space<hbm>>
      %dma_start3A_90 = tpu.memref_slice %arg2[%mul3A_4] : memref<819200xi32, #tpu.memory_space<hbm>> -> memref<25600xi32, #tpu.memory_space<hbm>>
      tpu.enqueue_dma source(%dma_start3A_90 : memref<25600xi32, #tpu.memory_space<hbm>>) target(%arg5 : memref<25600xi32, #tpu.memory_space<vmem>>) target_semaphore(%run_scoped3A : memref<!tpu.dma_semaphore, #tpu.memory_space<semaphore_mem>>)
      %dma_wait3A = tpu.memref_slice %arg2[%mul3A_4] : memref<819200xi32, #tpu.memory_space<hbm>> -> memref<25600xi32, #tpu.memory_space<hbm>>
      %dma_wait3A_91 = tpu.memref_slice %arg2[%mul3A_4] : memref<819200xi32, #tpu.memory_space<hbm>> -> memref<25600xi32, #tpu.memory_space<hbm>>
      tpu.wait_dma2 semaphore(%run_scoped3A : memref<!tpu.dma_semaphore, #tpu.memory_space<semaphore_mem>>) src(%dma_wait3A_91 : memref<25600xi32, #tpu.memory_space<hbm>>) dst(%arg5 : memref<25600xi32, #tpu.memory_space<vmem>>)
      tpu.yield
    }) : () -> ()
    %dma_start3A = arith.constant 0 : i32
    %dma_start3A_5 = arith.constant 0 : i32
    %dma_start3A_6 = arith.constant 0 : i32
    %dma_start3A_7 = tpu.memref_slice %arg6[%dma_start3A, %dma_start3A_5, %dma_start3A_6] : memref<4x200x64xi32, #tpu.memory_space<vmem>> -> memref<1x104x64xi32, #tpu.memory_space<vmem>>
    %dma_start3A_8 = tpu.memref_squeeze %dma_start3A_7 : memref<1x104x64xi32, #tpu.memory_space<vmem>> -> memref<104x64xi32, #tpu.memory_space<vmem>>
    %dma_start3A_9 = arith.constant 0 : i32
    %dma_start3A_10 = tpu.memref_slice %arg5[%dma_start3A_9] : memref<25600xi32, #tpu.memory_space<vmem>> -> memref<104xi32, #tpu.memory_space<vmem>>
    %dma_start3A_11 = arith.constant 0 : i32
    %dma_start3A_12 = arith.constant 0 : i32
    %dma_start3A_13 = tpu.memref_slice %arg3[%dma_start3A_11, %dma_start3A_12] : memref<100000x64xi32, #tpu.memory_space<hbm>> -> memref<100000x64xi32, #tpu.memory_space<hbm>>
    tpu.enqueue_indirect_dma source(%dma_start3A_13 : memref<100000x64xi32, #tpu.memory_space<hbm>>) target(%dma_start3A_8 : memref<104x64xi32, #tpu.memory_space<vmem>>) offsets(%dma_start3A_10 : memref<104xi32, #tpu.memory_space<vmem>>) semaphore(%arg8 : memref<!tpu.dma_semaphore, #tpu.memory_space<semaphore_mem>>)
    %dma_start3A_14 = arith.constant 0 : i32
    %dma_start3A_15 = arith.constant 104 : i32
    %dma_start3A_16 = arith.constant 0 : i32
    %dma_start3A_17 = tpu.memref_slice %arg6[%dma_start3A_14, %dma_start3A_15, %dma_start3A_16] : memref<4x200x64xi32, #tpu.memory_space<vmem>> -> memref<1x96x64xi32, #tpu.memory_space<vmem>>
    %dma_start3A_18 = tpu.memref_squeeze %dma_start3A_17 : memref<1x96x64xi32, #tpu.memory_space<vmem>> -> memref<96x64xi32, #tpu.memory_space<vmem>>
    %dma_start3A_19 = arith.constant 104 : i32
    %dma_start3A_20 = tpu.memref_slice %arg5[%dma_start3A_19] : memref<25600xi32, #tpu.memory_space<vmem>> -> memref<96xi32, #tpu.memory_space<vmem>>
    %dma_start3A_21 = arith.constant 0 : i32
    %dma_start3A_22 = arith.constant 0 : i32
    %dma_start3A_23 = tpu.memref_slice %arg3[%dma_start3A_21, %dma_start3A_22] : memref<100000x64xi32, #tpu.memory_space<hbm>> -> memref<100000x64xi32, #tpu.memory_space<hbm>>
    tpu.enqueue_indirect_dma source(%dma_start3A_23 : memref<100000x64xi32, #tpu.memory_space<hbm>>) target(%dma_start3A_18 : memref<96x64xi32, #tpu.memory_space<vmem>>) offsets(%dma_start3A_20 : memref<96xi32, #tpu.memory_space<vmem>>) semaphore(%arg9 : memref<!tpu.dma_semaphore, #tpu.memory_space<semaphore_mem>>)
    %dma_start3A_24 = arith.constant 1 : i32
    %dma_start3A_25 = arith.constant 0 : i32
    %dma_start3A_26 = arith.constant 0 : i32
    %dma_start3A_27 = tpu.memref_slice %arg6[%dma_start3A_24, %dma_start3A_25, %dma_start3A_26] : memref<4x200x64xi32, #tpu.memory_space<vmem>> -> memref<1x104x64xi32, #tpu.memory_space<vmem>>
    %dma_start3A_28 = tpu.memref_squeeze %dma_start3A_27 : memref<1x104x64xi32, #tpu.memory_space<vmem>> -> memref<104x64xi32, #tpu.memory_space<vmem>>
    %dma_start3A_29 = arith.constant 200 : i32
    %dma_start3A_30 = tpu.memref_slice %arg5[%dma_start3A_29] : memref<25600xi32, #tpu.memory_space<vmem>> -> memref<104xi32, #tpu.memory_space<vmem>>
    %dma_start3A_31 = arith.constant 0 : i32
    %dma_start3A_32 = arith.constant 0 : i32
    %dma_start3A_33 = tpu.memref_slice %arg3[%dma_start3A_31, %dma_start3A_32] : memref<100000x64xi32, #tpu.memory_space<hbm>> -> memref<100000x64xi32, #tpu.memory_space<hbm>>
    tpu.enqueue_indirect_dma source(%dma_start3A_33 : memref<100000x64xi32, #tpu.memory_space<hbm>>) target(%dma_start3A_28 : memref<104x64xi32, #tpu.memory_space<vmem>>) offsets(%dma_start3A_30 : memref<104xi32, #tpu.memory_space<vmem>>) semaphore(%arg10 : memref<!tpu.dma_semaphore, #tpu.memory_space<semaphore_mem>>)
    %dma_start3A_34 = arith.constant 1 : i32
    %dma_start3A_35 = arith.constant 104 : i32
    %dma_start3A_36 = arith.constant 0 : i32
    %dma_start3A_37 = tpu.memref_slice %arg6[%dma_start3A_34, %dma_start3A_35, %dma_start3A_36] : memref<4x200x64xi32, #tpu.memory_space<vmem>> -> memref<1x96x64xi32, #tpu.memory_space<vmem>>
    %dma_start3A_38 = tpu.memref_squeeze %dma_start3A_37 : memref<1x96x64xi32, #tpu.memory_space<vmem>> -> memref<96x64xi32, #tpu.memory_space<vmem>>
    %dma_start3A_39 = arith.constant 304 : i32
    %dma_start3A_40 = tpu.memref_slice %arg5[%dma_start3A_39] : memref<25600xi32, #tpu.memory_space<vmem>> -> memref<96xi32, #tpu.memory_space<vmem>>
    %dma_start3A_41 = arith.constant 0 : i32
    %dma_start3A_42 = arith.constant 0 : i32
    %dma_start3A_43 = tpu.memref_slice %arg3[%dma_start3A_41, %dma_start3A_42] : memref<100000x64xi32, #tpu.memory_space<hbm>> -> memref<100000x64xi32, #tpu.memory_space<hbm>>
    tpu.enqueue_indirect_dma source(%dma_start3A_43 : memref<100000x64xi32, #tpu.memory_space<hbm>>) target(%dma_start3A_38 : memref<96x64xi32, #tpu.memory_space<vmem>>) offsets(%dma_start3A_40 : memref<96xi32, #tpu.memory_space<vmem>>) semaphore(%arg11 : memref<!tpu.dma_semaphore, #tpu.memory_space<semaphore_mem>>)
    %dma_start3A_44 = arith.constant 2 : i32
    %dma_start3A_45 = arith.constant 0 : i32
    %dma_start3A_46 = arith.constant 0 : i32
    %dma_start3A_47 = tpu.memref_slice %arg6[%dma_start3A_44, %dma_start3A_45, %dma_start3A_46] : memref<4x200x64xi32, #tpu.memory_space<vmem>> -> memref<1x104x64xi32, #tpu.memory_space<vmem>>
    %dma_start3A_48 = tpu.memref_squeeze %dma_start3A_47 : memref<1x104x64xi32, #tpu.memory_space<vmem>> -> memref<104x64xi32, #tpu.memory_space<vmem>>
    %dma_start3A_49 = arith.constant 400 : i32
    %dma_start3A_50 = tpu.memref_slice %arg5[%dma_start3A_49] : memref<25600xi32, #tpu.memory_space<vmem>> -> memref<104xi32, #tpu.memory_space<vmem>>
    %dma_start3A_51 = arith.constant 0 : i32
    %dma_start3A_52 = arith.constant 0 : i32
    %dma_start3A_53 = tpu.memref_slice %arg3[%dma_start3A_51, %dma_start3A_52] : memref<100000x64xi32, #tpu.memory_space<hbm>> -> memref<100000x64xi32, #tpu.memory_space<hbm>>
    tpu.enqueue_indirect_dma source(%dma_start3A_53 : memref<100000x64xi32, #tpu.memory_space<hbm>>) target(%dma_start3A_48 : memref<104x64xi32, #tpu.memory_space<vmem>>) offsets(%dma_start3A_50 : memref<104xi32, #tpu.memory_space<vmem>>) semaphore(%arg12 : memref<!tpu.dma_semaphore, #tpu.memory_space<semaphore_mem>>)
    %dma_start3A_54 = arith.constant 2 : i32
    %dma_start3A_55 = arith.constant 104 : i32
    %dma_start3A_56 = arith.constant 0 : i32
    %dma_start3A_57 = tpu.memref_slice %arg6[%dma_start3A_54, %dma_start3A_55, %dma_start3A_56] : memref<4x200x64xi32, #tpu.memory_space<vmem>> -> memref<1x96x64xi32, #tpu.memory_space<vmem>>
    %dma_start3A_58 = tpu.memref_squeeze %dma_start3A_57 : memref<1x96x64xi32, #tpu.memory_space<vmem>> -> memref<96x64xi32, #tpu.memory_space<vmem>>
    %dma_start3A_59 = arith.constant 504 : i32
    %dma_start3A_60 = tpu.memref_slice %arg5[%dma_start3A_59] : memref<25600xi32, #tpu.memory_space<vmem>> -> memref<96xi32, #tpu.memory_space<vmem>>
    %dma_start3A_61 = arith.constant 0 : i32
    %dma_start3A_62 = arith.constant 0 : i32
    %dma_start3A_63 = tpu.memref_slice %arg3[%dma_start3A_61, %dma_start3A_62] : memref<100000x64xi32, #tpu.memory_space<hbm>> -> memref<100000x64xi32, #tpu.memory_space<hbm>>
    tpu.enqueue_indirect_dma source(%dma_start3A_63 : memref<100000x64xi32, #tpu.memory_space<hbm>>) target(%dma_start3A_58 : memref<96x64xi32, #tpu.memory_space<vmem>>) offsets(%dma_start3A_60 : memref<96xi32, #tpu.memory_space<vmem>>) semaphore(%arg13 : memref<!tpu.dma_semaphore, #tpu.memory_space<semaphore_mem>>)
    %dma_start3A_64 = arith.constant 3 : i32
    %dma_start3A_65 = arith.constant 0 : i32
    %dma_start3A_66 = arith.constant 0 : i32
    %dma_start3A_67 = tpu.memref_slice %arg6[%dma_start3A_64, %dma_start3A_65, %dma_start3A_66] : memref<4x200x64xi32, #tpu.memory_space<vmem>> -> memref<1x104x64xi32, #tpu.memory_space<vmem>>
    %dma_start3A_68 = tpu.memref_squeeze %dma_start3A_67 : memref<1x104x64xi32, #tpu.memory_space<vmem>> -> memref<104x64xi32, #tpu.memory_space<vmem>>
    %dma_start3A_69 = arith.constant 600 : i32
    %dma_start3A_70 = tpu.memref_slice %arg5[%dma_start3A_69] : memref<25600xi32, #tpu.memory_space<vmem>> -> memref<104xi32, #tpu.memory_space<vmem>>
    %dma_start3A_71 = arith.constant 0 : i32
    %dma_start3A_72 = arith.constant 0 : i32
    %dma_start3A_73 = tpu.memref_slice %arg3[%dma_start3A_71, %dma_start3A_72] : memref<100000x64xi32, #tpu.memory_space<hbm>> -> memref<100000x64xi32, #tpu.memory_space<hbm>>
    tpu.enqueue_indirect_dma source(%dma_start3A_73 : memref<100000x64xi32, #tpu.memory_space<hbm>>) target(%dma_start3A_68 : memref<104x64xi32, #tpu.memory_space<vmem>>) offsets(%dma_start3A_70 : memref<104xi32, #tpu.memory_space<vmem>>) semaphore(%arg14 : memref<!tpu.dma_semaphore, #tpu.memory_space<semaphore_mem>>)
    %dma_start3A_74 = arith.constant 3 : i32
    %dma_start3A_75 = arith.constant 104 : i32
    %dma_start3A_76 = arith.constant 0 : i32
    %dma_start3A_77 = tpu.memref_slice %arg6[%dma_start3A_74, %dma_start3A_75, %dma_start3A_76] : memref<4x200x64xi32, #tpu.memory_space<vmem>> -> memref<1x96x64xi32, #tpu.memory_space<vmem>>
    %dma_start3A_78 = tpu.memref_squeeze %dma_start3A_77 : memref<1x96x64xi32, #tpu.memory_space<vmem>> -> memref<96x64xi32, #tpu.memory_space<vmem>>
    %dma_start3A_79 = arith.constant 704 : i32
    %dma_start3A_80 = tpu.memref_slice %arg5[%dma_start3A_79] : memref<25600xi32, #tpu.memory_space<vmem>> -> memref<96xi32, #tpu.memory_space<vmem>>
    %dma_start3A_81 = arith.constant 0 : i32
    %dma_start3A_82 = arith.constant 0 : i32
    %dma_start3A_83 = tpu.memref_slice %arg3[%dma_start3A_81, %dma_start3A_82] : memref<100000x64xi32, #tpu.memory_space<hbm>> -> memref<100000x64xi32, #tpu.memory_space<hbm>>
    tpu.enqueue_indirect_dma source(%dma_start3A_83 : memref<100000x64xi32, #tpu.memory_space<hbm>>) target(%dma_start3A_78 : memref<96x64xi32, #tpu.memory_space<vmem>>) offsets(%dma_start3A_80 : memref<96xi32, #tpu.memory_space<vmem>>) semaphore(%arg15 : memref<!tpu.dma_semaphore, #tpu.memory_space<semaphore_mem>>)
    %scan3A = arith.constant 0 : i32
    %scan3A_84 = arith.constant 0 : i32
    %scan3A_85 = arith.constant 32 : i32
    %scan3A_86 = arith.addi %scan3A_84, %scan3A_85 : i32
    %scan3A_87 = arith.constant 1 : i32
    scf.for %scan3A_89 = %scan3A_84 to %scan3A_86 step %scan3A_87  : i32 {
      %mul3A_90 = arith.constant 4 : i32
      %mul3A_91 = arith.muli %scan3A_89, %mul3A_90 : i32
      %jit3A = arith.constant 8 : i32
      %div3A = arith.divsi %scan3A_89, %jit3A : i32
      %sign3A = arith.constant 0 : i32
      %sign3A_92 = arith.cmpi sgt, %scan3A_89, %sign3A : i32
      %sign3A_93 = arith.extui %sign3A_92 : i1 to i32
      %sign3A_94 = arith.constant 0 : i32
      %sign3A_95 = arith.cmpi slt, %scan3A_89, %sign3A_94 : i32
      %sign3A_96 = arith.extui %sign3A_95 : i1 to i32
      %sign3A_97 = arith.subi %sign3A_93, %sign3A_96 : i32
      %sign3A_98 = arith.constant 0 : i32
      %sign3A_99 = arith.cmpi sgt, %jit3A, %sign3A_98 : i32
      %sign3A_100 = arith.extui %sign3A_99 : i1 to i32
      %sign3A_101 = arith.constant 0 : i32
      %sign3A_102 = arith.cmpi slt, %jit3A, %sign3A_101 : i32
      %sign3A_103 = arith.extui %sign3A_102 : i1 to i32
      %sign3A_104 = arith.subi %sign3A_100, %sign3A_103 : i32
      %ne3A = arith.cmpi ne, %sign3A_97, %sign3A_104 : i32
      %rem3A = arith.remsi %scan3A_89, %jit3A : i32
      %ne3A_105 = arith.constant 0 : i32
      %ne3A_106 = arith.cmpi ne, %rem3A, %ne3A_105 : i32
      %and3A = arith.andi %ne3A, %ne3A_106 : i1
      %sub3A = arith.constant 1 : i32
      %sub3A_107 = arith.subi %div3A, %sub3A : i32
      %select_n3A = arith.select %and3A, %sub3A_107, %div3A : i32
      %add3A_108 = arith.constant 0 : i32
      %add3A_109 = arith.addi %mul3A_91, %add3A_108 : i32
      %dma_wait3A = arith.constant 0 : i32
      %dma_wait3A_110 = arith.constant 0 : i32
      %dma_wait3A_111 = arith.constant 0 : i32
      %dma_wait3A_112 = tpu.memref_slice %arg6[%dma_wait3A, %dma_wait3A_110, %dma_wait3A_111] : memref<4x200x64xi32, #tpu.memory_space<vmem>> -> memref<1x104x64xi32, #tpu.memory_space<vmem>>
      %dma_wait3A_113 = tpu.memref_squeeze %dma_wait3A_112 : memref<1x104x64xi32, #tpu.memory_space<vmem>> -> memref<104x64xi32, #tpu.memory_space<vmem>>
      %dma_wait3A_114 = arith.constant 0 : i32
      %dma_wait3A_115 = tpu.memref_slice %arg5[%dma_wait3A_114] : memref<25600xi32, #tpu.memory_space<vmem>> -> memref<104xi32, #tpu.memory_space<vmem>>
      %dma_wait3A_116 = arith.constant 0 : i32
      %dma_wait3A_117 = arith.constant 0 : i32
      %dma_wait3A_118 = tpu.memref_slice %arg3[%dma_wait3A_116, %dma_wait3A_117] : memref<100000x64xi32, #tpu.memory_space<hbm>> -> memref<100000x64xi32, #tpu.memory_space<hbm>>
      tpu.wait_indirect_dma semaphore(%arg8 : memref<!tpu.dma_semaphore, #tpu.memory_space<semaphore_mem>>) src(%dma_wait3A_118 : memref<100000x64xi32, #tpu.memory_space<hbm>>) dst(%dma_wait3A_113 : memref<104x64xi32, #tpu.memory_space<vmem>>)
      %dma_wait3A_119 = arith.constant 0 : i32
      %dma_wait3A_120 = arith.constant 104 : i32
      %dma_wait3A_121 = arith.constant 0 : i32
      %dma_wait3A_122 = tpu.memref_slice %arg6[%dma_wait3A_119, %dma_wait3A_120, %dma_wait3A_121] : memref<4x200x64xi32, #tpu.memory_space<vmem>> -> memref<1x96x64xi32, #tpu.memory_space<vmem>>
      %dma_wait3A_123 = tpu.memref_squeeze %dma_wait3A_122 : memref<1x96x64xi32, #tpu.memory_space<vmem>> -> memref<96x64xi32, #tpu.memory_space<vmem>>
      %dma_wait3A_124 = arith.constant 0 : i32
      %dma_wait3A_125 = tpu.memref_slice %arg5[%dma_wait3A_124] : memref<25600xi32, #tpu.memory_space<vmem>> -> memref<96xi32, #tpu.memory_space<vmem>>
      %dma_wait3A_126 = arith.constant 0 : i32
      %dma_wait3A_127 = arith.constant 0 : i32
      %dma_wait3A_128 = tpu.memref_slice %arg3[%dma_wait3A_126, %dma_wait3A_127] : memref<100000x64xi32, #tpu.memory_space<hbm>> -> memref<100000x64xi32, #tpu.memory_space<hbm>>
      tpu.wait_indirect_dma semaphore(%arg9 : memref<!tpu.dma_semaphore, #tpu.memory_space<semaphore_mem>>) src(%dma_wait3A_128 : memref<100000x64xi32, #tpu.memory_space<hbm>>) dst(%dma_wait3A_123 : memref<96x64xi32, #tpu.memory_space<vmem>>)
      %mul3A_129 = arith.constant 32 : i32
      %mul3A_130 = arith.muli %select_n3A, %mul3A_129 : i32
      %sub3A_131 = arith.subi %add3A_109, %mul3A_130 : i32
      %mul3A_132 = arith.constant 4 : i32
      %mul3A_133 = arith.muli %sub3A_131, %mul3A_132 : i32
      %add3A_134 = arith.constant 0 : i32
      %add3A_135 = arith.addi %mul3A_133, %add3A_134 : i32
      %broadcast_in_dim3A = arith.constant 0.000000e+00 : f32
      %broadcast_in_dim3A_136 = vector.broadcast %broadcast_in_dim3A : f32 to vector<16xf32>
      %parallel_loop3A = arith.constant 0 : i32
      %parallel_loop3A_137 = arith.constant 50 : i32
      %parallel_loop3A_138 = arith.constant 1 : i32
      %parallel_loop3A_139:8 = scf.for %parallel_loop3A_829 = %parallel_loop3A to %parallel_loop3A_137 step %parallel_loop3A_138 iter_args(%parallel_loop3A_830 = %broadcast_in_dim3A_136, %parallel_loop3A_831 = %broadcast_in_dim3A_136, %parallel_loop3A_832 = %broadcast_in_dim3A_136, %parallel_loop3A_833 = %broadcast_in_dim3A_136, %parallel_loop3A_834 = %broadcast_in_dim3A_136, %parallel_loop3A_835 = %broadcast_in_dim3A_136, %parallel_loop3A_836 = %broadcast_in_dim3A_136, %parallel_loop3A_837 = %broadcast_in_dim3A_136) -> (vector<16xf32>, vector<16xf32>, vector<16xf32>, vector<16xf32>, vector<16xf32>, vector<16xf32>, vector<16xf32>, vector<16xf32>)  : i32 {
        %parallel_loop3A_838 = arith.constant 0 : i32
        %parallel_loop3A_839 = arith.addi %parallel_loop3A_838, %parallel_loop3A_829 : i32
        %parallel_loop3A_840 = arith.constant 0 : i32
        %parallel_loop3A_841 = arith.index_cast %parallel_loop3A_840 : i32 to index
        %parallel_loop3A_842 = arith.index_cast %parallel_loop3A_839 : i32 to index
        %parallel_loop3A_843 = arith.constant 0 : index
        %parallel_loop3A_844 = tpu.vector_load %arg6[%parallel_loop3A_841, %parallel_loop3A_842, %parallel_loop3A_843] {strides = array<i32>} : memref<4x200x64xi32, #tpu.memory_space<vmem>>, vector<16xi32>,
        %parallel_loop3A_845 = arith.constant 16 : i32
        %parallel_loop3A_846 = vector.broadcast %parallel_loop3A_845 : i32 to vector<16xi32>
        %parallel_loop3A_847 = arith.shli %parallel_loop3A_844, %parallel_loop3A_846 : vector<16xi32>
        %parallel_loop3A_848 = tpu.bitcast %parallel_loop3A_847 : vector<16xi32> -> vector<16xf32>
        %parallel_loop3A_849 = tpu.bitcast %parallel_loop3A_844 : vector<16xi32> -> vector<16xf32>
        %parallel_loop3A_850 = arith.addf %parallel_loop3A_830, %parallel_loop3A_848 : vector<16xf32>
        %parallel_loop3A_851 = arith.addf %parallel_loop3A_831, %parallel_loop3A_849 : vector<16xf32>
        %parallel_loop3A_852 = arith.constant 0 : i32
        %parallel_loop3A_853 = arith.addi %parallel_loop3A_852, %parallel_loop3A_829 : i32
        %parallel_loop3A_854 = arith.constant 0 : i32
        %parallel_loop3A_855 = arith.index_cast %parallel_loop3A_854 : i32 to index
        %parallel_loop3A_856 = arith.index_cast %parallel_loop3A_853 : i32 to index
        %parallel_loop3A_857 = arith.constant 16 : index
        %parallel_loop3A_858 = tpu.vector_load %arg6[%parallel_loop3A_855, %parallel_loop3A_856, %parallel_loop3A_857] {strides = array<i32>} : memref<4x200x64xi32, #tpu.memory_space<vmem>>, vector<16xi32>,
        %parallel_loop3A_859 = arith.constant 16 : i32
        %parallel_loop3A_860 = vector.broadcast %parallel_loop3A_859 : i32 to vector<16xi32>
        %parallel_loop3A_861 = arith.shli %parallel_loop3A_858, %parallel_loop3A_860 : vector<16xi32>
        %parallel_loop3A_862 = tpu.bitcast %parallel_loop3A_861 : vector<16xi32> -> vector<16xf32>
        %parallel_loop3A_863 = tpu.bitcast %parallel_loop3A_858 : vector<16xi32> -> vector<16xf32>
        %parallel_loop3A_864 = arith.addf %parallel_loop3A_832, %parallel_loop3A_862 : vector<16xf32>
        %parallel_loop3A_865 = arith.addf %parallel_loop3A_833, %parallel_loop3A_863 : vector<16xf32>
        %parallel_loop3A_866 = arith.constant 0 : i32
        %parallel_loop3A_867 = arith.addi %parallel_loop3A_866, %parallel_loop3A_829 : i32
        %parallel_loop3A_868 = arith.constant 0 : i32
        %parallel_loop3A_869 = arith.index_cast %parallel_loop3A_868 : i32 to index
        %parallel_loop3A_870 = arith.index_cast %parallel_loop3A_867 : i32 to index
        %parallel_loop3A_871 = arith.constant 32 : index
        %parallel_loop3A_872 = tpu.vector_load %arg6[%parallel_loop3A_869, %parallel_loop3A_870, %parallel_loop3A_871] {strides = array<i32>} : memref<4x200x64xi32, #tpu.memory_space<vmem>>, vector<16xi32>,
        %parallel_loop3A_873 = arith.constant 16 : i32
        %parallel_loop3A_874 = vector.broadcast %parallel_loop3A_873 : i32 to vector<16xi32>
        %parallel_loop3A_875 = arith.shli %parallel_loop3A_872, %parallel_loop3A_874 : vector<16xi32>
        %parallel_loop3A_876 = tpu.bitcast %parallel_loop3A_875 : vector<16xi32> -> vector<16xf32>
        %parallel_loop3A_877 = tpu.bitcast %parallel_loop3A_872 : vector<16xi32> -> vector<16xf32>
        %parallel_loop3A_878 = arith.addf %parallel_loop3A_834, %parallel_loop3A_876 : vector<16xf32>
        %parallel_loop3A_879 = arith.addf %parallel_loop3A_835, %parallel_loop3A_877 : vector<16xf32>
        %parallel_loop3A_880 = arith.constant 0 : i32
        %parallel_loop3A_881 = arith.addi %parallel_loop3A_880, %parallel_loop3A_829 : i32
        %parallel_loop3A_882 = arith.constant 0 : i32
        %parallel_loop3A_883 = arith.index_cast %parallel_loop3A_882 : i32 to index
        %parallel_loop3A_884 = arith.index_cast %parallel_loop3A_881 : i32 to index
        %parallel_loop3A_885 = arith.constant 48 : index
        %parallel_loop3A_886 = tpu.vector_load %arg6[%parallel_loop3A_883, %parallel_loop3A_884, %parallel_loop3A_885] {strides = array<i32>} : memref<4x200x64xi32, #tpu.memory_space<vmem>>, vector<16xi32>,
        %parallel_loop3A_887 = arith.constant 16 : i32
        %parallel_loop3A_888 = vector.broadcast %parallel_loop3A_887 : i32 to vector<16xi32>
        %parallel_loop3A_889 = arith.shli %parallel_loop3A_886, %parallel_loop3A_888 : vector<16xi32>
        %parallel_loop3A_890 = tpu.bitcast %parallel_loop3A_889 : vector<16xi32> -> vector<16xf32>
        %parallel_loop3A_891 = tpu.bitcast %parallel_loop3A_886 : vector<16xi32> -> vector<16xf32>
        %parallel_loop3A_892 = arith.addf %parallel_loop3A_836, %parallel_loop3A_890 : vector<16xf32>
        %parallel_loop3A_893 = arith.addf %parallel_loop3A_837, %parallel_loop3A_891 : vector<16xf32>
        scf.yield %parallel_loop3A_850, %parallel_loop3A_851, %parallel_loop3A_864, %parallel_loop3A_865, %parallel_loop3A_878, %parallel_loop3A_879, %parallel_loop3A_892, %parallel_loop3A_893 : vector<16xf32>, vector<16xf32>, vector<16xf32>, vector<16xf32>, vector<16xf32>, vector<16xf32>, vector<16xf32>, vector<16xf32>
      } {sc.loop_unroll_factor = 2 : i64, sc.parallel_access}
      %swap3A = arith.index_cast %add3A_135 : i32 to index
      %swap3A_140 = arith.constant 0 : index
      %swap3A_141 = tpu.vector_load %arg7[%swap3A, %swap3A_140] {strides = array<i32>} : memref<128x128xf32, #tpu.memory_space<vmem>>, vector<16xf32>,
      tpu.vector_store %arg7[%swap3A, %swap3A_140], %parallel_loop3A_139#0 {strides = array<i32>} : memref<128x128xf32, #tpu.memory_space<vmem>>, vector<16xf32>,
      %swap3A_142 = arith.index_cast %add3A_135 : i32 to index
      %swap3A_143 = arith.constant 64 : index
      %swap3A_144 = tpu.vector_load %arg7[%swap3A_142, %swap3A_143] {strides = array<i32>} : memref<128x128xf32, #tpu.memory_space<vmem>>, vector<16xf32>,
      tpu.vector_store %arg7[%swap3A_142, %swap3A_143], %parallel_loop3A_139#1 {strides = array<i32>} : memref<128x128xf32, #tpu.memory_space<vmem>>, vector<16xf32>,
      %swap3A_145 = arith.index_cast %add3A_135 : i32 to index
      %swap3A_146 = arith.constant 16 : index
      %swap3A_147 = tpu.vector_load %arg7[%swap3A_145, %swap3A_146] {strides = array<i32>} : memref<128x128xf32, #tpu.memory_space<vmem>>, vector<16xf32>,
      tpu.vector_store %arg7[%swap3A_145, %swap3A_146], %parallel_loop3A_139#2 {strides = array<i32>} : memref<128x128xf32, #tpu.memory_space<vmem>>, vector<16xf32>,
      %swap3A_148 = arith.index_cast %add3A_135 : i32 to index
      %swap3A_149 = arith.constant 80 : index
      %swap3A_150 = tpu.vector_load %arg7[%swap3A_148, %swap3A_149] {strides = array<i32>} : memref<128x128xf32, #tpu.memory_space<vmem>>, vector<16xf32>,
      tpu.vector_store %arg7[%swap3A_148, %swap3A_149], %parallel_loop3A_139#3 {strides = array<i32>} : memref<128x128xf32, #tpu.memory_space<vmem>>, vector<16xf32>,
      %swap3A_151 = arith.index_cast %add3A_135 : i32 to index
      %swap3A_152 = arith.constant 32 : index
      %swap3A_153 = tpu.vector_load %arg7[%swap3A_151, %swap3A_152] {strides = array<i32>} : memref<128x128xf32, #tpu.memory_space<vmem>>, vector<16xf32>,
      tpu.vector_store %arg7[%swap3A_151, %swap3A_152], %parallel_loop3A_139#4 {strides = array<i32>} : memref<128x128xf32, #tpu.memory_space<vmem>>, vector<16xf32>,
      %swap3A_154 = arith.index_cast %add3A_135 : i32 to index
      %swap3A_155 = arith.constant 96 : index
      %swap3A_156 = tpu.vector_load %arg7[%swap3A_154, %swap3A_155] {strides = array<i32>} : memref<128x128xf32, #tpu.memory_space<vmem>>, vector<16xf32>,
      tpu.vector_store %arg7[%swap3A_154, %swap3A_155], %parallel_loop3A_139#5 {strides = array<i32>} : memref<128x128xf32, #tpu.memory_space<vmem>>, vector<16xf32>,
      %swap3A_157 = arith.index_cast %add3A_135 : i32 to index
      %swap3A_158 = arith.constant 48 : index
      %swap3A_159 = tpu.vector_load %arg7[%swap3A_157, %swap3A_158] {strides = array<i32>} : memref<128x128xf32, #tpu.memory_space<vmem>>, vector<16xf32>,
      tpu.vector_store %arg7[%swap3A_157, %swap3A_158], %parallel_loop3A_139#6 {strides = array<i32>} : memref<128x128xf32, #tpu.memory_space<vmem>>, vector<16xf32>,
      %swap3A_160 = arith.index_cast %add3A_135 : i32 to index
      %swap3A_161 = arith.constant 112 : index
      %swap3A_162 = tpu.vector_load %arg7[%swap3A_160, %swap3A_161] {strides = array<i32>} : memref<128x128xf32, #tpu.memory_space<vmem>>, vector<16xf32>,
      tpu.vector_store %arg7[%swap3A_160, %swap3A_161], %parallel_loop3A_139#7 {strides = array<i32>} : memref<128x128xf32, #tpu.memory_space<vmem>>, vector<16xf32>,
      %mul3A_163 = arith.constant 32 : i32
      %mul3A_164 = arith.muli %select_n3A, %mul3A_163 : i32
      %sub3A_165 = arith.subi %add3A_109, %mul3A_164 : i32
      %mul3A_166 = arith.constant 4 : i32
      %mul3A_167 = arith.muli %sub3A_165, %mul3A_166 : i32
      %add3A_168 = arith.constant 1 : i32
      %add3A_169 = arith.addi %mul3A_167, %add3A_168 : i32
      %broadcast_in_dim3A_170 = arith.constant 0.000000e+00 : f32
      %broadcast_in_dim3A_171 = vector.broadcast %broadcast_in_dim3A_170 : f32 to vector<16xf32>
      %parallel_loop3A_172 = arith.constant 0 : i32
      %parallel_loop3A_173 = arith.constant 50 : i32
      %parallel_loop3A_174 = arith.constant 1 : i32
      %parallel_loop3A_175:8 = scf.for %parallel_loop3A_829 = %parallel_loop3A_172 to %parallel_loop3A_173 step %parallel_loop3A_174 iter_args(%parallel_loop3A_830 = %broadcast_in_dim3A_171, %parallel_loop3A_831 = %broadcast_in_dim3A_171, %parallel_loop3A_832 = %broadcast_in_dim3A_171, %parallel_loop3A_833 = %broadcast_in_dim3A_171, %parallel_loop3A_834 = %broadcast_in_dim3A_171, %parallel_loop3A_835 = %broadcast_in_dim3A_171, %parallel_loop3A_836 = %broadcast_in_dim3A_171, %parallel_loop3A_837 = %broadcast_in_dim3A_171) -> (vector<16xf32>, vector<16xf32>, vector<16xf32>, vector<16xf32>, vector<16xf32>, vector<16xf32>, vector<16xf32>, vector<16xf32>)  : i32 {
        %parallel_loop3A_838 = arith.constant 50 : i32
        %parallel_loop3A_839 = arith.addi %parallel_loop3A_838, %parallel_loop3A_829 : i32
        %parallel_loop3A_840 = arith.constant 0 : i32
        %parallel_loop3A_841 = arith.index_cast %parallel_loop3A_840 : i32 to index
        %parallel_loop3A_842 = arith.index_cast %parallel_loop3A_839 : i32 to index
        %parallel_loop3A_843 = arith.constant 0 : index
        %parallel_loop3A_844 = tpu.vector_load %arg6[%parallel_loop3A_841, %parallel_loop3A_842, %parallel_loop3A_843] {strides = array<i32>} : memref<4x200x64xi32, #tpu.memory_space<vmem>>, vector<16xi32>,
        %parallel_loop3A_845 = arith.constant 16 : i32
        %parallel_loop3A_846 = vector.broadcast %parallel_loop3A_845 : i32 to vector<16xi32>
        %parallel_loop3A_847 = arith.shli %parallel_loop3A_844, %parallel_loop3A_846 : vector<16xi32>
        %parallel_loop3A_848 = tpu.bitcast %parallel_loop3A_847 : vector<16xi32> -> vector<16xf32>
        %parallel_loop3A_849 = tpu.bitcast %parallel_loop3A_844 : vector<16xi32> -> vector<16xf32>
        %parallel_loop3A_850 = arith.addf %parallel_loop3A_830, %parallel_loop3A_848 : vector<16xf32>
        %parallel_loop3A_851 = arith.addf %parallel_loop3A_831, %parallel_loop3A_849 : vector<16xf32>
        %parallel_loop3A_852 = arith.constant 50 : i32
        %parallel_loop3A_853 = arith.addi %parallel_loop3A_852, %parallel_loop3A_829 : i32
        %parallel_loop3A_854 = arith.constant 0 : i32
        %parallel_loop3A_855 = arith.index_cast %parallel_loop3A_854 : i32 to index
        %parallel_loop3A_856 = arith.index_cast %parallel_loop3A_853 : i32 to index
        %parallel_loop3A_857 = arith.constant 16 : index
        %parallel_loop3A_858 = tpu.vector_load %arg6[%parallel_loop3A_855, %parallel_loop3A_856, %parallel_loop3A_857] {strides = array<i32>} : memref<4x200x64xi32, #tpu.memory_space<vmem>>, vector<16xi32>,
        %parallel_loop3A_859 = arith.constant 16 : i32
        %parallel_loop3A_860 = vector.broadcast %parallel_loop3A_859 : i32 to vector<16xi32>
        %parallel_loop3A_861 = arith.shli %parallel_loop3A_858, %parallel_loop3A_860 : vector<16xi32>
        %parallel_loop3A_862 = tpu.bitcast %parallel_loop3A_861 : vector<16xi32> -> vector<16xf32>
        %parallel_loop3A_863 = tpu.bitcast %parallel_loop3A_858 : vector<16xi32> -> vector<16xf32>
        %parallel_loop3A_864 = arith.addf %parallel_loop3A_832, %parallel_loop3A_862 : vector<16xf32>
        %parallel_loop3A_865 = arith.addf %parallel_loop3A_833, %parallel_loop3A_863 : vector<16xf32>
        %parallel_loop3A_866 = arith.constant 50 : i32
        %parallel_loop3A_867 = arith.addi %parallel_loop3A_866, %parallel_loop3A_829 : i32
        %parallel_loop3A_868 = arith.constant 0 : i32
        %parallel_loop3A_869 = arith.index_cast %parallel_loop3A_868 : i32 to index
        %parallel_loop3A_870 = arith.index_cast %parallel_loop3A_867 : i32 to index
        %parallel_loop3A_871 = arith.constant 32 : index
        %parallel_loop3A_872 = tpu.vector_load %arg6[%parallel_loop3A_869, %parallel_loop3A_870, %parallel_loop3A_871] {strides = array<i32>} : memref<4x200x64xi32, #tpu.memory_space<vmem>>, vector<16xi32>,
        %parallel_loop3A_873 = arith.constant 16 : i32
        %parallel_loop3A_874 = vector.broadcast %parallel_loop3A_873 : i32 to vector<16xi32>
        %parallel_loop3A_875 = arith.shli %parallel_loop3A_872, %parallel_loop3A_874 : vector<16xi32>
        %parallel_loop3A_876 = tpu.bitcast %parallel_loop3A_875 : vector<16xi32> -> vector<16xf32>
        %parallel_loop3A_877 = tpu.bitcast %parallel_loop3A_872 : vector<16xi32> -> vector<16xf32>
        %parallel_loop3A_878 = arith.addf %parallel_loop3A_834, %parallel_loop3A_876 : vector<16xf32>
        %parallel_loop3A_879 = arith.addf %parallel_loop3A_835, %parallel_loop3A_877 : vector<16xf32>
        %parallel_loop3A_880 = arith.constant 50 : i32
        %parallel_loop3A_881 = arith.addi %parallel_loop3A_880, %parallel_loop3A_829 : i32
        %parallel_loop3A_882 = arith.constant 0 : i32
        %parallel_loop3A_883 = arith.index_cast %parallel_loop3A_882 : i32 to index
        %parallel_loop3A_884 = arith.index_cast %parallel_loop3A_881 : i32 to index
        %parallel_loop3A_885 = arith.constant 48 : index
        %parallel_loop3A_886 = tpu.vector_load %arg6[%parallel_loop3A_883, %parallel_loop3A_884, %parallel_loop3A_885] {strides = array<i32>} : memref<4x200x64xi32, #tpu.memory_space<vmem>>, vector<16xi32>,
        %parallel_loop3A_887 = arith.constant 16 : i32
        %parallel_loop3A_888 = vector.broadcast %parallel_loop3A_887 : i32 to vector<16xi32>
        %parallel_loop3A_889 = arith.shli %parallel_loop3A_886, %parallel_loop3A_888 : vector<16xi32>
        %parallel_loop3A_890 = tpu.bitcast %parallel_loop3A_889 : vector<16xi32> -> vector<16xf32>
        %parallel_loop3A_891 = tpu.bitcast %parallel_loop3A_886 : vector<16xi32> -> vector<16xf32>
        %parallel_loop3A_892 = arith.addf %parallel_loop3A_836, %parallel_loop3A_890 : vector<16xf32>
        %parallel_loop3A_893 = arith.addf %parallel_loop3A_837, %parallel_loop3A_891 : vector<16xf32>
        scf.yield %parallel_loop3A_850, %parallel_loop3A_851, %parallel_loop3A_864, %parallel_loop3A_865, %parallel_loop3A_878, %parallel_loop3A_879, %parallel_loop3A_892, %parallel_loop3A_893 : vector<16xf32>, vector<16xf32>, vector<16xf32>, vector<16xf32>, vector<16xf32>, vector<16xf32>, vector<16xf32>, vector<16xf32>
      } {sc.loop_unroll_factor = 2 : i64, sc.parallel_access}
      %swap3A_176 = arith.index_cast %add3A_169 : i32 to index
      %swap3A_177 = arith.constant 0 : index
      %swap3A_178 = tpu.vector_load %arg7[%swap3A_176, %swap3A_177] {strides = array<i32>} : memref<128x128xf32, #tpu.memory_space<vmem>>, vector<16xf32>,
      tpu.vector_store %arg7[%swap3A_176, %swap3A_177], %parallel_loop3A_175#0 {strides = array<i32>} : memref<128x128xf32, #tpu.memory_space<vmem>>, vector<16xf32>,
      %swap3A_179 = arith.index_cast %add3A_169 : i32 to index
      %swap3A_180 = arith.constant 64 : index
      %swap3A_181 = tpu.vector_load %arg7[%swap3A_179, %swap3A_180] {strides = array<i32>} : memref<128x128xf32, #tpu.memory_space<vmem>>, vector<16xf32>,
      tpu.vector_store %arg7[%swap3A_179, %swap3A_180], %parallel_loop3A_175#1 {strides = array<i32>} : memref<128x128xf32, #tpu.memory_space<vmem>>, vector<16xf32>,
      %swap3A_182 = arith.index_cast %add3A_169 : i32 to index
      %swap3A_183 = arith.constant 16 : index
      %swap3A_184 = tpu.vector_load %arg7[%swap3A_182, %swap3A_183] {strides = array<i32>} : memref<128x128xf32, #tpu.memory_space<vmem>>, vector<16xf32>,
      tpu.vector_store %arg7[%swap3A_182, %swap3A_183], %parallel_loop3A_175#2 {strides = array<i32>} : memref<128x128xf32, #tpu.memory_space<vmem>>, vector<16xf32>,
      %swap3A_185 = arith.index_cast %add3A_169 : i32 to index
      %swap3A_186 = arith.constant 80 : index
      %swap3A_187 = tpu.vector_load %arg7[%swap3A_185, %swap3A_186] {strides = array<i32>} : memref<128x128xf32, #tpu.memory_space<vmem>>, vector<16xf32>,
      tpu.vector_store %arg7[%swap3A_185, %swap3A_186], %parallel_loop3A_175#3 {strides = array<i32>} : memref<128x128xf32, #tpu.memory_space<vmem>>, vector<16xf32>,
      %swap3A_188 = arith.index_cast %add3A_169 : i32 to index
      %swap3A_189 = arith.constant 32 : index
      %swap3A_190 = tpu.vector_load %arg7[%swap3A_188, %swap3A_189] {strides = array<i32>} : memref<128x128xf32, #tpu.memory_space<vmem>>, vector<16xf32>,
      tpu.vector_store %arg7[%swap3A_188, %swap3A_189], %parallel_loop3A_175#4 {strides = array<i32>} : memref<128x128xf32, #tpu.memory_space<vmem>>, vector<16xf32>,
      %swap3A_191 = arith.index_cast %add3A_169 : i32 to index
      %swap3A_192 = arith.constant 96 : index
      %swap3A_193 = tpu.vector_load %arg7[%swap3A_191, %swap3A_192] {strides = array<i32>} : memref<128x128xf32, #tpu.memory_space<vmem>>, vector<16xf32>,
      tpu.vector_store %arg7[%swap3A_191, %swap3A_192], %parallel_loop3A_175#5 {strides = array<i32>} : memref<128x128xf32, #tpu.memory_space<vmem>>, vector<16xf32>,
      %swap3A_194 = arith.index_cast %add3A_169 : i32 to index
      %swap3A_195 = arith.constant 48 : index
      %swap3A_196 = tpu.vector_load %arg7[%swap3A_194, %swap3A_195] {strides = array<i32>} : memref<128x128xf32, #tpu.memory_space<vmem>>, vector<16xf32>,
      tpu.vector_store %arg7[%swap3A_194, %swap3A_195], %parallel_loop3A_175#6 {strides = array<i32>} : memref<128x128xf32, #tpu.memory_space<vmem>>, vector<16xf32>,
      %swap3A_197 = arith.index_cast %add3A_169 : i32 to index
      %swap3A_198 = arith.constant 112 : index
      %swap3A_199 = tpu.vector_load %arg7[%swap3A_197, %swap3A_198] {strides = array<i32>} : memref<128x128xf32, #tpu.memory_space<vmem>>, vector<16xf32>,
      tpu.vector_store %arg7[%swap3A_197, %swap3A_198], %parallel_loop3A_175#7 {strides = array<i32>} : memref<128x128xf32, #tpu.memory_space<vmem>>, vector<16xf32>,
      %mul3A_200 = arith.constant 32 : i32
      %mul3A_201 = arith.muli %select_n3A, %mul3A_200 : i32
      %sub3A_202 = arith.subi %add3A_109, %mul3A_201 : i32
      %mul3A_203 = arith.constant 4 : i32
      %mul3A_204 = arith.muli %sub3A_202, %mul3A_203 : i32
      %add3A_205 = arith.constant 2 : i32
      %add3A_206 = arith.addi %mul3A_204, %add3A_205 : i32
      %broadcast_in_dim3A_207 = arith.constant 0.000000e+00 : f32
      %broadcast_in_dim3A_208 = vector.broadcast %broadcast_in_dim3A_207 : f32 to vector<16xf32>
      %parallel_loop3A_209 = arith.constant 0 : i32
      %parallel_loop3A_210 = arith.constant 50 : i32
      %parallel_loop3A_211 = arith.constant 1 : i32
      %parallel_loop3A_212:8 = scf.for %parallel_loop3A_829 = %parallel_loop3A_209 to %parallel_loop3A_210 step %parallel_loop3A_211 iter_args(%parallel_loop3A_830 = %broadcast_in_dim3A_208, %parallel_loop3A_831 = %broadcast_in_dim3A_208, %parallel_loop3A_832 = %broadcast_in_dim3A_208, %parallel_loop3A_833 = %broadcast_in_dim3A_208, %parallel_loop3A_834 = %broadcast_in_dim3A_208, %parallel_loop3A_835 = %broadcast_in_dim3A_208, %parallel_loop3A_836 = %broadcast_in_dim3A_208, %parallel_loop3A_837 = %broadcast_in_dim3A_208) -> (vector<16xf32>, vector<16xf32>, vector<16xf32>, vector<16xf32>, vector<16xf32>, vector<16xf32>, vector<16xf32>, vector<16xf32>)  : i32 {
        %parallel_loop3A_838 = arith.constant 100 : i32
        %parallel_loop3A_839 = arith.addi %parallel_loop3A_838, %parallel_loop3A_829 : i32
        %parallel_loop3A_840 = arith.constant 0 : i32
        %parallel_loop3A_841 = arith.index_cast %parallel_loop3A_840 : i32 to index
        %parallel_loop3A_842 = arith.index_cast %parallel_loop3A_839 : i32 to index
        %parallel_loop3A_843 = arith.constant 0 : index
        %parallel_loop3A_844 = tpu.vector_load %arg6[%parallel_loop3A_841, %parallel_loop3A_842, %parallel_loop3A_843] {strides = array<i32>} : memref<4x200x64xi32, #tpu.memory_space<vmem>>, vector<16xi32>,
        %parallel_loop3A_845 = arith.constant 16 : i32
        %parallel_loop3A_846 = vector.broadcast %parallel_loop3A_845 : i32 to vector<16xi32>
        %parallel_loop3A_847 = arith.shli %parallel_loop3A_844, %parallel_loop3A_846 : vector<16xi32>
        %parallel_loop3A_848 = tpu.bitcast %parallel_loop3A_847 : vector<16xi32> -> vector<16xf32>
        %parallel_loop3A_849 = tpu.bitcast %parallel_loop3A_844 : vector<16xi32> -> vector<16xf32>
        %parallel_loop3A_850 = arith.addf %parallel_loop3A_830, %parallel_loop3A_848 : vector<16xf32>
        %parallel_loop3A_851 = arith.addf %parallel_loop3A_831, %parallel_loop3A_849 : vector<16xf32>
        %parallel_loop3A_852 = arith.constant 100 : i32
        %parallel_loop3A_853 = arith.addi %parallel_loop3A_852, %parallel_loop3A_829 : i32
        %parallel_loop3A_854 = arith.constant 0 : i32
        %parallel_loop3A_855 = arith.index_cast %parallel_loop3A_854 : i32 to index
        %parallel_loop3A_856 = arith.index_cast %parallel_loop3A_853 : i32 to index
        %parallel_loop3A_857 = arith.constant 16 : index
        %parallel_loop3A_858 = tpu.vector_load %arg6[%parallel_loop3A_855, %parallel_loop3A_856, %parallel_loop3A_857] {strides = array<i32>} : memref<4x200x64xi32, #tpu.memory_space<vmem>>, vector<16xi32>,
        %parallel_loop3A_859 = arith.constant 16 : i32
        %parallel_loop3A_860 = vector.broadcast %parallel_loop3A_859 : i32 to vector<16xi32>
        %parallel_loop3A_861 = arith.shli %parallel_loop3A_858, %parallel_loop3A_860 : vector<16xi32>
        %parallel_loop3A_862 = tpu.bitcast %parallel_loop3A_861 : vector<16xi32> -> vector<16xf32>
        %parallel_loop3A_863 = tpu.bitcast %parallel_loop3A_858 : vector<16xi32> -> vector<16xf32>
        %parallel_loop3A_864 = arith.addf %parallel_loop3A_832, %parallel_loop3A_862 : vector<16xf32>
        %parallel_loop3A_865 = arith.addf %parallel_loop3A_833, %parallel_loop3A_863 : vector<16xf32>
        %parallel_loop3A_866 = arith.constant 100 : i32
        %parallel_loop3A_867 = arith.addi %parallel_loop3A_866, %parallel_loop3A_829 : i32
        %parallel_loop3A_868 = arith.constant 0 : i32
        %parallel_loop3A_869 = arith.index_cast %parallel_loop3A_868 : i32 to index
        %parallel_loop3A_870 = arith.index_cast %parallel_loop3A_867 : i32 to index
        %parallel_loop3A_871 = arith.constant 32 : index
        %parallel_loop3A_872 = tpu.vector_load %arg6[%parallel_loop3A_869, %parallel_loop3A_870, %parallel_loop3A_871] {strides = array<i32>} : memref<4x200x64xi32, #tpu.memory_space<vmem>>, vector<16xi32>,
        %parallel_loop3A_873 = arith.constant 16 : i32
        %parallel_loop3A_874 = vector.broadcast %parallel_loop3A_873 : i32 to vector<16xi32>
        %parallel_loop3A_875 = arith.shli %parallel_loop3A_872, %parallel_loop3A_874 : vector<16xi32>
        %parallel_loop3A_876 = tpu.bitcast %parallel_loop3A_875 : vector<16xi32> -> vector<16xf32>
        %parallel_loop3A_877 = tpu.bitcast %parallel_loop3A_872 : vector<16xi32> -> vector<16xf32>
        %parallel_loop3A_878 = arith.addf %parallel_loop3A_834, %parallel_loop3A_876 : vector<16xf32>
        %parallel_loop3A_879 = arith.addf %parallel_loop3A_835, %parallel_loop3A_877 : vector<16xf32>
        %parallel_loop3A_880 = arith.constant 100 : i32
        %parallel_loop3A_881 = arith.addi %parallel_loop3A_880, %parallel_loop3A_829 : i32
        %parallel_loop3A_882 = arith.constant 0 : i32
        %parallel_loop3A_883 = arith.index_cast %parallel_loop3A_882 : i32 to index
        %parallel_loop3A_884 = arith.index_cast %parallel_loop3A_881 : i32 to index
        %parallel_loop3A_885 = arith.constant 48 : index
        %parallel_loop3A_886 = tpu.vector_load %arg6[%parallel_loop3A_883, %parallel_loop3A_884, %parallel_loop3A_885] {strides = array<i32>} : memref<4x200x64xi32, #tpu.memory_space<vmem>>, vector<16xi32>,
        %parallel_loop3A_887 = arith.constant 16 : i32
        %parallel_loop3A_888 = vector.broadcast %parallel_loop3A_887 : i32 to vector<16xi32>
        %parallel_loop3A_889 = arith.shli %parallel_loop3A_886, %parallel_loop3A_888 : vector<16xi32>
        %parallel_loop3A_890 = tpu.bitcast %parallel_loop3A_889 : vector<16xi32> -> vector<16xf32>
        %parallel_loop3A_891 = tpu.bitcast %parallel_loop3A_886 : vector<16xi32> -> vector<16xf32>
        %parallel_loop3A_892 = arith.addf %parallel_loop3A_836, %parallel_loop3A_890 : vector<16xf32>
        %parallel_loop3A_893 = arith.addf %parallel_loop3A_837, %parallel_loop3A_891 : vector<16xf32>
        scf.yield %parallel_loop3A_850, %parallel_loop3A_851, %parallel_loop3A_864, %parallel_loop3A_865, %parallel_loop3A_878, %parallel_loop3A_879, %parallel_loop3A_892, %parallel_loop3A_893 : vector<16xf32>, vector<16xf32>, vector<16xf32>, vector<16xf32>, vector<16xf32>, vector<16xf32>, vector<16xf32>, vector<16xf32>
      } {sc.loop_unroll_factor = 2 : i64, sc.parallel_access}
      %swap3A_213 = arith.index_cast %add3A_206 : i32 to index
      %swap3A_214 = arith.constant 0 : index
      %swap3A_215 = tpu.vector_load %arg7[%swap3A_213, %swap3A_214] {strides = array<i32>} : memref<128x128xf32, #tpu.memory_space<vmem>>, vector<16xf32>,
      tpu.vector_store %arg7[%swap3A_213, %swap3A_214], %parallel_loop3A_212#0 {strides = array<i32>} : memref<128x128xf32, #tpu.memory_space<vmem>>, vector<16xf32>,
      %swap3A_216 = arith.index_cast %add3A_206 : i32 to index
      %swap3A_217 = arith.constant 64 : index
      %swap3A_218 = tpu.vector_load %arg7[%swap3A_216, %swap3A_217] {strides = array<i32>} : memref<128x128xf32, #tpu.memory_space<vmem>>, vector<16xf32>,
      tpu.vector_store %arg7[%swap3A_216, %swap3A_217], %parallel_loop3A_212#1 {strides = array<i32>} : memref<128x128xf32, #tpu.memory_space<vmem>>, vector<16xf32>,
      %swap3A_219 = arith.index_cast %add3A_206 : i32 to index
      %swap3A_220 = arith.constant 16 : index
      %swap3A_221 = tpu.vector_load %arg7[%swap3A_219, %swap3A_220] {strides = array<i32>} : memref<128x128xf32, #tpu.memory_space<vmem>>, vector<16xf32>,
      tpu.vector_store %arg7[%swap3A_219, %swap3A_220], %parallel_loop3A_212#2 {strides = array<i32>} : memref<128x128xf32, #tpu.memory_space<vmem>>, vector<16xf32>,
      %swap3A_222 = arith.index_cast %add3A_206 : i32 to index
      %swap3A_223 = arith.constant 80 : index
      %swap3A_224 = tpu.vector_load %arg7[%swap3A_222, %swap3A_223] {strides = array<i32>} : memref<128x128xf32, #tpu.memory_space<vmem>>, vector<16xf32>,
      tpu.vector_store %arg7[%swap3A_222, %swap3A_223], %parallel_loop3A_212#3 {strides = array<i32>} : memref<128x128xf32, #tpu.memory_space<vmem>>, vector<16xf32>,
      %swap3A_225 = arith.index_cast %add3A_206 : i32 to index
      %swap3A_226 = arith.constant 32 : index
      %swap3A_227 = tpu.vector_load %arg7[%swap3A_225, %swap3A_226] {strides = array<i32>} : memref<128x128xf32, #tpu.memory_space<vmem>>, vector<16xf32>,
      tpu.vector_store %arg7[%swap3A_225, %swap3A_226], %parallel_loop3A_212#4 {strides = array<i32>} : memref<128x128xf32, #tpu.memory_space<vmem>>, vector<16xf32>,
      %swap3A_228 = arith.index_cast %add3A_206 : i32 to index
      %swap3A_229 = arith.constant 96 : index
      %swap3A_230 = tpu.vector_load %arg7[%swap3A_228, %swap3A_229] {strides = array<i32>} : memref<128x128xf32, #tpu.memory_space<vmem>>, vector<16xf32>,
      tpu.vector_store %arg7[%swap3A_228, %swap3A_229], %parallel_loop3A_212#5 {strides = array<i32>} : memref<128x128xf32, #tpu.memory_space<vmem>>, vector<16xf32>,
      %swap3A_231 = arith.index_cast %add3A_206 : i32 to index
      %swap3A_232 = arith.constant 48 : index
      %swap3A_233 = tpu.vector_load %arg7[%swap3A_231, %swap3A_232] {strides = array<i32>} : memref<128x128xf32, #tpu.memory_space<vmem>>, vector<16xf32>,
      tpu.vector_store %arg7[%swap3A_231, %swap3A_232], %parallel_loop3A_212#6 {strides = array<i32>} : memref<128x128xf32, #tpu.memory_space<vmem>>, vector<16xf32>,
      %swap3A_234 = arith.index_cast %add3A_206 : i32 to index
      %swap3A_235 = arith.constant 112 : index
      %swap3A_236 = tpu.vector_load %arg7[%swap3A_234, %swap3A_235] {strides = array<i32>} : memref<128x128xf32, #tpu.memory_space<vmem>>, vector<16xf32>,
      tpu.vector_store %arg7[%swap3A_234, %swap3A_235], %parallel_loop3A_212#7 {strides = array<i32>} : memref<128x128xf32, #tpu.memory_space<vmem>>, vector<16xf32>,
      %mul3A_237 = arith.constant 32 : i32
      %mul3A_238 = arith.muli %select_n3A, %mul3A_237 : i32
      %sub3A_239 = arith.subi %add3A_109, %mul3A_238 : i32
      %mul3A_240 = arith.constant 4 : i32
      %mul3A_241 = arith.muli %sub3A_239, %mul3A_240 : i32
      %add3A_242 = arith.constant 3 : i32
      %add3A_243 = arith.addi %mul3A_241, %add3A_242 : i32
      %broadcast_in_dim3A_244 = arith.constant 0.000000e+00 : f32
      %broadcast_in_dim3A_245 = vector.broadcast %broadcast_in_dim3A_244 : f32 to vector<16xf32>
      %parallel_loop3A_246 = arith.constant 0 : i32
      %parallel_loop3A_247 = arith.constant 50 : i32
      %parallel_loop3A_248 = arith.constant 1 : i32
      %parallel_loop3A_249:8 = scf.for %parallel_loop3A_829 = %parallel_loop3A_246 to %parallel_loop3A_247 step %parallel_loop3A_248 iter_args(%parallel_loop3A_830 = %broadcast_in_dim3A_245, %parallel_loop3A_831 = %broadcast_in_dim3A_245, %parallel_loop3A_832 = %broadcast_in_dim3A_245, %parallel_loop3A_833 = %broadcast_in_dim3A_245, %parallel_loop3A_834 = %broadcast_in_dim3A_245, %parallel_loop3A_835 = %broadcast_in_dim3A_245, %parallel_loop3A_836 = %broadcast_in_dim3A_245, %parallel_loop3A_837 = %broadcast_in_dim3A_245) -> (vector<16xf32>, vector<16xf32>, vector<16xf32>, vector<16xf32>, vector<16xf32>, vector<16xf32>, vector<16xf32>, vector<16xf32>)  : i32 {
        %parallel_loop3A_838 = arith.constant 150 : i32
        %parallel_loop3A_839 = arith.addi %parallel_loop3A_838, %parallel_loop3A_829 : i32
        %parallel_loop3A_840 = arith.constant 0 : i32
        %parallel_loop3A_841 = arith.index_cast %parallel_loop3A_840 : i32 to index
        %parallel_loop3A_842 = arith.index_cast %parallel_loop3A_839 : i32 to index
        %parallel_loop3A_843 = arith.constant 0 : index
        %parallel_loop3A_844 = tpu.vector_load %arg6[%parallel_loop3A_841, %parallel_loop3A_842, %parallel_loop3A_843] {strides = array<i32>} : memref<4x200x64xi32, #tpu.memory_space<vmem>>, vector<16xi32>,
        %parallel_loop3A_845 = arith.constant 16 : i32
        %parallel_loop3A_846 = vector.broadcast %parallel_loop3A_845 : i32 to vector<16xi32>
        %parallel_loop3A_847 = arith.shli %parallel_loop3A_844, %parallel_loop3A_846 : vector<16xi32>
        %parallel_loop3A_848 = tpu.bitcast %parallel_loop3A_847 : vector<16xi32> -> vector<16xf32>
        %parallel_loop3A_849 = tpu.bitcast %parallel_loop3A_844 : vector<16xi32> -> vector<16xf32>
        %parallel_loop3A_850 = arith.addf %parallel_loop3A_830, %parallel_loop3A_848 : vector<16xf32>
        %parallel_loop3A_851 = arith.addf %parallel_loop3A_831, %parallel_loop3A_849 : vector<16xf32>
        %parallel_loop3A_852 = arith.constant 150 : i32
        %parallel_loop3A_853 = arith.addi %parallel_loop3A_852, %parallel_loop3A_829 : i32
        %parallel_loop3A_854 = arith.constant 0 : i32
        %parallel_loop3A_855 = arith.index_cast %parallel_loop3A_854 : i32 to index
        %parallel_loop3A_856 = arith.index_cast %parallel_loop3A_853 : i32 to index
        %parallel_loop3A_857 = arith.constant 16 : index
        %parallel_loop3A_858 = tpu.vector_load %arg6[%parallel_loop3A_855, %parallel_loop3A_856, %parallel_loop3A_857] {strides = array<i32>} : memref<4x200x64xi32, #tpu.memory_space<vmem>>, vector<16xi32>,
        %parallel_loop3A_859 = arith.constant 16 : i32
        %parallel_loop3A_860 = vector.broadcast %parallel_loop3A_859 : i32 to vector<16xi32>
        %parallel_loop3A_861 = arith.shli %parallel_loop3A_858, %parallel_loop3A_860 : vector<16xi32>
        %parallel_loop3A_862 = tpu.bitcast %parallel_loop3A_861 : vector<16xi32> -> vector<16xf32>
        %parallel_loop3A_863 = tpu.bitcast %parallel_loop3A_858 : vector<16xi32> -> vector<16xf32>
        %parallel_loop3A_864 = arith.addf %parallel_loop3A_832, %parallel_loop3A_862 : vector<16xf32>
        %parallel_loop3A_865 = arith.addf %parallel_loop3A_833, %parallel_loop3A_863 : vector<16xf32>
        %parallel_loop3A_866 = arith.constant 150 : i32
        %parallel_loop3A_867 = arith.addi %parallel_loop3A_866, %parallel_loop3A_829 : i32
        %parallel_loop3A_868 = arith.constant 0 : i32
        %parallel_loop3A_869 = arith.index_cast %parallel_loop3A_868 : i32 to index
        %parallel_loop3A_870 = arith.index_cast %parallel_loop3A_867 : i32 to index
        %parallel_loop3A_871 = arith.constant 32 : index
        %parallel_loop3A_872 = tpu.vector_load %arg6[%parallel_loop3A_869, %parallel_loop3A_870, %parallel_loop3A_871] {strides = array<i32>} : memref<4x200x64xi32, #tpu.memory_space<vmem>>, vector<16xi32>,
        %parallel_loop3A_873 = arith.constant 16 : i32
        %parallel_loop3A_874 = vector.broadcast %parallel_loop3A_873 : i32 to vector<16xi32>
        %parallel_loop3A_875 = arith.shli %parallel_loop3A_872, %parallel_loop3A_874 : vector<16xi32>
        %parallel_loop3A_876 = tpu.bitcast %parallel_loop3A_875 : vector<16xi32> -> vector<16xf32>
        %parallel_loop3A_877 = tpu.bitcast %parallel_loop3A_872 : vector<16xi32> -> vector<16xf32>
        %parallel_loop3A_878 = arith.addf %parallel_loop3A_834, %parallel_loop3A_876 : vector<16xf32>
        %parallel_loop3A_879 = arith.addf %parallel_loop3A_835, %parallel_loop3A_877 : vector<16xf32>
        %parallel_loop3A_880 = arith.constant 150 : i32
        %parallel_loop3A_881 = arith.addi %parallel_loop3A_880, %parallel_loop3A_829 : i32
        %parallel_loop3A_882 = arith.constant 0 : i32
        %parallel_loop3A_883 = arith.index_cast %parallel_loop3A_882 : i32 to index
        %parallel_loop3A_884 = arith.index_cast %parallel_loop3A_881 : i32 to index
        %parallel_loop3A_885 = arith.constant 48 : index
        %parallel_loop3A_886 = tpu.vector_load %arg6[%parallel_loop3A_883, %parallel_loop3A_884, %parallel_loop3A_885] {strides = array<i32>} : memref<4x200x64xi32, #tpu.memory_space<vmem>>, vector<16xi32>,
        %parallel_loop3A_887 = arith.constant 16 : i32
        %parallel_loop3A_888 = vector.broadcast %parallel_loop3A_887 : i32 to vector<16xi32>
        %parallel_loop3A_889 = arith.shli %parallel_loop3A_886, %parallel_loop3A_888 : vector<16xi32>
        %parallel_loop3A_890 = tpu.bitcast %parallel_loop3A_889 : vector<16xi32> -> vector<16xf32>
        %parallel_loop3A_891 = tpu.bitcast %parallel_loop3A_886 : vector<16xi32> -> vector<16xf32>
        %parallel_loop3A_892 = arith.addf %parallel_loop3A_836, %parallel_loop3A_890 : vector<16xf32>
        %parallel_loop3A_893 = arith.addf %parallel_loop3A_837, %parallel_loop3A_891 : vector<16xf32>
        scf.yield %parallel_loop3A_850, %parallel_loop3A_851, %parallel_loop3A_864, %parallel_loop3A_865, %parallel_loop3A_878, %parallel_loop3A_879, %parallel_loop3A_892, %parallel_loop3A_893 : vector<16xf32>, vector<16xf32>, vector<16xf32>, vector<16xf32>, vector<16xf32>, vector<16xf32>, vector<16xf32>, vector<16xf32>
      } {sc.loop_unroll_factor = 2 : i64, sc.parallel_access}
      %swap3A_250 = arith.index_cast %add3A_243 : i32 to index
      %swap3A_251 = arith.constant 0 : index
      %swap3A_252 = tpu.vector_load %arg7[%swap3A_250, %swap3A_251] {strides = array<i32>} : memref<128x128xf32, #tpu.memory_space<vmem>>, vector<16xf32>,
      tpu.vector_store %arg7[%swap3A_250, %swap3A_251], %parallel_loop3A_249#0 {strides = array<i32>} : memref<128x128xf32, #tpu.memory_space<vmem>>, vector<16xf32>,
      %swap3A_253 = arith.index_cast %add3A_243 : i32 to index
      %swap3A_254 = arith.constant 64 : index
      %swap3A_255 = tpu.vector_load %arg7[%swap3A_253, %swap3A_254] {strides = array<i32>} : memref<128x128xf32, #tpu.memory_space<vmem>>, vector<16xf32>,
      tpu.vector_store %arg7[%swap3A_253, %swap3A_254], %parallel_loop3A_249#1 {strides = array<i32>} : memref<128x128xf32, #tpu.memory_space<vmem>>, vector<16xf32>,
      %swap3A_256 = arith.index_cast %add3A_243 : i32 to index
      %swap3A_257 = arith.constant 16 : index
      %swap3A_258 = tpu.vector_load %arg7[%swap3A_256, %swap3A_257] {strides = array<i32>} : memref<128x128xf32, #tpu.memory_space<vmem>>, vector<16xf32>,
      tpu.vector_store %arg7[%swap3A_256, %swap3A_257], %parallel_loop3A_249#2 {strides = array<i32>} : memref<128x128xf32, #tpu.memory_space<vmem>>, vector<16xf32>,
      %swap3A_259 = arith.index_cast %add3A_243 : i32 to index
      %swap3A_260 = arith.constant 80 : index
      %swap3A_261 = tpu.vector_load %arg7[%swap3A_259, %swap3A_260] {strides = array<i32>} : memref<128x128xf32, #tpu.memory_space<vmem>>, vector<16xf32>,
      tpu.vector_store %arg7[%swap3A_259, %swap3A_260], %parallel_loop3A_249#3 {strides = array<i32>} : memref<128x128xf32, #tpu.memory_space<vmem>>, vector<16xf32>,
      %swap3A_262 = arith.index_cast %add3A_243 : i32 to index
      %swap3A_263 = arith.constant 32 : index
      %swap3A_264 = tpu.vector_load %arg7[%swap3A_262, %swap3A_263] {strides = array<i32>} : memref<128x128xf32, #tpu.memory_space<vmem>>, vector<16xf32>,
      tpu.vector_store %arg7[%swap3A_262, %swap3A_263], %parallel_loop3A_249#4 {strides = array<i32>} : memref<128x128xf32, #tpu.memory_space<vmem>>, vector<16xf32>,
      %swap3A_265 = arith.index_cast %add3A_243 : i32 to index
      %swap3A_266 = arith.constant 96 : index
      %swap3A_267 = tpu.vector_load %arg7[%swap3A_265, %swap3A_266] {strides = array<i32>} : memref<128x128xf32, #tpu.memory_space<vmem>>, vector<16xf32>,
      tpu.vector_store %arg7[%swap3A_265, %swap3A_266], %parallel_loop3A_249#5 {strides = array<i32>} : memref<128x128xf32, #tpu.memory_space<vmem>>, vector<16xf32>,
      %swap3A_268 = arith.index_cast %add3A_243 : i32 to index
      %swap3A_269 = arith.constant 48 : index
      %swap3A_270 = tpu.vector_load %arg7[%swap3A_268, %swap3A_269] {strides = array<i32>} : memref<128x128xf32, #tpu.memory_space<vmem>>, vector<16xf32>,
      tpu.vector_store %arg7[%swap3A_268, %swap3A_269], %parallel_loop3A_249#6 {strides = array<i32>} : memref<128x128xf32, #tpu.memory_space<vmem>>, vector<16xf32>,
      %swap3A_271 = arith.index_cast %add3A_243 : i32 to index
      %swap3A_272 = arith.constant 112 : index
      %swap3A_273 = tpu.vector_load %arg7[%swap3A_271, %swap3A_272] {strides = array<i32>} : memref<128x128xf32, #tpu.memory_space<vmem>>, vector<16xf32>,
      tpu.vector_store %arg7[%swap3A_271, %swap3A_272], %parallel_loop3A_249#7 {strides = array<i32>} : memref<128x128xf32, #tpu.memory_space<vmem>>, vector<16xf32>,
      %add3A_274 = arith.constant 4 : i32
      %add3A_275 = arith.addi %add3A_109, %add3A_274 : i32
      %lt3A = arith.constant 128 : i32
      %lt3A_276 = arith.cmpi slt, %add3A_275, %lt3A : i32
      %convert_element_type3A = arith.extui %lt3A_276 : i1 to i32
      %cond3A = arith.constant 0 : i32
      %cond3A_277 = arith.cmpi ne, %convert_element_type3A, %cond3A : i32
      scf.if %cond3A_277 {
        %add3A_829 = arith.constant 4 : i32
        %add3A_830 = arith.addi %add3A_109, %add3A_829 : i32
        %mul3A_831 = arith.constant 200 : i32
        %mul3A_832 = arith.muli %add3A_830, %mul3A_831 : i32
        %dma_start3A_833 = arith.constant 0 : i32
        %dma_start3A_834 = arith.constant 0 : i32
        %dma_start3A_835 = arith.constant 0 : i32
        %dma_start3A_836 = tpu.memref_slice %arg6[%dma_start3A_833, %dma_start3A_834, %dma_start3A_835] : memref<4x200x64xi32, #tpu.memory_space<vmem>> -> memref<1x104x64xi32, #tpu.memory_space<vmem>>
        %dma_start3A_837 = tpu.memref_squeeze %dma_start3A_836 : memref<1x104x64xi32, #tpu.memory_space<vmem>> -> memref<104x64xi32, #tpu.memory_space<vmem>>
        %dma_start3A_838 = tpu.memref_slice %arg5[%mul3A_832] : memref<25600xi32, #tpu.memory_space<vmem>> -> memref<104xi32, #tpu.memory_space<vmem>>
        %dma_start3A_839 = arith.constant 0 : i32
        %dma_start3A_840 = arith.constant 0 : i32
        %dma_start3A_841 = tpu.memref_slice %arg3[%dma_start3A_839, %dma_start3A_840] : memref<100000x64xi32, #tpu.memory_space<hbm>> -> memref<100000x64xi32, #tpu.memory_space<hbm>>
        tpu.enqueue_indirect_dma source(%dma_start3A_841 : memref<100000x64xi32, #tpu.memory_space<hbm>>) target(%dma_start3A_837 : memref<104x64xi32, #tpu.memory_space<vmem>>) offsets(%dma_start3A_838 : memref<104xi32, #tpu.memory_space<vmem>>) semaphore(%arg8 : memref<!tpu.dma_semaphore, #tpu.memory_space<semaphore_mem>>)
        %add3A_842 = arith.constant 104 : i32
        %add3A_843 = arith.addi %mul3A_832, %add3A_842 : i32
        %dma_start3A_844 = arith.constant 0 : i32
        %dma_start3A_845 = arith.constant 104 : i32
        %dma_start3A_846 = arith.constant 0 : i32
        %dma_start3A_847 = tpu.memref_slice %arg6[%dma_start3A_844, %dma_start3A_845, %dma_start3A_846] : memref<4x200x64xi32, #tpu.memory_space<vmem>> -> memref<1x96x64xi32, #tpu.memory_space<vmem>>
        %dma_start3A_848 = tpu.memref_squeeze %dma_start3A_847 : memref<1x96x64xi32, #tpu.memory_space<vmem>> -> memref<96x64xi32, #tpu.memory_space<vmem>>
        %dma_start3A_849 = tpu.memref_slice %arg5[%add3A_843] : memref<25600xi32, #tpu.memory_space<vmem>> -> memref<96xi32, #tpu.memory_space<vmem>>
        %dma_start3A_850 = arith.constant 0 : i32
        %dma_start3A_851 = arith.constant 0 : i32
        %dma_start3A_852 = tpu.memref_slice %arg3[%dma_start3A_850, %dma_start3A_851] : memref<100000x64xi32, #tpu.memory_space<hbm>> -> memref<100000x64xi32, #tpu.memory_space<hbm>>
        tpu.enqueue_indirect_dma source(%dma_start3A_852 : memref<100000x64xi32, #tpu.memory_space<hbm>>) target(%dma_start3A_848 : memref<96x64xi32, #tpu.memory_space<vmem>>) offsets(%dma_start3A_849 : memref<96xi32, #tpu.memory_space<vmem>>) semaphore(%arg9 : memref<!tpu.dma_semaphore, #tpu.memory_space<semaphore_mem>>)
      } else {
      }
      %add3A_278 = arith.constant 1 : i32
      %add3A_279 = arith.addi %mul3A_91, %add3A_278 : i32
      %dma_wait3A_280 = arith.constant 1 : i32
      %dma_wait3A_281 = arith.constant 0 : i32
      %dma_wait3A_282 = arith.constant 0 : i32
      %dma_wait3A_283 = tpu.memref_slice %arg6[%dma_wait3A_280, %dma_wait3A_281, %dma_wait3A_282] : memref<4x200x64xi32, #tpu.memory_space<vmem>> -> memref<1x104x64xi32, #tpu.memory_space<vmem>>
      %dma_wait3A_284 = tpu.memref_squeeze %dma_wait3A_283 : memref<1x104x64xi32, #tpu.memory_space<vmem>> -> memref<104x64xi32, #tpu.memory_space<vmem>>
      %dma_wait3A_285 = arith.constant 0 : i32
      %dma_wait3A_286 = tpu.memref_slice %arg5[%dma_wait3A_285] : memref<25600xi32, #tpu.memory_space<vmem>> -> memref<104xi32, #tpu.memory_space<vmem>>
      %dma_wait3A_287 = arith.constant 0 : i32
      %dma_wait3A_288 = arith.constant 0 : i32
      %dma_wait3A_289 = tpu.memref_slice %arg3[%dma_wait3A_287, %dma_wait3A_288] : memref<100000x64xi32, #tpu.memory_space<hbm>> -> memref<100000x64xi32, #tpu.memory_space<hbm>>
      tpu.wait_indirect_dma semaphore(%arg10 : memref<!tpu.dma_semaphore, #tpu.memory_space<semaphore_mem>>) src(%dma_wait3A_289 : memref<100000x64xi32, #tpu.memory_space<hbm>>) dst(%dma_wait3A_284 : memref<104x64xi32, #tpu.memory_space<vmem>>)
      %dma_wait3A_290 = arith.constant 1 : i32
      %dma_wait3A_291 = arith.constant 104 : i32
      %dma_wait3A_292 = arith.constant 0 : i32
      %dma_wait3A_293 = tpu.memref_slice %arg6[%dma_wait3A_290, %dma_wait3A_291, %dma_wait3A_292] : memref<4x200x64xi32, #tpu.memory_space<vmem>> -> memref<1x96x64xi32, #tpu.memory_space<vmem>>
      %dma_wait3A_294 = tpu.memref_squeeze %dma_wait3A_293 : memref<1x96x64xi32, #tpu.memory_space<vmem>> -> memref<96x64xi32, #tpu.memory_space<vmem>>
      %dma_wait3A_295 = arith.constant 0 : i32
      %dma_wait3A_296 = tpu.memref_slice %arg5[%dma_wait3A_295] : memref<25600xi32, #tpu.memory_space<vmem>> -> memref<96xi32, #tpu.memory_space<vmem>>
      %dma_wait3A_297 = arith.constant 0 : i32
      %dma_wait3A_298 = arith.constant 0 : i32
      %dma_wait3A_299 = tpu.memref_slice %arg3[%dma_wait3A_297, %dma_wait3A_298] : memref<100000x64xi32, #tpu.memory_space<hbm>> -> memref<100000x64xi32, #tpu.memory_space<hbm>>
      tpu.wait_indirect_dma semaphore(%arg11 : memref<!tpu.dma_semaphore, #tpu.memory_space<semaphore_mem>>) src(%dma_wait3A_299 : memref<100000x64xi32, #tpu.memory_space<hbm>>) dst(%dma_wait3A_294 : memref<96x64xi32, #tpu.memory_space<vmem>>)
      %mul3A_300 = arith.constant 32 : i32
      %mul3A_301 = arith.muli %select_n3A, %mul3A_300 : i32
      %sub3A_302 = arith.subi %add3A_279, %mul3A_301 : i32
      %mul3A_303 = arith.constant 4 : i32
      %mul3A_304 = arith.muli %sub3A_302, %mul3A_303 : i32
      %add3A_305 = arith.constant 0 : i32
      %add3A_306 = arith.addi %mul3A_304, %add3A_305 : i32
      %broadcast_in_dim3A_307 = arith.constant 0.000000e+00 : f32
      %broadcast_in_dim3A_308 = vector.broadcast %broadcast_in_dim3A_307 : f32 to vector<16xf32>
      %parallel_loop3A_309 = arith.constant 0 : i32
      %parallel_loop3A_310 = arith.constant 50 : i32
      %parallel_loop3A_311 = arith.constant 1 : i32
      %parallel_loop3A_312:8 = scf.for %parallel_loop3A_829 = %parallel_loop3A_309 to %parallel_loop3A_310 step %parallel_loop3A_311 iter_args(%parallel_loop3A_830 = %broadcast_in_dim3A_308, %parallel_loop3A_831 = %broadcast_in_dim3A_308, %parallel_loop3A_832 = %broadcast_in_dim3A_308, %parallel_loop3A_833 = %broadcast_in_dim3A_308, %parallel_loop3A_834 = %broadcast_in_dim3A_308, %parallel_loop3A_835 = %broadcast_in_dim3A_308, %parallel_loop3A_836 = %broadcast_in_dim3A_308, %parallel_loop3A_837 = %broadcast_in_dim3A_308) -> (vector<16xf32>, vector<16xf32>, vector<16xf32>, vector<16xf32>, vector<16xf32>, vector<16xf32>, vector<16xf32>, vector<16xf32>)  : i32 {
        %parallel_loop3A_838 = arith.constant 0 : i32
        %parallel_loop3A_839 = arith.addi %parallel_loop3A_838, %parallel_loop3A_829 : i32
        %parallel_loop3A_840 = arith.constant 1 : i32
        %parallel_loop3A_841 = arith.index_cast %parallel_loop3A_840 : i32 to index
        %parallel_loop3A_842 = arith.index_cast %parallel_loop3A_839 : i32 to index
        %parallel_loop3A_843 = arith.constant 0 : index
        %parallel_loop3A_844 = tpu.vector_load %arg6[%parallel_loop3A_841, %parallel_loop3A_842, %parallel_loop3A_843] {strides = array<i32>} : memref<4x200x64xi32, #tpu.memory_space<vmem>>, vector<16xi32>,
        %parallel_loop3A_845 = arith.constant 16 : i32
        %parallel_loop3A_846 = vector.broadcast %parallel_loop3A_845 : i32 to vector<16xi32>
        %parallel_loop3A_847 = arith.shli %parallel_loop3A_844, %parallel_loop3A_846 : vector<16xi32>
        %parallel_loop3A_848 = tpu.bitcast %parallel_loop3A_847 : vector<16xi32> -> vector<16xf32>
        %parallel_loop3A_849 = tpu.bitcast %parallel_loop3A_844 : vector<16xi32> -> vector<16xf32>
        %parallel_loop3A_850 = arith.addf %parallel_loop3A_830, %parallel_loop3A_848 : vector<16xf32>
        %parallel_loop3A_851 = arith.addf %parallel_loop3A_831, %parallel_loop3A_849 : vector<16xf32>
        %parallel_loop3A_852 = arith.constant 0 : i32
        %parallel_loop3A_853 = arith.addi %parallel_loop3A_852, %parallel_loop3A_829 : i32
        %parallel_loop3A_854 = arith.constant 1 : i32
        %parallel_loop3A_855 = arith.index_cast %parallel_loop3A_854 : i32 to index
        %parallel_loop3A_856 = arith.index_cast %parallel_loop3A_853 : i32 to index
        %parallel_loop3A_857 = arith.constant 16 : index
        %parallel_loop3A_858 = tpu.vector_load %arg6[%parallel_loop3A_855, %parallel_loop3A_856, %parallel_loop3A_857] {strides = array<i32>} : memref<4x200x64xi32, #tpu.memory_space<vmem>>, vector<16xi32>,
        %parallel_loop3A_859 = arith.constant 16 : i32
        %parallel_loop3A_860 = vector.broadcast %parallel_loop3A_859 : i32 to vector<16xi32>
        %parallel_loop3A_861 = arith.shli %parallel_loop3A_858, %parallel_loop3A_860 : vector<16xi32>
        %parallel_loop3A_862 = tpu.bitcast %parallel_loop3A_861 : vector<16xi32> -> vector<16xf32>
        %parallel_loop3A_863 = tpu.bitcast %parallel_loop3A_858 : vector<16xi32> -> vector<16xf32>
        %parallel_loop3A_864 = arith.addf %parallel_loop3A_832, %parallel_loop3A_862 : vector<16xf32>
        %parallel_loop3A_865 = arith.addf %parallel_loop3A_833, %parallel_loop3A_863 : vector<16xf32>
        %parallel_loop3A_866 = arith.constant 0 : i32
        %parallel_loop3A_867 = arith.addi %parallel_loop3A_866, %parallel_loop3A_829 : i32
        %parallel_loop3A_868 = arith.constant 1 : i32
        %parallel_loop3A_869 = arith.index_cast %parallel_loop3A_868 : i32 to index
        %parallel_loop3A_870 = arith.index_cast %parallel_loop3A_867 : i32 to index
        %parallel_loop3A_871 = arith.constant 32 : index
        %parallel_loop3A_872 = tpu.vector_load %arg6[%parallel_loop3A_869, %parallel_loop3A_870, %parallel_loop3A_871] {strides = array<i32>} : memref<4x200x64xi32, #tpu.memory_space<vmem>>, vector<16xi32>,
        %parallel_loop3A_873 = arith.constant 16 : i32
        %parallel_loop3A_874 = vector.broadcast %parallel_loop3A_873 : i32 to vector<16xi32>
        %parallel_loop3A_875 = arith.shli %parallel_loop3A_872, %parallel_loop3A_874 : vector<16xi32>
        %parallel_loop3A_876 = tpu.bitcast %parallel_loop3A_875 : vector<16xi32> -> vector<16xf32>
        %parallel_loop3A_877 = tpu.bitcast %parallel_loop3A_872 : vector<16xi32> -> vector<16xf32>
        %parallel_loop3A_878 = arith.addf %parallel_loop3A_834, %parallel_loop3A_876 : vector<16xf32>
        %parallel_loop3A_879 = arith.addf %parallel_loop3A_835, %parallel_loop3A_877 : vector<16xf32>
        %parallel_loop3A_880 = arith.constant 0 : i32
        %parallel_loop3A_881 = arith.addi %parallel_loop3A_880, %parallel_loop3A_829 : i32
        %parallel_loop3A_882 = arith.constant 1 : i32
        %parallel_loop3A_883 = arith.index_cast %parallel_loop3A_882 : i32 to index
        %parallel_loop3A_884 = arith.index_cast %parallel_loop3A_881 : i32 to index
        %parallel_loop3A_885 = arith.constant 48 : index
        %parallel_loop3A_886 = tpu.vector_load %arg6[%parallel_loop3A_883, %parallel_loop3A_884, %parallel_loop3A_885] {strides = array<i32>} : memref<4x200x64xi32, #tpu.memory_space<vmem>>, vector<16xi32>,
        %parallel_loop3A_887 = arith.constant 16 : i32
        %parallel_loop3A_888 = vector.broadcast %parallel_loop3A_887 : i32 to vector<16xi32>
        %parallel_loop3A_889 = arith.shli %parallel_loop3A_886, %parallel_loop3A_888 : vector<16xi32>
        %parallel_loop3A_890 = tpu.bitcast %parallel_loop3A_889 : vector<16xi32> -> vector<16xf32>
        %parallel_loop3A_891 = tpu.bitcast %parallel_loop3A_886 : vector<16xi32> -> vector<16xf32>
        %parallel_loop3A_892 = arith.addf %parallel_loop3A_836, %parallel_loop3A_890 : vector<16xf32>
        %parallel_loop3A_893 = arith.addf %parallel_loop3A_837, %parallel_loop3A_891 : vector<16xf32>
        scf.yield %parallel_loop3A_850, %parallel_loop3A_851, %parallel_loop3A_864, %parallel_loop3A_865, %parallel_loop3A_878, %parallel_loop3A_879, %parallel_loop3A_892, %parallel_loop3A_893 : vector<16xf32>, vector<16xf32>, vector<16xf32>, vector<16xf32>, vector<16xf32>, vector<16xf32>, vector<16xf32>, vector<16xf32>
      } {sc.loop_unroll_factor = 2 : i64, sc.parallel_access}
      %swap3A_313 = arith.index_cast %add3A_306 : i32 to index
      %swap3A_314 = arith.constant 0 : index
      %swap3A_315 = tpu.vector_load %arg7[%swap3A_313, %swap3A_314] {strides = array<i32>} : memref<128x128xf32, #tpu.memory_space<vmem>>, vector<16xf32>,
      tpu.vector_store %arg7[%swap3A_313, %swap3A_314], %parallel_loop3A_312#0 {strides = array<i32>} : memref<128x128xf32, #tpu.memory_space<vmem>>, vector<16xf32>,
      %swap3A_316 = arith.index_cast %add3A_306 : i32 to index
      %swap3A_317 = arith.constant 64 : index
      %swap3A_318 = tpu.vector_load %arg7[%swap3A_316, %swap3A_317] {strides = array<i32>} : memref<128x128xf32, #tpu.memory_space<vmem>>, vector<16xf32>,
      tpu.vector_store %arg7[%swap3A_316, %swap3A_317], %parallel_loop3A_312#1 {strides = array<i32>} : memref<128x128xf32, #tpu.memory_space<vmem>>, vector<16xf32>,
      %swap3A_319 = arith.index_cast %add3A_306 : i32 to index
      %swap3A_320 = arith.constant 16 : index
      %swap3A_321 = tpu.vector_load %arg7[%swap3A_319, %swap3A_320] {strides = array<i32>} : memref<128x128xf32, #tpu.memory_space<vmem>>, vector<16xf32>,
      tpu.vector_store %arg7[%swap3A_319, %swap3A_320], %parallel_loop3A_312#2 {strides = array<i32>} : memref<128x128xf32, #tpu.memory_space<vmem>>, vector<16xf32>,
      %swap3A_322 = arith.index_cast %add3A_306 : i32 to index
      %swap3A_323 = arith.constant 80 : index
      %swap3A_324 = tpu.vector_load %arg7[%swap3A_322, %swap3A_323] {strides = array<i32>} : memref<128x128xf32, #tpu.memory_space<vmem>>, vector<16xf32>,
      tpu.vector_store %arg7[%swap3A_322, %swap3A_323], %parallel_loop3A_312#3 {strides = array<i32>} : memref<128x128xf32, #tpu.memory_space<vmem>>, vector<16xf32>,
      %swap3A_325 = arith.index_cast %add3A_306 : i32 to index
      %swap3A_326 = arith.constant 32 : index
      %swap3A_327 = tpu.vector_load %arg7[%swap3A_325, %swap3A_326] {strides = array<i32>} : memref<128x128xf32, #tpu.memory_space<vmem>>, vector<16xf32>,
      tpu.vector_store %arg7[%swap3A_325, %swap3A_326], %parallel_loop3A_312#4 {strides = array<i32>} : memref<128x128xf32, #tpu.memory_space<vmem>>, vector<16xf32>,
      %swap3A_328 = arith.index_cast %add3A_306 : i32 to index
      %swap3A_329 = arith.constant 96 : index
      %swap3A_330 = tpu.vector_load %arg7[%swap3A_328, %swap3A_329] {strides = array<i32>} : memref<128x128xf32, #tpu.memory_space<vmem>>, vector<16xf32>,
      tpu.vector_store %arg7[%swap3A_328, %swap3A_329], %parallel_loop3A_312#5 {strides = array<i32>} : memref<128x128xf32, #tpu.memory_space<vmem>>, vector<16xf32>,
      %swap3A_331 = arith.index_cast %add3A_306 : i32 to index
      %swap3A_332 = arith.constant 48 : index
      %swap3A_333 = tpu.vector_load %arg7[%swap3A_331, %swap3A_332] {strides = array<i32>} : memref<128x128xf32, #tpu.memory_space<vmem>>, vector<16xf32>,
      tpu.vector_store %arg7[%swap3A_331, %swap3A_332], %parallel_loop3A_312#6 {strides = array<i32>} : memref<128x128xf32, #tpu.memory_space<vmem>>, vector<16xf32>,
      %swap3A_334 = arith.index_cast %add3A_306 : i32 to index
      %swap3A_335 = arith.constant 112 : index
      %swap3A_336 = tpu.vector_load %arg7[%swap3A_334, %swap3A_335] {strides = array<i32>} : memref<128x128xf32, #tpu.memory_space<vmem>>, vector<16xf32>,
      tpu.vector_store %arg7[%swap3A_334, %swap3A_335], %parallel_loop3A_312#7 {strides = array<i32>} : memref<128x128xf32, #tpu.memory_space<vmem>>, vector<16xf32>,
      %mul3A_337 = arith.constant 32 : i32
      %mul3A_338 = arith.muli %select_n3A, %mul3A_337 : i32
      %sub3A_339 = arith.subi %add3A_279, %mul3A_338 : i32
      %mul3A_340 = arith.constant 4 : i32
      %mul3A_341 = arith.muli %sub3A_339, %mul3A_340 : i32
      %add3A_342 = arith.constant 1 : i32
      %add3A_343 = arith.addi %mul3A_341, %add3A_342 : i32
      %broadcast_in_dim3A_344 = arith.constant 0.000000e+00 : f32
      %broadcast_in_dim3A_345 = vector.broadcast %broadcast_in_dim3A_344 : f32 to vector<16xf32>
      %parallel_loop3A_346 = arith.constant 0 : i32
      %parallel_loop3A_347 = arith.constant 50 : i32
      %parallel_loop3A_348 = arith.constant 1 : i32
      %parallel_loop3A_349:8 = scf.for %parallel_loop3A_829 = %parallel_loop3A_346 to %parallel_loop3A_347 step %parallel_loop3A_348 iter_args(%parallel_loop3A_830 = %broadcast_in_dim3A_345, %parallel_loop3A_831 = %broadcast_in_dim3A_345, %parallel_loop3A_832 = %broadcast_in_dim3A_345, %parallel_loop3A_833 = %broadcast_in_dim3A_345, %parallel_loop3A_834 = %broadcast_in_dim3A_345, %parallel_loop3A_835 = %broadcast_in_dim3A_345, %parallel_loop3A_836 = %broadcast_in_dim3A_345, %parallel_loop3A_837 = %broadcast_in_dim3A_345) -> (vector<16xf32>, vector<16xf32>, vector<16xf32>, vector<16xf32>, vector<16xf32>, vector<16xf32>, vector<16xf32>, vector<16xf32>)  : i32 {
        %parallel_loop3A_838 = arith.constant 50 : i32
        %parallel_loop3A_839 = arith.addi %parallel_loop3A_838, %parallel_loop3A_829 : i32
        %parallel_loop3A_840 = arith.constant 1 : i32
        %parallel_loop3A_841 = arith.index_cast %parallel_loop3A_840 : i32 to index
        %parallel_loop3A_842 = arith.index_cast %parallel_loop3A_839 : i32 to index
        %parallel_loop3A_843 = arith.constant 0 : index
        %parallel_loop3A_844 = tpu.vector_load %arg6[%parallel_loop3A_841, %parallel_loop3A_842, %parallel_loop3A_843] {strides = array<i32>} : memref<4x200x64xi32, #tpu.memory_space<vmem>>, vector<16xi32>,
        %parallel_loop3A_845 = arith.constant 16 : i32
        %parallel_loop3A_846 = vector.broadcast %parallel_loop3A_845 : i32 to vector<16xi32>
        %parallel_loop3A_847 = arith.shli %parallel_loop3A_844, %parallel_loop3A_846 : vector<16xi32>
        %parallel_loop3A_848 = tpu.bitcast %parallel_loop3A_847 : vector<16xi32> -> vector<16xf32>
        %parallel_loop3A_849 = tpu.bitcast %parallel_loop3A_844 : vector<16xi32> -> vector<16xf32>
        %parallel_loop3A_850 = arith.addf %parallel_loop3A_830, %parallel_loop3A_848 : vector<16xf32>
        %parallel_loop3A_851 = arith.addf %parallel_loop3A_831, %parallel_loop3A_849 : vector<16xf32>
        %parallel_loop3A_852 = arith.constant 50 : i32
        %parallel_loop3A_853 = arith.addi %parallel_loop3A_852, %parallel_loop3A_829 : i32
        %parallel_loop3A_854 = arith.constant 1 : i32
        %parallel_loop3A_855 = arith.index_cast %parallel_loop3A_854 : i32 to index
        %parallel_loop3A_856 = arith.index_cast %parallel_loop3A_853 : i32 to index
        %parallel_loop3A_857 = arith.constant 16 : index
        %parallel_loop3A_858 = tpu.vector_load %arg6[%parallel_loop3A_855, %parallel_loop3A_856, %parallel_loop3A_857] {strides = array<i32>} : memref<4x200x64xi32, #tpu.memory_space<vmem>>, vector<16xi32>,
        %parallel_loop3A_859 = arith.constant 16 : i32
        %parallel_loop3A_860 = vector.broadcast %parallel_loop3A_859 : i32 to vector<16xi32>
        %parallel_loop3A_861 = arith.shli %parallel_loop3A_858, %parallel_loop3A_860 : vector<16xi32>
        %parallel_loop3A_862 = tpu.bitcast %parallel_loop3A_861 : vector<16xi32> -> vector<16xf32>
        %parallel_loop3A_863 = tpu.bitcast %parallel_loop3A_858 : vector<16xi32> -> vector<16xf32>
        %parallel_loop3A_864 = arith.addf %parallel_loop3A_832, %parallel_loop3A_862 : vector<16xf32>
        %parallel_loop3A_865 = arith.addf %parallel_loop3A_833, %parallel_loop3A_863 : vector<16xf32>
        %parallel_loop3A_866 = arith.constant 50 : i32
        %parallel_loop3A_867 = arith.addi %parallel_loop3A_866, %parallel_loop3A_829 : i32
        %parallel_loop3A_868 = arith.constant 1 : i32
        %parallel_loop3A_869 = arith.index_cast %parallel_loop3A_868 : i32 to index
        %parallel_loop3A_870 = arith.index_cast %parallel_loop3A_867 : i32 to index
        %parallel_loop3A_871 = arith.constant 32 : index
        %parallel_loop3A_872 = tpu.vector_load %arg6[%parallel_loop3A_869, %parallel_loop3A_870, %parallel_loop3A_871] {strides = array<i32>} : memref<4x200x64xi32, #tpu.memory_space<vmem>>, vector<16xi32>,
        %parallel_loop3A_873 = arith.constant 16 : i32
        %parallel_loop3A_874 = vector.broadcast %parallel_loop3A_873 : i32 to vector<16xi32>
        %parallel_loop3A_875 = arith.shli %parallel_loop3A_872, %parallel_loop3A_874 : vector<16xi32>
        %parallel_loop3A_876 = tpu.bitcast %parallel_loop3A_875 : vector<16xi32> -> vector<16xf32>
        %parallel_loop3A_877 = tpu.bitcast %parallel_loop3A_872 : vector<16xi32> -> vector<16xf32>
        %parallel_loop3A_878 = arith.addf %parallel_loop3A_834, %parallel_loop3A_876 : vector<16xf32>
        %parallel_loop3A_879 = arith.addf %parallel_loop3A_835, %parallel_loop3A_877 : vector<16xf32>
        %parallel_loop3A_880 = arith.constant 50 : i32
        %parallel_loop3A_881 = arith.addi %parallel_loop3A_880, %parallel_loop3A_829 : i32
        %parallel_loop3A_882 = arith.constant 1 : i32
        %parallel_loop3A_883 = arith.index_cast %parallel_loop3A_882 : i32 to index
        %parallel_loop3A_884 = arith.index_cast %parallel_loop3A_881 : i32 to index
        %parallel_loop3A_885 = arith.constant 48 : index
        %parallel_loop3A_886 = tpu.vector_load %arg6[%parallel_loop3A_883, %parallel_loop3A_884, %parallel_loop3A_885] {strides = array<i32>} : memref<4x200x64xi32, #tpu.memory_space<vmem>>, vector<16xi32>,
        %parallel_loop3A_887 = arith.constant 16 : i32
        %parallel_loop3A_888 = vector.broadcast %parallel_loop3A_887 : i32 to vector<16xi32>
        %parallel_loop3A_889 = arith.shli %parallel_loop3A_886, %parallel_loop3A_888 : vector<16xi32>
        %parallel_loop3A_890 = tpu.bitcast %parallel_loop3A_889 : vector<16xi32> -> vector<16xf32>
        %parallel_loop3A_891 = tpu.bitcast %parallel_loop3A_886 : vector<16xi32> -> vector<16xf32>
        %parallel_loop3A_892 = arith.addf %parallel_loop3A_836, %parallel_loop3A_890 : vector<16xf32>
        %parallel_loop3A_893 = arith.addf %parallel_loop3A_837, %parallel_loop3A_891 : vector<16xf32>
        scf.yield %parallel_loop3A_850, %parallel_loop3A_851, %parallel_loop3A_864, %parallel_loop3A_865, %parallel_loop3A_878, %parallel_loop3A_879, %parallel_loop3A_892, %parallel_loop3A_893 : vector<16xf32>, vector<16xf32>, vector<16xf32>, vector<16xf32>, vector<16xf32>, vector<16xf32>, vector<16xf32>, vector<16xf32>
      } {sc.loop_unroll_factor = 2 : i64, sc.parallel_access}
      %swap3A_350 = arith.index_cast %add3A_343 : i32 to index
      %swap3A_351 = arith.constant 0 : index
      %swap3A_352 = tpu.vector_load %arg7[%swap3A_350, %swap3A_351] {strides = array<i32>} : memref<128x128xf32, #tpu.memory_space<vmem>>, vector<16xf32>,
      tpu.vector_store %arg7[%swap3A_350, %swap3A_351], %parallel_loop3A_349#0 {strides = array<i32>} : memref<128x128xf32, #tpu.memory_space<vmem>>, vector<16xf32>,
      %swap3A_353 = arith.index_cast %add3A_343 : i32 to index
      %swap3A_354 = arith.constant 64 : index
      %swap3A_355 = tpu.vector_load %arg7[%swap3A_353, %swap3A_354] {strides = array<i32>} : memref<128x128xf32, #tpu.memory_space<vmem>>, vector<16xf32>,
      tpu.vector_store %arg7[%swap3A_353, %swap3A_354], %parallel_loop3A_349#1 {strides = array<i32>} : memref<128x128xf32, #tpu.memory_space<vmem>>, vector<16xf32>,
      %swap3A_356 = arith.index_cast %add3A_343 : i32 to index
      %swap3A_357 = arith.constant 16 : index
      %swap3A_358 = tpu.vector_load %arg7[%swap3A_356, %swap3A_357] {strides = array<i32>} : memref<128x128xf32, #tpu.memory_space<vmem>>, vector<16xf32>,
      tpu.vector_store %arg7[%swap3A_356, %swap3A_357], %parallel_loop3A_349#2 {strides = array<i32>} : memref<128x128xf32, #tpu.memory_space<vmem>>, vector<16xf32>,
      %swap3A_359 = arith.index_cast %add3A_343 : i32 to index
      %swap3A_360 = arith.constant 80 : index
      %swap3A_361 = tpu.vector_load %arg7[%swap3A_359, %swap3A_360] {strides = array<i32>} : memref<128x128xf32, #tpu.memory_space<vmem>>, vector<16xf32>,
      tpu.vector_store %arg7[%swap3A_359, %swap3A_360], %parallel_loop3A_349#3 {strides = array<i32>} : memref<128x128xf32, #tpu.memory_space<vmem>>, vector<16xf32>,
      %swap3A_362 = arith.index_cast %add3A_343 : i32 to index
      %swap3A_363 = arith.constant 32 : index
      %swap3A_364 = tpu.vector_load %arg7[%swap3A_362, %swap3A_363] {strides = array<i32>} : memref<128x128xf32, #tpu.memory_space<vmem>>, vector<16xf32>,
      tpu.vector_store %arg7[%swap3A_362, %swap3A_363], %parallel_loop3A_349#4 {strides = array<i32>} : memref<128x128xf32, #tpu.memory_space<vmem>>, vector<16xf32>,
      %swap3A_365 = arith.index_cast %add3A_343 : i32 to index
      %swap3A_366 = arith.constant 96 : index
      %swap3A_367 = tpu.vector_load %arg7[%swap3A_365, %swap3A_366] {strides = array<i32>} : memref<128x128xf32, #tpu.memory_space<vmem>>, vector<16xf32>,
      tpu.vector_store %arg7[%swap3A_365, %swap3A_366], %parallel_loop3A_349#5 {strides = array<i32>} : memref<128x128xf32, #tpu.memory_space<vmem>>, vector<16xf32>,
      %swap3A_368 = arith.index_cast %add3A_343 : i32 to index
      %swap3A_369 = arith.constant 48 : index
      %swap3A_370 = tpu.vector_load %arg7[%swap3A_368, %swap3A_369] {strides = array<i32>} : memref<128x128xf32, #tpu.memory_space<vmem>>, vector<16xf32>,
      tpu.vector_store %arg7[%swap3A_368, %swap3A_369], %parallel_loop3A_349#6 {strides = array<i32>} : memref<128x128xf32, #tpu.memory_space<vmem>>, vector<16xf32>,
      %swap3A_371 = arith.index_cast %add3A_343 : i32 to index
      %swap3A_372 = arith.constant 112 : index
      %swap3A_373 = tpu.vector_load %arg7[%swap3A_371, %swap3A_372] {strides = array<i32>} : memref<128x128xf32, #tpu.memory_space<vmem>>, vector<16xf32>,
      tpu.vector_store %arg7[%swap3A_371, %swap3A_372], %parallel_loop3A_349#7 {strides = array<i32>} : memref<128x128xf32, #tpu.memory_space<vmem>>, vector<16xf32>,
      %mul3A_374 = arith.constant 32 : i32
      %mul3A_375 = arith.muli %select_n3A, %mul3A_374 : i32
      %sub3A_376 = arith.subi %add3A_279, %mul3A_375 : i32
      %mul3A_377 = arith.constant 4 : i32
      %mul3A_378 = arith.muli %sub3A_376, %mul3A_377 : i32
      %add3A_379 = arith.constant 2 : i32
      %add3A_380 = arith.addi %mul3A_378, %add3A_379 : i32
      %broadcast_in_dim3A_381 = arith.constant 0.000000e+00 : f32
      %broadcast_in_dim3A_382 = vector.broadcast %broadcast_in_dim3A_381 : f32 to vector<16xf32>
      %parallel_loop3A_383 = arith.constant 0 : i32
      %parallel_loop3A_384 = arith.constant 50 : i32
      %parallel_loop3A_385 = arith.constant 1 : i32
      %parallel_loop3A_386:8 = scf.for %parallel_loop3A_829 = %parallel_loop3A_383 to %parallel_loop3A_384 step %parallel_loop3A_385 iter_args(%parallel_loop3A_830 = %broadcast_in_dim3A_382, %parallel_loop3A_831 = %broadcast_in_dim3A_382, %parallel_loop3A_832 = %broadcast_in_dim3A_382, %parallel_loop3A_833 = %broadcast_in_dim3A_382, %parallel_loop3A_834 = %broadcast_in_dim3A_382, %parallel_loop3A_835 = %broadcast_in_dim3A_382, %parallel_loop3A_836 = %broadcast_in_dim3A_382, %parallel_loop3A_837 = %broadcast_in_dim3A_382) -> (vector<16xf32>, vector<16xf32>, vector<16xf32>, vector<16xf32>, vector<16xf32>, vector<16xf32>, vector<16xf32>, vector<16xf32>)  : i32 {
        %parallel_loop3A_838 = arith.constant 100 : i32
        %parallel_loop3A_839 = arith.addi %parallel_loop3A_838, %parallel_loop3A_829 : i32
        %parallel_loop3A_840 = arith.constant 1 : i32
        %parallel_loop3A_841 = arith.index_cast %parallel_loop3A_840 : i32 to index
        %parallel_loop3A_842 = arith.index_cast %parallel_loop3A_839 : i32 to index
        %parallel_loop3A_843 = arith.constant 0 : index
        %parallel_loop3A_844 = tpu.vector_load %arg6[%parallel_loop3A_841, %parallel_loop3A_842, %parallel_loop3A_843] {strides = array<i32>} : memref<4x200x64xi32, #tpu.memory_space<vmem>>, vector<16xi32>,
        %parallel_loop3A_845 = arith.constant 16 : i32
        %parallel_loop3A_846 = vector.broadcast %parallel_loop3A_845 : i32 to vector<16xi32>
        %parallel_loop3A_847 = arith.shli %parallel_loop3A_844, %parallel_loop3A_846 : vector<16xi32>
        %parallel_loop3A_848 = tpu.bitcast %parallel_loop3A_847 : vector<16xi32> -> vector<16xf32>
        %parallel_loop3A_849 = tpu.bitcast %parallel_loop3A_844 : vector<16xi32> -> vector<16xf32>
        %parallel_loop3A_850 = arith.addf %parallel_loop3A_830, %parallel_loop3A_848 : vector<16xf32>
        %parallel_loop3A_851 = arith.addf %parallel_loop3A_831, %parallel_loop3A_849 : vector<16xf32>
        %parallel_loop3A_852 = arith.constant 100 : i32
        %parallel_loop3A_853 = arith.addi %parallel_loop3A_852, %parallel_loop3A_829 : i32
        %parallel_loop3A_854 = arith.constant 1 : i32
        %parallel_loop3A_855 = arith.index_cast %parallel_loop3A_854 : i32 to index
        %parallel_loop3A_856 = arith.index_cast %parallel_loop3A_853 : i32 to index
        %parallel_loop3A_857 = arith.constant 16 : index
        %parallel_loop3A_858 = tpu.vector_load %arg6[%parallel_loop3A_855, %parallel_loop3A_856, %parallel_loop3A_857] {strides = array<i32>} : memref<4x200x64xi32, #tpu.memory_space<vmem>>, vector<16xi32>,
        %parallel_loop3A_859 = arith.constant 16 : i32
        %parallel_loop3A_860 = vector.broadcast %parallel_loop3A_859 : i32 to vector<16xi32>
        %parallel_loop3A_861 = arith.shli %parallel_loop3A_858, %parallel_loop3A_860 : vector<16xi32>
        %parallel_loop3A_862 = tpu.bitcast %parallel_loop3A_861 : vector<16xi32> -> vector<16xf32>
        %parallel_loop3A_863 = tpu.bitcast %parallel_loop3A_858 : vector<16xi32> -> vector<16xf32>
        %parallel_loop3A_864 = arith.addf %parallel_loop3A_832, %parallel_loop3A_862 : vector<16xf32>
        %parallel_loop3A_865 = arith.addf %parallel_loop3A_833, %parallel_loop3A_863 : vector<16xf32>
        %parallel_loop3A_866 = arith.constant 100 : i32
        %parallel_loop3A_867 = arith.addi %parallel_loop3A_866, %parallel_loop3A_829 : i32
        %parallel_loop3A_868 = arith.constant 1 : i32
        %parallel_loop3A_869 = arith.index_cast %parallel_loop3A_868 : i32 to index
        %parallel_loop3A_870 = arith.index_cast %parallel_loop3A_867 : i32 to index
        %parallel_loop3A_871 = arith.constant 32 : index
        %parallel_loop3A_872 = tpu.vector_load %arg6[%parallel_loop3A_869, %parallel_loop3A_870, %parallel_loop3A_871] {strides = array<i32>} : memref<4x200x64xi32, #tpu.memory_space<vmem>>, vector<16xi32>,
        %parallel_loop3A_873 = arith.constant 16 : i32
        %parallel_loop3A_874 = vector.broadcast %parallel_loop3A_873 : i32 to vector<16xi32>
        %parallel_loop3A_875 = arith.shli %parallel_loop3A_872, %parallel_loop3A_874 : vector<16xi32>
        %parallel_loop3A_876 = tpu.bitcast %parallel_loop3A_875 : vector<16xi32> -> vector<16xf32>
        %parallel_loop3A_877 = tpu.bitcast %parallel_loop3A_872 : vector<16xi32> -> vector<16xf32>
        %parallel_loop3A_878 = arith.addf %parallel_loop3A_834, %parallel_loop3A_876 : vector<16xf32>
        %parallel_loop3A_879 = arith.addf %parallel_loop3A_835, %parallel_loop3A_877 : vector<16xf32>
        %parallel_loop3A_880 = arith.constant 100 : i32
        %parallel_loop3A_881 = arith.addi %parallel_loop3A_880, %parallel_loop3A_829 : i32
        %parallel_loop3A_882 = arith.constant 1 : i32
        %parallel_loop3A_883 = arith.index_cast %parallel_loop3A_882 : i32 to index
        %parallel_loop3A_884 = arith.index_cast %parallel_loop3A_881 : i32 to index
        %parallel_loop3A_885 = arith.constant 48 : index
        %parallel_loop3A_886 = tpu.vector_load %arg6[%parallel_loop3A_883, %parallel_loop3A_884, %parallel_loop3A_885] {strides = array<i32>} : memref<4x200x64xi32, #tpu.memory_space<vmem>>, vector<16xi32>,
        %parallel_loop3A_887 = arith.constant 16 : i32
        %parallel_loop3A_888 = vector.broadcast %parallel_loop3A_887 : i32 to vector<16xi32>
        %parallel_loop3A_889 = arith.shli %parallel_loop3A_886, %parallel_loop3A_888 : vector<16xi32>
        %parallel_loop3A_890 = tpu.bitcast %parallel_loop3A_889 : vector<16xi32> -> vector<16xf32>
        %parallel_loop3A_891 = tpu.bitcast %parallel_loop3A_886 : vector<16xi32> -> vector<16xf32>
        %parallel_loop3A_892 = arith.addf %parallel_loop3A_836, %parallel_loop3A_890 : vector<16xf32>
        %parallel_loop3A_893 = arith.addf %parallel_loop3A_837, %parallel_loop3A_891 : vector<16xf32>
        scf.yield %parallel_loop3A_850, %parallel_loop3A_851, %parallel_loop3A_864, %parallel_loop3A_865, %parallel_loop3A_878, %parallel_loop3A_879, %parallel_loop3A_892, %parallel_loop3A_893 : vector<16xf32>, vector<16xf32>, vector<16xf32>, vector<16xf32>, vector<16xf32>, vector<16xf32>, vector<16xf32>, vector<16xf32>
      } {sc.loop_unroll_factor = 2 : i64, sc.parallel_access}
      %swap3A_387 = arith.index_cast %add3A_380 : i32 to index
      %swap3A_388 = arith.constant 0 : index
      %swap3A_389 = tpu.vector_load %arg7[%swap3A_387, %swap3A_388] {strides = array<i32>} : memref<128x128xf32, #tpu.memory_space<vmem>>, vector<16xf32>,
      tpu.vector_store %arg7[%swap3A_387, %swap3A_388], %parallel_loop3A_386#0 {strides = array<i32>} : memref<128x128xf32, #tpu.memory_space<vmem>>, vector<16xf32>,
      %swap3A_390 = arith.index_cast %add3A_380 : i32 to index
      %swap3A_391 = arith.constant 64 : index
      %swap3A_392 = tpu.vector_load %arg7[%swap3A_390, %swap3A_391] {strides = array<i32>} : memref<128x128xf32, #tpu.memory_space<vmem>>, vector<16xf32>,
      tpu.vector_store %arg7[%swap3A_390, %swap3A_391], %parallel_loop3A_386#1 {strides = array<i32>} : memref<128x128xf32, #tpu.memory_space<vmem>>, vector<16xf32>,
      %swap3A_393 = arith.index_cast %add3A_380 : i32 to index
      %swap3A_394 = arith.constant 16 : index
      %swap3A_395 = tpu.vector_load %arg7[%swap3A_393, %swap3A_394] {strides = array<i32>} : memref<128x128xf32, #tpu.memory_space<vmem>>, vector<16xf32>,
      tpu.vector_store %arg7[%swap3A_393, %swap3A_394], %parallel_loop3A_386#2 {strides = array<i32>} : memref<128x128xf32, #tpu.memory_space<vmem>>, vector<16xf32>,
      %swap3A_396 = arith.index_cast %add3A_380 : i32 to index
      %swap3A_397 = arith.constant 80 : index
      %swap3A_398 = tpu.vector_load %arg7[%swap3A_396, %swap3A_397] {strides = array<i32>} : memref<128x128xf32, #tpu.memory_space<vmem>>, vector<16xf32>,
      tpu.vector_store %arg7[%swap3A_396, %swap3A_397], %parallel_loop3A_386#3 {strides = array<i32>} : memref<128x128xf32, #tpu.memory_space<vmem>>, vector<16xf32>,
      %swap3A_399 = arith.index_cast %add3A_380 : i32 to index
      %swap3A_400 = arith.constant 32 : index
      %swap3A_401 = tpu.vector_load %arg7[%swap3A_399, %swap3A_400] {strides = array<i32>} : memref<128x128xf32, #tpu.memory_space<vmem>>, vector<16xf32>,
      tpu.vector_store %arg7[%swap3A_399, %swap3A_400], %parallel_loop3A_386#4 {strides = array<i32>} : memref<128x128xf32, #tpu.memory_space<vmem>>, vector<16xf32>,
      %swap3A_402 = arith.index_cast %add3A_380 : i32 to index
      %swap3A_403 = arith.constant 96 : index
      %swap3A_404 = tpu.vector_load %arg7[%swap3A_402, %swap3A_403] {strides = array<i32>} : memref<128x128xf32, #tpu.memory_space<vmem>>, vector<16xf32>,
      tpu.vector_store %arg7[%swap3A_402, %swap3A_403], %parallel_loop3A_386#5 {strides = array<i32>} : memref<128x128xf32, #tpu.memory_space<vmem>>, vector<16xf32>,
      %swap3A_405 = arith.index_cast %add3A_380 : i32 to index
      %swap3A_406 = arith.constant 48 : index
      %swap3A_407 = tpu.vector_load %arg7[%swap3A_405, %swap3A_406] {strides = array<i32>} : memref<128x128xf32, #tpu.memory_space<vmem>>, vector<16xf32>,
      tpu.vector_store %arg7[%swap3A_405, %swap3A_406], %parallel_loop3A_386#6 {strides = array<i32>} : memref<128x128xf32, #tpu.memory_space<vmem>>, vector<16xf32>,
      %swap3A_408 = arith.index_cast %add3A_380 : i32 to index
      %swap3A_409 = arith.constant 112 : index
      %swap3A_410 = tpu.vector_load %arg7[%swap3A_408, %swap3A_409] {strides = array<i32>} : memref<128x128xf32, #tpu.memory_space<vmem>>, vector<16xf32>,
      tpu.vector_store %arg7[%swap3A_408, %swap3A_409], %parallel_loop3A_386#7 {strides = array<i32>} : memref<128x128xf32, #tpu.memory_space<vmem>>, vector<16xf32>,
      %mul3A_411 = arith.constant 32 : i32
      %mul3A_412 = arith.muli %select_n3A, %mul3A_411 : i32
      %sub3A_413 = arith.subi %add3A_279, %mul3A_412 : i32
      %mul3A_414 = arith.constant 4 : i32
      %mul3A_415 = arith.muli %sub3A_413, %mul3A_414 : i32
      %add3A_416 = arith.constant 3 : i32
      %add3A_417 = arith.addi %mul3A_415, %add3A_416 : i32
      %broadcast_in_dim3A_418 = arith.constant 0.000000e+00 : f32
      %broadcast_in_dim3A_419 = vector.broadcast %broadcast_in_dim3A_418 : f32 to vector<16xf32>
      %parallel_loop3A_420 = arith.constant 0 : i32
      %parallel_loop3A_421 = arith.constant 50 : i32
      %parallel_loop3A_422 = arith.constant 1 : i32
      %parallel_loop3A_423:8 = scf.for %parallel_loop3A_829 = %parallel_loop3A_420 to %parallel_loop3A_421 step %parallel_loop3A_422 iter_args(%parallel_loop3A_830 = %broadcast_in_dim3A_419, %parallel_loop3A_831 = %broadcast_in_dim3A_419, %parallel_loop3A_832 = %broadcast_in_dim3A_419, %parallel_loop3A_833 = %broadcast_in_dim3A_419, %parallel_loop3A_834 = %broadcast_in_dim3A_419, %parallel_loop3A_835 = %broadcast_in_dim3A_419, %parallel_loop3A_836 = %broadcast_in_dim3A_419, %parallel_loop3A_837 = %broadcast_in_dim3A_419) -> (vector<16xf32>, vector<16xf32>, vector<16xf32>, vector<16xf32>, vector<16xf32>, vector<16xf32>, vector<16xf32>, vector<16xf32>)  : i32 {
        %parallel_loop3A_838 = arith.constant 150 : i32
        %parallel_loop3A_839 = arith.addi %parallel_loop3A_838, %parallel_loop3A_829 : i32
        %parallel_loop3A_840 = arith.constant 1 : i32
        %parallel_loop3A_841 = arith.index_cast %parallel_loop3A_840 : i32 to index
        %parallel_loop3A_842 = arith.index_cast %parallel_loop3A_839 : i32 to index
        %parallel_loop3A_843 = arith.constant 0 : index
        %parallel_loop3A_844 = tpu.vector_load %arg6[%parallel_loop3A_841, %parallel_loop3A_842, %parallel_loop3A_843] {strides = array<i32>} : memref<4x200x64xi32, #tpu.memory_space<vmem>>, vector<16xi32>,
        %parallel_loop3A_845 = arith.constant 16 : i32
        %parallel_loop3A_846 = vector.broadcast %parallel_loop3A_845 : i32 to vector<16xi32>
        %parallel_loop3A_847 = arith.shli %parallel_loop3A_844, %parallel_loop3A_846 : vector<16xi32>
        %parallel_loop3A_848 = tpu.bitcast %parallel_loop3A_847 : vector<16xi32> -> vector<16xf32>
        %parallel_loop3A_849 = tpu.bitcast %parallel_loop3A_844 : vector<16xi32> -> vector<16xf32>
        %parallel_loop3A_850 = arith.addf %parallel_loop3A_830, %parallel_loop3A_848 : vector<16xf32>
        %parallel_loop3A_851 = arith.addf %parallel_loop3A_831, %parallel_loop3A_849 : vector<16xf32>
        %parallel_loop3A_852 = arith.constant 150 : i32
        %parallel_loop3A_853 = arith.addi %parallel_loop3A_852, %parallel_loop3A_829 : i32
        %parallel_loop3A_854 = arith.constant 1 : i32
        %parallel_loop3A_855 = arith.index_cast %parallel_loop3A_854 : i32 to index
        %parallel_loop3A_856 = arith.index_cast %parallel_loop3A_853 : i32 to index
        %parallel_loop3A_857 = arith.constant 16 : index
        %parallel_loop3A_858 = tpu.vector_load %arg6[%parallel_loop3A_855, %parallel_loop3A_856, %parallel_loop3A_857] {strides = array<i32>} : memref<4x200x64xi32, #tpu.memory_space<vmem>>, vector<16xi32>,
        %parallel_loop3A_859 = arith.constant 16 : i32
        %parallel_loop3A_860 = vector.broadcast %parallel_loop3A_859 : i32 to vector<16xi32>
        %parallel_loop3A_861 = arith.shli %parallel_loop3A_858, %parallel_loop3A_860 : vector<16xi32>
        %parallel_loop3A_862 = tpu.bitcast %parallel_loop3A_861 : vector<16xi32> -> vector<16xf32>
        %parallel_loop3A_863 = tpu.bitcast %parallel_loop3A_858 : vector<16xi32> -> vector<16xf32>
        %parallel_loop3A_864 = arith.addf %parallel_loop3A_832, %parallel_loop3A_862 : vector<16xf32>
        %parallel_loop3A_865 = arith.addf %parallel_loop3A_833, %parallel_loop3A_863 : vector<16xf32>
        %parallel_loop3A_866 = arith.constant 150 : i32
        %parallel_loop3A_867 = arith.addi %parallel_loop3A_866, %parallel_loop3A_829 : i32
        %parallel_loop3A_868 = arith.constant 1 : i32
        %parallel_loop3A_869 = arith.index_cast %parallel_loop3A_868 : i32 to index
        %parallel_loop3A_870 = arith.index_cast %parallel_loop3A_867 : i32 to index
        %parallel_loop3A_871 = arith.constant 32 : index
        %parallel_loop3A_872 = tpu.vector_load %arg6[%parallel_loop3A_869, %parallel_loop3A_870, %parallel_loop3A_871] {strides = array<i32>} : memref<4x200x64xi32, #tpu.memory_space<vmem>>, vector<16xi32>,
        %parallel_loop3A_873 = arith.constant 16 : i32
        %parallel_loop3A_874 = vector.broadcast %parallel_loop3A_873 : i32 to vector<16xi32>
        %parallel_loop3A_875 = arith.shli %parallel_loop3A_872, %parallel_loop3A_874 : vector<16xi32>
        %parallel_loop3A_876 = tpu.bitcast %parallel_loop3A_875 : vector<16xi32> -> vector<16xf32>
        %parallel_loop3A_877 = tpu.bitcast %parallel_loop3A_872 : vector<16xi32> -> vector<16xf32>
        %parallel_loop3A_878 = arith.addf %parallel_loop3A_834, %parallel_loop3A_876 : vector<16xf32>
        %parallel_loop3A_879 = arith.addf %parallel_loop3A_835, %parallel_loop3A_877 : vector<16xf32>
        %parallel_loop3A_880 = arith.constant 150 : i32
        %parallel_loop3A_881 = arith.addi %parallel_loop3A_880, %parallel_loop3A_829 : i32
        %parallel_loop3A_882 = arith.constant 1 : i32
        %parallel_loop3A_883 = arith.index_cast %parallel_loop3A_882 : i32 to index
        %parallel_loop3A_884 = arith.index_cast %parallel_loop3A_881 : i32 to index
        %parallel_loop3A_885 = arith.constant 48 : index
        %parallel_loop3A_886 = tpu.vector_load %arg6[%parallel_loop3A_883, %parallel_loop3A_884, %parallel_loop3A_885] {strides = array<i32>} : memref<4x200x64xi32, #tpu.memory_space<vmem>>, vector<16xi32>,
        %parallel_loop3A_887 = arith.constant 16 : i32
        %parallel_loop3A_888 = vector.broadcast %parallel_loop3A_887 : i32 to vector<16xi32>
        %parallel_loop3A_889 = arith.shli %parallel_loop3A_886, %parallel_loop3A_888 : vector<16xi32>
        %parallel_loop3A_890 = tpu.bitcast %parallel_loop3A_889 : vector<16xi32> -> vector<16xf32>
        %parallel_loop3A_891 = tpu.bitcast %parallel_loop3A_886 : vector<16xi32> -> vector<16xf32>
        %parallel_loop3A_892 = arith.addf %parallel_loop3A_836, %parallel_loop3A_890 : vector<16xf32>
        %parallel_loop3A_893 = arith.addf %parallel_loop3A_837, %parallel_loop3A_891 : vector<16xf32>
        scf.yield %parallel_loop3A_850, %parallel_loop3A_851, %parallel_loop3A_864, %parallel_loop3A_865, %parallel_loop3A_878, %parallel_loop3A_879, %parallel_loop3A_892, %parallel_loop3A_893 : vector<16xf32>, vector<16xf32>, vector<16xf32>, vector<16xf32>, vector<16xf32>, vector<16xf32>, vector<16xf32>, vector<16xf32>
      } {sc.loop_unroll_factor = 2 : i64, sc.parallel_access}
      %swap3A_424 = arith.index_cast %add3A_417 : i32 to index
      %swap3A_425 = arith.constant 0 : index
      %swap3A_426 = tpu.vector_load %arg7[%swap3A_424, %swap3A_425] {strides = array<i32>} : memref<128x128xf32, #tpu.memory_space<vmem>>, vector<16xf32>,
      tpu.vector_store %arg7[%swap3A_424, %swap3A_425], %parallel_loop3A_423#0 {strides = array<i32>} : memref<128x128xf32, #tpu.memory_space<vmem>>, vector<16xf32>,
      %swap3A_427 = arith.index_cast %add3A_417 : i32 to index
      %swap3A_428 = arith.constant 64 : index
      %swap3A_429 = tpu.vector_load %arg7[%swap3A_427, %swap3A_428] {strides = array<i32>} : memref<128x128xf32, #tpu.memory_space<vmem>>, vector<16xf32>,
      tpu.vector_store %arg7[%swap3A_427, %swap3A_428], %parallel_loop3A_423#1 {strides = array<i32>} : memref<128x128xf32, #tpu.memory_space<vmem>>, vector<16xf32>,
      %swap3A_430 = arith.index_cast %add3A_417 : i32 to index
      %swap3A_431 = arith.constant 16 : index
      %swap3A_432 = tpu.vector_load %arg7[%swap3A_430, %swap3A_431] {strides = array<i32>} : memref<128x128xf32, #tpu.memory_space<vmem>>, vector<16xf32>,
      tpu.vector_store %arg7[%swap3A_430, %swap3A_431], %parallel_loop3A_423#2 {strides = array<i32>} : memref<128x128xf32, #tpu.memory_space<vmem>>, vector<16xf32>,
      %swap3A_433 = arith.index_cast %add3A_417 : i32 to index
      %swap3A_434 = arith.constant 80 : index
      %swap3A_435 = tpu.vector_load %arg7[%swap3A_433, %swap3A_434] {strides = array<i32>} : memref<128x128xf32, #tpu.memory_space<vmem>>, vector<16xf32>,
      tpu.vector_store %arg7[%swap3A_433, %swap3A_434], %parallel_loop3A_423#3 {strides = array<i32>} : memref<128x128xf32, #tpu.memory_space<vmem>>, vector<16xf32>,
      %swap3A_436 = arith.index_cast %add3A_417 : i32 to index
      %swap3A_437 = arith.constant 32 : index
      %swap3A_438 = tpu.vector_load %arg7[%swap3A_436, %swap3A_437] {strides = array<i32>} : memref<128x128xf32, #tpu.memory_space<vmem>>, vector<16xf32>,
      tpu.vector_store %arg7[%swap3A_436, %swap3A_437], %parallel_loop3A_423#4 {strides = array<i32>} : memref<128x128xf32, #tpu.memory_space<vmem>>, vector<16xf32>,
      %swap3A_439 = arith.index_cast %add3A_417 : i32 to index
      %swap3A_440 = arith.constant 96 : index
      %swap3A_441 = tpu.vector_load %arg7[%swap3A_439, %swap3A_440] {strides = array<i32>} : memref<128x128xf32, #tpu.memory_space<vmem>>, vector<16xf32>,
      tpu.vector_store %arg7[%swap3A_439, %swap3A_440], %parallel_loop3A_423#5 {strides = array<i32>} : memref<128x128xf32, #tpu.memory_space<vmem>>, vector<16xf32>,
      %swap3A_442 = arith.index_cast %add3A_417 : i32 to index
      %swap3A_443 = arith.constant 48 : index
      %swap3A_444 = tpu.vector_load %arg7[%swap3A_442, %swap3A_443] {strides = array<i32>} : memref<128x128xf32, #tpu.memory_space<vmem>>, vector<16xf32>,
      tpu.vector_store %arg7[%swap3A_442, %swap3A_443], %parallel_loop3A_423#6 {strides = array<i32>} : memref<128x128xf32, #tpu.memory_space<vmem>>, vector<16xf32>,
      %swap3A_445 = arith.index_cast %add3A_417 : i32 to index
      %swap3A_446 = arith.constant 112 : index
      %swap3A_447 = tpu.vector_load %arg7[%swap3A_445, %swap3A_446] {strides = array<i32>} : memref<128x128xf32, #tpu.memory_space<vmem>>, vector<16xf32>,
      tpu.vector_store %arg7[%swap3A_445, %swap3A_446], %parallel_loop3A_423#7 {strides = array<i32>} : memref<128x128xf32, #tpu.memory_space<vmem>>, vector<16xf32>,
      %add3A_448 = arith.constant 4 : i32
      %add3A_449 = arith.addi %add3A_279, %add3A_448 : i32
      %lt3A_450 = arith.constant 128 : i32
      %lt3A_451 = arith.cmpi slt, %add3A_449, %lt3A_450 : i32
      %convert_element_type3A_452 = arith.extui %lt3A_451 : i1 to i32
      %cond3A_453 = arith.constant 0 : i32
      %cond3A_454 = arith.cmpi ne, %convert_element_type3A_452, %cond3A_453 : i32
      scf.if %cond3A_454 {
        %add3A_829 = arith.constant 4 : i32
        %add3A_830 = arith.addi %add3A_279, %add3A_829 : i32
        %mul3A_831 = arith.constant 200 : i32
        %mul3A_832 = arith.muli %add3A_830, %mul3A_831 : i32
        %dma_start3A_833 = arith.constant 1 : i32
        %dma_start3A_834 = arith.constant 0 : i32
        %dma_start3A_835 = arith.constant 0 : i32
        %dma_start3A_836 = tpu.memref_slice %arg6[%dma_start3A_833, %dma_start3A_834, %dma_start3A_835] : memref<4x200x64xi32, #tpu.memory_space<vmem>> -> memref<1x104x64xi32, #tpu.memory_space<vmem>>
        %dma_start3A_837 = tpu.memref_squeeze %dma_start3A_836 : memref<1x104x64xi32, #tpu.memory_space<vmem>> -> memref<104x64xi32, #tpu.memory_space<vmem>>
        %dma_start3A_838 = tpu.memref_slice %arg5[%mul3A_832] : memref<25600xi32, #tpu.memory_space<vmem>> -> memref<104xi32, #tpu.memory_space<vmem>>
        %dma_start3A_839 = arith.constant 0 : i32
        %dma_start3A_840 = arith.constant 0 : i32
        %dma_start3A_841 = tpu.memref_slice %arg3[%dma_start3A_839, %dma_start3A_840] : memref<100000x64xi32, #tpu.memory_space<hbm>> -> memref<100000x64xi32, #tpu.memory_space<hbm>>
        tpu.enqueue_indirect_dma source(%dma_start3A_841 : memref<100000x64xi32, #tpu.memory_space<hbm>>) target(%dma_start3A_837 : memref<104x64xi32, #tpu.memory_space<vmem>>) offsets(%dma_start3A_838 : memref<104xi32, #tpu.memory_space<vmem>>) semaphore(%arg10 : memref<!tpu.dma_semaphore, #tpu.memory_space<semaphore_mem>>)
        %add3A_842 = arith.constant 104 : i32
        %add3A_843 = arith.addi %mul3A_832, %add3A_842 : i32
        %dma_start3A_844 = arith.constant 1 : i32
        %dma_start3A_845 = arith.constant 104 : i32
        %dma_start3A_846 = arith.constant 0 : i32
        %dma_start3A_847 = tpu.memref_slice %arg6[%dma_start3A_844, %dma_start3A_845, %dma_start3A_846] : memref<4x200x64xi32, #tpu.memory_space<vmem>> -> memref<1x96x64xi32, #tpu.memory_space<vmem>>
        %dma_start3A_848 = tpu.memref_squeeze %dma_start3A_847 : memref<1x96x64xi32, #tpu.memory_space<vmem>> -> memref<96x64xi32, #tpu.memory_space<vmem>>
        %dma_start3A_849 = tpu.memref_slice %arg5[%add3A_843] : memref<25600xi32, #tpu.memory_space<vmem>> -> memref<96xi32, #tpu.memory_space<vmem>>
        %dma_start3A_850 = arith.constant 0 : i32
        %dma_start3A_851 = arith.constant 0 : i32
        %dma_start3A_852 = tpu.memref_slice %arg3[%dma_start3A_850, %dma_start3A_851] : memref<100000x64xi32, #tpu.memory_space<hbm>> -> memref<100000x64xi32, #tpu.memory_space<hbm>>
        tpu.enqueue_indirect_dma source(%dma_start3A_852 : memref<100000x64xi32, #tpu.memory_space<hbm>>) target(%dma_start3A_848 : memref<96x64xi32, #tpu.memory_space<vmem>>) offsets(%dma_start3A_849 : memref<96xi32, #tpu.memory_space<vmem>>) semaphore(%arg11 : memref<!tpu.dma_semaphore, #tpu.memory_space<semaphore_mem>>)
      } else {
      }
      %add3A_455 = arith.constant 2 : i32
      %add3A_456 = arith.addi %mul3A_91, %add3A_455 : i32
      %dma_wait3A_457 = arith.constant 2 : i32
      %dma_wait3A_458 = arith.constant 0 : i32
      %dma_wait3A_459 = arith.constant 0 : i32
      %dma_wait3A_460 = tpu.memref_slice %arg6[%dma_wait3A_457, %dma_wait3A_458, %dma_wait3A_459] : memref<4x200x64xi32, #tpu.memory_space<vmem>> -> memref<1x104x64xi32, #tpu.memory_space<vmem>>
      %dma_wait3A_461 = tpu.memref_squeeze %dma_wait3A_460 : memref<1x104x64xi32, #tpu.memory_space<vmem>> -> memref<104x64xi32, #tpu.memory_space<vmem>>
      %dma_wait3A_462 = arith.constant 0 : i32
      %dma_wait3A_463 = tpu.memref_slice %arg5[%dma_wait3A_462] : memref<25600xi32, #tpu.memory_space<vmem>> -> memref<104xi32, #tpu.memory_space<vmem>>
      %dma_wait3A_464 = arith.constant 0 : i32
      %dma_wait3A_465 = arith.constant 0 : i32
      %dma_wait3A_466 = tpu.memref_slice %arg3[%dma_wait3A_464, %dma_wait3A_465] : memref<100000x64xi32, #tpu.memory_space<hbm>> -> memref<100000x64xi32, #tpu.memory_space<hbm>>
      tpu.wait_indirect_dma semaphore(%arg12 : memref<!tpu.dma_semaphore, #tpu.memory_space<semaphore_mem>>) src(%dma_wait3A_466 : memref<100000x64xi32, #tpu.memory_space<hbm>>) dst(%dma_wait3A_461 : memref<104x64xi32, #tpu.memory_space<vmem>>)
      %dma_wait3A_467 = arith.constant 2 : i32
      %dma_wait3A_468 = arith.constant 104 : i32
      %dma_wait3A_469 = arith.constant 0 : i32
      %dma_wait3A_470 = tpu.memref_slice %arg6[%dma_wait3A_467, %dma_wait3A_468, %dma_wait3A_469] : memref<4x200x64xi32, #tpu.memory_space<vmem>> -> memref<1x96x64xi32, #tpu.memory_space<vmem>>
      %dma_wait3A_471 = tpu.memref_squeeze %dma_wait3A_470 : memref<1x96x64xi32, #tpu.memory_space<vmem>> -> memref<96x64xi32, #tpu.memory_space<vmem>>
      %dma_wait3A_472 = arith.constant 0 : i32
      %dma_wait3A_473 = tpu.memref_slice %arg5[%dma_wait3A_472] : memref<25600xi32, #tpu.memory_space<vmem>> -> memref<96xi32, #tpu.memory_space<vmem>>
      %dma_wait3A_474 = arith.constant 0 : i32
      %dma_wait3A_475 = arith.constant 0 : i32
      %dma_wait3A_476 = tpu.memref_slice %arg3[%dma_wait3A_474, %dma_wait3A_475] : memref<100000x64xi32, #tpu.memory_space<hbm>> -> memref<100000x64xi32, #tpu.memory_space<hbm>>
      tpu.wait_indirect_dma semaphore(%arg13 : memref<!tpu.dma_semaphore, #tpu.memory_space<semaphore_mem>>) src(%dma_wait3A_476 : memref<100000x64xi32, #tpu.memory_space<hbm>>) dst(%dma_wait3A_471 : memref<96x64xi32, #tpu.memory_space<vmem>>)
      %mul3A_477 = arith.constant 32 : i32
      %mul3A_478 = arith.muli %select_n3A, %mul3A_477 : i32
      %sub3A_479 = arith.subi %add3A_456, %mul3A_478 : i32
      %mul3A_480 = arith.constant 4 : i32
      %mul3A_481 = arith.muli %sub3A_479, %mul3A_480 : i32
      %add3A_482 = arith.constant 0 : i32
      %add3A_483 = arith.addi %mul3A_481, %add3A_482 : i32
      %broadcast_in_dim3A_484 = arith.constant 0.000000e+00 : f32
      %broadcast_in_dim3A_485 = vector.broadcast %broadcast_in_dim3A_484 : f32 to vector<16xf32>
      %parallel_loop3A_486 = arith.constant 0 : i32
      %parallel_loop3A_487 = arith.constant 50 : i32
      %parallel_loop3A_488 = arith.constant 1 : i32
      %parallel_loop3A_489:8 = scf.for %parallel_loop3A_829 = %parallel_loop3A_486 to %parallel_loop3A_487 step %parallel_loop3A_488 iter_args(%parallel_loop3A_830 = %broadcast_in_dim3A_485, %parallel_loop3A_831 = %broadcast_in_dim3A_485, %parallel_loop3A_832 = %broadcast_in_dim3A_485, %parallel_loop3A_833 = %broadcast_in_dim3A_485, %parallel_loop3A_834 = %broadcast_in_dim3A_485, %parallel_loop3A_835 = %broadcast_in_dim3A_485, %parallel_loop3A_836 = %broadcast_in_dim3A_485, %parallel_loop3A_837 = %broadcast_in_dim3A_485) -> (vector<16xf32>, vector<16xf32>, vector<16xf32>, vector<16xf32>, vector<16xf32>, vector<16xf32>, vector<16xf32>, vector<16xf32>)  : i32 {
        %parallel_loop3A_838 = arith.constant 0 : i32
        %parallel_loop3A_839 = arith.addi %parallel_loop3A_838, %parallel_loop3A_829 : i32
        %parallel_loop3A_840 = arith.constant 2 : i32
        %parallel_loop3A_841 = arith.index_cast %parallel_loop3A_840 : i32 to index
        %parallel_loop3A_842 = arith.index_cast %parallel_loop3A_839 : i32 to index
        %parallel_loop3A_843 = arith.constant 0 : index
        %parallel_loop3A_844 = tpu.vector_load %arg6[%parallel_loop3A_841, %parallel_loop3A_842, %parallel_loop3A_843] {strides = array<i32>} : memref<4x200x64xi32, #tpu.memory_space<vmem>>, vector<16xi32>,
        %parallel_loop3A_845 = arith.constant 16 : i32
        %parallel_loop3A_846 = vector.broadcast %parallel_loop3A_845 : i32 to vector<16xi32>
        %parallel_loop3A_847 = arith.shli %parallel_loop3A_844, %parallel_loop3A_846 : vector<16xi32>
        %parallel_loop3A_848 = tpu.bitcast %parallel_loop3A_847 : vector<16xi32> -> vector<16xf32>
        %parallel_loop3A_849 = tpu.bitcast %parallel_loop3A_844 : vector<16xi32> -> vector<16xf32>
        %parallel_loop3A_850 = arith.addf %parallel_loop3A_830, %parallel_loop3A_848 : vector<16xf32>
        %parallel_loop3A_851 = arith.addf %parallel_loop3A_831, %parallel_loop3A_849 : vector<16xf32>
        %parallel_loop3A_852 = arith.constant 0 : i32
        %parallel_loop3A_853 = arith.addi %parallel_loop3A_852, %parallel_loop3A_829 : i32
        %parallel_loop3A_854 = arith.constant 2 : i32
        %parallel_loop3A_855 = arith.index_cast %parallel_loop3A_854 : i32 to index
        %parallel_loop3A_856 = arith.index_cast %parallel_loop3A_853 : i32 to index
        %parallel_loop3A_857 = arith.constant 16 : index
        %parallel_loop3A_858 = tpu.vector_load %arg6[%parallel_loop3A_855, %parallel_loop3A_856, %parallel_loop3A_857] {strides = array<i32>} : memref<4x200x64xi32, #tpu.memory_space<vmem>>, vector<16xi32>,
        %parallel_loop3A_859 = arith.constant 16 : i32
        %parallel_loop3A_860 = vector.broadcast %parallel_loop3A_859 : i32 to vector<16xi32>
        %parallel_loop3A_861 = arith.shli %parallel_loop3A_858, %parallel_loop3A_860 : vector<16xi32>
        %parallel_loop3A_862 = tpu.bitcast %parallel_loop3A_861 : vector<16xi32> -> vector<16xf32>
        %parallel_loop3A_863 = tpu.bitcast %parallel_loop3A_858 : vector<16xi32> -> vector<16xf32>
        %parallel_loop3A_864 = arith.addf %parallel_loop3A_832, %parallel_loop3A_862 : vector<16xf32>
        %parallel_loop3A_865 = arith.addf %parallel_loop3A_833, %parallel_loop3A_863 : vector<16xf32>
        %parallel_loop3A_866 = arith.constant 0 : i32
        %parallel_loop3A_867 = arith.addi %parallel_loop3A_866, %parallel_loop3A_829 : i32
        %parallel_loop3A_868 = arith.constant 2 : i32
        %parallel_loop3A_869 = arith.index_cast %parallel_loop3A_868 : i32 to index
        %parallel_loop3A_870 = arith.index_cast %parallel_loop3A_867 : i32 to index
        %parallel_loop3A_871 = arith.constant 32 : index
        %parallel_loop3A_872 = tpu.vector_load %arg6[%parallel_loop3A_869, %parallel_loop3A_870, %parallel_loop3A_871] {strides = array<i32>} : memref<4x200x64xi32, #tpu.memory_space<vmem>>, vector<16xi32>,
        %parallel_loop3A_873 = arith.constant 16 : i32
        %parallel_loop3A_874 = vector.broadcast %parallel_loop3A_873 : i32 to vector<16xi32>
        %parallel_loop3A_875 = arith.shli %parallel_loop3A_872, %parallel_loop3A_874 : vector<16xi32>
        %parallel_loop3A_876 = tpu.bitcast %parallel_loop3A_875 : vector<16xi32> -> vector<16xf32>
        %parallel_loop3A_877 = tpu.bitcast %parallel_loop3A_872 : vector<16xi32> -> vector<16xf32>
        %parallel_loop3A_878 = arith.addf %parallel_loop3A_834, %parallel_loop3A_876 : vector<16xf32>
        %parallel_loop3A_879 = arith.addf %parallel_loop3A_835, %parallel_loop3A_877 : vector<16xf32>
        %parallel_loop3A_880 = arith.constant 0 : i32
        %parallel_loop3A_881 = arith.addi %parallel_loop3A_880, %parallel_loop3A_829 : i32
        %parallel_loop3A_882 = arith.constant 2 : i32
        %parallel_loop3A_883 = arith.index_cast %parallel_loop3A_882 : i32 to index
        %parallel_loop3A_884 = arith.index_cast %parallel_loop3A_881 : i32 to index
        %parallel_loop3A_885 = arith.constant 48 : index
        %parallel_loop3A_886 = tpu.vector_load %arg6[%parallel_loop3A_883, %parallel_loop3A_884, %parallel_loop3A_885] {strides = array<i32>} : memref<4x200x64xi32, #tpu.memory_space<vmem>>, vector<16xi32>,
        %parallel_loop3A_887 = arith.constant 16 : i32
        %parallel_loop3A_888 = vector.broadcast %parallel_loop3A_887 : i32 to vector<16xi32>
        %parallel_loop3A_889 = arith.shli %parallel_loop3A_886, %parallel_loop3A_888 : vector<16xi32>
        %parallel_loop3A_890 = tpu.bitcast %parallel_loop3A_889 : vector<16xi32> -> vector<16xf32>
        %parallel_loop3A_891 = tpu.bitcast %parallel_loop3A_886 : vector<16xi32> -> vector<16xf32>
        %parallel_loop3A_892 = arith.addf %parallel_loop3A_836, %parallel_loop3A_890 : vector<16xf32>
        %parallel_loop3A_893 = arith.addf %parallel_loop3A_837, %parallel_loop3A_891 : vector<16xf32>
        scf.yield %parallel_loop3A_850, %parallel_loop3A_851, %parallel_loop3A_864, %parallel_loop3A_865, %parallel_loop3A_878, %parallel_loop3A_879, %parallel_loop3A_892, %parallel_loop3A_893 : vector<16xf32>, vector<16xf32>, vector<16xf32>, vector<16xf32>, vector<16xf32>, vector<16xf32>, vector<16xf32>, vector<16xf32>
      } {sc.loop_unroll_factor = 2 : i64, sc.parallel_access}
      %swap3A_490 = arith.index_cast %add3A_483 : i32 to index
      %swap3A_491 = arith.constant 0 : index
      %swap3A_492 = tpu.vector_load %arg7[%swap3A_490, %swap3A_491] {strides = array<i32>} : memref<128x128xf32, #tpu.memory_space<vmem>>, vector<16xf32>,
      tpu.vector_store %arg7[%swap3A_490, %swap3A_491], %parallel_loop3A_489#0 {strides = array<i32>} : memref<128x128xf32, #tpu.memory_space<vmem>>, vector<16xf32>,
      %swap3A_493 = arith.index_cast %add3A_483 : i32 to index
      %swap3A_494 = arith.constant 64 : index
      %swap3A_495 = tpu.vector_load %arg7[%swap3A_493, %swap3A_494] {strides = array<i32>} : memref<128x128xf32, #tpu.memory_space<vmem>>, vector<16xf32>,
      tpu.vector_store %arg7[%swap3A_493, %swap3A_494], %parallel_loop3A_489#1 {strides = array<i32>} : memref<128x128xf32, #tpu.memory_space<vmem>>, vector<16xf32>,
      %swap3A_496 = arith.index_cast %add3A_483 : i32 to index
      %swap3A_497 = arith.constant 16 : index
      %swap3A_498 = tpu.vector_load %arg7[%swap3A_496, %swap3A_497] {strides = array<i32>} : memref<128x128xf32, #tpu.memory_space<vmem>>, vector<16xf32>,
      tpu.vector_store %arg7[%swap3A_496, %swap3A_497], %parallel_loop3A_489#2 {strides = array<i32>} : memref<128x128xf32, #tpu.memory_space<vmem>>, vector<16xf32>,
      %swap3A_499 = arith.index_cast %add3A_483 : i32 to index
      %swap3A_500 = arith.constant 80 : index
      %swap3A_501 = tpu.vector_load %arg7[%swap3A_499, %swap3A_500] {strides = array<i32>} : memref<128x128xf32, #tpu.memory_space<vmem>>, vector<16xf32>,
      tpu.vector_store %arg7[%swap3A_499, %swap3A_500], %parallel_loop3A_489#3 {strides = array<i32>} : memref<128x128xf32, #tpu.memory_space<vmem>>, vector<16xf32>,
      %swap3A_502 = arith.index_cast %add3A_483 : i32 to index
      %swap3A_503 = arith.constant 32 : index
      %swap3A_504 = tpu.vector_load %arg7[%swap3A_502, %swap3A_503] {strides = array<i32>} : memref<128x128xf32, #tpu.memory_space<vmem>>, vector<16xf32>,
      tpu.vector_store %arg7[%swap3A_502, %swap3A_503], %parallel_loop3A_489#4 {strides = array<i32>} : memref<128x128xf32, #tpu.memory_space<vmem>>, vector<16xf32>,
      %swap3A_505 = arith.index_cast %add3A_483 : i32 to index
      %swap3A_506 = arith.constant 96 : index
      %swap3A_507 = tpu.vector_load %arg7[%swap3A_505, %swap3A_506] {strides = array<i32>} : memref<128x128xf32, #tpu.memory_space<vmem>>, vector<16xf32>,
      tpu.vector_store %arg7[%swap3A_505, %swap3A_506], %parallel_loop3A_489#5 {strides = array<i32>} : memref<128x128xf32, #tpu.memory_space<vmem>>, vector<16xf32>,
      %swap3A_508 = arith.index_cast %add3A_483 : i32 to index
      %swap3A_509 = arith.constant 48 : index
      %swap3A_510 = tpu.vector_load %arg7[%swap3A_508, %swap3A_509] {strides = array<i32>} : memref<128x128xf32, #tpu.memory_space<vmem>>, vector<16xf32>,
      tpu.vector_store %arg7[%swap3A_508, %swap3A_509], %parallel_loop3A_489#6 {strides = array<i32>} : memref<128x128xf32, #tpu.memory_space<vmem>>, vector<16xf32>,
      %swap3A_511 = arith.index_cast %add3A_483 : i32 to index
      %swap3A_512 = arith.constant 112 : index
      %swap3A_513 = tpu.vector_load %arg7[%swap3A_511, %swap3A_512] {strides = array<i32>} : memref<128x128xf32, #tpu.memory_space<vmem>>, vector<16xf32>,
      tpu.vector_store %arg7[%swap3A_511, %swap3A_512], %parallel_loop3A_489#7 {strides = array<i32>} : memref<128x128xf32, #tpu.memory_space<vmem>>, vector<16xf32>,
      %mul3A_514 = arith.constant 32 : i32
      %mul3A_515 = arith.muli %select_n3A, %mul3A_514 : i32
      %sub3A_516 = arith.subi %add3A_456, %mul3A_515 : i32
      %mul3A_517 = arith.constant 4 : i32
      %mul3A_518 = arith.muli %sub3A_516, %mul3A_517 : i32
      %add3A_519 = arith.constant 1 : i32
      %add3A_520 = arith.addi %mul3A_518, %add3A_519 : i32
      %broadcast_in_dim3A_521 = arith.constant 0.000000e+00 : f32
      %broadcast_in_dim3A_522 = vector.broadcast %broadcast_in_dim3A_521 : f32 to vector<16xf32>
      %parallel_loop3A_523 = arith.constant 0 : i32
      %parallel_loop3A_524 = arith.constant 50 : i32
      %parallel_loop3A_525 = arith.constant 1 : i32
      %parallel_loop3A_526:8 = scf.for %parallel_loop3A_829 = %parallel_loop3A_523 to %parallel_loop3A_524 step %parallel_loop3A_525 iter_args(%parallel_loop3A_830 = %broadcast_in_dim3A_522, %parallel_loop3A_831 = %broadcast_in_dim3A_522, %parallel_loop3A_832 = %broadcast_in_dim3A_522, %parallel_loop3A_833 = %broadcast_in_dim3A_522, %parallel_loop3A_834 = %broadcast_in_dim3A_522, %parallel_loop3A_835 = %broadcast_in_dim3A_522, %parallel_loop3A_836 = %broadcast_in_dim3A_522, %parallel_loop3A_837 = %broadcast_in_dim3A_522) -> (vector<16xf32>, vector<16xf32>, vector<16xf32>, vector<16xf32>, vector<16xf32>, vector<16xf32>, vector<16xf32>, vector<16xf32>)  : i32 {
        %parallel_loop3A_838 = arith.constant 50 : i32
        %parallel_loop3A_839 = arith.addi %parallel_loop3A_838, %parallel_loop3A_829 : i32
        %parallel_loop3A_840 = arith.constant 2 : i32
        %parallel_loop3A_841 = arith.index_cast %parallel_loop3A_840 : i32 to index
        %parallel_loop3A_842 = arith.index_cast %parallel_loop3A_839 : i32 to index
        %parallel_loop3A_843 = arith.constant 0 : index
        %parallel_loop3A_844 = tpu.vector_load %arg6[%parallel_loop3A_841, %parallel_loop3A_842, %parallel_loop3A_843] {strides = array<i32>} : memref<4x200x64xi32, #tpu.memory_space<vmem>>, vector<16xi32>,
        %parallel_loop3A_845 = arith.constant 16 : i32
        %parallel_loop3A_846 = vector.broadcast %parallel_loop3A_845 : i32 to vector<16xi32>
        %parallel_loop3A_847 = arith.shli %parallel_loop3A_844, %parallel_loop3A_846 : vector<16xi32>
        %parallel_loop3A_848 = tpu.bitcast %parallel_loop3A_847 : vector<16xi32> -> vector<16xf32>
        %parallel_loop3A_849 = tpu.bitcast %parallel_loop3A_844 : vector<16xi32> -> vector<16xf32>
        %parallel_loop3A_850 = arith.addf %parallel_loop3A_830, %parallel_loop3A_848 : vector<16xf32>
        %parallel_loop3A_851 = arith.addf %parallel_loop3A_831, %parallel_loop3A_849 : vector<16xf32>
        %parallel_loop3A_852 = arith.constant 50 : i32
        %parallel_loop3A_853 = arith.addi %parallel_loop3A_852, %parallel_loop3A_829 : i32
        %parallel_loop3A_854 = arith.constant 2 : i32
        %parallel_loop3A_855 = arith.index_cast %parallel_loop3A_854 : i32 to index
        %parallel_loop3A_856 = arith.index_cast %parallel_loop3A_853 : i32 to index
        %parallel_loop3A_857 = arith.constant 16 : index
        %parallel_loop3A_858 = tpu.vector_load %arg6[%parallel_loop3A_855, %parallel_loop3A_856, %parallel_loop3A_857] {strides = array<i32>} : memref<4x200x64xi32, #tpu.memory_space<vmem>>, vector<16xi32>,
        %parallel_loop3A_859 = arith.constant 16 : i32
        %parallel_loop3A_860 = vector.broadcast %parallel_loop3A_859 : i32 to vector<16xi32>
        %parallel_loop3A_861 = arith.shli %parallel_loop3A_858, %parallel_loop3A_860 : vector<16xi32>
        %parallel_loop3A_862 = tpu.bitcast %parallel_loop3A_861 : vector<16xi32> -> vector<16xf32>
        %parallel_loop3A_863 = tpu.bitcast %parallel_loop3A_858 : vector<16xi32> -> vector<16xf32>
        %parallel_loop3A_864 = arith.addf %parallel_loop3A_832, %parallel_loop3A_862 : vector<16xf32>
        %parallel_loop3A_865 = arith.addf %parallel_loop3A_833, %parallel_loop3A_863 : vector<16xf32>
        %parallel_loop3A_866 = arith.constant 50 : i32
        %parallel_loop3A_867 = arith.addi %parallel_loop3A_866, %parallel_loop3A_829 : i32
        %parallel_loop3A_868 = arith.constant 2 : i32
        %parallel_loop3A_869 = arith.index_cast %parallel_loop3A_868 : i32 to index
        %parallel_loop3A_870 = arith.index_cast %parallel_loop3A_867 : i32 to index
        %parallel_loop3A_871 = arith.constant 32 : index
        %parallel_loop3A_872 = tpu.vector_load %arg6[%parallel_loop3A_869, %parallel_loop3A_870, %parallel_loop3A_871] {strides = array<i32>} : memref<4x200x64xi32, #tpu.memory_space<vmem>>, vector<16xi32>,
        %parallel_loop3A_873 = arith.constant 16 : i32
        %parallel_loop3A_874 = vector.broadcast %parallel_loop3A_873 : i32 to vector<16xi32>
        %parallel_loop3A_875 = arith.shli %parallel_loop3A_872, %parallel_loop3A_874 : vector<16xi32>
        %parallel_loop3A_876 = tpu.bitcast %parallel_loop3A_875 : vector<16xi32> -> vector<16xf32>
        %parallel_loop3A_877 = tpu.bitcast %parallel_loop3A_872 : vector<16xi32> -> vector<16xf32>
        %parallel_loop3A_878 = arith.addf %parallel_loop3A_834, %parallel_loop3A_876 : vector<16xf32>
        %parallel_loop3A_879 = arith.addf %parallel_loop3A_835, %parallel_loop3A_877 : vector<16xf32>
        %parallel_loop3A_880 = arith.constant 50 : i32
        %parallel_loop3A_881 = arith.addi %parallel_loop3A_880, %parallel_loop3A_829 : i32
        %parallel_loop3A_882 = arith.constant 2 : i32
        %parallel_loop3A_883 = arith.index_cast %parallel_loop3A_882 : i32 to index
        %parallel_loop3A_884 = arith.index_cast %parallel_loop3A_881 : i32 to index
        %parallel_loop3A_885 = arith.constant 48 : index
        %parallel_loop3A_886 = tpu.vector_load %arg6[%parallel_loop3A_883, %parallel_loop3A_884, %parallel_loop3A_885] {strides = array<i32>} : memref<4x200x64xi32, #tpu.memory_space<vmem>>, vector<16xi32>,
        %parallel_loop3A_887 = arith.constant 16 : i32
        %parallel_loop3A_888 = vector.broadcast %parallel_loop3A_887 : i32 to vector<16xi32>
        %parallel_loop3A_889 = arith.shli %parallel_loop3A_886, %parallel_loop3A_888 : vector<16xi32>
        %parallel_loop3A_890 = tpu.bitcast %parallel_loop3A_889 : vector<16xi32> -> vector<16xf32>
        %parallel_loop3A_891 = tpu.bitcast %parallel_loop3A_886 : vector<16xi32> -> vector<16xf32>
        %parallel_loop3A_892 = arith.addf %parallel_loop3A_836, %parallel_loop3A_890 : vector<16xf32>
        %parallel_loop3A_893 = arith.addf %parallel_loop3A_837, %parallel_loop3A_891 : vector<16xf32>
        scf.yield %parallel_loop3A_850, %parallel_loop3A_851, %parallel_loop3A_864, %parallel_loop3A_865, %parallel_loop3A_878, %parallel_loop3A_879, %parallel_loop3A_892, %parallel_loop3A_893 : vector<16xf32>, vector<16xf32>, vector<16xf32>, vector<16xf32>, vector<16xf32>, vector<16xf32>, vector<16xf32>, vector<16xf32>
      } {sc.loop_unroll_factor = 2 : i64, sc.parallel_access}
      %swap3A_527 = arith.index_cast %add3A_520 : i32 to index
      %swap3A_528 = arith.constant 0 : index
      %swap3A_529 = tpu.vector_load %arg7[%swap3A_527, %swap3A_528] {strides = array<i32>} : memref<128x128xf32, #tpu.memory_space<vmem>>, vector<16xf32>,
      tpu.vector_store %arg7[%swap3A_527, %swap3A_528], %parallel_loop3A_526#0 {strides = array<i32>} : memref<128x128xf32, #tpu.memory_space<vmem>>, vector<16xf32>,
      %swap3A_530 = arith.index_cast %add3A_520 : i32 to index
      %swap3A_531 = arith.constant 64 : index
      %swap3A_532 = tpu.vector_load %arg7[%swap3A_530, %swap3A_531] {strides = array<i32>} : memref<128x128xf32, #tpu.memory_space<vmem>>, vector<16xf32>,
      tpu.vector_store %arg7[%swap3A_530, %swap3A_531], %parallel_loop3A_526#1 {strides = array<i32>} : memref<128x128xf32, #tpu.memory_space<vmem>>, vector<16xf32>,
      %swap3A_533 = arith.index_cast %add3A_520 : i32 to index
      %swap3A_534 = arith.constant 16 : index
      %swap3A_535 = tpu.vector_load %arg7[%swap3A_533, %swap3A_534] {strides = array<i32>} : memref<128x128xf32, #tpu.memory_space<vmem>>, vector<16xf32>,
      tpu.vector_store %arg7[%swap3A_533, %swap3A_534], %parallel_loop3A_526#2 {strides = array<i32>} : memref<128x128xf32, #tpu.memory_space<vmem>>, vector<16xf32>,
      %swap3A_536 = arith.index_cast %add3A_520 : i32 to index
      %swap3A_537 = arith.constant 80 : index
      %swap3A_538 = tpu.vector_load %arg7[%swap3A_536, %swap3A_537] {strides = array<i32>} : memref<128x128xf32, #tpu.memory_space<vmem>>, vector<16xf32>,
      tpu.vector_store %arg7[%swap3A_536, %swap3A_537], %parallel_loop3A_526#3 {strides = array<i32>} : memref<128x128xf32, #tpu.memory_space<vmem>>, vector<16xf32>,
      %swap3A_539 = arith.index_cast %add3A_520 : i32 to index
      %swap3A_540 = arith.constant 32 : index
      %swap3A_541 = tpu.vector_load %arg7[%swap3A_539, %swap3A_540] {strides = array<i32>} : memref<128x128xf32, #tpu.memory_space<vmem>>, vector<16xf32>,
      tpu.vector_store %arg7[%swap3A_539, %swap3A_540], %parallel_loop3A_526#4 {strides = array<i32>} : memref<128x128xf32, #tpu.memory_space<vmem>>, vector<16xf32>,
      %swap3A_542 = arith.index_cast %add3A_520 : i32 to index
      %swap3A_543 = arith.constant 96 : index
      %swap3A_544 = tpu.vector_load %arg7[%swap3A_542, %swap3A_543] {strides = array<i32>} : memref<128x128xf32, #tpu.memory_space<vmem>>, vector<16xf32>,
      tpu.vector_store %arg7[%swap3A_542, %swap3A_543], %parallel_loop3A_526#5 {strides = array<i32>} : memref<128x128xf32, #tpu.memory_space<vmem>>, vector<16xf32>,
      %swap3A_545 = arith.index_cast %add3A_520 : i32 to index
      %swap3A_546 = arith.constant 48 : index
      %swap3A_547 = tpu.vector_load %arg7[%swap3A_545, %swap3A_546] {strides = array<i32>} : memref<128x128xf32, #tpu.memory_space<vmem>>, vector<16xf32>,
      tpu.vector_store %arg7[%swap3A_545, %swap3A_546], %parallel_loop3A_526#6 {strides = array<i32>} : memref<128x128xf32, #tpu.memory_space<vmem>>, vector<16xf32>,
      %swap3A_548 = arith.index_cast %add3A_520 : i32 to index
      %swap3A_549 = arith.constant 112 : index
      %swap3A_550 = tpu.vector_load %arg7[%swap3A_548, %swap3A_549] {strides = array<i32>} : memref<128x128xf32, #tpu.memory_space<vmem>>, vector<16xf32>,
      tpu.vector_store %arg7[%swap3A_548, %swap3A_549], %parallel_loop3A_526#7 {strides = array<i32>} : memref<128x128xf32, #tpu.memory_space<vmem>>, vector<16xf32>,
      %mul3A_551 = arith.constant 32 : i32
      %mul3A_552 = arith.muli %select_n3A, %mul3A_551 : i32
      %sub3A_553 = arith.subi %add3A_456, %mul3A_552 : i32
      %mul3A_554 = arith.constant 4 : i32
      %mul3A_555 = arith.muli %sub3A_553, %mul3A_554 : i32
      %add3A_556 = arith.constant 2 : i32
      %add3A_557 = arith.addi %mul3A_555, %add3A_556 : i32
      %broadcast_in_dim3A_558 = arith.constant 0.000000e+00 : f32
      %broadcast_in_dim3A_559 = vector.broadcast %broadcast_in_dim3A_558 : f32 to vector<16xf32>
      %parallel_loop3A_560 = arith.constant 0 : i32
      %parallel_loop3A_561 = arith.constant 50 : i32
      %parallel_loop3A_562 = arith.constant 1 : i32
      %parallel_loop3A_563:8 = scf.for %parallel_loop3A_829 = %parallel_loop3A_560 to %parallel_loop3A_561 step %parallel_loop3A_562 iter_args(%parallel_loop3A_830 = %broadcast_in_dim3A_559, %parallel_loop3A_831 = %broadcast_in_dim3A_559, %parallel_loop3A_832 = %broadcast_in_dim3A_559, %parallel_loop3A_833 = %broadcast_in_dim3A_559, %parallel_loop3A_834 = %broadcast_in_dim3A_559, %parallel_loop3A_835 = %broadcast_in_dim3A_559, %parallel_loop3A_836 = %broadcast_in_dim3A_559, %parallel_loop3A_837 = %broadcast_in_dim3A_559) -> (vector<16xf32>, vector<16xf32>, vector<16xf32>, vector<16xf32>, vector<16xf32>, vector<16xf32>, vector<16xf32>, vector<16xf32>)  : i32 {
        %parallel_loop3A_838 = arith.constant 100 : i32
        %parallel_loop3A_839 = arith.addi %parallel_loop3A_838, %parallel_loop3A_829 : i32
        %parallel_loop3A_840 = arith.constant 2 : i32
        %parallel_loop3A_841 = arith.index_cast %parallel_loop3A_840 : i32 to index
        %parallel_loop3A_842 = arith.index_cast %parallel_loop3A_839 : i32 to index
        %parallel_loop3A_843 = arith.constant 0 : index
        %parallel_loop3A_844 = tpu.vector_load %arg6[%parallel_loop3A_841, %parallel_loop3A_842, %parallel_loop3A_843] {strides = array<i32>} : memref<4x200x64xi32, #tpu.memory_space<vmem>>, vector<16xi32>,
        %parallel_loop3A_845 = arith.constant 16 : i32
        %parallel_loop3A_846 = vector.broadcast %parallel_loop3A_845 : i32 to vector<16xi32>
        %parallel_loop3A_847 = arith.shli %parallel_loop3A_844, %parallel_loop3A_846 : vector<16xi32>
        %parallel_loop3A_848 = tpu.bitcast %parallel_loop3A_847 : vector<16xi32> -> vector<16xf32>
        %parallel_loop3A_849 = tpu.bitcast %parallel_loop3A_844 : vector<16xi32> -> vector<16xf32>
        %parallel_loop3A_850 = arith.addf %parallel_loop3A_830, %parallel_loop3A_848 : vector<16xf32>
        %parallel_loop3A_851 = arith.addf %parallel_loop3A_831, %parallel_loop3A_849 : vector<16xf32>
        %parallel_loop3A_852 = arith.constant 100 : i32
        %parallel_loop3A_853 = arith.addi %parallel_loop3A_852, %parallel_loop3A_829 : i32
        %parallel_loop3A_854 = arith.constant 2 : i32
        %parallel_loop3A_855 = arith.index_cast %parallel_loop3A_854 : i32 to index
        %parallel_loop3A_856 = arith.index_cast %parallel_loop3A_853 : i32 to index
        %parallel_loop3A_857 = arith.constant 16 : index
        %parallel_loop3A_858 = tpu.vector_load %arg6[%parallel_loop3A_855, %parallel_loop3A_856, %parallel_loop3A_857] {strides = array<i32>} : memref<4x200x64xi32, #tpu.memory_space<vmem>>, vector<16xi32>,
        %parallel_loop3A_859 = arith.constant 16 : i32
        %parallel_loop3A_860 = vector.broadcast %parallel_loop3A_859 : i32 to vector<16xi32>
        %parallel_loop3A_861 = arith.shli %parallel_loop3A_858, %parallel_loop3A_860 : vector<16xi32>
        %parallel_loop3A_862 = tpu.bitcast %parallel_loop3A_861 : vector<16xi32> -> vector<16xf32>
        %parallel_loop3A_863 = tpu.bitcast %parallel_loop3A_858 : vector<16xi32> -> vector<16xf32>
        %parallel_loop3A_864 = arith.addf %parallel_loop3A_832, %parallel_loop3A_862 : vector<16xf32>
        %parallel_loop3A_865 = arith.addf %parallel_loop3A_833, %parallel_loop3A_863 : vector<16xf32>
        %parallel_loop3A_866 = arith.constant 100 : i32
        %parallel_loop3A_867 = arith.addi %parallel_loop3A_866, %parallel_loop3A_829 : i32
        %parallel_loop3A_868 = arith.constant 2 : i32
        %parallel_loop3A_869 = arith.index_cast %parallel_loop3A_868 : i32 to index
        %parallel_loop3A_870 = arith.index_cast %parallel_loop3A_867 : i32 to index
        %parallel_loop3A_871 = arith.constant 32 : index
        %parallel_loop3A_872 = tpu.vector_load %arg6[%parallel_loop3A_869, %parallel_loop3A_870, %parallel_loop3A_871] {strides = array<i32>} : memref<4x200x64xi32, #tpu.memory_space<vmem>>, vector<16xi32>,
        %parallel_loop3A_873 = arith.constant 16 : i32
        %parallel_loop3A_874 = vector.broadcast %parallel_loop3A_873 : i32 to vector<16xi32>
        %parallel_loop3A_875 = arith.shli %parallel_loop3A_872, %parallel_loop3A_874 : vector<16xi32>
        %parallel_loop3A_876 = tpu.bitcast %parallel_loop3A_875 : vector<16xi32> -> vector<16xf32>
        %parallel_loop3A_877 = tpu.bitcast %parallel_loop3A_872 : vector<16xi32> -> vector<16xf32>
        %parallel_loop3A_878 = arith.addf %parallel_loop3A_834, %parallel_loop3A_876 : vector<16xf32>
        %parallel_loop3A_879 = arith.addf %parallel_loop3A_835, %parallel_loop3A_877 : vector<16xf32>
        %parallel_loop3A_880 = arith.constant 100 : i32
        %parallel_loop3A_881 = arith.addi %parallel_loop3A_880, %parallel_loop3A_829 : i32
        %parallel_loop3A_882 = arith.constant 2 : i32
        %parallel_loop3A_883 = arith.index_cast %parallel_loop3A_882 : i32 to index
        %parallel_loop3A_884 = arith.index_cast %parallel_loop3A_881 : i32 to index
        %parallel_loop3A_885 = arith.constant 48 : index
        %parallel_loop3A_886 = tpu.vector_load %arg6[%parallel_loop3A_883, %parallel_loop3A_884, %parallel_loop3A_885] {strides = array<i32>} : memref<4x200x64xi32, #tpu.memory_space<vmem>>, vector<16xi32>,
        %parallel_loop3A_887 = arith.constant 16 : i32
        %parallel_loop3A_888 = vector.broadcast %parallel_loop3A_887 : i32 to vector<16xi32>
        %parallel_loop3A_889 = arith.shli %parallel_loop3A_886, %parallel_loop3A_888 : vector<16xi32>
        %parallel_loop3A_890 = tpu.bitcast %parallel_loop3A_889 : vector<16xi32> -> vector<16xf32>
        %parallel_loop3A_891 = tpu.bitcast %parallel_loop3A_886 : vector<16xi32> -> vector<16xf32>
        %parallel_loop3A_892 = arith.addf %parallel_loop3A_836, %parallel_loop3A_890 : vector<16xf32>
        %parallel_loop3A_893 = arith.addf %parallel_loop3A_837, %parallel_loop3A_891 : vector<16xf32>
        scf.yield %parallel_loop3A_850, %parallel_loop3A_851, %parallel_loop3A_864, %parallel_loop3A_865, %parallel_loop3A_878, %parallel_loop3A_879, %parallel_loop3A_892, %parallel_loop3A_893 : vector<16xf32>, vector<16xf32>, vector<16xf32>, vector<16xf32>, vector<16xf32>, vector<16xf32>, vector<16xf32>, vector<16xf32>
      } {sc.loop_unroll_factor = 2 : i64, sc.parallel_access}
      %swap3A_564 = arith.index_cast %add3A_557 : i32 to index
      %swap3A_565 = arith.constant 0 : index
      %swap3A_566 = tpu.vector_load %arg7[%swap3A_564, %swap3A_565] {strides = array<i32>} : memref<128x128xf32, #tpu.memory_space<vmem>>, vector<16xf32>,
      tpu.vector_store %arg7[%swap3A_564, %swap3A_565], %parallel_loop3A_563#0 {strides = array<i32>} : memref<128x128xf32, #tpu.memory_space<vmem>>, vector<16xf32>,
      %swap3A_567 = arith.index_cast %add3A_557 : i32 to index
      %swap3A_568 = arith.constant 64 : index
      %swap3A_569 = tpu.vector_load %arg7[%swap3A_567, %swap3A_568] {strides = array<i32>} : memref<128x128xf32, #tpu.memory_space<vmem>>, vector<16xf32>,
      tpu.vector_store %arg7[%swap3A_567, %swap3A_568], %parallel_loop3A_563#1 {strides = array<i32>} : memref<128x128xf32, #tpu.memory_space<vmem>>, vector<16xf32>,
      %swap3A_570 = arith.index_cast %add3A_557 : i32 to index
      %swap3A_571 = arith.constant 16 : index
      %swap3A_572 = tpu.vector_load %arg7[%swap3A_570, %swap3A_571] {strides = array<i32>} : memref<128x128xf32, #tpu.memory_space<vmem>>, vector<16xf32>,
      tpu.vector_store %arg7[%swap3A_570, %swap3A_571], %parallel_loop3A_563#2 {strides = array<i32>} : memref<128x128xf32, #tpu.memory_space<vmem>>, vector<16xf32>,
      %swap3A_573 = arith.index_cast %add3A_557 : i32 to index
      %swap3A_574 = arith.constant 80 : index
      %swap3A_575 = tpu.vector_load %arg7[%swap3A_573, %swap3A_574] {strides = array<i32>} : memref<128x128xf32, #tpu.memory_space<vmem>>, vector<16xf32>,
      tpu.vector_store %arg7[%swap3A_573, %swap3A_574], %parallel_loop3A_563#3 {strides = array<i32>} : memref<128x128xf32, #tpu.memory_space<vmem>>, vector<16xf32>,
      %swap3A_576 = arith.index_cast %add3A_557 : i32 to index
      %swap3A_577 = arith.constant 32 : index
      %swap3A_578 = tpu.vector_load %arg7[%swap3A_576, %swap3A_577] {strides = array<i32>} : memref<128x128xf32, #tpu.memory_space<vmem>>, vector<16xf32>,
      tpu.vector_store %arg7[%swap3A_576, %swap3A_577], %parallel_loop3A_563#4 {strides = array<i32>} : memref<128x128xf32, #tpu.memory_space<vmem>>, vector<16xf32>,
      %swap3A_579 = arith.index_cast %add3A_557 : i32 to index
      %swap3A_580 = arith.constant 96 : index
      %swap3A_581 = tpu.vector_load %arg7[%swap3A_579, %swap3A_580] {strides = array<i32>} : memref<128x128xf32, #tpu.memory_space<vmem>>, vector<16xf32>,
      tpu.vector_store %arg7[%swap3A_579, %swap3A_580], %parallel_loop3A_563#5 {strides = array<i32>} : memref<128x128xf32, #tpu.memory_space<vmem>>, vector<16xf32>,
      %swap3A_582 = arith.index_cast %add3A_557 : i32 to index
      %swap3A_583 = arith.constant 48 : index
      %swap3A_584 = tpu.vector_load %arg7[%swap3A_582, %swap3A_583] {strides = array<i32>} : memref<128x128xf32, #tpu.memory_space<vmem>>, vector<16xf32>,
      tpu.vector_store %arg7[%swap3A_582, %swap3A_583], %parallel_loop3A_563#6 {strides = array<i32>} : memref<128x128xf32, #tpu.memory_space<vmem>>, vector<16xf32>,
      %swap3A_585 = arith.index_cast %add3A_557 : i32 to index
      %swap3A_586 = arith.constant 112 : index
      %swap3A_587 = tpu.vector_load %arg7[%swap3A_585, %swap3A_586] {strides = array<i32>} : memref<128x128xf32, #tpu.memory_space<vmem>>, vector<16xf32>,
      tpu.vector_store %arg7[%swap3A_585, %swap3A_586], %parallel_loop3A_563#7 {strides = array<i32>} : memref<128x128xf32, #tpu.memory_space<vmem>>, vector<16xf32>,
      %mul3A_588 = arith.constant 32 : i32
      %mul3A_589 = arith.muli %select_n3A, %mul3A_588 : i32
      %sub3A_590 = arith.subi %add3A_456, %mul3A_589 : i32
      %mul3A_591 = arith.constant 4 : i32
      %mul3A_592 = arith.muli %sub3A_590, %mul3A_591 : i32
      %add3A_593 = arith.constant 3 : i32
      %add3A_594 = arith.addi %mul3A_592, %add3A_593 : i32
      %broadcast_in_dim3A_595 = arith.constant 0.000000e+00 : f32
      %broadcast_in_dim3A_596 = vector.broadcast %broadcast_in_dim3A_595 : f32 to vector<16xf32>
      %parallel_loop3A_597 = arith.constant 0 : i32
      %parallel_loop3A_598 = arith.constant 50 : i32
      %parallel_loop3A_599 = arith.constant 1 : i32
      %parallel_loop3A_600:8 = scf.for %parallel_loop3A_829 = %parallel_loop3A_597 to %parallel_loop3A_598 step %parallel_loop3A_599 iter_args(%parallel_loop3A_830 = %broadcast_in_dim3A_596, %parallel_loop3A_831 = %broadcast_in_dim3A_596, %parallel_loop3A_832 = %broadcast_in_dim3A_596, %parallel_loop3A_833 = %broadcast_in_dim3A_596, %parallel_loop3A_834 = %broadcast_in_dim3A_596, %parallel_loop3A_835 = %broadcast_in_dim3A_596, %parallel_loop3A_836 = %broadcast_in_dim3A_596, %parallel_loop3A_837 = %broadcast_in_dim3A_596) -> (vector<16xf32>, vector<16xf32>, vector<16xf32>, vector<16xf32>, vector<16xf32>, vector<16xf32>, vector<16xf32>, vector<16xf32>)  : i32 {
        %parallel_loop3A_838 = arith.constant 150 : i32
        %parallel_loop3A_839 = arith.addi %parallel_loop3A_838, %parallel_loop3A_829 : i32
        %parallel_loop3A_840 = arith.constant 2 : i32
        %parallel_loop3A_841 = arith.index_cast %parallel_loop3A_840 : i32 to index
        %parallel_loop3A_842 = arith.index_cast %parallel_loop3A_839 : i32 to index
        %parallel_loop3A_843 = arith.constant 0 : index
        %parallel_loop3A_844 = tpu.vector_load %arg6[%parallel_loop3A_841, %parallel_loop3A_842, %parallel_loop3A_843] {strides = array<i32>} : memref<4x200x64xi32, #tpu.memory_space<vmem>>, vector<16xi32>,
        %parallel_loop3A_845 = arith.constant 16 : i32
        %parallel_loop3A_846 = vector.broadcast %parallel_loop3A_845 : i32 to vector<16xi32>
        %parallel_loop3A_847 = arith.shli %parallel_loop3A_844, %parallel_loop3A_846 : vector<16xi32>
        %parallel_loop3A_848 = tpu.bitcast %parallel_loop3A_847 : vector<16xi32> -> vector<16xf32>
        %parallel_loop3A_849 = tpu.bitcast %parallel_loop3A_844 : vector<16xi32> -> vector<16xf32>
        %parallel_loop3A_850 = arith.addf %parallel_loop3A_830, %parallel_loop3A_848 : vector<16xf32>
        %parallel_loop3A_851 = arith.addf %parallel_loop3A_831, %parallel_loop3A_849 : vector<16xf32>
        %parallel_loop3A_852 = arith.constant 150 : i32
        %parallel_loop3A_853 = arith.addi %parallel_loop3A_852, %parallel_loop3A_829 : i32
        %parallel_loop3A_854 = arith.constant 2 : i32
        %parallel_loop3A_855 = arith.index_cast %parallel_loop3A_854 : i32 to index
        %parallel_loop3A_856 = arith.index_cast %parallel_loop3A_853 : i32 to index
        %parallel_loop3A_857 = arith.constant 16 : index
        %parallel_loop3A_858 = tpu.vector_load %arg6[%parallel_loop3A_855, %parallel_loop3A_856, %parallel_loop3A_857] {strides = array<i32>} : memref<4x200x64xi32, #tpu.memory_space<vmem>>, vector<16xi32>,
        %parallel_loop3A_859 = arith.constant 16 : i32
        %parallel_loop3A_860 = vector.broadcast %parallel_loop3A_859 : i32 to vector<16xi32>
        %parallel_loop3A_861 = arith.shli %parallel_loop3A_858, %parallel_loop3A_860 : vector<16xi32>
        %parallel_loop3A_862 = tpu.bitcast %parallel_loop3A_861 : vector<16xi32> -> vector<16xf32>
        %parallel_loop3A_863 = tpu.bitcast %parallel_loop3A_858 : vector<16xi32> -> vector<16xf32>
        %parallel_loop3A_864 = arith.addf %parallel_loop3A_832, %parallel_loop3A_862 : vector<16xf32>
        %parallel_loop3A_865 = arith.addf %parallel_loop3A_833, %parallel_loop3A_863 : vector<16xf32>
        %parallel_loop3A_866 = arith.constant 150 : i32
        %parallel_loop3A_867 = arith.addi %parallel_loop3A_866, %parallel_loop3A_829 : i32
        %parallel_loop3A_868 = arith.constant 2 : i32
        %parallel_loop3A_869 = arith.index_cast %parallel_loop3A_868 : i32 to index
        %parallel_loop3A_870 = arith.index_cast %parallel_loop3A_867 : i32 to index
        %parallel_loop3A_871 = arith.constant 32 : index
        %parallel_loop3A_872 = tpu.vector_load %arg6[%parallel_loop3A_869, %parallel_loop3A_870, %parallel_loop3A_871] {strides = array<i32>} : memref<4x200x64xi32, #tpu.memory_space<vmem>>, vector<16xi32>,
        %parallel_loop3A_873 = arith.constant 16 : i32
        %parallel_loop3A_874 = vector.broadcast %parallel_loop3A_873 : i32 to vector<16xi32>
        %parallel_loop3A_875 = arith.shli %parallel_loop3A_872, %parallel_loop3A_874 : vector<16xi32>
        %parallel_loop3A_876 = tpu.bitcast %parallel_loop3A_875 : vector<16xi32> -> vector<16xf32>
        %parallel_loop3A_877 = tpu.bitcast %parallel_loop3A_872 : vector<16xi32> -> vector<16xf32>
        %parallel_loop3A_878 = arith.addf %parallel_loop3A_834, %parallel_loop3A_876 : vector<16xf32>
        %parallel_loop3A_879 = arith.addf %parallel_loop3A_835, %parallel_loop3A_877 : vector<16xf32>
        %parallel_loop3A_880 = arith.constant 150 : i32
        %parallel_loop3A_881 = arith.addi %parallel_loop3A_880, %parallel_loop3A_829 : i32
        %parallel_loop3A_882 = arith.constant 2 : i32
        %parallel_loop3A_883 = arith.index_cast %parallel_loop3A_882 : i32 to index
        %parallel_loop3A_884 = arith.index_cast %parallel_loop3A_881 : i32 to index
        %parallel_loop3A_885 = arith.constant 48 : index
        %parallel_loop3A_886 = tpu.vector_load %arg6[%parallel_loop3A_883, %parallel_loop3A_884, %parallel_loop3A_885] {strides = array<i32>} : memref<4x200x64xi32, #tpu.memory_space<vmem>>, vector<16xi32>,
        %parallel_loop3A_887 = arith.constant 16 : i32
        %parallel_loop3A_888 = vector.broadcast %parallel_loop3A_887 : i32 to vector<16xi32>
        %parallel_loop3A_889 = arith.shli %parallel_loop3A_886, %parallel_loop3A_888 : vector<16xi32>
        %parallel_loop3A_890 = tpu.bitcast %parallel_loop3A_889 : vector<16xi32> -> vector<16xf32>
        %parallel_loop3A_891 = tpu.bitcast %parallel_loop3A_886 : vector<16xi32> -> vector<16xf32>
        %parallel_loop3A_892 = arith.addf %parallel_loop3A_836, %parallel_loop3A_890 : vector<16xf32>
        %parallel_loop3A_893 = arith.addf %parallel_loop3A_837, %parallel_loop3A_891 : vector<16xf32>
        scf.yield %parallel_loop3A_850, %parallel_loop3A_851, %parallel_loop3A_864, %parallel_loop3A_865, %parallel_loop3A_878, %parallel_loop3A_879, %parallel_loop3A_892, %parallel_loop3A_893 : vector<16xf32>, vector<16xf32>, vector<16xf32>, vector<16xf32>, vector<16xf32>, vector<16xf32>, vector<16xf32>, vector<16xf32>
      } {sc.loop_unroll_factor = 2 : i64, sc.parallel_access}
      %swap3A_601 = arith.index_cast %add3A_594 : i32 to index
      %swap3A_602 = arith.constant 0 : index
      %swap3A_603 = tpu.vector_load %arg7[%swap3A_601, %swap3A_602] {strides = array<i32>} : memref<128x128xf32, #tpu.memory_space<vmem>>, vector<16xf32>,
      tpu.vector_store %arg7[%swap3A_601, %swap3A_602], %parallel_loop3A_600#0 {strides = array<i32>} : memref<128x128xf32, #tpu.memory_space<vmem>>, vector<16xf32>,
      %swap3A_604 = arith.index_cast %add3A_594 : i32 to index
      %swap3A_605 = arith.constant 64 : index
      %swap3A_606 = tpu.vector_load %arg7[%swap3A_604, %swap3A_605] {strides = array<i32>} : memref<128x128xf32, #tpu.memory_space<vmem>>, vector<16xf32>,
      tpu.vector_store %arg7[%swap3A_604, %swap3A_605], %parallel_loop3A_600#1 {strides = array<i32>} : memref<128x128xf32, #tpu.memory_space<vmem>>, vector<16xf32>,
      %swap3A_607 = arith.index_cast %add3A_594 : i32 to index
      %swap3A_608 = arith.constant 16 : index
      %swap3A_609 = tpu.vector_load %arg7[%swap3A_607, %swap3A_608] {strides = array<i32>} : memref<128x128xf32, #tpu.memory_space<vmem>>, vector<16xf32>,
      tpu.vector_store %arg7[%swap3A_607, %swap3A_608], %parallel_loop3A_600#2 {strides = array<i32>} : memref<128x128xf32, #tpu.memory_space<vmem>>, vector<16xf32>,
      %swap3A_610 = arith.index_cast %add3A_594 : i32 to index
      %swap3A_611 = arith.constant 80 : index
      %swap3A_612 = tpu.vector_load %arg7[%swap3A_610, %swap3A_611] {strides = array<i32>} : memref<128x128xf32, #tpu.memory_space<vmem>>, vector<16xf32>,
      tpu.vector_store %arg7[%swap3A_610, %swap3A_611], %parallel_loop3A_600#3 {strides = array<i32>} : memref<128x128xf32, #tpu.memory_space<vmem>>, vector<16xf32>,
      %swap3A_613 = arith.index_cast %add3A_594 : i32 to index
      %swap3A_614 = arith.constant 32 : index
      %swap3A_615 = tpu.vector_load %arg7[%swap3A_613, %swap3A_614] {strides = array<i32>} : memref<128x128xf32, #tpu.memory_space<vmem>>, vector<16xf32>,
      tpu.vector_store %arg7[%swap3A_613, %swap3A_614], %parallel_loop3A_600#4 {strides = array<i32>} : memref<128x128xf32, #tpu.memory_space<vmem>>, vector<16xf32>,
      %swap3A_616 = arith.index_cast %add3A_594 : i32 to index
      %swap3A_617 = arith.constant 96 : index
      %swap3A_618 = tpu.vector_load %arg7[%swap3A_616, %swap3A_617] {strides = array<i32>} : memref<128x128xf32, #tpu.memory_space<vmem>>, vector<16xf32>,
      tpu.vector_store %arg7[%swap3A_616, %swap3A_617], %parallel_loop3A_600#5 {strides = array<i32>} : memref<128x128xf32, #tpu.memory_space<vmem>>, vector<16xf32>,
      %swap3A_619 = arith.index_cast %add3A_594 : i32 to index
      %swap3A_620 = arith.constant 48 : index
      %swap3A_621 = tpu.vector_load %arg7[%swap3A_619, %swap3A_620] {strides = array<i32>} : memref<128x128xf32, #tpu.memory_space<vmem>>, vector<16xf32>,
      tpu.vector_store %arg7[%swap3A_619, %swap3A_620], %parallel_loop3A_600#6 {strides = array<i32>} : memref<128x128xf32, #tpu.memory_space<vmem>>, vector<16xf32>,
      %swap3A_622 = arith.index_cast %add3A_594 : i32 to index
      %swap3A_623 = arith.constant 112 : index
      %swap3A_624 = tpu.vector_load %arg7[%swap3A_622, %swap3A_623] {strides = array<i32>} : memref<128x128xf32, #tpu.memory_space<vmem>>, vector<16xf32>,
      tpu.vector_store %arg7[%swap3A_622, %swap3A_623], %parallel_loop3A_600#7 {strides = array<i32>} : memref<128x128xf32, #tpu.memory_space<vmem>>, vector<16xf32>,
      %add3A_625 = arith.constant 4 : i32
      %add3A_626 = arith.addi %add3A_456, %add3A_625 : i32
      %lt3A_627 = arith.constant 128 : i32
      %lt3A_628 = arith.cmpi slt, %add3A_626, %lt3A_627 : i32
      %convert_element_type3A_629 = arith.extui %lt3A_628 : i1 to i32
      %cond3A_630 = arith.constant 0 : i32
      %cond3A_631 = arith.cmpi ne, %convert_element_type3A_629, %cond3A_630 : i32
      scf.if %cond3A_631 {
        %add3A_829 = arith.constant 4 : i32
        %add3A_830 = arith.addi %add3A_456, %add3A_829 : i32
        %mul3A_831 = arith.constant 200 : i32
        %mul3A_832 = arith.muli %add3A_830, %mul3A_831 : i32
        %dma_start3A_833 = arith.constant 2 : i32
        %dma_start3A_834 = arith.constant 0 : i32
        %dma_start3A_835 = arith.constant 0 : i32
        %dma_start3A_836 = tpu.memref_slice %arg6[%dma_start3A_833, %dma_start3A_834, %dma_start3A_835] : memref<4x200x64xi32, #tpu.memory_space<vmem>> -> memref<1x104x64xi32, #tpu.memory_space<vmem>>
        %dma_start3A_837 = tpu.memref_squeeze %dma_start3A_836 : memref<1x104x64xi32, #tpu.memory_space<vmem>> -> memref<104x64xi32, #tpu.memory_space<vmem>>
        %dma_start3A_838 = tpu.memref_slice %arg5[%mul3A_832] : memref<25600xi32, #tpu.memory_space<vmem>> -> memref<104xi32, #tpu.memory_space<vmem>>
        %dma_start3A_839 = arith.constant 0 : i32
        %dma_start3A_840 = arith.constant 0 : i32
        %dma_start3A_841 = tpu.memref_slice %arg3[%dma_start3A_839, %dma_start3A_840] : memref<100000x64xi32, #tpu.memory_space<hbm>> -> memref<100000x64xi32, #tpu.memory_space<hbm>>
        tpu.enqueue_indirect_dma source(%dma_start3A_841 : memref<100000x64xi32, #tpu.memory_space<hbm>>) target(%dma_start3A_837 : memref<104x64xi32, #tpu.memory_space<vmem>>) offsets(%dma_start3A_838 : memref<104xi32, #tpu.memory_space<vmem>>) semaphore(%arg12 : memref<!tpu.dma_semaphore, #tpu.memory_space<semaphore_mem>>)
        %add3A_842 = arith.constant 104 : i32
        %add3A_843 = arith.addi %mul3A_832, %add3A_842 : i32
        %dma_start3A_844 = arith.constant 2 : i32
        %dma_start3A_845 = arith.constant 104 : i32
        %dma_start3A_846 = arith.constant 0 : i32
        %dma_start3A_847 = tpu.memref_slice %arg6[%dma_start3A_844, %dma_start3A_845, %dma_start3A_846] : memref<4x200x64xi32, #tpu.memory_space<vmem>> -> memref<1x96x64xi32, #tpu.memory_space<vmem>>
        %dma_start3A_848 = tpu.memref_squeeze %dma_start3A_847 : memref<1x96x64xi32, #tpu.memory_space<vmem>> -> memref<96x64xi32, #tpu.memory_space<vmem>>
        %dma_start3A_849 = tpu.memref_slice %arg5[%add3A_843] : memref<25600xi32, #tpu.memory_space<vmem>> -> memref<96xi32, #tpu.memory_space<vmem>>
        %dma_start3A_850 = arith.constant 0 : i32
        %dma_start3A_851 = arith.constant 0 : i32
        %dma_start3A_852 = tpu.memref_slice %arg3[%dma_start3A_850, %dma_start3A_851] : memref<100000x64xi32, #tpu.memory_space<hbm>> -> memref<100000x64xi32, #tpu.memory_space<hbm>>
        tpu.enqueue_indirect_dma source(%dma_start3A_852 : memref<100000x64xi32, #tpu.memory_space<hbm>>) target(%dma_start3A_848 : memref<96x64xi32, #tpu.memory_space<vmem>>) offsets(%dma_start3A_849 : memref<96xi32, #tpu.memory_space<vmem>>) semaphore(%arg13 : memref<!tpu.dma_semaphore, #tpu.memory_space<semaphore_mem>>)
      } else {
      }
      %add3A_632 = arith.constant 3 : i32
      %add3A_633 = arith.addi %mul3A_91, %add3A_632 : i32
      %dma_wait3A_634 = arith.constant 3 : i32
      %dma_wait3A_635 = arith.constant 0 : i32
      %dma_wait3A_636 = arith.constant 0 : i32
      %dma_wait3A_637 = tpu.memref_slice %arg6[%dma_wait3A_634, %dma_wait3A_635, %dma_wait3A_636] : memref<4x200x64xi32, #tpu.memory_space<vmem>> -> memref<1x104x64xi32, #tpu.memory_space<vmem>>
      %dma_wait3A_638 = tpu.memref_squeeze %dma_wait3A_637 : memref<1x104x64xi32, #tpu.memory_space<vmem>> -> memref<104x64xi32, #tpu.memory_space<vmem>>
      %dma_wait3A_639 = arith.constant 0 : i32
      %dma_wait3A_640 = tpu.memref_slice %arg5[%dma_wait3A_639] : memref<25600xi32, #tpu.memory_space<vmem>> -> memref<104xi32, #tpu.memory_space<vmem>>
      %dma_wait3A_641 = arith.constant 0 : i32
      %dma_wait3A_642 = arith.constant 0 : i32
      %dma_wait3A_643 = tpu.memref_slice %arg3[%dma_wait3A_641, %dma_wait3A_642] : memref<100000x64xi32, #tpu.memory_space<hbm>> -> memref<100000x64xi32, #tpu.memory_space<hbm>>
      tpu.wait_indirect_dma semaphore(%arg14 : memref<!tpu.dma_semaphore, #tpu.memory_space<semaphore_mem>>) src(%dma_wait3A_643 : memref<100000x64xi32, #tpu.memory_space<hbm>>) dst(%dma_wait3A_638 : memref<104x64xi32, #tpu.memory_space<vmem>>)
      %dma_wait3A_644 = arith.constant 3 : i32
      %dma_wait3A_645 = arith.constant 104 : i32
      %dma_wait3A_646 = arith.constant 0 : i32
      %dma_wait3A_647 = tpu.memref_slice %arg6[%dma_wait3A_644, %dma_wait3A_645, %dma_wait3A_646] : memref<4x200x64xi32, #tpu.memory_space<vmem>> -> memref<1x96x64xi32, #tpu.memory_space<vmem>>
      %dma_wait3A_648 = tpu.memref_squeeze %dma_wait3A_647 : memref<1x96x64xi32, #tpu.memory_space<vmem>> -> memref<96x64xi32, #tpu.memory_space<vmem>>
      %dma_wait3A_649 = arith.constant 0 : i32
      %dma_wait3A_650 = tpu.memref_slice %arg5[%dma_wait3A_649] : memref<25600xi32, #tpu.memory_space<vmem>> -> memref<96xi32, #tpu.memory_space<vmem>>
      %dma_wait3A_651 = arith.constant 0 : i32
      %dma_wait3A_652 = arith.constant 0 : i32
      %dma_wait3A_653 = tpu.memref_slice %arg3[%dma_wait3A_651, %dma_wait3A_652] : memref<100000x64xi32, #tpu.memory_space<hbm>> -> memref<100000x64xi32, #tpu.memory_space<hbm>>
      tpu.wait_indirect_dma semaphore(%arg15 : memref<!tpu.dma_semaphore, #tpu.memory_space<semaphore_mem>>) src(%dma_wait3A_653 : memref<100000x64xi32, #tpu.memory_space<hbm>>) dst(%dma_wait3A_648 : memref<96x64xi32, #tpu.memory_space<vmem>>)
      %mul3A_654 = arith.constant 32 : i32
      %mul3A_655 = arith.muli %select_n3A, %mul3A_654 : i32
      %sub3A_656 = arith.subi %add3A_633, %mul3A_655 : i32
      %mul3A_657 = arith.constant 4 : i32
      %mul3A_658 = arith.muli %sub3A_656, %mul3A_657 : i32
      %add3A_659 = arith.constant 0 : i32
      %add3A_660 = arith.addi %mul3A_658, %add3A_659 : i32
      %broadcast_in_dim3A_661 = arith.constant 0.000000e+00 : f32
      %broadcast_in_dim3A_662 = vector.broadcast %broadcast_in_dim3A_661 : f32 to vector<16xf32>
      %parallel_loop3A_663 = arith.constant 0 : i32
      %parallel_loop3A_664 = arith.constant 50 : i32
      %parallel_loop3A_665 = arith.constant 1 : i32
      %parallel_loop3A_666:8 = scf.for %parallel_loop3A_829 = %parallel_loop3A_663 to %parallel_loop3A_664 step %parallel_loop3A_665 iter_args(%parallel_loop3A_830 = %broadcast_in_dim3A_662, %parallel_loop3A_831 = %broadcast_in_dim3A_662, %parallel_loop3A_832 = %broadcast_in_dim3A_662, %parallel_loop3A_833 = %broadcast_in_dim3A_662, %parallel_loop3A_834 = %broadcast_in_dim3A_662, %parallel_loop3A_835 = %broadcast_in_dim3A_662, %parallel_loop3A_836 = %broadcast_in_dim3A_662, %parallel_loop3A_837 = %broadcast_in_dim3A_662) -> (vector<16xf32>, vector<16xf32>, vector<16xf32>, vector<16xf32>, vector<16xf32>, vector<16xf32>, vector<16xf32>, vector<16xf32>)  : i32 {
        %parallel_loop3A_838 = arith.constant 0 : i32
        %parallel_loop3A_839 = arith.addi %parallel_loop3A_838, %parallel_loop3A_829 : i32
        %parallel_loop3A_840 = arith.constant 3 : i32
        %parallel_loop3A_841 = arith.index_cast %parallel_loop3A_840 : i32 to index
        %parallel_loop3A_842 = arith.index_cast %parallel_loop3A_839 : i32 to index
        %parallel_loop3A_843 = arith.constant 0 : index
        %parallel_loop3A_844 = tpu.vector_load %arg6[%parallel_loop3A_841, %parallel_loop3A_842, %parallel_loop3A_843] {strides = array<i32>} : memref<4x200x64xi32, #tpu.memory_space<vmem>>, vector<16xi32>,
        %parallel_loop3A_845 = arith.constant 16 : i32
        %parallel_loop3A_846 = vector.broadcast %parallel_loop3A_845 : i32 to vector<16xi32>
        %parallel_loop3A_847 = arith.shli %parallel_loop3A_844, %parallel_loop3A_846 : vector<16xi32>
        %parallel_loop3A_848 = tpu.bitcast %parallel_loop3A_847 : vector<16xi32> -> vector<16xf32>
        %parallel_loop3A_849 = tpu.bitcast %parallel_loop3A_844 : vector<16xi32> -> vector<16xf32>
        %parallel_loop3A_850 = arith.addf %parallel_loop3A_830, %parallel_loop3A_848 : vector<16xf32>
        %parallel_loop3A_851 = arith.addf %parallel_loop3A_831, %parallel_loop3A_849 : vector<16xf32>
        %parallel_loop3A_852 = arith.constant 0 : i32
        %parallel_loop3A_853 = arith.addi %parallel_loop3A_852, %parallel_loop3A_829 : i32
        %parallel_loop3A_854 = arith.constant 3 : i32
        %parallel_loop3A_855 = arith.index_cast %parallel_loop3A_854 : i32 to index
        %parallel_loop3A_856 = arith.index_cast %parallel_loop3A_853 : i32 to index
        %parallel_loop3A_857 = arith.constant 16 : index
        %parallel_loop3A_858 = tpu.vector_load %arg6[%parallel_loop3A_855, %parallel_loop3A_856, %parallel_loop3A_857] {strides = array<i32>} : memref<4x200x64xi32, #tpu.memory_space<vmem>>, vector<16xi32>,
        %parallel_loop3A_859 = arith.constant 16 : i32
        %parallel_loop3A_860 = vector.broadcast %parallel_loop3A_859 : i32 to vector<16xi32>
        %parallel_loop3A_861 = arith.shli %parallel_loop3A_858, %parallel_loop3A_860 : vector<16xi32>
        %parallel_loop3A_862 = tpu.bitcast %parallel_loop3A_861 : vector<16xi32> -> vector<16xf32>
        %parallel_loop3A_863 = tpu.bitcast %parallel_loop3A_858 : vector<16xi32> -> vector<16xf32>
        %parallel_loop3A_864 = arith.addf %parallel_loop3A_832, %parallel_loop3A_862 : vector<16xf32>
        %parallel_loop3A_865 = arith.addf %parallel_loop3A_833, %parallel_loop3A_863 : vector<16xf32>
        %parallel_loop3A_866 = arith.constant 0 : i32
        %parallel_loop3A_867 = arith.addi %parallel_loop3A_866, %parallel_loop3A_829 : i32
        %parallel_loop3A_868 = arith.constant 3 : i32
        %parallel_loop3A_869 = arith.index_cast %parallel_loop3A_868 : i32 to index
        %parallel_loop3A_870 = arith.index_cast %parallel_loop3A_867 : i32 to index
        %parallel_loop3A_871 = arith.constant 32 : index
        %parallel_loop3A_872 = tpu.vector_load %arg6[%parallel_loop3A_869, %parallel_loop3A_870, %parallel_loop3A_871] {strides = array<i32>} : memref<4x200x64xi32, #tpu.memory_space<vmem>>, vector<16xi32>,
        %parallel_loop3A_873 = arith.constant 16 : i32
        %parallel_loop3A_874 = vector.broadcast %parallel_loop3A_873 : i32 to vector<16xi32>
        %parallel_loop3A_875 = arith.shli %parallel_loop3A_872, %parallel_loop3A_874 : vector<16xi32>
        %parallel_loop3A_876 = tpu.bitcast %parallel_loop3A_875 : vector<16xi32> -> vector<16xf32>
        %parallel_loop3A_877 = tpu.bitcast %parallel_loop3A_872 : vector<16xi32> -> vector<16xf32>
        %parallel_loop3A_878 = arith.addf %parallel_loop3A_834, %parallel_loop3A_876 : vector<16xf32>
        %parallel_loop3A_879 = arith.addf %parallel_loop3A_835, %parallel_loop3A_877 : vector<16xf32>
        %parallel_loop3A_880 = arith.constant 0 : i32
        %parallel_loop3A_881 = arith.addi %parallel_loop3A_880, %parallel_loop3A_829 : i32
        %parallel_loop3A_882 = arith.constant 3 : i32
        %parallel_loop3A_883 = arith.index_cast %parallel_loop3A_882 : i32 to index
        %parallel_loop3A_884 = arith.index_cast %parallel_loop3A_881 : i32 to index
        %parallel_loop3A_885 = arith.constant 48 : index
        %parallel_loop3A_886 = tpu.vector_load %arg6[%parallel_loop3A_883, %parallel_loop3A_884, %parallel_loop3A_885] {strides = array<i32>} : memref<4x200x64xi32, #tpu.memory_space<vmem>>, vector<16xi32>,
        %parallel_loop3A_887 = arith.constant 16 : i32
        %parallel_loop3A_888 = vector.broadcast %parallel_loop3A_887 : i32 to vector<16xi32>
        %parallel_loop3A_889 = arith.shli %parallel_loop3A_886, %parallel_loop3A_888 : vector<16xi32>
        %parallel_loop3A_890 = tpu.bitcast %parallel_loop3A_889 : vector<16xi32> -> vector<16xf32>
        %parallel_loop3A_891 = tpu.bitcast %parallel_loop3A_886 : vector<16xi32> -> vector<16xf32>
        %parallel_loop3A_892 = arith.addf %parallel_loop3A_836, %parallel_loop3A_890 : vector<16xf32>
        %parallel_loop3A_893 = arith.addf %parallel_loop3A_837, %parallel_loop3A_891 : vector<16xf32>
        scf.yield %parallel_loop3A_850, %parallel_loop3A_851, %parallel_loop3A_864, %parallel_loop3A_865, %parallel_loop3A_878, %parallel_loop3A_879, %parallel_loop3A_892, %parallel_loop3A_893 : vector<16xf32>, vector<16xf32>, vector<16xf32>, vector<16xf32>, vector<16xf32>, vector<16xf32>, vector<16xf32>, vector<16xf32>
      } {sc.loop_unroll_factor = 2 : i64, sc.parallel_access}
      %swap3A_667 = arith.index_cast %add3A_660 : i32 to index
      %swap3A_668 = arith.constant 0 : index
      %swap3A_669 = tpu.vector_load %arg7[%swap3A_667, %swap3A_668] {strides = array<i32>} : memref<128x128xf32, #tpu.memory_space<vmem>>, vector<16xf32>,
      tpu.vector_store %arg7[%swap3A_667, %swap3A_668], %parallel_loop3A_666#0 {strides = array<i32>} : memref<128x128xf32, #tpu.memory_space<vmem>>, vector<16xf32>,
      %swap3A_670 = arith.index_cast %add3A_660 : i32 to index
      %swap3A_671 = arith.constant 64 : index
      %swap3A_672 = tpu.vector_load %arg7[%swap3A_670, %swap3A_671] {strides = array<i32>} : memref<128x128xf32, #tpu.memory_space<vmem>>, vector<16xf32>,
      tpu.vector_store %arg7[%swap3A_670, %swap3A_671], %parallel_loop3A_666#1 {strides = array<i32>} : memref<128x128xf32, #tpu.memory_space<vmem>>, vector<16xf32>,
      %swap3A_673 = arith.index_cast %add3A_660 : i32 to index
      %swap3A_674 = arith.constant 16 : index
      %swap3A_675 = tpu.vector_load %arg7[%swap3A_673, %swap3A_674] {strides = array<i32>} : memref<128x128xf32, #tpu.memory_space<vmem>>, vector<16xf32>,
      tpu.vector_store %arg7[%swap3A_673, %swap3A_674], %parallel_loop3A_666#2 {strides = array<i32>} : memref<128x128xf32, #tpu.memory_space<vmem>>, vector<16xf32>,
      %swap3A_676 = arith.index_cast %add3A_660 : i32 to index
      %swap3A_677 = arith.constant 80 : index
      %swap3A_678 = tpu.vector_load %arg7[%swap3A_676, %swap3A_677] {strides = array<i32>} : memref<128x128xf32, #tpu.memory_space<vmem>>, vector<16xf32>,
      tpu.vector_store %arg7[%swap3A_676, %swap3A_677], %parallel_loop3A_666#3 {strides = array<i32>} : memref<128x128xf32, #tpu.memory_space<vmem>>, vector<16xf32>,
      %swap3A_679 = arith.index_cast %add3A_660 : i32 to index
      %swap3A_680 = arith.constant 32 : index
      %swap3A_681 = tpu.vector_load %arg7[%swap3A_679, %swap3A_680] {strides = array<i32>} : memref<128x128xf32, #tpu.memory_space<vmem>>, vector<16xf32>,
      tpu.vector_store %arg7[%swap3A_679, %swap3A_680], %parallel_loop3A_666#4 {strides = array<i32>} : memref<128x128xf32, #tpu.memory_space<vmem>>, vector<16xf32>,
      %swap3A_682 = arith.index_cast %add3A_660 : i32 to index
      %swap3A_683 = arith.constant 96 : index
      %swap3A_684 = tpu.vector_load %arg7[%swap3A_682, %swap3A_683] {strides = array<i32>} : memref<128x128xf32, #tpu.memory_space<vmem>>, vector<16xf32>,
      tpu.vector_store %arg7[%swap3A_682, %swap3A_683], %parallel_loop3A_666#5 {strides = array<i32>} : memref<128x128xf32, #tpu.memory_space<vmem>>, vector<16xf32>,
      %swap3A_685 = arith.index_cast %add3A_660 : i32 to index
      %swap3A_686 = arith.constant 48 : index
      %swap3A_687 = tpu.vector_load %arg7[%swap3A_685, %swap3A_686] {strides = array<i32>} : memref<128x128xf32, #tpu.memory_space<vmem>>, vector<16xf32>,
      tpu.vector_store %arg7[%swap3A_685, %swap3A_686], %parallel_loop3A_666#6 {strides = array<i32>} : memref<128x128xf32, #tpu.memory_space<vmem>>, vector<16xf32>,
      %swap3A_688 = arith.index_cast %add3A_660 : i32 to index
      %swap3A_689 = arith.constant 112 : index
      %swap3A_690 = tpu.vector_load %arg7[%swap3A_688, %swap3A_689] {strides = array<i32>} : memref<128x128xf32, #tpu.memory_space<vmem>>, vector<16xf32>,
      tpu.vector_store %arg7[%swap3A_688, %swap3A_689], %parallel_loop3A_666#7 {strides = array<i32>} : memref<128x128xf32, #tpu.memory_space<vmem>>, vector<16xf32>,
      %mul3A_691 = arith.constant 32 : i32
      %mul3A_692 = arith.muli %select_n3A, %mul3A_691 : i32
      %sub3A_693 = arith.subi %add3A_633, %mul3A_692 : i32
      %mul3A_694 = arith.constant 4 : i32
      %mul3A_695 = arith.muli %sub3A_693, %mul3A_694 : i32
      %add3A_696 = arith.constant 1 : i32
      %add3A_697 = arith.addi %mul3A_695, %add3A_696 : i32
      %broadcast_in_dim3A_698 = arith.constant 0.000000e+00 : f32
      %broadcast_in_dim3A_699 = vector.broadcast %broadcast_in_dim3A_698 : f32 to vector<16xf32>
      %parallel_loop3A_700 = arith.constant 0 : i32
      %parallel_loop3A_701 = arith.constant 50 : i32
      %parallel_loop3A_702 = arith.constant 1 : i32
      %parallel_loop3A_703:8 = scf.for %parallel_loop3A_829 = %parallel_loop3A_700 to %parallel_loop3A_701 step %parallel_loop3A_702 iter_args(%parallel_loop3A_830 = %broadcast_in_dim3A_699, %parallel_loop3A_831 = %broadcast_in_dim3A_699, %parallel_loop3A_832 = %broadcast_in_dim3A_699, %parallel_loop3A_833 = %broadcast_in_dim3A_699, %parallel_loop3A_834 = %broadcast_in_dim3A_699, %parallel_loop3A_835 = %broadcast_in_dim3A_699, %parallel_loop3A_836 = %broadcast_in_dim3A_699, %parallel_loop3A_837 = %broadcast_in_dim3A_699) -> (vector<16xf32>, vector<16xf32>, vector<16xf32>, vector<16xf32>, vector<16xf32>, vector<16xf32>, vector<16xf32>, vector<16xf32>)  : i32 {
        %parallel_loop3A_838 = arith.constant 50 : i32
        %parallel_loop3A_839 = arith.addi %parallel_loop3A_838, %parallel_loop3A_829 : i32
        %parallel_loop3A_840 = arith.constant 3 : i32
        %parallel_loop3A_841 = arith.index_cast %parallel_loop3A_840 : i32 to index
        %parallel_loop3A_842 = arith.index_cast %parallel_loop3A_839 : i32 to index
        %parallel_loop3A_843 = arith.constant 0 : index
        %parallel_loop3A_844 = tpu.vector_load %arg6[%parallel_loop3A_841, %parallel_loop3A_842, %parallel_loop3A_843] {strides = array<i32>} : memref<4x200x64xi32, #tpu.memory_space<vmem>>, vector<16xi32>,
        %parallel_loop3A_845 = arith.constant 16 : i32
        %parallel_loop3A_846 = vector.broadcast %parallel_loop3A_845 : i32 to vector<16xi32>
        %parallel_loop3A_847 = arith.shli %parallel_loop3A_844, %parallel_loop3A_846 : vector<16xi32>
        %parallel_loop3A_848 = tpu.bitcast %parallel_loop3A_847 : vector<16xi32> -> vector<16xf32>
        %parallel_loop3A_849 = tpu.bitcast %parallel_loop3A_844 : vector<16xi32> -> vector<16xf32>
        %parallel_loop3A_850 = arith.addf %parallel_loop3A_830, %parallel_loop3A_848 : vector<16xf32>
        %parallel_loop3A_851 = arith.addf %parallel_loop3A_831, %parallel_loop3A_849 : vector<16xf32>
        %parallel_loop3A_852 = arith.constant 50 : i32
        %parallel_loop3A_853 = arith.addi %parallel_loop3A_852, %parallel_loop3A_829 : i32
        %parallel_loop3A_854 = arith.constant 3 : i32
        %parallel_loop3A_855 = arith.index_cast %parallel_loop3A_854 : i32 to index
        %parallel_loop3A_856 = arith.index_cast %parallel_loop3A_853 : i32 to index
        %parallel_loop3A_857 = arith.constant 16 : index
        %parallel_loop3A_858 = tpu.vector_load %arg6[%parallel_loop3A_855, %parallel_loop3A_856, %parallel_loop3A_857] {strides = array<i32>} : memref<4x200x64xi32, #tpu.memory_space<vmem>>, vector<16xi32>,
        %parallel_loop3A_859 = arith.constant 16 : i32
        %parallel_loop3A_860 = vector.broadcast %parallel_loop3A_859 : i32 to vector<16xi32>
        %parallel_loop3A_861 = arith.shli %parallel_loop3A_858, %parallel_loop3A_860 : vector<16xi32>
        %parallel_loop3A_862 = tpu.bitcast %parallel_loop3A_861 : vector<16xi32> -> vector<16xf32>
        %parallel_loop3A_863 = tpu.bitcast %parallel_loop3A_858 : vector<16xi32> -> vector<16xf32>
        %parallel_loop3A_864 = arith.addf %parallel_loop3A_832, %parallel_loop3A_862 : vector<16xf32>
        %parallel_loop3A_865 = arith.addf %parallel_loop3A_833, %parallel_loop3A_863 : vector<16xf32>
        %parallel_loop3A_866 = arith.constant 50 : i32
        %parallel_loop3A_867 = arith.addi %parallel_loop3A_866, %parallel_loop3A_829 : i32
        %parallel_loop3A_868 = arith.constant 3 : i32
        %parallel_loop3A_869 = arith.index_cast %parallel_loop3A_868 : i32 to index
        %parallel_loop3A_870 = arith.index_cast %parallel_loop3A_867 : i32 to index
        %parallel_loop3A_871 = arith.constant 32 : index
        %parallel_loop3A_872 = tpu.vector_load %arg6[%parallel_loop3A_869, %parallel_loop3A_870, %parallel_loop3A_871] {strides = array<i32>} : memref<4x200x64xi32, #tpu.memory_space<vmem>>, vector<16xi32>,
        %parallel_loop3A_873 = arith.constant 16 : i32
        %parallel_loop3A_874 = vector.broadcast %parallel_loop3A_873 : i32 to vector<16xi32>
        %parallel_loop3A_875 = arith.shli %parallel_loop3A_872, %parallel_loop3A_874 : vector<16xi32>
        %parallel_loop3A_876 = tpu.bitcast %parallel_loop3A_875 : vector<16xi32> -> vector<16xf32>
        %parallel_loop3A_877 = tpu.bitcast %parallel_loop3A_872 : vector<16xi32> -> vector<16xf32>
        %parallel_loop3A_878 = arith.addf %parallel_loop3A_834, %parallel_loop3A_876 : vector<16xf32>
        %parallel_loop3A_879 = arith.addf %parallel_loop3A_835, %parallel_loop3A_877 : vector<16xf32>
        %parallel_loop3A_880 = arith.constant 50 : i32
        %parallel_loop3A_881 = arith.addi %parallel_loop3A_880, %parallel_loop3A_829 : i32
        %parallel_loop3A_882 = arith.constant 3 : i32
        %parallel_loop3A_883 = arith.index_cast %parallel_loop3A_882 : i32 to index
        %parallel_loop3A_884 = arith.index_cast %parallel_loop3A_881 : i32 to index
        %parallel_loop3A_885 = arith.constant 48 : index
        %parallel_loop3A_886 = tpu.vector_load %arg6[%parallel_loop3A_883, %parallel_loop3A_884, %parallel_loop3A_885] {strides = array<i32>} : memref<4x200x64xi32, #tpu.memory_space<vmem>>, vector<16xi32>,
        %parallel_loop3A_887 = arith.constant 16 : i32
        %parallel_loop3A_888 = vector.broadcast %parallel_loop3A_887 : i32 to vector<16xi32>
        %parallel_loop3A_889 = arith.shli %parallel_loop3A_886, %parallel_loop3A_888 : vector<16xi32>
        %parallel_loop3A_890 = tpu.bitcast %parallel_loop3A_889 : vector<16xi32> -> vector<16xf32>
        %parallel_loop3A_891 = tpu.bitcast %parallel_loop3A_886 : vector<16xi32> -> vector<16xf32>
        %parallel_loop3A_892 = arith.addf %parallel_loop3A_836, %parallel_loop3A_890 : vector<16xf32>
        %parallel_loop3A_893 = arith.addf %parallel_loop3A_837, %parallel_loop3A_891 : vector<16xf32>
        scf.yield %parallel_loop3A_850, %parallel_loop3A_851, %parallel_loop3A_864, %parallel_loop3A_865, %parallel_loop3A_878, %parallel_loop3A_879, %parallel_loop3A_892, %parallel_loop3A_893 : vector<16xf32>, vector<16xf32>, vector<16xf32>, vector<16xf32>, vector<16xf32>, vector<16xf32>, vector<16xf32>, vector<16xf32>
      } {sc.loop_unroll_factor = 2 : i64, sc.parallel_access}
      %swap3A_704 = arith.index_cast %add3A_697 : i32 to index
      %swap3A_705 = arith.constant 0 : index
      %swap3A_706 = tpu.vector_load %arg7[%swap3A_704, %swap3A_705] {strides = array<i32>} : memref<128x128xf32, #tpu.memory_space<vmem>>, vector<16xf32>,
      tpu.vector_store %arg7[%swap3A_704, %swap3A_705], %parallel_loop3A_703#0 {strides = array<i32>} : memref<128x128xf32, #tpu.memory_space<vmem>>, vector<16xf32>,
      %swap3A_707 = arith.index_cast %add3A_697 : i32 to index
      %swap3A_708 = arith.constant 64 : index
      %swap3A_709 = tpu.vector_load %arg7[%swap3A_707, %swap3A_708] {strides = array<i32>} : memref<128x128xf32, #tpu.memory_space<vmem>>, vector<16xf32>,
      tpu.vector_store %arg7[%swap3A_707, %swap3A_708], %parallel_loop3A_703#1 {strides = array<i32>} : memref<128x128xf32, #tpu.memory_space<vmem>>, vector<16xf32>,
      %swap3A_710 = arith.index_cast %add3A_697 : i32 to index
      %swap3A_711 = arith.constant 16 : index
      %swap3A_712 = tpu.vector_load %arg7[%swap3A_710, %swap3A_711] {strides = array<i32>} : memref<128x128xf32, #tpu.memory_space<vmem>>, vector<16xf32>,
      tpu.vector_store %arg7[%swap3A_710, %swap3A_711], %parallel_loop3A_703#2 {strides = array<i32>} : memref<128x128xf32, #tpu.memory_space<vmem>>, vector<16xf32>,
      %swap3A_713 = arith.index_cast %add3A_697 : i32 to index
      %swap3A_714 = arith.constant 80 : index
      %swap3A_715 = tpu.vector_load %arg7[%swap3A_713, %swap3A_714] {strides = array<i32>} : memref<128x128xf32, #tpu.memory_space<vmem>>, vector<16xf32>,
      tpu.vector_store %arg7[%swap3A_713, %swap3A_714], %parallel_loop3A_703#3 {strides = array<i32>} : memref<128x128xf32, #tpu.memory_space<vmem>>, vector<16xf32>,
      %swap3A_716 = arith.index_cast %add3A_697 : i32 to index
      %swap3A_717 = arith.constant 32 : index
      %swap3A_718 = tpu.vector_load %arg7[%swap3A_716, %swap3A_717] {strides = array<i32>} : memref<128x128xf32, #tpu.memory_space<vmem>>, vector<16xf32>,
      tpu.vector_store %arg7[%swap3A_716, %swap3A_717], %parallel_loop3A_703#4 {strides = array<i32>} : memref<128x128xf32, #tpu.memory_space<vmem>>, vector<16xf32>,
      %swap3A_719 = arith.index_cast %add3A_697 : i32 to index
      %swap3A_720 = arith.constant 96 : index
      %swap3A_721 = tpu.vector_load %arg7[%swap3A_719, %swap3A_720] {strides = array<i32>} : memref<128x128xf32, #tpu.memory_space<vmem>>, vector<16xf32>,
      tpu.vector_store %arg7[%swap3A_719, %swap3A_720], %parallel_loop3A_703#5 {strides = array<i32>} : memref<128x128xf32, #tpu.memory_space<vmem>>, vector<16xf32>,
      %swap3A_722 = arith.index_cast %add3A_697 : i32 to index
      %swap3A_723 = arith.constant 48 : index
      %swap3A_724 = tpu.vector_load %arg7[%swap3A_722, %swap3A_723] {strides = array<i32>} : memref<128x128xf32, #tpu.memory_space<vmem>>, vector<16xf32>,
      tpu.vector_store %arg7[%swap3A_722, %swap3A_723], %parallel_loop3A_703#6 {strides = array<i32>} : memref<128x128xf32, #tpu.memory_space<vmem>>, vector<16xf32>,
      %swap3A_725 = arith.index_cast %add3A_697 : i32 to index
      %swap3A_726 = arith.constant 112 : index
      %swap3A_727 = tpu.vector_load %arg7[%swap3A_725, %swap3A_726] {strides = array<i32>} : memref<128x128xf32, #tpu.memory_space<vmem>>, vector<16xf32>,
      tpu.vector_store %arg7[%swap3A_725, %swap3A_726], %parallel_loop3A_703#7 {strides = array<i32>} : memref<128x128xf32, #tpu.memory_space<vmem>>, vector<16xf32>,
      %mul3A_728 = arith.constant 32 : i32
      %mul3A_729 = arith.muli %select_n3A, %mul3A_728 : i32
      %sub3A_730 = arith.subi %add3A_633, %mul3A_729 : i32
      %mul3A_731 = arith.constant 4 : i32
      %mul3A_732 = arith.muli %sub3A_730, %mul3A_731 : i32
      %add3A_733 = arith.constant 2 : i32
      %add3A_734 = arith.addi %mul3A_732, %add3A_733 : i32
      %broadcast_in_dim3A_735 = arith.constant 0.000000e+00 : f32
      %broadcast_in_dim3A_736 = vector.broadcast %broadcast_in_dim3A_735 : f32 to vector<16xf32>
      %parallel_loop3A_737 = arith.constant 0 : i32
      %parallel_loop3A_738 = arith.constant 50 : i32
      %parallel_loop3A_739 = arith.constant 1 : i32
      %parallel_loop3A_740:8 = scf.for %parallel_loop3A_829 = %parallel_loop3A_737 to %parallel_loop3A_738 step %parallel_loop3A_739 iter_args(%parallel_loop3A_830 = %broadcast_in_dim3A_736, %parallel_loop3A_831 = %broadcast_in_dim3A_736, %parallel_loop3A_832 = %broadcast_in_dim3A_736, %parallel_loop3A_833 = %broadcast_in_dim3A_736, %parallel_loop3A_834 = %broadcast_in_dim3A_736, %parallel_loop3A_835 = %broadcast_in_dim3A_736, %parallel_loop3A_836 = %broadcast_in_dim3A_736, %parallel_loop3A_837 = %broadcast_in_dim3A_736) -> (vector<16xf32>, vector<16xf32>, vector<16xf32>, vector<16xf32>, vector<16xf32>, vector<16xf32>, vector<16xf32>, vector<16xf32>)  : i32 {
        %parallel_loop3A_838 = arith.constant 100 : i32
        %parallel_loop3A_839 = arith.addi %parallel_loop3A_838, %parallel_loop3A_829 : i32
        %parallel_loop3A_840 = arith.constant 3 : i32
        %parallel_loop3A_841 = arith.index_cast %parallel_loop3A_840 : i32 to index
        %parallel_loop3A_842 = arith.index_cast %parallel_loop3A_839 : i32 to index
        %parallel_loop3A_843 = arith.constant 0 : index
        %parallel_loop3A_844 = tpu.vector_load %arg6[%parallel_loop3A_841, %parallel_loop3A_842, %parallel_loop3A_843] {strides = array<i32>} : memref<4x200x64xi32, #tpu.memory_space<vmem>>, vector<16xi32>,
        %parallel_loop3A_845 = arith.constant 16 : i32
        %parallel_loop3A_846 = vector.broadcast %parallel_loop3A_845 : i32 to vector<16xi32>
        %parallel_loop3A_847 = arith.shli %parallel_loop3A_844, %parallel_loop3A_846 : vector<16xi32>
        %parallel_loop3A_848 = tpu.bitcast %parallel_loop3A_847 : vector<16xi32> -> vector<16xf32>
        %parallel_loop3A_849 = tpu.bitcast %parallel_loop3A_844 : vector<16xi32> -> vector<16xf32>
        %parallel_loop3A_850 = arith.addf %parallel_loop3A_830, %parallel_loop3A_848 : vector<16xf32>
        %parallel_loop3A_851 = arith.addf %parallel_loop3A_831, %parallel_loop3A_849 : vector<16xf32>
        %parallel_loop3A_852 = arith.constant 100 : i32
        %parallel_loop3A_853 = arith.addi %parallel_loop3A_852, %parallel_loop3A_829 : i32
        %parallel_loop3A_854 = arith.constant 3 : i32
        %parallel_loop3A_855 = arith.index_cast %parallel_loop3A_854 : i32 to index
        %parallel_loop3A_856 = arith.index_cast %parallel_loop3A_853 : i32 to index
        %parallel_loop3A_857 = arith.constant 16 : index
        %parallel_loop3A_858 = tpu.vector_load %arg6[%parallel_loop3A_855, %parallel_loop3A_856, %parallel_loop3A_857] {strides = array<i32>} : memref<4x200x64xi32, #tpu.memory_space<vmem>>, vector<16xi32>,
        %parallel_loop3A_859 = arith.constant 16 : i32
        %parallel_loop3A_860 = vector.broadcast %parallel_loop3A_859 : i32 to vector<16xi32>
        %parallel_loop3A_861 = arith.shli %parallel_loop3A_858, %parallel_loop3A_860 : vector<16xi32>
        %parallel_loop3A_862 = tpu.bitcast %parallel_loop3A_861 : vector<16xi32> -> vector<16xf32>
        %parallel_loop3A_863 = tpu.bitcast %parallel_loop3A_858 : vector<16xi32> -> vector<16xf32>
        %parallel_loop3A_864 = arith.addf %parallel_loop3A_832, %parallel_loop3A_862 : vector<16xf32>
        %parallel_loop3A_865 = arith.addf %parallel_loop3A_833, %parallel_loop3A_863 : vector<16xf32>
        %parallel_loop3A_866 = arith.constant 100 : i32
        %parallel_loop3A_867 = arith.addi %parallel_loop3A_866, %parallel_loop3A_829 : i32
        %parallel_loop3A_868 = arith.constant 3 : i32
        %parallel_loop3A_869 = arith.index_cast %parallel_loop3A_868 : i32 to index
        %parallel_loop3A_870 = arith.index_cast %parallel_loop3A_867 : i32 to index
        %parallel_loop3A_871 = arith.constant 32 : index
        %parallel_loop3A_872 = tpu.vector_load %arg6[%parallel_loop3A_869, %parallel_loop3A_870, %parallel_loop3A_871] {strides = array<i32>} : memref<4x200x64xi32, #tpu.memory_space<vmem>>, vector<16xi32>,
        %parallel_loop3A_873 = arith.constant 16 : i32
        %parallel_loop3A_874 = vector.broadcast %parallel_loop3A_873 : i32 to vector<16xi32>
        %parallel_loop3A_875 = arith.shli %parallel_loop3A_872, %parallel_loop3A_874 : vector<16xi32>
        %parallel_loop3A_876 = tpu.bitcast %parallel_loop3A_875 : vector<16xi32> -> vector<16xf32>
        %parallel_loop3A_877 = tpu.bitcast %parallel_loop3A_872 : vector<16xi32> -> vector<16xf32>
        %parallel_loop3A_878 = arith.addf %parallel_loop3A_834, %parallel_loop3A_876 : vector<16xf32>
        %parallel_loop3A_879 = arith.addf %parallel_loop3A_835, %parallel_loop3A_877 : vector<16xf32>
        %parallel_loop3A_880 = arith.constant 100 : i32
        %parallel_loop3A_881 = arith.addi %parallel_loop3A_880, %parallel_loop3A_829 : i32
        %parallel_loop3A_882 = arith.constant 3 : i32
        %parallel_loop3A_883 = arith.index_cast %parallel_loop3A_882 : i32 to index
        %parallel_loop3A_884 = arith.index_cast %parallel_loop3A_881 : i32 to index
        %parallel_loop3A_885 = arith.constant 48 : index
        %parallel_loop3A_886 = tpu.vector_load %arg6[%parallel_loop3A_883, %parallel_loop3A_884, %parallel_loop3A_885] {strides = array<i32>} : memref<4x200x64xi32, #tpu.memory_space<vmem>>, vector<16xi32>,
        %parallel_loop3A_887 = arith.constant 16 : i32
        %parallel_loop3A_888 = vector.broadcast %parallel_loop3A_887 : i32 to vector<16xi32>
        %parallel_loop3A_889 = arith.shli %parallel_loop3A_886, %parallel_loop3A_888 : vector<16xi32>
        %parallel_loop3A_890 = tpu.bitcast %parallel_loop3A_889 : vector<16xi32> -> vector<16xf32>
        %parallel_loop3A_891 = tpu.bitcast %parallel_loop3A_886 : vector<16xi32> -> vector<16xf32>
        %parallel_loop3A_892 = arith.addf %parallel_loop3A_836, %parallel_loop3A_890 : vector<16xf32>
        %parallel_loop3A_893 = arith.addf %parallel_loop3A_837, %parallel_loop3A_891 : vector<16xf32>
        scf.yield %parallel_loop3A_850, %parallel_loop3A_851, %parallel_loop3A_864, %parallel_loop3A_865, %parallel_loop3A_878, %parallel_loop3A_879, %parallel_loop3A_892, %parallel_loop3A_893 : vector<16xf32>, vector<16xf32>, vector<16xf32>, vector<16xf32>, vector<16xf32>, vector<16xf32>, vector<16xf32>, vector<16xf32>
      } {sc.loop_unroll_factor = 2 : i64, sc.parallel_access}
      %swap3A_741 = arith.index_cast %add3A_734 : i32 to index
      %swap3A_742 = arith.constant 0 : index
      %swap3A_743 = tpu.vector_load %arg7[%swap3A_741, %swap3A_742] {strides = array<i32>} : memref<128x128xf32, #tpu.memory_space<vmem>>, vector<16xf32>,
      tpu.vector_store %arg7[%swap3A_741, %swap3A_742], %parallel_loop3A_740#0 {strides = array<i32>} : memref<128x128xf32, #tpu.memory_space<vmem>>, vector<16xf32>,
      %swap3A_744 = arith.index_cast %add3A_734 : i32 to index
      %swap3A_745 = arith.constant 64 : index
      %swap3A_746 = tpu.vector_load %arg7[%swap3A_744, %swap3A_745] {strides = array<i32>} : memref<128x128xf32, #tpu.memory_space<vmem>>, vector<16xf32>,
      tpu.vector_store %arg7[%swap3A_744, %swap3A_745], %parallel_loop3A_740#1 {strides = array<i32>} : memref<128x128xf32, #tpu.memory_space<vmem>>, vector<16xf32>,
      %swap3A_747 = arith.index_cast %add3A_734 : i32 to index
      %swap3A_748 = arith.constant 16 : index
      %swap3A_749 = tpu.vector_load %arg7[%swap3A_747, %swap3A_748] {strides = array<i32>} : memref<128x128xf32, #tpu.memory_space<vmem>>, vector<16xf32>,
      tpu.vector_store %arg7[%swap3A_747, %swap3A_748], %parallel_loop3A_740#2 {strides = array<i32>} : memref<128x128xf32, #tpu.memory_space<vmem>>, vector<16xf32>,
      %swap3A_750 = arith.index_cast %add3A_734 : i32 to index
      %swap3A_751 = arith.constant 80 : index
      %swap3A_752 = tpu.vector_load %arg7[%swap3A_750, %swap3A_751] {strides = array<i32>} : memref<128x128xf32, #tpu.memory_space<vmem>>, vector<16xf32>,
      tpu.vector_store %arg7[%swap3A_750, %swap3A_751], %parallel_loop3A_740#3 {strides = array<i32>} : memref<128x128xf32, #tpu.memory_space<vmem>>, vector<16xf32>,
      %swap3A_753 = arith.index_cast %add3A_734 : i32 to index
      %swap3A_754 = arith.constant 32 : index
      %swap3A_755 = tpu.vector_load %arg7[%swap3A_753, %swap3A_754] {strides = array<i32>} : memref<128x128xf32, #tpu.memory_space<vmem>>, vector<16xf32>,
      tpu.vector_store %arg7[%swap3A_753, %swap3A_754], %parallel_loop3A_740#4 {strides = array<i32>} : memref<128x128xf32, #tpu.memory_space<vmem>>, vector<16xf32>,
      %swap3A_756 = arith.index_cast %add3A_734 : i32 to index
      %swap3A_757 = arith.constant 96 : index
      %swap3A_758 = tpu.vector_load %arg7[%swap3A_756, %swap3A_757] {strides = array<i32>} : memref<128x128xf32, #tpu.memory_space<vmem>>, vector<16xf32>,
      tpu.vector_store %arg7[%swap3A_756, %swap3A_757], %parallel_loop3A_740#5 {strides = array<i32>} : memref<128x128xf32, #tpu.memory_space<vmem>>, vector<16xf32>,
      %swap3A_759 = arith.index_cast %add3A_734 : i32 to index
      %swap3A_760 = arith.constant 48 : index
      %swap3A_761 = tpu.vector_load %arg7[%swap3A_759, %swap3A_760] {strides = array<i32>} : memref<128x128xf32, #tpu.memory_space<vmem>>, vector<16xf32>,
      tpu.vector_store %arg7[%swap3A_759, %swap3A_760], %parallel_loop3A_740#6 {strides = array<i32>} : memref<128x128xf32, #tpu.memory_space<vmem>>, vector<16xf32>,
      %swap3A_762 = arith.index_cast %add3A_734 : i32 to index
      %swap3A_763 = arith.constant 112 : index
      %swap3A_764 = tpu.vector_load %arg7[%swap3A_762, %swap3A_763] {strides = array<i32>} : memref<128x128xf32, #tpu.memory_space<vmem>>, vector<16xf32>,
      tpu.vector_store %arg7[%swap3A_762, %swap3A_763], %parallel_loop3A_740#7 {strides = array<i32>} : memref<128x128xf32, #tpu.memory_space<vmem>>, vector<16xf32>,
      %mul3A_765 = arith.constant 32 : i32
      %mul3A_766 = arith.muli %select_n3A, %mul3A_765 : i32
      %sub3A_767 = arith.subi %add3A_633, %mul3A_766 : i32
      %mul3A_768 = arith.constant 4 : i32
      %mul3A_769 = arith.muli %sub3A_767, %mul3A_768 : i32
      %add3A_770 = arith.constant 3 : i32
      %add3A_771 = arith.addi %mul3A_769, %add3A_770 : i32
      %broadcast_in_dim3A_772 = arith.constant 0.000000e+00 : f32
      %broadcast_in_dim3A_773 = vector.broadcast %broadcast_in_dim3A_772 : f32 to vector<16xf32>
      %parallel_loop3A_774 = arith.constant 0 : i32
      %parallel_loop3A_775 = arith.constant 50 : i32
      %parallel_loop3A_776 = arith.constant 1 : i32
      %parallel_loop3A_777:8 = scf.for %parallel_loop3A_829 = %parallel_loop3A_774 to %parallel_loop3A_775 step %parallel_loop3A_776 iter_args(%parallel_loop3A_830 = %broadcast_in_dim3A_773, %parallel_loop3A_831 = %broadcast_in_dim3A_773, %parallel_loop3A_832 = %broadcast_in_dim3A_773, %parallel_loop3A_833 = %broadcast_in_dim3A_773, %parallel_loop3A_834 = %broadcast_in_dim3A_773, %parallel_loop3A_835 = %broadcast_in_dim3A_773, %parallel_loop3A_836 = %broadcast_in_dim3A_773, %parallel_loop3A_837 = %broadcast_in_dim3A_773) -> (vector<16xf32>, vector<16xf32>, vector<16xf32>, vector<16xf32>, vector<16xf32>, vector<16xf32>, vector<16xf32>, vector<16xf32>)  : i32 {
        %parallel_loop3A_838 = arith.constant 150 : i32
        %parallel_loop3A_839 = arith.addi %parallel_loop3A_838, %parallel_loop3A_829 : i32
        %parallel_loop3A_840 = arith.constant 3 : i32
        %parallel_loop3A_841 = arith.index_cast %parallel_loop3A_840 : i32 to index
        %parallel_loop3A_842 = arith.index_cast %parallel_loop3A_839 : i32 to index
        %parallel_loop3A_843 = arith.constant 0 : index
        %parallel_loop3A_844 = tpu.vector_load %arg6[%parallel_loop3A_841, %parallel_loop3A_842, %parallel_loop3A_843] {strides = array<i32>} : memref<4x200x64xi32, #tpu.memory_space<vmem>>, vector<16xi32>,
        %parallel_loop3A_845 = arith.constant 16 : i32
        %parallel_loop3A_846 = vector.broadcast %parallel_loop3A_845 : i32 to vector<16xi32>
        %parallel_loop3A_847 = arith.shli %parallel_loop3A_844, %parallel_loop3A_846 : vector<16xi32>
        %parallel_loop3A_848 = tpu.bitcast %parallel_loop3A_847 : vector<16xi32> -> vector<16xf32>
        %parallel_loop3A_849 = tpu.bitcast %parallel_loop3A_844 : vector<16xi32> -> vector<16xf32>
        %parallel_loop3A_850 = arith.addf %parallel_loop3A_830, %parallel_loop3A_848 : vector<16xf32>
        %parallel_loop3A_851 = arith.addf %parallel_loop3A_831, %parallel_loop3A_849 : vector<16xf32>
        %parallel_loop3A_852 = arith.constant 150 : i32
        %parallel_loop3A_853 = arith.addi %parallel_loop3A_852, %parallel_loop3A_829 : i32
        %parallel_loop3A_854 = arith.constant 3 : i32
        %parallel_loop3A_855 = arith.index_cast %parallel_loop3A_854 : i32 to index
        %parallel_loop3A_856 = arith.index_cast %parallel_loop3A_853 : i32 to index
        %parallel_loop3A_857 = arith.constant 16 : index
        %parallel_loop3A_858 = tpu.vector_load %arg6[%parallel_loop3A_855, %parallel_loop3A_856, %parallel_loop3A_857] {strides = array<i32>} : memref<4x200x64xi32, #tpu.memory_space<vmem>>, vector<16xi32>,
        %parallel_loop3A_859 = arith.constant 16 : i32
        %parallel_loop3A_860 = vector.broadcast %parallel_loop3A_859 : i32 to vector<16xi32>
        %parallel_loop3A_861 = arith.shli %parallel_loop3A_858, %parallel_loop3A_860 : vector<16xi32>
        %parallel_loop3A_862 = tpu.bitcast %parallel_loop3A_861 : vector<16xi32> -> vector<16xf32>
        %parallel_loop3A_863 = tpu.bitcast %parallel_loop3A_858 : vector<16xi32> -> vector<16xf32>
        %parallel_loop3A_864 = arith.addf %parallel_loop3A_832, %parallel_loop3A_862 : vector<16xf32>
        %parallel_loop3A_865 = arith.addf %parallel_loop3A_833, %parallel_loop3A_863 : vector<16xf32>
        %parallel_loop3A_866 = arith.constant 150 : i32
        %parallel_loop3A_867 = arith.addi %parallel_loop3A_866, %parallel_loop3A_829 : i32
        %parallel_loop3A_868 = arith.constant 3 : i32
        %parallel_loop3A_869 = arith.index_cast %parallel_loop3A_868 : i32 to index
        %parallel_loop3A_870 = arith.index_cast %parallel_loop3A_867 : i32 to index
        %parallel_loop3A_871 = arith.constant 32 : index
        %parallel_loop3A_872 = tpu.vector_load %arg6[%parallel_loop3A_869, %parallel_loop3A_870, %parallel_loop3A_871] {strides = array<i32>} : memref<4x200x64xi32, #tpu.memory_space<vmem>>, vector<16xi32>,
        %parallel_loop3A_873 = arith.constant 16 : i32
        %parallel_loop3A_874 = vector.broadcast %parallel_loop3A_873 : i32 to vector<16xi32>
        %parallel_loop3A_875 = arith.shli %parallel_loop3A_872, %parallel_loop3A_874 : vector<16xi32>
        %parallel_loop3A_876 = tpu.bitcast %parallel_loop3A_875 : vector<16xi32> -> vector<16xf32>
        %parallel_loop3A_877 = tpu.bitcast %parallel_loop3A_872 : vector<16xi32> -> vector<16xf32>
        %parallel_loop3A_878 = arith.addf %parallel_loop3A_834, %parallel_loop3A_876 : vector<16xf32>
        %parallel_loop3A_879 = arith.addf %parallel_loop3A_835, %parallel_loop3A_877 : vector<16xf32>
        %parallel_loop3A_880 = arith.constant 150 : i32
        %parallel_loop3A_881 = arith.addi %parallel_loop3A_880, %parallel_loop3A_829 : i32
        %parallel_loop3A_882 = arith.constant 3 : i32
        %parallel_loop3A_883 = arith.index_cast %parallel_loop3A_882 : i32 to index
        %parallel_loop3A_884 = arith.index_cast %parallel_loop3A_881 : i32 to index
        %parallel_loop3A_885 = arith.constant 48 : index
        %parallel_loop3A_886 = tpu.vector_load %arg6[%parallel_loop3A_883, %parallel_loop3A_884, %parallel_loop3A_885] {strides = array<i32>} : memref<4x200x64xi32, #tpu.memory_space<vmem>>, vector<16xi32>,
        %parallel_loop3A_887 = arith.constant 16 : i32
        %parallel_loop3A_888 = vector.broadcast %parallel_loop3A_887 : i32 to vector<16xi32>
        %parallel_loop3A_889 = arith.shli %parallel_loop3A_886, %parallel_loop3A_888 : vector<16xi32>
        %parallel_loop3A_890 = tpu.bitcast %parallel_loop3A_889 : vector<16xi32> -> vector<16xf32>
        %parallel_loop3A_891 = tpu.bitcast %parallel_loop3A_886 : vector<16xi32> -> vector<16xf32>
        %parallel_loop3A_892 = arith.addf %parallel_loop3A_836, %parallel_loop3A_890 : vector<16xf32>
        %parallel_loop3A_893 = arith.addf %parallel_loop3A_837, %parallel_loop3A_891 : vector<16xf32>
        scf.yield %parallel_loop3A_850, %parallel_loop3A_851, %parallel_loop3A_864, %parallel_loop3A_865, %parallel_loop3A_878, %parallel_loop3A_879, %parallel_loop3A_892, %parallel_loop3A_893 : vector<16xf32>, vector<16xf32>, vector<16xf32>, vector<16xf32>, vector<16xf32>, vector<16xf32>, vector<16xf32>, vector<16xf32>
      } {sc.loop_unroll_factor = 2 : i64, sc.parallel_access}
      %swap3A_778 = arith.index_cast %add3A_771 : i32 to index
      %swap3A_779 = arith.constant 0 : index
      %swap3A_780 = tpu.vector_load %arg7[%swap3A_778, %swap3A_779] {strides = array<i32>} : memref<128x128xf32, #tpu.memory_space<vmem>>, vector<16xf32>,
      tpu.vector_store %arg7[%swap3A_778, %swap3A_779], %parallel_loop3A_777#0 {strides = array<i32>} : memref<128x128xf32, #tpu.memory_space<vmem>>, vector<16xf32>,
      %swap3A_781 = arith.index_cast %add3A_771 : i32 to index
      %swap3A_782 = arith.constant 64 : index
      %swap3A_783 = tpu.vector_load %arg7[%swap3A_781, %swap3A_782] {strides = array<i32>} : memref<128x128xf32, #tpu.memory_space<vmem>>, vector<16xf32>,
      tpu.vector_store %arg7[%swap3A_781, %swap3A_782], %parallel_loop3A_777#1 {strides = array<i32>} : memref<128x128xf32, #tpu.memory_space<vmem>>, vector<16xf32>,
      %swap3A_784 = arith.index_cast %add3A_771 : i32 to index
      %swap3A_785 = arith.constant 16 : index
      %swap3A_786 = tpu.vector_load %arg7[%swap3A_784, %swap3A_785] {strides = array<i32>} : memref<128x128xf32, #tpu.memory_space<vmem>>, vector<16xf32>,
      tpu.vector_store %arg7[%swap3A_784, %swap3A_785], %parallel_loop3A_777#2 {strides = array<i32>} : memref<128x128xf32, #tpu.memory_space<vmem>>, vector<16xf32>,
      %swap3A_787 = arith.index_cast %add3A_771 : i32 to index
      %swap3A_788 = arith.constant 80 : index
      %swap3A_789 = tpu.vector_load %arg7[%swap3A_787, %swap3A_788] {strides = array<i32>} : memref<128x128xf32, #tpu.memory_space<vmem>>, vector<16xf32>,
      tpu.vector_store %arg7[%swap3A_787, %swap3A_788], %parallel_loop3A_777#3 {strides = array<i32>} : memref<128x128xf32, #tpu.memory_space<vmem>>, vector<16xf32>,
      %swap3A_790 = arith.index_cast %add3A_771 : i32 to index
      %swap3A_791 = arith.constant 32 : index
      %swap3A_792 = tpu.vector_load %arg7[%swap3A_790, %swap3A_791] {strides = array<i32>} : memref<128x128xf32, #tpu.memory_space<vmem>>, vector<16xf32>,
      tpu.vector_store %arg7[%swap3A_790, %swap3A_791], %parallel_loop3A_777#4 {strides = array<i32>} : memref<128x128xf32, #tpu.memory_space<vmem>>, vector<16xf32>,
      %swap3A_793 = arith.index_cast %add3A_771 : i32 to index
      %swap3A_794 = arith.constant 96 : index
      %swap3A_795 = tpu.vector_load %arg7[%swap3A_793, %swap3A_794] {strides = array<i32>} : memref<128x128xf32, #tpu.memory_space<vmem>>, vector<16xf32>,
      tpu.vector_store %arg7[%swap3A_793, %swap3A_794], %parallel_loop3A_777#5 {strides = array<i32>} : memref<128x128xf32, #tpu.memory_space<vmem>>, vector<16xf32>,
      %swap3A_796 = arith.index_cast %add3A_771 : i32 to index
      %swap3A_797 = arith.constant 48 : index
      %swap3A_798 = tpu.vector_load %arg7[%swap3A_796, %swap3A_797] {strides = array<i32>} : memref<128x128xf32, #tpu.memory_space<vmem>>, vector<16xf32>,
      tpu.vector_store %arg7[%swap3A_796, %swap3A_797], %parallel_loop3A_777#6 {strides = array<i32>} : memref<128x128xf32, #tpu.memory_space<vmem>>, vector<16xf32>,
      %swap3A_799 = arith.index_cast %add3A_771 : i32 to index
      %swap3A_800 = arith.constant 112 : index
      %swap3A_801 = tpu.vector_load %arg7[%swap3A_799, %swap3A_800] {strides = array<i32>} : memref<128x128xf32, #tpu.memory_space<vmem>>, vector<16xf32>,
      tpu.vector_store %arg7[%swap3A_799, %swap3A_800], %parallel_loop3A_777#7 {strides = array<i32>} : memref<128x128xf32, #tpu.memory_space<vmem>>, vector<16xf32>,
      %add3A_802 = arith.constant 4 : i32
      %add3A_803 = arith.addi %add3A_633, %add3A_802 : i32
      %lt3A_804 = arith.constant 128 : i32
      %lt3A_805 = arith.cmpi slt, %add3A_803, %lt3A_804 : i32
      %convert_element_type3A_806 = arith.extui %lt3A_805 : i1 to i32
      %cond3A_807 = arith.constant 0 : i32
      %cond3A_808 = arith.cmpi ne, %convert_element_type3A_806, %cond3A_807 : i32
      scf.if %cond3A_808 {
        %add3A_829 = arith.constant 4 : i32
        %add3A_830 = arith.addi %add3A_633, %add3A_829 : i32
        %mul3A_831 = arith.constant 200 : i32
        %mul3A_832 = arith.muli %add3A_830, %mul3A_831 : i32
        %dma_start3A_833 = arith.constant 3 : i32
        %dma_start3A_834 = arith.constant 0 : i32
        %dma_start3A_835 = arith.constant 0 : i32
        %dma_start3A_836 = tpu.memref_slice %arg6[%dma_start3A_833, %dma_start3A_834, %dma_start3A_835] : memref<4x200x64xi32, #tpu.memory_space<vmem>> -> memref<1x104x64xi32, #tpu.memory_space<vmem>>
        %dma_start3A_837 = tpu.memref_squeeze %dma_start3A_836 : memref<1x104x64xi32, #tpu.memory_space<vmem>> -> memref<104x64xi32, #tpu.memory_space<vmem>>
        %dma_start3A_838 = tpu.memref_slice %arg5[%mul3A_832] : memref<25600xi32, #tpu.memory_space<vmem>> -> memref<104xi32, #tpu.memory_space<vmem>>
        %dma_start3A_839 = arith.constant 0 : i32
        %dma_start3A_840 = arith.constant 0 : i32
        %dma_start3A_841 = tpu.memref_slice %arg3[%dma_start3A_839, %dma_start3A_840] : memref<100000x64xi32, #tpu.memory_space<hbm>> -> memref<100000x64xi32, #tpu.memory_space<hbm>>
        tpu.enqueue_indirect_dma source(%dma_start3A_841 : memref<100000x64xi32, #tpu.memory_space<hbm>>) target(%dma_start3A_837 : memref<104x64xi32, #tpu.memory_space<vmem>>) offsets(%dma_start3A_838 : memref<104xi32, #tpu.memory_space<vmem>>) semaphore(%arg14 : memref<!tpu.dma_semaphore, #tpu.memory_space<semaphore_mem>>)
        %add3A_842 = arith.constant 104 : i32
        %add3A_843 = arith.addi %mul3A_832, %add3A_842 : i32
        %dma_start3A_844 = arith.constant 3 : i32
        %dma_start3A_845 = arith.constant 104 : i32
        %dma_start3A_846 = arith.constant 0 : i32
        %dma_start3A_847 = tpu.memref_slice %arg6[%dma_start3A_844, %dma_start3A_845, %dma_start3A_846] : memref<4x200x64xi32, #tpu.memory_space<vmem>> -> memref<1x96x64xi32, #tpu.memory_space<vmem>>
        %dma_start3A_848 = tpu.memref_squeeze %dma_start3A_847 : memref<1x96x64xi32, #tpu.memory_space<vmem>> -> memref<96x64xi32, #tpu.memory_space<vmem>>
        %dma_start3A_849 = tpu.memref_slice %arg5[%add3A_843] : memref<25600xi32, #tpu.memory_space<vmem>> -> memref<96xi32, #tpu.memory_space<vmem>>
        %dma_start3A_850 = arith.constant 0 : i32
        %dma_start3A_851 = arith.constant 0 : i32
        %dma_start3A_852 = tpu.memref_slice %arg3[%dma_start3A_850, %dma_start3A_851] : memref<100000x64xi32, #tpu.memory_space<hbm>> -> memref<100000x64xi32, #tpu.memory_space<hbm>>
        tpu.enqueue_indirect_dma source(%dma_start3A_852 : memref<100000x64xi32, #tpu.memory_space<hbm>>) target(%dma_start3A_848 : memref<96x64xi32, #tpu.memory_space<vmem>>) offsets(%dma_start3A_849 : memref<96xi32, #tpu.memory_space<vmem>>) semaphore(%arg15 : memref<!tpu.dma_semaphore, #tpu.memory_space<semaphore_mem>>)
      } else {
      }
      %jit3A_809 = arith.constant 8 : i32
      %eq3A = arith.constant 0 : i32
      %eq3A_810 = arith.cmpi eq, %jit3A_809, %eq3A : i32
      %jit3A_811 = arith.constant 1 : i32
      %select_n3A_812 = arith.select %eq3A_810, %jit3A_811, %jit3A_809 : i32
      %rem3A_813 = arith.remsi %scan3A_89, %select_n3A_812 : i32
      %ne3A_814 = arith.constant 0 : i32
      %ne3A_815 = arith.cmpi ne, %rem3A_813, %ne3A_814 : i32
      %lt3A_816 = arith.constant 0 : i32
      %lt3A_817 = arith.cmpi slt, %rem3A_813, %lt3A_816 : i32
      %lt3A_818 = arith.constant 0 : i32
      %lt3A_819 = arith.cmpi slt, %select_n3A_812, %lt3A_818 : i32
      %ne3A_820 = arith.xori %lt3A_817, %lt3A_819 : i1
      %and3A_821 = arith.andi %ne3A_820, %ne3A_815 : i1
      %add3A_822 = arith.addi %rem3A_813, %select_n3A_812 : i32
      %select_n3A_823 = arith.select %and3A_821, %add3A_822, %rem3A_813 : i32
      %eq3A_824 = arith.constant 7 : i32
      %eq3A_825 = arith.cmpi eq, %select_n3A_823, %eq3A_824 : i32
      %convert_element_type3A_826 = arith.extui %eq3A_825 : i1 to i32
      %cond3A_827 = arith.constant 0 : i32
      %cond3A_828 = arith.cmpi ne, %convert_element_type3A_826, %cond3A_827 : i32
      scf.if %cond3A_828 {
        %mul3A_829 = arith.constant 128 : i32
        %mul3A_830 = arith.muli %select_n3A, %mul3A_829 : i32
        %add3A_831 = arith.addi %mul3A_2, %mul3A_830 : i32
        "tpu.region"() ({
          %run_scoped3A = tpu.sem_alloc : memref<!tpu.dma_semaphore, #tpu.memory_space<semaphore_mem>>
          %dma_start3A_832 = arith.constant 0 : i32
          %dma_start3A_833 = tpu.memref_slice %arg4[%add3A_831, %dma_start3A_832] : memref<16384x128xf32, #tpu.memory_space<hbm>> -> memref<128x128xf32, #tpu.memory_space<hbm>>
          %dma_start3A_834 = arith.constant 0 : i32
          %dma_start3A_835 = tpu.memref_slice %arg4[%add3A_831, %dma_start3A_834] : memref<16384x128xf32, #tpu.memory_space<hbm>> -> memref<128x128xf32, #tpu.memory_space<hbm>>
          tpu.enqueue_dma source(%arg7 : memref<128x128xf32, #tpu.memory_space<vmem>>) target(%dma_start3A_835 : memref<128x128xf32, #tpu.memory_space<hbm>>) target_semaphore(%run_scoped3A : memref<!tpu.dma_semaphore, #tpu.memory_space<semaphore_mem>>)
          %dma_wait3A_836 = arith.constant 0 : i32
          %dma_wait3A_837 = tpu.memref_slice %arg4[%add3A_831, %dma_wait3A_836] : memref<16384x128xf32, #tpu.memory_space<hbm>> -> memref<128x128xf32, #tpu.memory_space<hbm>>
          %dma_wait3A_838 = arith.constant 0 : i32
          %dma_wait3A_839 = tpu.memref_slice %arg4[%add3A_831, %dma_wait3A_838] : memref<16384x128xf32, #tpu.memory_space<hbm>> -> memref<128x128xf32, #tpu.memory_space<hbm>>
          tpu.wait_dma2 semaphore(%run_scoped3A : memref<!tpu.dma_semaphore, #tpu.memory_space<semaphore_mem>>) src(%arg7 : memref<128x128xf32, #tpu.memory_space<vmem>>) dst(%dma_wait3A_839 : memref<128x128xf32, #tpu.memory_space<hbm>>)
          tpu.yield
        }) : () -> ()
      } else {
      }
    }
    %scan3A_88 = arith.constant 32 : i32
    return
  }
}

#map = affine_map<(d0, d1) -> (0, 0)>
module attributes {stable_mosaic.version = 14 : i64} {
  func.func @body(%arg0: i32, %arg1: i32, %arg2: memref<100000x128xf32, #tpu.memory_space<hbm>>, %arg3: memref<100000x64xi32, #tpu.memory_space<hbm>>, %arg4: memref<4x125x128xf32, #tpu.memory_space<vmem>>, %arg5: memref<4x125x64xi32, #tpu.memory_space<vmem>>, %arg6: memref<!tpu.dma_semaphore, #tpu.memory_space<semaphore_mem>>, %arg7: memref<!tpu.dma_semaphore, #tpu.memory_space<semaphore_mem>>, %arg8: memref<!tpu.dma_semaphore, #tpu.memory_space<semaphore_mem>>, %arg9: memref<!tpu.dma_semaphore, #tpu.memory_space<semaphore_mem>>, %arg10: memref<!tpu.dma_semaphore, #tpu.memory_space<semaphore_mem>>, %arg11: memref<!tpu.dma_semaphore, #tpu.memory_space<semaphore_mem>>, %arg12: memref<!tpu.dma_semaphore, #tpu.memory_space<semaphore_mem>>, %arg13: memref<!tpu.dma_semaphore, #tpu.memory_space<semaphore_mem>>) attributes {dimension_semantics = [#tpu.dimension_semantics<core_parallel>, #tpu.dimension_semantics<subcore_parallel>], iteration_bounds = array<i64: 2, 16>, scalar_prefetch = 0 : i64, scratch_operands = 10 : i64, tpu.core_type = #tpu.core_type<sc_vector_subcore>, window_params = [{transform_indices = #map}, {transform_indices = #map}]} {
    %mul3A = arith.constant 2 : i32
    %mul3A_0 = arith.muli %arg1, %mul3A : i32
    %add3A = arith.addi %mul3A_0, %arg0 : i32
    %mul3A_1 = arith.constant 3125 : i32
    %mul3A_2 = arith.muli %add3A, %mul3A_1 : i32
    %add3A_3 = arith.constant 0 : i32
    %add3A_4 = arith.addi %mul3A_2, %add3A_3 : i32
    %dma_start3A = arith.constant 0 : i32
    %dma_start3A_5 = arith.constant 0 : i32
    %dma_start3A_6 = arith.constant 0 : i32
    %dma_start3A_7 = tpu.memref_slice %arg4[%dma_start3A, %dma_start3A_5, %dma_start3A_6] : memref<4x125x128xf32, #tpu.memory_space<vmem>> -> memref<1x125x128xf32, #tpu.memory_space<vmem>>
    %dma_start3A_8 = tpu.memref_squeeze %dma_start3A_7 : memref<1x125x128xf32, #tpu.memory_space<vmem>> -> memref<125x128xf32, #tpu.memory_space<vmem>>
    %dma_start3A_9 = arith.constant 0 : i32
    %dma_start3A_10 = tpu.memref_slice %arg2[%add3A_4, %dma_start3A_9] : memref<100000x128xf32, #tpu.memory_space<hbm>> -> memref<125x128xf32, #tpu.memory_space<hbm>>
    %dma_start3A_11 = arith.constant 0 : i32
    %dma_start3A_12 = arith.constant 0 : i32
    %dma_start3A_13 = tpu.memref_slice %arg4[%dma_start3A, %dma_start3A_11, %dma_start3A_12] : memref<4x125x128xf32, #tpu.memory_space<vmem>> -> memref<1x125x128xf32, #tpu.memory_space<vmem>>
    %dma_start3A_14 = tpu.memref_squeeze %dma_start3A_13 : memref<1x125x128xf32, #tpu.memory_space<vmem>> -> memref<125x128xf32, #tpu.memory_space<vmem>>
    %dma_start3A_15 = arith.constant 0 : i32
    %dma_start3A_16 = tpu.memref_slice %arg2[%add3A_4, %dma_start3A_15] : memref<100000x128xf32, #tpu.memory_space<hbm>> -> memref<125x128xf32, #tpu.memory_space<hbm>>
    tpu.enqueue_dma source(%dma_start3A_16 : memref<125x128xf32, #tpu.memory_space<hbm>>) target(%dma_start3A_14 : memref<125x128xf32, #tpu.memory_space<vmem>>) target_semaphore(%arg6 : memref<!tpu.dma_semaphore, #tpu.memory_space<semaphore_mem>>)
    %add3A_17 = arith.constant 125 : i32
    %add3A_18 = arith.addi %mul3A_2, %add3A_17 : i32
    %dma_start3A_19 = arith.constant 1 : i32
    %dma_start3A_20 = arith.constant 0 : i32
    %dma_start3A_21 = arith.constant 0 : i32
    %dma_start3A_22 = tpu.memref_slice %arg4[%dma_start3A_19, %dma_start3A_20, %dma_start3A_21] : memref<4x125x128xf32, #tpu.memory_space<vmem>> -> memref<1x125x128xf32, #tpu.memory_space<vmem>>
    %dma_start3A_23 = tpu.memref_squeeze %dma_start3A_22 : memref<1x125x128xf32, #tpu.memory_space<vmem>> -> memref<125x128xf32, #tpu.memory_space<vmem>>
    %dma_start3A_24 = arith.constant 0 : i32
    %dma_start3A_25 = tpu.memref_slice %arg2[%add3A_18, %dma_start3A_24] : memref<100000x128xf32, #tpu.memory_space<hbm>> -> memref<125x128xf32, #tpu.memory_space<hbm>>
    %dma_start3A_26 = arith.constant 0 : i32
    %dma_start3A_27 = arith.constant 0 : i32
    %dma_start3A_28 = tpu.memref_slice %arg4[%dma_start3A_19, %dma_start3A_26, %dma_start3A_27] : memref<4x125x128xf32, #tpu.memory_space<vmem>> -> memref<1x125x128xf32, #tpu.memory_space<vmem>>
    %dma_start3A_29 = tpu.memref_squeeze %dma_start3A_28 : memref<1x125x128xf32, #tpu.memory_space<vmem>> -> memref<125x128xf32, #tpu.memory_space<vmem>>
    %dma_start3A_30 = arith.constant 0 : i32
    %dma_start3A_31 = tpu.memref_slice %arg2[%add3A_18, %dma_start3A_30] : memref<100000x128xf32, #tpu.memory_space<hbm>> -> memref<125x128xf32, #tpu.memory_space<hbm>>
    tpu.enqueue_dma source(%dma_start3A_31 : memref<125x128xf32, #tpu.memory_space<hbm>>) target(%dma_start3A_29 : memref<125x128xf32, #tpu.memory_space<vmem>>) target_semaphore(%arg7 : memref<!tpu.dma_semaphore, #tpu.memory_space<semaphore_mem>>)
    %add3A_32 = arith.constant 250 : i32
    %add3A_33 = arith.addi %mul3A_2, %add3A_32 : i32
    %dma_start3A_34 = arith.constant 2 : i32
    %dma_start3A_35 = arith.constant 0 : i32
    %dma_start3A_36 = arith.constant 0 : i32
    %dma_start3A_37 = tpu.memref_slice %arg4[%dma_start3A_34, %dma_start3A_35, %dma_start3A_36] : memref<4x125x128xf32, #tpu.memory_space<vmem>> -> memref<1x125x128xf32, #tpu.memory_space<vmem>>
    %dma_start3A_38 = tpu.memref_squeeze %dma_start3A_37 : memref<1x125x128xf32, #tpu.memory_space<vmem>> -> memref<125x128xf32, #tpu.memory_space<vmem>>
    %dma_start3A_39 = arith.constant 0 : i32
    %dma_start3A_40 = tpu.memref_slice %arg2[%add3A_33, %dma_start3A_39] : memref<100000x128xf32, #tpu.memory_space<hbm>> -> memref<125x128xf32, #tpu.memory_space<hbm>>
    %dma_start3A_41 = arith.constant 0 : i32
    %dma_start3A_42 = arith.constant 0 : i32
    %dma_start3A_43 = tpu.memref_slice %arg4[%dma_start3A_34, %dma_start3A_41, %dma_start3A_42] : memref<4x125x128xf32, #tpu.memory_space<vmem>> -> memref<1x125x128xf32, #tpu.memory_space<vmem>>
    %dma_start3A_44 = tpu.memref_squeeze %dma_start3A_43 : memref<1x125x128xf32, #tpu.memory_space<vmem>> -> memref<125x128xf32, #tpu.memory_space<vmem>>
    %dma_start3A_45 = arith.constant 0 : i32
    %dma_start3A_46 = tpu.memref_slice %arg2[%add3A_33, %dma_start3A_45] : memref<100000x128xf32, #tpu.memory_space<hbm>> -> memref<125x128xf32, #tpu.memory_space<hbm>>
    tpu.enqueue_dma source(%dma_start3A_46 : memref<125x128xf32, #tpu.memory_space<hbm>>) target(%dma_start3A_44 : memref<125x128xf32, #tpu.memory_space<vmem>>) target_semaphore(%arg8 : memref<!tpu.dma_semaphore, #tpu.memory_space<semaphore_mem>>)
    %add3A_47 = arith.constant 375 : i32
    %add3A_48 = arith.addi %mul3A_2, %add3A_47 : i32
    %dma_start3A_49 = arith.constant 3 : i32
    %dma_start3A_50 = arith.constant 0 : i32
    %dma_start3A_51 = arith.constant 0 : i32
    %dma_start3A_52 = tpu.memref_slice %arg4[%dma_start3A_49, %dma_start3A_50, %dma_start3A_51] : memref<4x125x128xf32, #tpu.memory_space<vmem>> -> memref<1x125x128xf32, #tpu.memory_space<vmem>>
    %dma_start3A_53 = tpu.memref_squeeze %dma_start3A_52 : memref<1x125x128xf32, #tpu.memory_space<vmem>> -> memref<125x128xf32, #tpu.memory_space<vmem>>
    %dma_start3A_54 = arith.constant 0 : i32
    %dma_start3A_55 = tpu.memref_slice %arg2[%add3A_48, %dma_start3A_54] : memref<100000x128xf32, #tpu.memory_space<hbm>> -> memref<125x128xf32, #tpu.memory_space<hbm>>
    %dma_start3A_56 = arith.constant 0 : i32
    %dma_start3A_57 = arith.constant 0 : i32
    %dma_start3A_58 = tpu.memref_slice %arg4[%dma_start3A_49, %dma_start3A_56, %dma_start3A_57] : memref<4x125x128xf32, #tpu.memory_space<vmem>> -> memref<1x125x128xf32, #tpu.memory_space<vmem>>
    %dma_start3A_59 = tpu.memref_squeeze %dma_start3A_58 : memref<1x125x128xf32, #tpu.memory_space<vmem>> -> memref<125x128xf32, #tpu.memory_space<vmem>>
    %dma_start3A_60 = arith.constant 0 : i32
    %dma_start3A_61 = tpu.memref_slice %arg2[%add3A_48, %dma_start3A_60] : memref<100000x128xf32, #tpu.memory_space<hbm>> -> memref<125x128xf32, #tpu.memory_space<hbm>>
    tpu.enqueue_dma source(%dma_start3A_61 : memref<125x128xf32, #tpu.memory_space<hbm>>) target(%dma_start3A_59 : memref<125x128xf32, #tpu.memory_space<vmem>>) target_semaphore(%arg9 : memref<!tpu.dma_semaphore, #tpu.memory_space<semaphore_mem>>)
    %scan3A = arith.constant 0 : i32
    %scan3A_62 = arith.constant 0 : i32
    %scan3A_63 = arith.constant 6 : i32
    %scan3A_64 = arith.addi %scan3A_62, %scan3A_63 : i32
    %scan3A_65 = arith.constant 1 : i32
    scf.for %scan3A_161 = %scan3A_62 to %scan3A_64 step %scan3A_65  : i32 {
      %mul3A_162 = arith.constant 4 : i32
      %mul3A_163 = arith.muli %scan3A_161, %mul3A_162 : i32
      %add3A_164 = arith.constant 0 : i32
      %add3A_165 = arith.addi %mul3A_163, %add3A_164 : i32
      %dma_wait3A_166 = arith.constant 0 : i32
      %dma_wait3A_167 = arith.constant 0 : i32
      %dma_wait3A_168 = arith.constant 0 : i32
      %dma_wait3A_169 = tpu.memref_slice %arg4[%dma_wait3A_166, %dma_wait3A_167, %dma_wait3A_168] : memref<4x125x128xf32, #tpu.memory_space<vmem>> -> memref<1x125x128xf32, #tpu.memory_space<vmem>>
      %dma_wait3A_170 = tpu.memref_squeeze %dma_wait3A_169 : memref<1x125x128xf32, #tpu.memory_space<vmem>> -> memref<125x128xf32, #tpu.memory_space<vmem>>
      %dma_wait3A_171 = arith.constant 0 : i32
      %dma_wait3A_172 = tpu.memref_slice %arg2[%mul3A_2, %dma_wait3A_171] : memref<100000x128xf32, #tpu.memory_space<hbm>> -> memref<125x128xf32, #tpu.memory_space<hbm>>
      %dma_wait3A_173 = arith.constant 0 : i32
      %dma_wait3A_174 = arith.constant 0 : i32
      %dma_wait3A_175 = tpu.memref_slice %arg4[%dma_wait3A_166, %dma_wait3A_173, %dma_wait3A_174] : memref<4x125x128xf32, #tpu.memory_space<vmem>> -> memref<1x125x128xf32, #tpu.memory_space<vmem>>
      %dma_wait3A_176 = tpu.memref_squeeze %dma_wait3A_175 : memref<1x125x128xf32, #tpu.memory_space<vmem>> -> memref<125x128xf32, #tpu.memory_space<vmem>>
      %dma_wait3A_177 = arith.constant 0 : i32
      %dma_wait3A_178 = tpu.memref_slice %arg2[%mul3A_2, %dma_wait3A_177] : memref<100000x128xf32, #tpu.memory_space<hbm>> -> memref<125x128xf32, #tpu.memory_space<hbm>>
      tpu.wait_dma2 semaphore(%arg6 : memref<!tpu.dma_semaphore, #tpu.memory_space<semaphore_mem>>) src(%dma_wait3A_178 : memref<125x128xf32, #tpu.memory_space<hbm>>) dst(%dma_wait3A_176 : memref<125x128xf32, #tpu.memory_space<vmem>>)
      %ge3A = arith.constant 1 : i32
      %ge3A_179 = arith.cmpi sge, %scan3A_161, %ge3A : i32
      %convert_element_type3A = arith.extui %ge3A_179 : i1 to i32
      %cond3A = arith.constant 0 : i32
      %cond3A_180 = arith.cmpi ne, %convert_element_type3A, %cond3A : i32
      scf.if %cond3A_180 {
        %dma_wait3A_350 = arith.constant 0 : i32
        %dma_wait3A_351 = arith.constant 0 : i32
        %dma_wait3A_352 = arith.constant 0 : i32
        %dma_wait3A_353 = tpu.memref_slice %arg5[%dma_wait3A_350, %dma_wait3A_351, %dma_wait3A_352] : memref<4x125x64xi32, #tpu.memory_space<vmem>> -> memref<1x125x64xi32, #tpu.memory_space<vmem>>
        %dma_wait3A_354 = tpu.memref_squeeze %dma_wait3A_353 : memref<1x125x64xi32, #tpu.memory_space<vmem>> -> memref<125x64xi32, #tpu.memory_space<vmem>>
        %dma_wait3A_355 = arith.constant 0 : i32
        %dma_wait3A_356 = tpu.memref_slice %arg3[%mul3A_2, %dma_wait3A_355] : memref<100000x64xi32, #tpu.memory_space<hbm>> -> memref<125x64xi32, #tpu.memory_space<hbm>>
        %dma_wait3A_357 = arith.constant 0 : i32
        %dma_wait3A_358 = tpu.memref_slice %arg3[%mul3A_2, %dma_wait3A_357] : memref<100000x64xi32, #tpu.memory_space<hbm>> -> memref<125x64xi32, #tpu.memory_space<hbm>>
        %dma_wait3A_359 = arith.constant 0 : i32
        %dma_wait3A_360 = arith.constant 0 : i32
        %dma_wait3A_361 = tpu.memref_slice %arg5[%dma_wait3A_350, %dma_wait3A_359, %dma_wait3A_360] : memref<4x125x64xi32, #tpu.memory_space<vmem>> -> memref<1x125x64xi32, #tpu.memory_space<vmem>>
        %dma_wait3A_362 = tpu.memref_squeeze %dma_wait3A_361 : memref<1x125x64xi32, #tpu.memory_space<vmem>> -> memref<125x64xi32, #tpu.memory_space<vmem>>
        tpu.wait_dma2 semaphore(%arg10 : memref<!tpu.dma_semaphore, #tpu.memory_space<semaphore_mem>>) src(%dma_wait3A_362 : memref<125x64xi32, #tpu.memory_space<vmem>>) dst(%dma_wait3A_358 : memref<125x64xi32, #tpu.memory_space<hbm>>)
      } else {
      }
      %parallel_loop3A_181 = arith.constant 0 : i32
      %parallel_loop3A_182 = arith.constant 125 : i32
      %parallel_loop3A_183 = arith.constant 1 : i32
      scf.for %parallel_loop3A_350 = %parallel_loop3A_181 to %parallel_loop3A_182 step %parallel_loop3A_183  : i32 {
        %parallel_loop3A_351 = arith.constant 0 : i32
        %parallel_loop3A_352 = arith.index_cast %parallel_loop3A_351 : i32 to index
        %parallel_loop3A_353 = arith.index_cast %parallel_loop3A_350 : i32 to index
        %parallel_loop3A_354 = arith.constant 0 : index
        %parallel_loop3A_355 = tpu.vector_load %arg4[%parallel_loop3A_352, %parallel_loop3A_353, %parallel_loop3A_354] {strides = array<i32>} : memref<4x125x128xf32, #tpu.memory_space<vmem>>, vector<16xf32>,
        %parallel_loop3A_356 = arith.constant 0 : i32
        %parallel_loop3A_357 = arith.index_cast %parallel_loop3A_356 : i32 to index
        %parallel_loop3A_358 = arith.index_cast %parallel_loop3A_350 : i32 to index
        %parallel_loop3A_359 = arith.constant 64 : index
        %parallel_loop3A_360 = tpu.vector_load %arg4[%parallel_loop3A_357, %parallel_loop3A_358, %parallel_loop3A_359] {strides = array<i32>} : memref<4x125x128xf32, #tpu.memory_space<vmem>>, vector<16xf32>,
        %parallel_loop3A_361 = tpu.pack_subelements %parallel_loop3A_355, %parallel_loop3A_360 {pack_format = #tpu.pack_format<interleaved>, positions = array<i32: 0, 1>} : vector<16xf32>, vector<16xf32> -> vector<32xbf16>
        %parallel_loop3A_362 = vector.bitcast %parallel_loop3A_361 : vector<32xbf16> to vector<16xi32>
        %parallel_loop3A_363 = arith.constant 0 : i32
        %parallel_loop3A_364 = arith.index_cast %parallel_loop3A_363 : i32 to index
        %parallel_loop3A_365 = arith.index_cast %parallel_loop3A_350 : i32 to index
        %parallel_loop3A_366 = arith.constant 0 : index
        %parallel_loop3A_367 = tpu.vector_load %arg5[%parallel_loop3A_364, %parallel_loop3A_365, %parallel_loop3A_366] {strides = array<i32>} : memref<4x125x64xi32, #tpu.memory_space<vmem>>, vector<16xi32>,
        tpu.vector_store %arg5[%parallel_loop3A_364, %parallel_loop3A_365, %parallel_loop3A_366], %parallel_loop3A_362 {strides = array<i32>} : memref<4x125x64xi32, #tpu.memory_space<vmem>>, vector<16xi32>,
        %parallel_loop3A_368 = arith.constant 0 : i32
        %parallel_loop3A_369 = arith.index_cast %parallel_loop3A_368 : i32 to index
        %parallel_loop3A_370 = arith.index_cast %parallel_loop3A_350 : i32 to index
        %parallel_loop3A_371 = arith.constant 16 : index
        %parallel_loop3A_372 = tpu.vector_load %arg4[%parallel_loop3A_369, %parallel_loop3A_370, %parallel_loop3A_371] {strides = array<i32>} : memref<4x125x128xf32, #tpu.memory_space<vmem>>, vector<16xf32>,
        %parallel_loop3A_373 = arith.constant 0 : i32
        %parallel_loop3A_374 = arith.index_cast %parallel_loop3A_373 : i32 to index
        %parallel_loop3A_375 = arith.index_cast %parallel_loop3A_350 : i32 to index
        %parallel_loop3A_376 = arith.constant 80 : index
        %parallel_loop3A_377 = tpu.vector_load %arg4[%parallel_loop3A_374, %parallel_loop3A_375, %parallel_loop3A_376] {strides = array<i32>} : memref<4x125x128xf32, #tpu.memory_space<vmem>>, vector<16xf32>,
        %parallel_loop3A_378 = tpu.pack_subelements %parallel_loop3A_372, %parallel_loop3A_377 {pack_format = #tpu.pack_format<interleaved>, positions = array<i32: 0, 1>} : vector<16xf32>, vector<16xf32> -> vector<32xbf16>
        %parallel_loop3A_379 = vector.bitcast %parallel_loop3A_378 : vector<32xbf16> to vector<16xi32>
        %parallel_loop3A_380 = arith.constant 0 : i32
        %parallel_loop3A_381 = arith.index_cast %parallel_loop3A_380 : i32 to index
        %parallel_loop3A_382 = arith.index_cast %parallel_loop3A_350 : i32 to index
        %parallel_loop3A_383 = arith.constant 16 : index
        %parallel_loop3A_384 = tpu.vector_load %arg5[%parallel_loop3A_381, %parallel_loop3A_382, %parallel_loop3A_383] {strides = array<i32>} : memref<4x125x64xi32, #tpu.memory_space<vmem>>, vector<16xi32>,
        tpu.vector_store %arg5[%parallel_loop3A_381, %parallel_loop3A_382, %parallel_loop3A_383], %parallel_loop3A_379 {strides = array<i32>} : memref<4x125x64xi32, #tpu.memory_space<vmem>>, vector<16xi32>,
        %parallel_loop3A_385 = arith.constant 0 : i32
        %parallel_loop3A_386 = arith.index_cast %parallel_loop3A_385 : i32 to index
        %parallel_loop3A_387 = arith.index_cast %parallel_loop3A_350 : i32 to index
        %parallel_loop3A_388 = arith.constant 32 : index
        %parallel_loop3A_389 = tpu.vector_load %arg4[%parallel_loop3A_386, %parallel_loop3A_387, %parallel_loop3A_388] {strides = array<i32>} : memref<4x125x128xf32, #tpu.memory_space<vmem>>, vector<16xf32>,
        %parallel_loop3A_390 = arith.constant 0 : i32
        %parallel_loop3A_391 = arith.index_cast %parallel_loop3A_390 : i32 to index
        %parallel_loop3A_392 = arith.index_cast %parallel_loop3A_350 : i32 to index
        %parallel_loop3A_393 = arith.constant 96 : index
        %parallel_loop3A_394 = tpu.vector_load %arg4[%parallel_loop3A_391, %parallel_loop3A_392, %parallel_loop3A_393] {strides = array<i32>} : memref<4x125x128xf32, #tpu.memory_space<vmem>>, vector<16xf32>,
        %parallel_loop3A_395 = tpu.pack_subelements %parallel_loop3A_389, %parallel_loop3A_394 {pack_format = #tpu.pack_format<interleaved>, positions = array<i32: 0, 1>} : vector<16xf32>, vector<16xf32> -> vector<32xbf16>
        %parallel_loop3A_396 = vector.bitcast %parallel_loop3A_395 : vector<32xbf16> to vector<16xi32>
        %parallel_loop3A_397 = arith.constant 0 : i32
        %parallel_loop3A_398 = arith.index_cast %parallel_loop3A_397 : i32 to index
        %parallel_loop3A_399 = arith.index_cast %parallel_loop3A_350 : i32 to index
        %parallel_loop3A_400 = arith.constant 32 : index
        %parallel_loop3A_401 = tpu.vector_load %arg5[%parallel_loop3A_398, %parallel_loop3A_399, %parallel_loop3A_400] {strides = array<i32>} : memref<4x125x64xi32, #tpu.memory_space<vmem>>, vector<16xi32>,
        tpu.vector_store %arg5[%parallel_loop3A_398, %parallel_loop3A_399, %parallel_loop3A_400], %parallel_loop3A_396 {strides = array<i32>} : memref<4x125x64xi32, #tpu.memory_space<vmem>>, vector<16xi32>,
        %parallel_loop3A_402 = arith.constant 0 : i32
        %parallel_loop3A_403 = arith.index_cast %parallel_loop3A_402 : i32 to index
        %parallel_loop3A_404 = arith.index_cast %parallel_loop3A_350 : i32 to index
        %parallel_loop3A_405 = arith.constant 48 : index
        %parallel_loop3A_406 = tpu.vector_load %arg4[%parallel_loop3A_403, %parallel_loop3A_404, %parallel_loop3A_405] {strides = array<i32>} : memref<4x125x128xf32, #tpu.memory_space<vmem>>, vector<16xf32>,
        %parallel_loop3A_407 = arith.constant 0 : i32
        %parallel_loop3A_408 = arith.index_cast %parallel_loop3A_407 : i32 to index
        %parallel_loop3A_409 = arith.index_cast %parallel_loop3A_350 : i32 to index
        %parallel_loop3A_410 = arith.constant 112 : index
        %parallel_loop3A_411 = tpu.vector_load %arg4[%parallel_loop3A_408, %parallel_loop3A_409, %parallel_loop3A_410] {strides = array<i32>} : memref<4x125x128xf32, #tpu.memory_space<vmem>>, vector<16xf32>,
        %parallel_loop3A_412 = tpu.pack_subelements %parallel_loop3A_406, %parallel_loop3A_411 {pack_format = #tpu.pack_format<interleaved>, positions = array<i32: 0, 1>} : vector<16xf32>, vector<16xf32> -> vector<32xbf16>
        %parallel_loop3A_413 = vector.bitcast %parallel_loop3A_412 : vector<32xbf16> to vector<16xi32>
        %parallel_loop3A_414 = arith.constant 0 : i32
        %parallel_loop3A_415 = arith.index_cast %parallel_loop3A_414 : i32 to index
        %parallel_loop3A_416 = arith.index_cast %parallel_loop3A_350 : i32 to index
        %parallel_loop3A_417 = arith.constant 48 : index
        %parallel_loop3A_418 = tpu.vector_load %arg5[%parallel_loop3A_415, %parallel_loop3A_416, %parallel_loop3A_417] {strides = array<i32>} : memref<4x125x64xi32, #tpu.memory_space<vmem>>, vector<16xi32>,
        tpu.vector_store %arg5[%parallel_loop3A_415, %parallel_loop3A_416, %parallel_loop3A_417], %parallel_loop3A_413 {strides = array<i32>} : memref<4x125x64xi32, #tpu.memory_space<vmem>>, vector<16xi32>,
      } {sc.loop_unroll_factor = 10 : i64, sc.parallel_access}
      %mul3A_184 = arith.constant 125 : i32
      %mul3A_185 = arith.muli %add3A_165, %mul3A_184 : i32
      %add3A_186 = arith.addi %mul3A_2, %mul3A_185 : i32
      %dma_start3A_187 = arith.constant 0 : i32
      %dma_start3A_188 = arith.constant 0 : i32
      %dma_start3A_189 = arith.constant 0 : i32
      %dma_start3A_190 = tpu.memref_slice %arg5[%dma_start3A_187, %dma_start3A_188, %dma_start3A_189] : memref<4x125x64xi32, #tpu.memory_space<vmem>> -> memref<1x125x64xi32, #tpu.memory_space<vmem>>
      %dma_start3A_191 = tpu.memref_squeeze %dma_start3A_190 : memref<1x125x64xi32, #tpu.memory_space<vmem>> -> memref<125x64xi32, #tpu.memory_space<vmem>>
      %dma_start3A_192 = arith.constant 0 : i32
      %dma_start3A_193 = tpu.memref_slice %arg3[%add3A_186, %dma_start3A_192] : memref<100000x64xi32, #tpu.memory_space<hbm>> -> memref<125x64xi32, #tpu.memory_space<hbm>>
      %dma_start3A_194 = arith.constant 0 : i32
      %dma_start3A_195 = tpu.memref_slice %arg3[%add3A_186, %dma_start3A_194] : memref<100000x64xi32, #tpu.memory_space<hbm>> -> memref<125x64xi32, #tpu.memory_space<hbm>>
      %dma_start3A_196 = arith.constant 0 : i32
      %dma_start3A_197 = arith.constant 0 : i32
      %dma_start3A_198 = tpu.memref_slice %arg5[%dma_start3A_187, %dma_start3A_196, %dma_start3A_197] : memref<4x125x64xi32, #tpu.memory_space<vmem>> -> memref<1x125x64xi32, #tpu.memory_space<vmem>>
      %dma_start3A_199 = tpu.memref_squeeze %dma_start3A_198 : memref<1x125x64xi32, #tpu.memory_space<vmem>> -> memref<125x64xi32, #tpu.memory_space<vmem>>
      tpu.enqueue_dma source(%dma_start3A_199 : memref<125x64xi32, #tpu.memory_space<vmem>>) target(%dma_start3A_195 : memref<125x64xi32, #tpu.memory_space<hbm>>) target_semaphore(%arg10 : memref<!tpu.dma_semaphore, #tpu.memory_space<semaphore_mem>>)
      %add3A_200 = arith.constant 4 : i32
      %add3A_201 = arith.addi %add3A_165, %add3A_200 : i32
      %lt3A = arith.constant 25 : i32
      %lt3A_202 = arith.cmpi slt, %add3A_201, %lt3A : i32
      %convert_element_type3A_203 = arith.extui %lt3A_202 : i1 to i32
      %cond3A_204 = arith.constant 0 : i32
      %cond3A_205 = arith.cmpi ne, %convert_element_type3A_203, %cond3A_204 : i32
      scf.if %cond3A_205 {
        %add3A_350 = arith.constant 4 : i32
        %add3A_351 = arith.addi %add3A_165, %add3A_350 : i32
        %mul3A_352 = arith.constant 125 : i32
        %mul3A_353 = arith.muli %add3A_351, %mul3A_352 : i32
        %add3A_354 = arith.addi %mul3A_2, %mul3A_353 : i32
        %dma_start3A_355 = arith.constant 0 : i32
        %dma_start3A_356 = arith.constant 0 : i32
        %dma_start3A_357 = arith.constant 0 : i32
        %dma_start3A_358 = tpu.memref_slice %arg4[%dma_start3A_355, %dma_start3A_356, %dma_start3A_357] : memref<4x125x128xf32, #tpu.memory_space<vmem>> -> memref<1x125x128xf32, #tpu.memory_space<vmem>>
        %dma_start3A_359 = tpu.memref_squeeze %dma_start3A_358 : memref<1x125x128xf32, #tpu.memory_space<vmem>> -> memref<125x128xf32, #tpu.memory_space<vmem>>
        %dma_start3A_360 = arith.constant 0 : i32
        %dma_start3A_361 = tpu.memref_slice %arg2[%add3A_354, %dma_start3A_360] : memref<100000x128xf32, #tpu.memory_space<hbm>> -> memref<125x128xf32, #tpu.memory_space<hbm>>
        %dma_start3A_362 = arith.constant 0 : i32
        %dma_start3A_363 = arith.constant 0 : i32
        %dma_start3A_364 = tpu.memref_slice %arg4[%dma_start3A_355, %dma_start3A_362, %dma_start3A_363] : memref<4x125x128xf32, #tpu.memory_space<vmem>> -> memref<1x125x128xf32, #tpu.memory_space<vmem>>
        %dma_start3A_365 = tpu.memref_squeeze %dma_start3A_364 : memref<1x125x128xf32, #tpu.memory_space<vmem>> -> memref<125x128xf32, #tpu.memory_space<vmem>>
        %dma_start3A_366 = arith.constant 0 : i32
        %dma_start3A_367 = tpu.memref_slice %arg2[%add3A_354, %dma_start3A_366] : memref<100000x128xf32, #tpu.memory_space<hbm>> -> memref<125x128xf32, #tpu.memory_space<hbm>>
        tpu.enqueue_dma source(%dma_start3A_367 : memref<125x128xf32, #tpu.memory_space<hbm>>) target(%dma_start3A_365 : memref<125x128xf32, #tpu.memory_space<vmem>>) target_semaphore(%arg6 : memref<!tpu.dma_semaphore, #tpu.memory_space<semaphore_mem>>)
      } else {
      }
      %mul3A_206 = arith.constant 4 : i32
      %mul3A_207 = arith.muli %scan3A_161, %mul3A_206 : i32
      %add3A_208 = arith.constant 1 : i32
      %add3A_209 = arith.addi %mul3A_207, %add3A_208 : i32
      %dma_wait3A_210 = arith.constant 1 : i32
      %dma_wait3A_211 = arith.constant 0 : i32
      %dma_wait3A_212 = arith.constant 0 : i32
      %dma_wait3A_213 = tpu.memref_slice %arg4[%dma_wait3A_210, %dma_wait3A_211, %dma_wait3A_212] : memref<4x125x128xf32, #tpu.memory_space<vmem>> -> memref<1x125x128xf32, #tpu.memory_space<vmem>>
      %dma_wait3A_214 = tpu.memref_squeeze %dma_wait3A_213 : memref<1x125x128xf32, #tpu.memory_space<vmem>> -> memref<125x128xf32, #tpu.memory_space<vmem>>
      %dma_wait3A_215 = arith.constant 0 : i32
      %dma_wait3A_216 = tpu.memref_slice %arg2[%mul3A_2, %dma_wait3A_215] : memref<100000x128xf32, #tpu.memory_space<hbm>> -> memref<125x128xf32, #tpu.memory_space<hbm>>
      %dma_wait3A_217 = arith.constant 0 : i32
      %dma_wait3A_218 = arith.constant 0 : i32
      %dma_wait3A_219 = tpu.memref_slice %arg4[%dma_wait3A_210, %dma_wait3A_217, %dma_wait3A_218] : memref<4x125x128xf32, #tpu.memory_space<vmem>> -> memref<1x125x128xf32, #tpu.memory_space<vmem>>
      %dma_wait3A_220 = tpu.memref_squeeze %dma_wait3A_219 : memref<1x125x128xf32, #tpu.memory_space<vmem>> -> memref<125x128xf32, #tpu.memory_space<vmem>>
      %dma_wait3A_221 = arith.constant 0 : i32
      %dma_wait3A_222 = tpu.memref_slice %arg2[%mul3A_2, %dma_wait3A_221] : memref<100000x128xf32, #tpu.memory_space<hbm>> -> memref<125x128xf32, #tpu.memory_space<hbm>>
      tpu.wait_dma2 semaphore(%arg7 : memref<!tpu.dma_semaphore, #tpu.memory_space<semaphore_mem>>) src(%dma_wait3A_222 : memref<125x128xf32, #tpu.memory_space<hbm>>) dst(%dma_wait3A_220 : memref<125x128xf32, #tpu.memory_space<vmem>>)
      %ge3A_223 = arith.constant 1 : i32
      %ge3A_224 = arith.cmpi sge, %scan3A_161, %ge3A_223 : i32
      %convert_element_type3A_225 = arith.extui %ge3A_224 : i1 to i32
      %cond3A_226 = arith.constant 0 : i32
      %cond3A_227 = arith.cmpi ne, %convert_element_type3A_225, %cond3A_226 : i32
      scf.if %cond3A_227 {
        %dma_wait3A_350 = arith.constant 1 : i32
        %dma_wait3A_351 = arith.constant 0 : i32
        %dma_wait3A_352 = arith.constant 0 : i32
        %dma_wait3A_353 = tpu.memref_slice %arg5[%dma_wait3A_350, %dma_wait3A_351, %dma_wait3A_352] : memref<4x125x64xi32, #tpu.memory_space<vmem>> -> memref<1x125x64xi32, #tpu.memory_space<vmem>>
        %dma_wait3A_354 = tpu.memref_squeeze %dma_wait3A_353 : memref<1x125x64xi32, #tpu.memory_space<vmem>> -> memref<125x64xi32, #tpu.memory_space<vmem>>
        %dma_wait3A_355 = arith.constant 0 : i32
        %dma_wait3A_356 = tpu.memref_slice %arg3[%mul3A_2, %dma_wait3A_355] : memref<100000x64xi32, #tpu.memory_space<hbm>> -> memref<125x64xi32, #tpu.memory_space<hbm>>
        %dma_wait3A_357 = arith.constant 0 : i32
        %dma_wait3A_358 = tpu.memref_slice %arg3[%mul3A_2, %dma_wait3A_357] : memref<100000x64xi32, #tpu.memory_space<hbm>> -> memref<125x64xi32, #tpu.memory_space<hbm>>
        %dma_wait3A_359 = arith.constant 0 : i32
        %dma_wait3A_360 = arith.constant 0 : i32
        %dma_wait3A_361 = tpu.memref_slice %arg5[%dma_wait3A_350, %dma_wait3A_359, %dma_wait3A_360] : memref<4x125x64xi32, #tpu.memory_space<vmem>> -> memref<1x125x64xi32, #tpu.memory_space<vmem>>
        %dma_wait3A_362 = tpu.memref_squeeze %dma_wait3A_361 : memref<1x125x64xi32, #tpu.memory_space<vmem>> -> memref<125x64xi32, #tpu.memory_space<vmem>>
        tpu.wait_dma2 semaphore(%arg11 : memref<!tpu.dma_semaphore, #tpu.memory_space<semaphore_mem>>) src(%dma_wait3A_362 : memref<125x64xi32, #tpu.memory_space<vmem>>) dst(%dma_wait3A_358 : memref<125x64xi32, #tpu.memory_space<hbm>>)
      } else {
      }
      %parallel_loop3A_228 = arith.constant 0 : i32
      %parallel_loop3A_229 = arith.constant 125 : i32
      %parallel_loop3A_230 = arith.constant 1 : i32
      scf.for %parallel_loop3A_350 = %parallel_loop3A_228 to %parallel_loop3A_229 step %parallel_loop3A_230  : i32 {
        %parallel_loop3A_351 = arith.constant 1 : i32
        %parallel_loop3A_352 = arith.index_cast %parallel_loop3A_351 : i32 to index
        %parallel_loop3A_353 = arith.index_cast %parallel_loop3A_350 : i32 to index
        %parallel_loop3A_354 = arith.constant 0 : index
        %parallel_loop3A_355 = tpu.vector_load %arg4[%parallel_loop3A_352, %parallel_loop3A_353, %parallel_loop3A_354] {strides = array<i32>} : memref<4x125x128xf32, #tpu.memory_space<vmem>>, vector<16xf32>,
        %parallel_loop3A_356 = arith.constant 1 : i32
        %parallel_loop3A_357 = arith.index_cast %parallel_loop3A_356 : i32 to index
        %parallel_loop3A_358 = arith.index_cast %parallel_loop3A_350 : i32 to index
        %parallel_loop3A_359 = arith.constant 64 : index
        %parallel_loop3A_360 = tpu.vector_load %arg4[%parallel_loop3A_357, %parallel_loop3A_358, %parallel_loop3A_359] {strides = array<i32>} : memref<4x125x128xf32, #tpu.memory_space<vmem>>, vector<16xf32>,
        %parallel_loop3A_361 = tpu.pack_subelements %parallel_loop3A_355, %parallel_loop3A_360 {pack_format = #tpu.pack_format<interleaved>, positions = array<i32: 0, 1>} : vector<16xf32>, vector<16xf32> -> vector<32xbf16>
        %parallel_loop3A_362 = vector.bitcast %parallel_loop3A_361 : vector<32xbf16> to vector<16xi32>
        %parallel_loop3A_363 = arith.constant 1 : i32
        %parallel_loop3A_364 = arith.index_cast %parallel_loop3A_363 : i32 to index
        %parallel_loop3A_365 = arith.index_cast %parallel_loop3A_350 : i32 to index
        %parallel_loop3A_366 = arith.constant 0 : index
        %parallel_loop3A_367 = tpu.vector_load %arg5[%parallel_loop3A_364, %parallel_loop3A_365, %parallel_loop3A_366] {strides = array<i32>} : memref<4x125x64xi32, #tpu.memory_space<vmem>>, vector<16xi32>,
        tpu.vector_store %arg5[%parallel_loop3A_364, %parallel_loop3A_365, %parallel_loop3A_366], %parallel_loop3A_362 {strides = array<i32>} : memref<4x125x64xi32, #tpu.memory_space<vmem>>, vector<16xi32>,
        %parallel_loop3A_368 = arith.constant 1 : i32
        %parallel_loop3A_369 = arith.index_cast %parallel_loop3A_368 : i32 to index
        %parallel_loop3A_370 = arith.index_cast %parallel_loop3A_350 : i32 to index
        %parallel_loop3A_371 = arith.constant 16 : index
        %parallel_loop3A_372 = tpu.vector_load %arg4[%parallel_loop3A_369, %parallel_loop3A_370, %parallel_loop3A_371] {strides = array<i32>} : memref<4x125x128xf32, #tpu.memory_space<vmem>>, vector<16xf32>,
        %parallel_loop3A_373 = arith.constant 1 : i32
        %parallel_loop3A_374 = arith.index_cast %parallel_loop3A_373 : i32 to index
        %parallel_loop3A_375 = arith.index_cast %parallel_loop3A_350 : i32 to index
        %parallel_loop3A_376 = arith.constant 80 : index
        %parallel_loop3A_377 = tpu.vector_load %arg4[%parallel_loop3A_374, %parallel_loop3A_375, %parallel_loop3A_376] {strides = array<i32>} : memref<4x125x128xf32, #tpu.memory_space<vmem>>, vector<16xf32>,
        %parallel_loop3A_378 = tpu.pack_subelements %parallel_loop3A_372, %parallel_loop3A_377 {pack_format = #tpu.pack_format<interleaved>, positions = array<i32: 0, 1>} : vector<16xf32>, vector<16xf32> -> vector<32xbf16>
        %parallel_loop3A_379 = vector.bitcast %parallel_loop3A_378 : vector<32xbf16> to vector<16xi32>
        %parallel_loop3A_380 = arith.constant 1 : i32
        %parallel_loop3A_381 = arith.index_cast %parallel_loop3A_380 : i32 to index
        %parallel_loop3A_382 = arith.index_cast %parallel_loop3A_350 : i32 to index
        %parallel_loop3A_383 = arith.constant 16 : index
        %parallel_loop3A_384 = tpu.vector_load %arg5[%parallel_loop3A_381, %parallel_loop3A_382, %parallel_loop3A_383] {strides = array<i32>} : memref<4x125x64xi32, #tpu.memory_space<vmem>>, vector<16xi32>,
        tpu.vector_store %arg5[%parallel_loop3A_381, %parallel_loop3A_382, %parallel_loop3A_383], %parallel_loop3A_379 {strides = array<i32>} : memref<4x125x64xi32, #tpu.memory_space<vmem>>, vector<16xi32>,
        %parallel_loop3A_385 = arith.constant 1 : i32
        %parallel_loop3A_386 = arith.index_cast %parallel_loop3A_385 : i32 to index
        %parallel_loop3A_387 = arith.index_cast %parallel_loop3A_350 : i32 to index
        %parallel_loop3A_388 = arith.constant 32 : index
        %parallel_loop3A_389 = tpu.vector_load %arg4[%parallel_loop3A_386, %parallel_loop3A_387, %parallel_loop3A_388] {strides = array<i32>} : memref<4x125x128xf32, #tpu.memory_space<vmem>>, vector<16xf32>,
        %parallel_loop3A_390 = arith.constant 1 : i32
        %parallel_loop3A_391 = arith.index_cast %parallel_loop3A_390 : i32 to index
        %parallel_loop3A_392 = arith.index_cast %parallel_loop3A_350 : i32 to index
        %parallel_loop3A_393 = arith.constant 96 : index
        %parallel_loop3A_394 = tpu.vector_load %arg4[%parallel_loop3A_391, %parallel_loop3A_392, %parallel_loop3A_393] {strides = array<i32>} : memref<4x125x128xf32, #tpu.memory_space<vmem>>, vector<16xf32>,
        %parallel_loop3A_395 = tpu.pack_subelements %parallel_loop3A_389, %parallel_loop3A_394 {pack_format = #tpu.pack_format<interleaved>, positions = array<i32: 0, 1>} : vector<16xf32>, vector<16xf32> -> vector<32xbf16>
        %parallel_loop3A_396 = vector.bitcast %parallel_loop3A_395 : vector<32xbf16> to vector<16xi32>
        %parallel_loop3A_397 = arith.constant 1 : i32
        %parallel_loop3A_398 = arith.index_cast %parallel_loop3A_397 : i32 to index
        %parallel_loop3A_399 = arith.index_cast %parallel_loop3A_350 : i32 to index
        %parallel_loop3A_400 = arith.constant 32 : index
        %parallel_loop3A_401 = tpu.vector_load %arg5[%parallel_loop3A_398, %parallel_loop3A_399, %parallel_loop3A_400] {strides = array<i32>} : memref<4x125x64xi32, #tpu.memory_space<vmem>>, vector<16xi32>,
        tpu.vector_store %arg5[%parallel_loop3A_398, %parallel_loop3A_399, %parallel_loop3A_400], %parallel_loop3A_396 {strides = array<i32>} : memref<4x125x64xi32, #tpu.memory_space<vmem>>, vector<16xi32>,
        %parallel_loop3A_402 = arith.constant 1 : i32
        %parallel_loop3A_403 = arith.index_cast %parallel_loop3A_402 : i32 to index
        %parallel_loop3A_404 = arith.index_cast %parallel_loop3A_350 : i32 to index
        %parallel_loop3A_405 = arith.constant 48 : index
        %parallel_loop3A_406 = tpu.vector_load %arg4[%parallel_loop3A_403, %parallel_loop3A_404, %parallel_loop3A_405] {strides = array<i32>} : memref<4x125x128xf32, #tpu.memory_space<vmem>>, vector<16xf32>,
        %parallel_loop3A_407 = arith.constant 1 : i32
        %parallel_loop3A_408 = arith.index_cast %parallel_loop3A_407 : i32 to index
        %parallel_loop3A_409 = arith.index_cast %parallel_loop3A_350 : i32 to index
        %parallel_loop3A_410 = arith.constant 112 : index
        %parallel_loop3A_411 = tpu.vector_load %arg4[%parallel_loop3A_408, %parallel_loop3A_409, %parallel_loop3A_410] {strides = array<i32>} : memref<4x125x128xf32, #tpu.memory_space<vmem>>, vector<16xf32>,
        %parallel_loop3A_412 = tpu.pack_subelements %parallel_loop3A_406, %parallel_loop3A_411 {pack_format = #tpu.pack_format<interleaved>, positions = array<i32: 0, 1>} : vector<16xf32>, vector<16xf32> -> vector<32xbf16>
        %parallel_loop3A_413 = vector.bitcast %parallel_loop3A_412 : vector<32xbf16> to vector<16xi32>
        %parallel_loop3A_414 = arith.constant 1 : i32
        %parallel_loop3A_415 = arith.index_cast %parallel_loop3A_414 : i32 to index
        %parallel_loop3A_416 = arith.index_cast %parallel_loop3A_350 : i32 to index
        %parallel_loop3A_417 = arith.constant 48 : index
        %parallel_loop3A_418 = tpu.vector_load %arg5[%parallel_loop3A_415, %parallel_loop3A_416, %parallel_loop3A_417] {strides = array<i32>} : memref<4x125x64xi32, #tpu.memory_space<vmem>>, vector<16xi32>,
        tpu.vector_store %arg5[%parallel_loop3A_415, %parallel_loop3A_416, %parallel_loop3A_417], %parallel_loop3A_413 {strides = array<i32>} : memref<4x125x64xi32, #tpu.memory_space<vmem>>, vector<16xi32>,
      } {sc.loop_unroll_factor = 10 : i64, sc.parallel_access}
      %mul3A_231 = arith.constant 125 : i32
      %mul3A_232 = arith.muli %add3A_209, %mul3A_231 : i32
      %add3A_233 = arith.addi %mul3A_2, %mul3A_232 : i32
      %dma_start3A_234 = arith.constant 1 : i32
      %dma_start3A_235 = arith.constant 0 : i32
      %dma_start3A_236 = arith.constant 0 : i32
      %dma_start3A_237 = tpu.memref_slice %arg5[%dma_start3A_234, %dma_start3A_235, %dma_start3A_236] : memref<4x125x64xi32, #tpu.memory_space<vmem>> -> memref<1x125x64xi32, #tpu.memory_space<vmem>>
      %dma_start3A_238 = tpu.memref_squeeze %dma_start3A_237 : memref<1x125x64xi32, #tpu.memory_space<vmem>> -> memref<125x64xi32, #tpu.memory_space<vmem>>
      %dma_start3A_239 = arith.constant 0 : i32
      %dma_start3A_240 = tpu.memref_slice %arg3[%add3A_233, %dma_start3A_239] : memref<100000x64xi32, #tpu.memory_space<hbm>> -> memref<125x64xi32, #tpu.memory_space<hbm>>
      %dma_start3A_241 = arith.constant 0 : i32
      %dma_start3A_242 = tpu.memref_slice %arg3[%add3A_233, %dma_start3A_241] : memref<100000x64xi32, #tpu.memory_space<hbm>> -> memref<125x64xi32, #tpu.memory_space<hbm>>
      %dma_start3A_243 = arith.constant 0 : i32
      %dma_start3A_244 = arith.constant 0 : i32
      %dma_start3A_245 = tpu.memref_slice %arg5[%dma_start3A_234, %dma_start3A_243, %dma_start3A_244] : memref<4x125x64xi32, #tpu.memory_space<vmem>> -> memref<1x125x64xi32, #tpu.memory_space<vmem>>
      %dma_start3A_246 = tpu.memref_squeeze %dma_start3A_245 : memref<1x125x64xi32, #tpu.memory_space<vmem>> -> memref<125x64xi32, #tpu.memory_space<vmem>>
      tpu.enqueue_dma source(%dma_start3A_246 : memref<125x64xi32, #tpu.memory_space<vmem>>) target(%dma_start3A_242 : memref<125x64xi32, #tpu.memory_space<hbm>>) target_semaphore(%arg11 : memref<!tpu.dma_semaphore, #tpu.memory_space<semaphore_mem>>)
      %add3A_247 = arith.constant 4 : i32
      %add3A_248 = arith.addi %add3A_209, %add3A_247 : i32
      %lt3A_249 = arith.constant 25 : i32
      %lt3A_250 = arith.cmpi slt, %add3A_248, %lt3A_249 : i32
      %convert_element_type3A_251 = arith.extui %lt3A_250 : i1 to i32
      %cond3A_252 = arith.constant 0 : i32
      %cond3A_253 = arith.cmpi ne, %convert_element_type3A_251, %cond3A_252 : i32
      scf.if %cond3A_253 {
        %add3A_350 = arith.constant 4 : i32
        %add3A_351 = arith.addi %add3A_209, %add3A_350 : i32
        %mul3A_352 = arith.constant 125 : i32
        %mul3A_353 = arith.muli %add3A_351, %mul3A_352 : i32
        %add3A_354 = arith.addi %mul3A_2, %mul3A_353 : i32
        %dma_start3A_355 = arith.constant 1 : i32
        %dma_start3A_356 = arith.constant 0 : i32
        %dma_start3A_357 = arith.constant 0 : i32
        %dma_start3A_358 = tpu.memref_slice %arg4[%dma_start3A_355, %dma_start3A_356, %dma_start3A_357] : memref<4x125x128xf32, #tpu.memory_space<vmem>> -> memref<1x125x128xf32, #tpu.memory_space<vmem>>
        %dma_start3A_359 = tpu.memref_squeeze %dma_start3A_358 : memref<1x125x128xf32, #tpu.memory_space<vmem>> -> memref<125x128xf32, #tpu.memory_space<vmem>>
        %dma_start3A_360 = arith.constant 0 : i32
        %dma_start3A_361 = tpu.memref_slice %arg2[%add3A_354, %dma_start3A_360] : memref<100000x128xf32, #tpu.memory_space<hbm>> -> memref<125x128xf32, #tpu.memory_space<hbm>>
        %dma_start3A_362 = arith.constant 0 : i32
        %dma_start3A_363 = arith.constant 0 : i32
        %dma_start3A_364 = tpu.memref_slice %arg4[%dma_start3A_355, %dma_start3A_362, %dma_start3A_363] : memref<4x125x128xf32, #tpu.memory_space<vmem>> -> memref<1x125x128xf32, #tpu.memory_space<vmem>>
        %dma_start3A_365 = tpu.memref_squeeze %dma_start3A_364 : memref<1x125x128xf32, #tpu.memory_space<vmem>> -> memref<125x128xf32, #tpu.memory_space<vmem>>
        %dma_start3A_366 = arith.constant 0 : i32
        %dma_start3A_367 = tpu.memref_slice %arg2[%add3A_354, %dma_start3A_366] : memref<100000x128xf32, #tpu.memory_space<hbm>> -> memref<125x128xf32, #tpu.memory_space<hbm>>
        tpu.enqueue_dma source(%dma_start3A_367 : memref<125x128xf32, #tpu.memory_space<hbm>>) target(%dma_start3A_365 : memref<125x128xf32, #tpu.memory_space<vmem>>) target_semaphore(%arg7 : memref<!tpu.dma_semaphore, #tpu.memory_space<semaphore_mem>>)
      } else {
      }
      %mul3A_254 = arith.constant 4 : i32
      %mul3A_255 = arith.muli %scan3A_161, %mul3A_254 : i32
      %add3A_256 = arith.constant 2 : i32
      %add3A_257 = arith.addi %mul3A_255, %add3A_256 : i32
      %dma_wait3A_258 = arith.constant 2 : i32
      %dma_wait3A_259 = arith.constant 0 : i32
      %dma_wait3A_260 = arith.constant 0 : i32
      %dma_wait3A_261 = tpu.memref_slice %arg4[%dma_wait3A_258, %dma_wait3A_259, %dma_wait3A_260] : memref<4x125x128xf32, #tpu.memory_space<vmem>> -> memref<1x125x128xf32, #tpu.memory_space<vmem>>
      %dma_wait3A_262 = tpu.memref_squeeze %dma_wait3A_261 : memref<1x125x128xf32, #tpu.memory_space<vmem>> -> memref<125x128xf32, #tpu.memory_space<vmem>>
      %dma_wait3A_263 = arith.constant 0 : i32
      %dma_wait3A_264 = tpu.memref_slice %arg2[%mul3A_2, %dma_wait3A_263] : memref<100000x128xf32, #tpu.memory_space<hbm>> -> memref<125x128xf32, #tpu.memory_space<hbm>>
      %dma_wait3A_265 = arith.constant 0 : i32
      %dma_wait3A_266 = arith.constant 0 : i32
      %dma_wait3A_267 = tpu.memref_slice %arg4[%dma_wait3A_258, %dma_wait3A_265, %dma_wait3A_266] : memref<4x125x128xf32, #tpu.memory_space<vmem>> -> memref<1x125x128xf32, #tpu.memory_space<vmem>>
      %dma_wait3A_268 = tpu.memref_squeeze %dma_wait3A_267 : memref<1x125x128xf32, #tpu.memory_space<vmem>> -> memref<125x128xf32, #tpu.memory_space<vmem>>
      %dma_wait3A_269 = arith.constant 0 : i32
      %dma_wait3A_270 = tpu.memref_slice %arg2[%mul3A_2, %dma_wait3A_269] : memref<100000x128xf32, #tpu.memory_space<hbm>> -> memref<125x128xf32, #tpu.memory_space<hbm>>
      tpu.wait_dma2 semaphore(%arg8 : memref<!tpu.dma_semaphore, #tpu.memory_space<semaphore_mem>>) src(%dma_wait3A_270 : memref<125x128xf32, #tpu.memory_space<hbm>>) dst(%dma_wait3A_268 : memref<125x128xf32, #tpu.memory_space<vmem>>)
      %ge3A_271 = arith.constant 1 : i32
      %ge3A_272 = arith.cmpi sge, %scan3A_161, %ge3A_271 : i32
      %convert_element_type3A_273 = arith.extui %ge3A_272 : i1 to i32
      %cond3A_274 = arith.constant 0 : i32
      %cond3A_275 = arith.cmpi ne, %convert_element_type3A_273, %cond3A_274 : i32
      scf.if %cond3A_275 {
        %dma_wait3A_350 = arith.constant 2 : i32
        %dma_wait3A_351 = arith.constant 0 : i32
        %dma_wait3A_352 = arith.constant 0 : i32
        %dma_wait3A_353 = tpu.memref_slice %arg5[%dma_wait3A_350, %dma_wait3A_351, %dma_wait3A_352] : memref<4x125x64xi32, #tpu.memory_space<vmem>> -> memref<1x125x64xi32, #tpu.memory_space<vmem>>
        %dma_wait3A_354 = tpu.memref_squeeze %dma_wait3A_353 : memref<1x125x64xi32, #tpu.memory_space<vmem>> -> memref<125x64xi32, #tpu.memory_space<vmem>>
        %dma_wait3A_355 = arith.constant 0 : i32
        %dma_wait3A_356 = tpu.memref_slice %arg3[%mul3A_2, %dma_wait3A_355] : memref<100000x64xi32, #tpu.memory_space<hbm>> -> memref<125x64xi32, #tpu.memory_space<hbm>>
        %dma_wait3A_357 = arith.constant 0 : i32
        %dma_wait3A_358 = tpu.memref_slice %arg3[%mul3A_2, %dma_wait3A_357] : memref<100000x64xi32, #tpu.memory_space<hbm>> -> memref<125x64xi32, #tpu.memory_space<hbm>>
        %dma_wait3A_359 = arith.constant 0 : i32
        %dma_wait3A_360 = arith.constant 0 : i32
        %dma_wait3A_361 = tpu.memref_slice %arg5[%dma_wait3A_350, %dma_wait3A_359, %dma_wait3A_360] : memref<4x125x64xi32, #tpu.memory_space<vmem>> -> memref<1x125x64xi32, #tpu.memory_space<vmem>>
        %dma_wait3A_362 = tpu.memref_squeeze %dma_wait3A_361 : memref<1x125x64xi32, #tpu.memory_space<vmem>> -> memref<125x64xi32, #tpu.memory_space<vmem>>
        tpu.wait_dma2 semaphore(%arg12 : memref<!tpu.dma_semaphore, #tpu.memory_space<semaphore_mem>>) src(%dma_wait3A_362 : memref<125x64xi32, #tpu.memory_space<vmem>>) dst(%dma_wait3A_358 : memref<125x64xi32, #tpu.memory_space<hbm>>)
      } else {
      }
      %parallel_loop3A_276 = arith.constant 0 : i32
      %parallel_loop3A_277 = arith.constant 125 : i32
      %parallel_loop3A_278 = arith.constant 1 : i32
      scf.for %parallel_loop3A_350 = %parallel_loop3A_276 to %parallel_loop3A_277 step %parallel_loop3A_278  : i32 {
        %parallel_loop3A_351 = arith.constant 2 : i32
        %parallel_loop3A_352 = arith.index_cast %parallel_loop3A_351 : i32 to index
        %parallel_loop3A_353 = arith.index_cast %parallel_loop3A_350 : i32 to index
        %parallel_loop3A_354 = arith.constant 0 : index
        %parallel_loop3A_355 = tpu.vector_load %arg4[%parallel_loop3A_352, %parallel_loop3A_353, %parallel_loop3A_354] {strides = array<i32>} : memref<4x125x128xf32, #tpu.memory_space<vmem>>, vector<16xf32>,
        %parallel_loop3A_356 = arith.constant 2 : i32
        %parallel_loop3A_357 = arith.index_cast %parallel_loop3A_356 : i32 to index
        %parallel_loop3A_358 = arith.index_cast %parallel_loop3A_350 : i32 to index
        %parallel_loop3A_359 = arith.constant 64 : index
        %parallel_loop3A_360 = tpu.vector_load %arg4[%parallel_loop3A_357, %parallel_loop3A_358, %parallel_loop3A_359] {strides = array<i32>} : memref<4x125x128xf32, #tpu.memory_space<vmem>>, vector<16xf32>,
        %parallel_loop3A_361 = tpu.pack_subelements %parallel_loop3A_355, %parallel_loop3A_360 {pack_format = #tpu.pack_format<interleaved>, positions = array<i32: 0, 1>} : vector<16xf32>, vector<16xf32> -> vector<32xbf16>
        %parallel_loop3A_362 = vector.bitcast %parallel_loop3A_361 : vector<32xbf16> to vector<16xi32>
        %parallel_loop3A_363 = arith.constant 2 : i32
        %parallel_loop3A_364 = arith.index_cast %parallel_loop3A_363 : i32 to index
        %parallel_loop3A_365 = arith.index_cast %parallel_loop3A_350 : i32 to index
        %parallel_loop3A_366 = arith.constant 0 : index
        %parallel_loop3A_367 = tpu.vector_load %arg5[%parallel_loop3A_364, %parallel_loop3A_365, %parallel_loop3A_366] {strides = array<i32>} : memref<4x125x64xi32, #tpu.memory_space<vmem>>, vector<16xi32>,
        tpu.vector_store %arg5[%parallel_loop3A_364, %parallel_loop3A_365, %parallel_loop3A_366], %parallel_loop3A_362 {strides = array<i32>} : memref<4x125x64xi32, #tpu.memory_space<vmem>>, vector<16xi32>,
        %parallel_loop3A_368 = arith.constant 2 : i32
        %parallel_loop3A_369 = arith.index_cast %parallel_loop3A_368 : i32 to index
        %parallel_loop3A_370 = arith.index_cast %parallel_loop3A_350 : i32 to index
        %parallel_loop3A_371 = arith.constant 16 : index
        %parallel_loop3A_372 = tpu.vector_load %arg4[%parallel_loop3A_369, %parallel_loop3A_370, %parallel_loop3A_371] {strides = array<i32>} : memref<4x125x128xf32, #tpu.memory_space<vmem>>, vector<16xf32>,
        %parallel_loop3A_373 = arith.constant 2 : i32
        %parallel_loop3A_374 = arith.index_cast %parallel_loop3A_373 : i32 to index
        %parallel_loop3A_375 = arith.index_cast %parallel_loop3A_350 : i32 to index
        %parallel_loop3A_376 = arith.constant 80 : index
        %parallel_loop3A_377 = tpu.vector_load %arg4[%parallel_loop3A_374, %parallel_loop3A_375, %parallel_loop3A_376] {strides = array<i32>} : memref<4x125x128xf32, #tpu.memory_space<vmem>>, vector<16xf32>,
        %parallel_loop3A_378 = tpu.pack_subelements %parallel_loop3A_372, %parallel_loop3A_377 {pack_format = #tpu.pack_format<interleaved>, positions = array<i32: 0, 1>} : vector<16xf32>, vector<16xf32> -> vector<32xbf16>
        %parallel_loop3A_379 = vector.bitcast %parallel_loop3A_378 : vector<32xbf16> to vector<16xi32>
        %parallel_loop3A_380 = arith.constant 2 : i32
        %parallel_loop3A_381 = arith.index_cast %parallel_loop3A_380 : i32 to index
        %parallel_loop3A_382 = arith.index_cast %parallel_loop3A_350 : i32 to index
        %parallel_loop3A_383 = arith.constant 16 : index
        %parallel_loop3A_384 = tpu.vector_load %arg5[%parallel_loop3A_381, %parallel_loop3A_382, %parallel_loop3A_383] {strides = array<i32>} : memref<4x125x64xi32, #tpu.memory_space<vmem>>, vector<16xi32>,
        tpu.vector_store %arg5[%parallel_loop3A_381, %parallel_loop3A_382, %parallel_loop3A_383], %parallel_loop3A_379 {strides = array<i32>} : memref<4x125x64xi32, #tpu.memory_space<vmem>>, vector<16xi32>,
        %parallel_loop3A_385 = arith.constant 2 : i32
        %parallel_loop3A_386 = arith.index_cast %parallel_loop3A_385 : i32 to index
        %parallel_loop3A_387 = arith.index_cast %parallel_loop3A_350 : i32 to index
        %parallel_loop3A_388 = arith.constant 32 : index
        %parallel_loop3A_389 = tpu.vector_load %arg4[%parallel_loop3A_386, %parallel_loop3A_387, %parallel_loop3A_388] {strides = array<i32>} : memref<4x125x128xf32, #tpu.memory_space<vmem>>, vector<16xf32>,
        %parallel_loop3A_390 = arith.constant 2 : i32
        %parallel_loop3A_391 = arith.index_cast %parallel_loop3A_390 : i32 to index
        %parallel_loop3A_392 = arith.index_cast %parallel_loop3A_350 : i32 to index
        %parallel_loop3A_393 = arith.constant 96 : index
        %parallel_loop3A_394 = tpu.vector_load %arg4[%parallel_loop3A_391, %parallel_loop3A_392, %parallel_loop3A_393] {strides = array<i32>} : memref<4x125x128xf32, #tpu.memory_space<vmem>>, vector<16xf32>,
        %parallel_loop3A_395 = tpu.pack_subelements %parallel_loop3A_389, %parallel_loop3A_394 {pack_format = #tpu.pack_format<interleaved>, positions = array<i32: 0, 1>} : vector<16xf32>, vector<16xf32> -> vector<32xbf16>
        %parallel_loop3A_396 = vector.bitcast %parallel_loop3A_395 : vector<32xbf16> to vector<16xi32>
        %parallel_loop3A_397 = arith.constant 2 : i32
        %parallel_loop3A_398 = arith.index_cast %parallel_loop3A_397 : i32 to index
        %parallel_loop3A_399 = arith.index_cast %parallel_loop3A_350 : i32 to index
        %parallel_loop3A_400 = arith.constant 32 : index
        %parallel_loop3A_401 = tpu.vector_load %arg5[%parallel_loop3A_398, %parallel_loop3A_399, %parallel_loop3A_400] {strides = array<i32>} : memref<4x125x64xi32, #tpu.memory_space<vmem>>, vector<16xi32>,
        tpu.vector_store %arg5[%parallel_loop3A_398, %parallel_loop3A_399, %parallel_loop3A_400], %parallel_loop3A_396 {strides = array<i32>} : memref<4x125x64xi32, #tpu.memory_space<vmem>>, vector<16xi32>,
        %parallel_loop3A_402 = arith.constant 2 : i32
        %parallel_loop3A_403 = arith.index_cast %parallel_loop3A_402 : i32 to index
        %parallel_loop3A_404 = arith.index_cast %parallel_loop3A_350 : i32 to index
        %parallel_loop3A_405 = arith.constant 48 : index
        %parallel_loop3A_406 = tpu.vector_load %arg4[%parallel_loop3A_403, %parallel_loop3A_404, %parallel_loop3A_405] {strides = array<i32>} : memref<4x125x128xf32, #tpu.memory_space<vmem>>, vector<16xf32>,
        %parallel_loop3A_407 = arith.constant 2 : i32
        %parallel_loop3A_408 = arith.index_cast %parallel_loop3A_407 : i32 to index
        %parallel_loop3A_409 = arith.index_cast %parallel_loop3A_350 : i32 to index
        %parallel_loop3A_410 = arith.constant 112 : index
        %parallel_loop3A_411 = tpu.vector_load %arg4[%parallel_loop3A_408, %parallel_loop3A_409, %parallel_loop3A_410] {strides = array<i32>} : memref<4x125x128xf32, #tpu.memory_space<vmem>>, vector<16xf32>,
        %parallel_loop3A_412 = tpu.pack_subelements %parallel_loop3A_406, %parallel_loop3A_411 {pack_format = #tpu.pack_format<interleaved>, positions = array<i32: 0, 1>} : vector<16xf32>, vector<16xf32> -> vector<32xbf16>
        %parallel_loop3A_413 = vector.bitcast %parallel_loop3A_412 : vector<32xbf16> to vector<16xi32>
        %parallel_loop3A_414 = arith.constant 2 : i32
        %parallel_loop3A_415 = arith.index_cast %parallel_loop3A_414 : i32 to index
        %parallel_loop3A_416 = arith.index_cast %parallel_loop3A_350 : i32 to index
        %parallel_loop3A_417 = arith.constant 48 : index
        %parallel_loop3A_418 = tpu.vector_load %arg5[%parallel_loop3A_415, %parallel_loop3A_416, %parallel_loop3A_417] {strides = array<i32>} : memref<4x125x64xi32, #tpu.memory_space<vmem>>, vector<16xi32>,
        tpu.vector_store %arg5[%parallel_loop3A_415, %parallel_loop3A_416, %parallel_loop3A_417], %parallel_loop3A_413 {strides = array<i32>} : memref<4x125x64xi32, #tpu.memory_space<vmem>>, vector<16xi32>,
      } {sc.loop_unroll_factor = 10 : i64, sc.parallel_access}
      %mul3A_279 = arith.constant 125 : i32
      %mul3A_280 = arith.muli %add3A_257, %mul3A_279 : i32
      %add3A_281 = arith.addi %mul3A_2, %mul3A_280 : i32
      %dma_start3A_282 = arith.constant 2 : i32
      %dma_start3A_283 = arith.constant 0 : i32
      %dma_start3A_284 = arith.constant 0 : i32
      %dma_start3A_285 = tpu.memref_slice %arg5[%dma_start3A_282, %dma_start3A_283, %dma_start3A_284] : memref<4x125x64xi32, #tpu.memory_space<vmem>> -> memref<1x125x64xi32, #tpu.memory_space<vmem>>
      %dma_start3A_286 = tpu.memref_squeeze %dma_start3A_285 : memref<1x125x64xi32, #tpu.memory_space<vmem>> -> memref<125x64xi32, #tpu.memory_space<vmem>>
      %dma_start3A_287 = arith.constant 0 : i32
      %dma_start3A_288 = tpu.memref_slice %arg3[%add3A_281, %dma_start3A_287] : memref<100000x64xi32, #tpu.memory_space<hbm>> -> memref<125x64xi32, #tpu.memory_space<hbm>>
      %dma_start3A_289 = arith.constant 0 : i32
      %dma_start3A_290 = tpu.memref_slice %arg3[%add3A_281, %dma_start3A_289] : memref<100000x64xi32, #tpu.memory_space<hbm>> -> memref<125x64xi32, #tpu.memory_space<hbm>>
      %dma_start3A_291 = arith.constant 0 : i32
      %dma_start3A_292 = arith.constant 0 : i32
      %dma_start3A_293 = tpu.memref_slice %arg5[%dma_start3A_282, %dma_start3A_291, %dma_start3A_292] : memref<4x125x64xi32, #tpu.memory_space<vmem>> -> memref<1x125x64xi32, #tpu.memory_space<vmem>>
      %dma_start3A_294 = tpu.memref_squeeze %dma_start3A_293 : memref<1x125x64xi32, #tpu.memory_space<vmem>> -> memref<125x64xi32, #tpu.memory_space<vmem>>
      tpu.enqueue_dma source(%dma_start3A_294 : memref<125x64xi32, #tpu.memory_space<vmem>>) target(%dma_start3A_290 : memref<125x64xi32, #tpu.memory_space<hbm>>) target_semaphore(%arg12 : memref<!tpu.dma_semaphore, #tpu.memory_space<semaphore_mem>>)
      %add3A_295 = arith.constant 4 : i32
      %add3A_296 = arith.addi %add3A_257, %add3A_295 : i32
      %lt3A_297 = arith.constant 25 : i32
      %lt3A_298 = arith.cmpi slt, %add3A_296, %lt3A_297 : i32
      %convert_element_type3A_299 = arith.extui %lt3A_298 : i1 to i32
      %cond3A_300 = arith.constant 0 : i32
      %cond3A_301 = arith.cmpi ne, %convert_element_type3A_299, %cond3A_300 : i32
      scf.if %cond3A_301 {
        %add3A_350 = arith.constant 4 : i32
        %add3A_351 = arith.addi %add3A_257, %add3A_350 : i32
        %mul3A_352 = arith.constant 125 : i32
        %mul3A_353 = arith.muli %add3A_351, %mul3A_352 : i32
        %add3A_354 = arith.addi %mul3A_2, %mul3A_353 : i32
        %dma_start3A_355 = arith.constant 2 : i32
        %dma_start3A_356 = arith.constant 0 : i32
        %dma_start3A_357 = arith.constant 0 : i32
        %dma_start3A_358 = tpu.memref_slice %arg4[%dma_start3A_355, %dma_start3A_356, %dma_start3A_357] : memref<4x125x128xf32, #tpu.memory_space<vmem>> -> memref<1x125x128xf32, #tpu.memory_space<vmem>>
        %dma_start3A_359 = tpu.memref_squeeze %dma_start3A_358 : memref<1x125x128xf32, #tpu.memory_space<vmem>> -> memref<125x128xf32, #tpu.memory_space<vmem>>
        %dma_start3A_360 = arith.constant 0 : i32
        %dma_start3A_361 = tpu.memref_slice %arg2[%add3A_354, %dma_start3A_360] : memref<100000x128xf32, #tpu.memory_space<hbm>> -> memref<125x128xf32, #tpu.memory_space<hbm>>
        %dma_start3A_362 = arith.constant 0 : i32
        %dma_start3A_363 = arith.constant 0 : i32
        %dma_start3A_364 = tpu.memref_slice %arg4[%dma_start3A_355, %dma_start3A_362, %dma_start3A_363] : memref<4x125x128xf32, #tpu.memory_space<vmem>> -> memref<1x125x128xf32, #tpu.memory_space<vmem>>
        %dma_start3A_365 = tpu.memref_squeeze %dma_start3A_364 : memref<1x125x128xf32, #tpu.memory_space<vmem>> -> memref<125x128xf32, #tpu.memory_space<vmem>>
        %dma_start3A_366 = arith.constant 0 : i32
        %dma_start3A_367 = tpu.memref_slice %arg2[%add3A_354, %dma_start3A_366] : memref<100000x128xf32, #tpu.memory_space<hbm>> -> memref<125x128xf32, #tpu.memory_space<hbm>>
        tpu.enqueue_dma source(%dma_start3A_367 : memref<125x128xf32, #tpu.memory_space<hbm>>) target(%dma_start3A_365 : memref<125x128xf32, #tpu.memory_space<vmem>>) target_semaphore(%arg8 : memref<!tpu.dma_semaphore, #tpu.memory_space<semaphore_mem>>)
      } else {
      }
      %mul3A_302 = arith.constant 4 : i32
      %mul3A_303 = arith.muli %scan3A_161, %mul3A_302 : i32
      %add3A_304 = arith.constant 3 : i32
      %add3A_305 = arith.addi %mul3A_303, %add3A_304 : i32
      %dma_wait3A_306 = arith.constant 3 : i32
      %dma_wait3A_307 = arith.constant 0 : i32
      %dma_wait3A_308 = arith.constant 0 : i32
      %dma_wait3A_309 = tpu.memref_slice %arg4[%dma_wait3A_306, %dma_wait3A_307, %dma_wait3A_308] : memref<4x125x128xf32, #tpu.memory_space<vmem>> -> memref<1x125x128xf32, #tpu.memory_space<vmem>>
      %dma_wait3A_310 = tpu.memref_squeeze %dma_wait3A_309 : memref<1x125x128xf32, #tpu.memory_space<vmem>> -> memref<125x128xf32, #tpu.memory_space<vmem>>
      %dma_wait3A_311 = arith.constant 0 : i32
      %dma_wait3A_312 = tpu.memref_slice %arg2[%mul3A_2, %dma_wait3A_311] : memref<100000x128xf32, #tpu.memory_space<hbm>> -> memref<125x128xf32, #tpu.memory_space<hbm>>
      %dma_wait3A_313 = arith.constant 0 : i32
      %dma_wait3A_314 = arith.constant 0 : i32
      %dma_wait3A_315 = tpu.memref_slice %arg4[%dma_wait3A_306, %dma_wait3A_313, %dma_wait3A_314] : memref<4x125x128xf32, #tpu.memory_space<vmem>> -> memref<1x125x128xf32, #tpu.memory_space<vmem>>
      %dma_wait3A_316 = tpu.memref_squeeze %dma_wait3A_315 : memref<1x125x128xf32, #tpu.memory_space<vmem>> -> memref<125x128xf32, #tpu.memory_space<vmem>>
      %dma_wait3A_317 = arith.constant 0 : i32
      %dma_wait3A_318 = tpu.memref_slice %arg2[%mul3A_2, %dma_wait3A_317] : memref<100000x128xf32, #tpu.memory_space<hbm>> -> memref<125x128xf32, #tpu.memory_space<hbm>>
      tpu.wait_dma2 semaphore(%arg9 : memref<!tpu.dma_semaphore, #tpu.memory_space<semaphore_mem>>) src(%dma_wait3A_318 : memref<125x128xf32, #tpu.memory_space<hbm>>) dst(%dma_wait3A_316 : memref<125x128xf32, #tpu.memory_space<vmem>>)
      %ge3A_319 = arith.constant 1 : i32
      %ge3A_320 = arith.cmpi sge, %scan3A_161, %ge3A_319 : i32
      %convert_element_type3A_321 = arith.extui %ge3A_320 : i1 to i32
      %cond3A_322 = arith.constant 0 : i32
      %cond3A_323 = arith.cmpi ne, %convert_element_type3A_321, %cond3A_322 : i32
      scf.if %cond3A_323 {
        %dma_wait3A_350 = arith.constant 3 : i32
        %dma_wait3A_351 = arith.constant 0 : i32
        %dma_wait3A_352 = arith.constant 0 : i32
        %dma_wait3A_353 = tpu.memref_slice %arg5[%dma_wait3A_350, %dma_wait3A_351, %dma_wait3A_352] : memref<4x125x64xi32, #tpu.memory_space<vmem>> -> memref<1x125x64xi32, #tpu.memory_space<vmem>>
        %dma_wait3A_354 = tpu.memref_squeeze %dma_wait3A_353 : memref<1x125x64xi32, #tpu.memory_space<vmem>> -> memref<125x64xi32, #tpu.memory_space<vmem>>
        %dma_wait3A_355 = arith.constant 0 : i32
        %dma_wait3A_356 = tpu.memref_slice %arg3[%mul3A_2, %dma_wait3A_355] : memref<100000x64xi32, #tpu.memory_space<hbm>> -> memref<125x64xi32, #tpu.memory_space<hbm>>
        %dma_wait3A_357 = arith.constant 0 : i32
        %dma_wait3A_358 = tpu.memref_slice %arg3[%mul3A_2, %dma_wait3A_357] : memref<100000x64xi32, #tpu.memory_space<hbm>> -> memref<125x64xi32, #tpu.memory_space<hbm>>
        %dma_wait3A_359 = arith.constant 0 : i32
        %dma_wait3A_360 = arith.constant 0 : i32
        %dma_wait3A_361 = tpu.memref_slice %arg5[%dma_wait3A_350, %dma_wait3A_359, %dma_wait3A_360] : memref<4x125x64xi32, #tpu.memory_space<vmem>> -> memref<1x125x64xi32, #tpu.memory_space<vmem>>
        %dma_wait3A_362 = tpu.memref_squeeze %dma_wait3A_361 : memref<1x125x64xi32, #tpu.memory_space<vmem>> -> memref<125x64xi32, #tpu.memory_space<vmem>>
        tpu.wait_dma2 semaphore(%arg13 : memref<!tpu.dma_semaphore, #tpu.memory_space<semaphore_mem>>) src(%dma_wait3A_362 : memref<125x64xi32, #tpu.memory_space<vmem>>) dst(%dma_wait3A_358 : memref<125x64xi32, #tpu.memory_space<hbm>>)
      } else {
      }
      %parallel_loop3A_324 = arith.constant 0 : i32
      %parallel_loop3A_325 = arith.constant 125 : i32
      %parallel_loop3A_326 = arith.constant 1 : i32
      scf.for %parallel_loop3A_350 = %parallel_loop3A_324 to %parallel_loop3A_325 step %parallel_loop3A_326  : i32 {
        %parallel_loop3A_351 = arith.constant 3 : i32
        %parallel_loop3A_352 = arith.index_cast %parallel_loop3A_351 : i32 to index
        %parallel_loop3A_353 = arith.index_cast %parallel_loop3A_350 : i32 to index
        %parallel_loop3A_354 = arith.constant 0 : index
        %parallel_loop3A_355 = tpu.vector_load %arg4[%parallel_loop3A_352, %parallel_loop3A_353, %parallel_loop3A_354] {strides = array<i32>} : memref<4x125x128xf32, #tpu.memory_space<vmem>>, vector<16xf32>,
        %parallel_loop3A_356 = arith.constant 3 : i32
        %parallel_loop3A_357 = arith.index_cast %parallel_loop3A_356 : i32 to index
        %parallel_loop3A_358 = arith.index_cast %parallel_loop3A_350 : i32 to index
        %parallel_loop3A_359 = arith.constant 64 : index
        %parallel_loop3A_360 = tpu.vector_load %arg4[%parallel_loop3A_357, %parallel_loop3A_358, %parallel_loop3A_359] {strides = array<i32>} : memref<4x125x128xf32, #tpu.memory_space<vmem>>, vector<16xf32>,
        %parallel_loop3A_361 = tpu.pack_subelements %parallel_loop3A_355, %parallel_loop3A_360 {pack_format = #tpu.pack_format<interleaved>, positions = array<i32: 0, 1>} : vector<16xf32>, vector<16xf32> -> vector<32xbf16>
        %parallel_loop3A_362 = vector.bitcast %parallel_loop3A_361 : vector<32xbf16> to vector<16xi32>
        %parallel_loop3A_363 = arith.constant 3 : i32
        %parallel_loop3A_364 = arith.index_cast %parallel_loop3A_363 : i32 to index
        %parallel_loop3A_365 = arith.index_cast %parallel_loop3A_350 : i32 to index
        %parallel_loop3A_366 = arith.constant 0 : index
        %parallel_loop3A_367 = tpu.vector_load %arg5[%parallel_loop3A_364, %parallel_loop3A_365, %parallel_loop3A_366] {strides = array<i32>} : memref<4x125x64xi32, #tpu.memory_space<vmem>>, vector<16xi32>,
        tpu.vector_store %arg5[%parallel_loop3A_364, %parallel_loop3A_365, %parallel_loop3A_366], %parallel_loop3A_362 {strides = array<i32>} : memref<4x125x64xi32, #tpu.memory_space<vmem>>, vector<16xi32>,
        %parallel_loop3A_368 = arith.constant 3 : i32
        %parallel_loop3A_369 = arith.index_cast %parallel_loop3A_368 : i32 to index
        %parallel_loop3A_370 = arith.index_cast %parallel_loop3A_350 : i32 to index
        %parallel_loop3A_371 = arith.constant 16 : index
        %parallel_loop3A_372 = tpu.vector_load %arg4[%parallel_loop3A_369, %parallel_loop3A_370, %parallel_loop3A_371] {strides = array<i32>} : memref<4x125x128xf32, #tpu.memory_space<vmem>>, vector<16xf32>,
        %parallel_loop3A_373 = arith.constant 3 : i32
        %parallel_loop3A_374 = arith.index_cast %parallel_loop3A_373 : i32 to index
        %parallel_loop3A_375 = arith.index_cast %parallel_loop3A_350 : i32 to index
        %parallel_loop3A_376 = arith.constant 80 : index
        %parallel_loop3A_377 = tpu.vector_load %arg4[%parallel_loop3A_374, %parallel_loop3A_375, %parallel_loop3A_376] {strides = array<i32>} : memref<4x125x128xf32, #tpu.memory_space<vmem>>, vector<16xf32>,
        %parallel_loop3A_378 = tpu.pack_subelements %parallel_loop3A_372, %parallel_loop3A_377 {pack_format = #tpu.pack_format<interleaved>, positions = array<i32: 0, 1>} : vector<16xf32>, vector<16xf32> -> vector<32xbf16>
        %parallel_loop3A_379 = vector.bitcast %parallel_loop3A_378 : vector<32xbf16> to vector<16xi32>
        %parallel_loop3A_380 = arith.constant 3 : i32
        %parallel_loop3A_381 = arith.index_cast %parallel_loop3A_380 : i32 to index
        %parallel_loop3A_382 = arith.index_cast %parallel_loop3A_350 : i32 to index
        %parallel_loop3A_383 = arith.constant 16 : index
        %parallel_loop3A_384 = tpu.vector_load %arg5[%parallel_loop3A_381, %parallel_loop3A_382, %parallel_loop3A_383] {strides = array<i32>} : memref<4x125x64xi32, #tpu.memory_space<vmem>>, vector<16xi32>,
        tpu.vector_store %arg5[%parallel_loop3A_381, %parallel_loop3A_382, %parallel_loop3A_383], %parallel_loop3A_379 {strides = array<i32>} : memref<4x125x64xi32, #tpu.memory_space<vmem>>, vector<16xi32>,
        %parallel_loop3A_385 = arith.constant 3 : i32
        %parallel_loop3A_386 = arith.index_cast %parallel_loop3A_385 : i32 to index
        %parallel_loop3A_387 = arith.index_cast %parallel_loop3A_350 : i32 to index
        %parallel_loop3A_388 = arith.constant 32 : index
        %parallel_loop3A_389 = tpu.vector_load %arg4[%parallel_loop3A_386, %parallel_loop3A_387, %parallel_loop3A_388] {strides = array<i32>} : memref<4x125x128xf32, #tpu.memory_space<vmem>>, vector<16xf32>,
        %parallel_loop3A_390 = arith.constant 3 : i32
        %parallel_loop3A_391 = arith.index_cast %parallel_loop3A_390 : i32 to index
        %parallel_loop3A_392 = arith.index_cast %parallel_loop3A_350 : i32 to index
        %parallel_loop3A_393 = arith.constant 96 : index
        %parallel_loop3A_394 = tpu.vector_load %arg4[%parallel_loop3A_391, %parallel_loop3A_392, %parallel_loop3A_393] {strides = array<i32>} : memref<4x125x128xf32, #tpu.memory_space<vmem>>, vector<16xf32>,
        %parallel_loop3A_395 = tpu.pack_subelements %parallel_loop3A_389, %parallel_loop3A_394 {pack_format = #tpu.pack_format<interleaved>, positions = array<i32: 0, 1>} : vector<16xf32>, vector<16xf32> -> vector<32xbf16>
        %parallel_loop3A_396 = vector.bitcast %parallel_loop3A_395 : vector<32xbf16> to vector<16xi32>
        %parallel_loop3A_397 = arith.constant 3 : i32
        %parallel_loop3A_398 = arith.index_cast %parallel_loop3A_397 : i32 to index
        %parallel_loop3A_399 = arith.index_cast %parallel_loop3A_350 : i32 to index
        %parallel_loop3A_400 = arith.constant 32 : index
        %parallel_loop3A_401 = tpu.vector_load %arg5[%parallel_loop3A_398, %parallel_loop3A_399, %parallel_loop3A_400] {strides = array<i32>} : memref<4x125x64xi32, #tpu.memory_space<vmem>>, vector<16xi32>,
        tpu.vector_store %arg5[%parallel_loop3A_398, %parallel_loop3A_399, %parallel_loop3A_400], %parallel_loop3A_396 {strides = array<i32>} : memref<4x125x64xi32, #tpu.memory_space<vmem>>, vector<16xi32>,
        %parallel_loop3A_402 = arith.constant 3 : i32
        %parallel_loop3A_403 = arith.index_cast %parallel_loop3A_402 : i32 to index
        %parallel_loop3A_404 = arith.index_cast %parallel_loop3A_350 : i32 to index
        %parallel_loop3A_405 = arith.constant 48 : index
        %parallel_loop3A_406 = tpu.vector_load %arg4[%parallel_loop3A_403, %parallel_loop3A_404, %parallel_loop3A_405] {strides = array<i32>} : memref<4x125x128xf32, #tpu.memory_space<vmem>>, vector<16xf32>,
        %parallel_loop3A_407 = arith.constant 3 : i32
        %parallel_loop3A_408 = arith.index_cast %parallel_loop3A_407 : i32 to index
        %parallel_loop3A_409 = arith.index_cast %parallel_loop3A_350 : i32 to index
        %parallel_loop3A_410 = arith.constant 112 : index
        %parallel_loop3A_411 = tpu.vector_load %arg4[%parallel_loop3A_408, %parallel_loop3A_409, %parallel_loop3A_410] {strides = array<i32>} : memref<4x125x128xf32, #tpu.memory_space<vmem>>, vector<16xf32>,
        %parallel_loop3A_412 = tpu.pack_subelements %parallel_loop3A_406, %parallel_loop3A_411 {pack_format = #tpu.pack_format<interleaved>, positions = array<i32: 0, 1>} : vector<16xf32>, vector<16xf32> -> vector<32xbf16>
        %parallel_loop3A_413 = vector.bitcast %parallel_loop3A_412 : vector<32xbf16> to vector<16xi32>
        %parallel_loop3A_414 = arith.constant 3 : i32
        %parallel_loop3A_415 = arith.index_cast %parallel_loop3A_414 : i32 to index
        %parallel_loop3A_416 = arith.index_cast %parallel_loop3A_350 : i32 to index
        %parallel_loop3A_417 = arith.constant 48 : index
        %parallel_loop3A_418 = tpu.vector_load %arg5[%parallel_loop3A_415, %parallel_loop3A_416, %parallel_loop3A_417] {strides = array<i32>} : memref<4x125x64xi32, #tpu.memory_space<vmem>>, vector<16xi32>,
        tpu.vector_store %arg5[%parallel_loop3A_415, %parallel_loop3A_416, %parallel_loop3A_417], %parallel_loop3A_413 {strides = array<i32>} : memref<4x125x64xi32, #tpu.memory_space<vmem>>, vector<16xi32>,
      } {sc.loop_unroll_factor = 10 : i64, sc.parallel_access}
      %mul3A_327 = arith.constant 125 : i32
      %mul3A_328 = arith.muli %add3A_305, %mul3A_327 : i32
      %add3A_329 = arith.addi %mul3A_2, %mul3A_328 : i32
      %dma_start3A_330 = arith.constant 3 : i32
      %dma_start3A_331 = arith.constant 0 : i32
      %dma_start3A_332 = arith.constant 0 : i32
      %dma_start3A_333 = tpu.memref_slice %arg5[%dma_start3A_330, %dma_start3A_331, %dma_start3A_332] : memref<4x125x64xi32, #tpu.memory_space<vmem>> -> memref<1x125x64xi32, #tpu.memory_space<vmem>>
      %dma_start3A_334 = tpu.memref_squeeze %dma_start3A_333 : memref<1x125x64xi32, #tpu.memory_space<vmem>> -> memref<125x64xi32, #tpu.memory_space<vmem>>
      %dma_start3A_335 = arith.constant 0 : i32
      %dma_start3A_336 = tpu.memref_slice %arg3[%add3A_329, %dma_start3A_335] : memref<100000x64xi32, #tpu.memory_space<hbm>> -> memref<125x64xi32, #tpu.memory_space<hbm>>
      %dma_start3A_337 = arith.constant 0 : i32
      %dma_start3A_338 = tpu.memref_slice %arg3[%add3A_329, %dma_start3A_337] : memref<100000x64xi32, #tpu.memory_space<hbm>> -> memref<125x64xi32, #tpu.memory_space<hbm>>
      %dma_start3A_339 = arith.constant 0 : i32
      %dma_start3A_340 = arith.constant 0 : i32
      %dma_start3A_341 = tpu.memref_slice %arg5[%dma_start3A_330, %dma_start3A_339, %dma_start3A_340] : memref<4x125x64xi32, #tpu.memory_space<vmem>> -> memref<1x125x64xi32, #tpu.memory_space<vmem>>
      %dma_start3A_342 = tpu.memref_squeeze %dma_start3A_341 : memref<1x125x64xi32, #tpu.memory_space<vmem>> -> memref<125x64xi32, #tpu.memory_space<vmem>>
      tpu.enqueue_dma source(%dma_start3A_342 : memref<125x64xi32, #tpu.memory_space<vmem>>) target(%dma_start3A_338 : memref<125x64xi32, #tpu.memory_space<hbm>>) target_semaphore(%arg13 : memref<!tpu.dma_semaphore, #tpu.memory_space<semaphore_mem>>)
      %add3A_343 = arith.constant 4 : i32
      %add3A_344 = arith.addi %add3A_305, %add3A_343 : i32
      %lt3A_345 = arith.constant 25 : i32
      %lt3A_346 = arith.cmpi slt, %add3A_344, %lt3A_345 : i32
      %convert_element_type3A_347 = arith.extui %lt3A_346 : i1 to i32
      %cond3A_348 = arith.constant 0 : i32
      %cond3A_349 = arith.cmpi ne, %convert_element_type3A_347, %cond3A_348 : i32
      scf.if %cond3A_349 {
        %add3A_350 = arith.constant 4 : i32
        %add3A_351 = arith.addi %add3A_305, %add3A_350 : i32
        %mul3A_352 = arith.constant 125 : i32
        %mul3A_353 = arith.muli %add3A_351, %mul3A_352 : i32
        %add3A_354 = arith.addi %mul3A_2, %mul3A_353 : i32
        %dma_start3A_355 = arith.constant 3 : i32
        %dma_start3A_356 = arith.constant 0 : i32
        %dma_start3A_357 = arith.constant 0 : i32
        %dma_start3A_358 = tpu.memref_slice %arg4[%dma_start3A_355, %dma_start3A_356, %dma_start3A_357] : memref<4x125x128xf32, #tpu.memory_space<vmem>> -> memref<1x125x128xf32, #tpu.memory_space<vmem>>
        %dma_start3A_359 = tpu.memref_squeeze %dma_start3A_358 : memref<1x125x128xf32, #tpu.memory_space<vmem>> -> memref<125x128xf32, #tpu.memory_space<vmem>>
        %dma_start3A_360 = arith.constant 0 : i32
        %dma_start3A_361 = tpu.memref_slice %arg2[%add3A_354, %dma_start3A_360] : memref<100000x128xf32, #tpu.memory_space<hbm>> -> memref<125x128xf32, #tpu.memory_space<hbm>>
        %dma_start3A_362 = arith.constant 0 : i32
        %dma_start3A_363 = arith.constant 0 : i32
        %dma_start3A_364 = tpu.memref_slice %arg4[%dma_start3A_355, %dma_start3A_362, %dma_start3A_363] : memref<4x125x128xf32, #tpu.memory_space<vmem>> -> memref<1x125x128xf32, #tpu.memory_space<vmem>>
        %dma_start3A_365 = tpu.memref_squeeze %dma_start3A_364 : memref<1x125x128xf32, #tpu.memory_space<vmem>> -> memref<125x128xf32, #tpu.memory_space<vmem>>
        %dma_start3A_366 = arith.constant 0 : i32
        %dma_start3A_367 = tpu.memref_slice %arg2[%add3A_354, %dma_start3A_366] : memref<100000x128xf32, #tpu.memory_space<hbm>> -> memref<125x128xf32, #tpu.memory_space<hbm>>
        tpu.enqueue_dma source(%dma_start3A_367 : memref<125x128xf32, #tpu.memory_space<hbm>>) target(%dma_start3A_365 : memref<125x128xf32, #tpu.memory_space<vmem>>) target_semaphore(%arg9 : memref<!tpu.dma_semaphore, #tpu.memory_space<semaphore_mem>>)
      } else {
      }
    }
    %scan3A_66 = arith.constant 6 : i32
    %dma_wait3A = arith.constant 0 : i32
    %dma_wait3A_67 = arith.constant 0 : i32
    %dma_wait3A_68 = arith.constant 0 : i32
    %dma_wait3A_69 = tpu.memref_slice %arg4[%dma_wait3A, %dma_wait3A_67, %dma_wait3A_68] : memref<4x125x128xf32, #tpu.memory_space<vmem>> -> memref<1x125x128xf32, #tpu.memory_space<vmem>>
    %dma_wait3A_70 = tpu.memref_squeeze %dma_wait3A_69 : memref<1x125x128xf32, #tpu.memory_space<vmem>> -> memref<125x128xf32, #tpu.memory_space<vmem>>
    %dma_wait3A_71 = arith.constant 0 : i32
    %dma_wait3A_72 = tpu.memref_slice %arg2[%mul3A_2, %dma_wait3A_71] : memref<100000x128xf32, #tpu.memory_space<hbm>> -> memref<125x128xf32, #tpu.memory_space<hbm>>
    %dma_wait3A_73 = arith.constant 0 : i32
    %dma_wait3A_74 = arith.constant 0 : i32
    %dma_wait3A_75 = tpu.memref_slice %arg4[%dma_wait3A, %dma_wait3A_73, %dma_wait3A_74] : memref<4x125x128xf32, #tpu.memory_space<vmem>> -> memref<1x125x128xf32, #tpu.memory_space<vmem>>
    %dma_wait3A_76 = tpu.memref_squeeze %dma_wait3A_75 : memref<1x125x128xf32, #tpu.memory_space<vmem>> -> memref<125x128xf32, #tpu.memory_space<vmem>>
    %dma_wait3A_77 = arith.constant 0 : i32
    %dma_wait3A_78 = tpu.memref_slice %arg2[%mul3A_2, %dma_wait3A_77] : memref<100000x128xf32, #tpu.memory_space<hbm>> -> memref<125x128xf32, #tpu.memory_space<hbm>>
    tpu.wait_dma2 semaphore(%arg6 : memref<!tpu.dma_semaphore, #tpu.memory_space<semaphore_mem>>) src(%dma_wait3A_78 : memref<125x128xf32, #tpu.memory_space<hbm>>) dst(%dma_wait3A_76 : memref<125x128xf32, #tpu.memory_space<vmem>>)
    %dma_wait3A_79 = arith.constant 0 : i32
    %dma_wait3A_80 = arith.constant 0 : i32
    %dma_wait3A_81 = arith.constant 0 : i32
    %dma_wait3A_82 = tpu.memref_slice %arg5[%dma_wait3A_79, %dma_wait3A_80, %dma_wait3A_81] : memref<4x125x64xi32, #tpu.memory_space<vmem>> -> memref<1x125x64xi32, #tpu.memory_space<vmem>>
    %dma_wait3A_83 = tpu.memref_squeeze %dma_wait3A_82 : memref<1x125x64xi32, #tpu.memory_space<vmem>> -> memref<125x64xi32, #tpu.memory_space<vmem>>
    %dma_wait3A_84 = arith.constant 0 : i32
    %dma_wait3A_85 = tpu.memref_slice %arg3[%mul3A_2, %dma_wait3A_84] : memref<100000x64xi32, #tpu.memory_space<hbm>> -> memref<125x64xi32, #tpu.memory_space<hbm>>
    %dma_wait3A_86 = arith.constant 0 : i32
    %dma_wait3A_87 = tpu.memref_slice %arg3[%mul3A_2, %dma_wait3A_86] : memref<100000x64xi32, #tpu.memory_space<hbm>> -> memref<125x64xi32, #tpu.memory_space<hbm>>
    %dma_wait3A_88 = arith.constant 0 : i32
    %dma_wait3A_89 = arith.constant 0 : i32
    %dma_wait3A_90 = tpu.memref_slice %arg5[%dma_wait3A_79, %dma_wait3A_88, %dma_wait3A_89] : memref<4x125x64xi32, #tpu.memory_space<vmem>> -> memref<1x125x64xi32, #tpu.memory_space<vmem>>
    %dma_wait3A_91 = tpu.memref_squeeze %dma_wait3A_90 : memref<1x125x64xi32, #tpu.memory_space<vmem>> -> memref<125x64xi32, #tpu.memory_space<vmem>>
    tpu.wait_dma2 semaphore(%arg10 : memref<!tpu.dma_semaphore, #tpu.memory_space<semaphore_mem>>) src(%dma_wait3A_91 : memref<125x64xi32, #tpu.memory_space<vmem>>) dst(%dma_wait3A_87 : memref<125x64xi32, #tpu.memory_space<hbm>>)
    %parallel_loop3A = arith.constant 0 : i32
    %parallel_loop3A_92 = arith.constant 125 : i32
    %parallel_loop3A_93 = arith.constant 1 : i32
    scf.for %parallel_loop3A_161 = %parallel_loop3A to %parallel_loop3A_92 step %parallel_loop3A_93  : i32 {
      %parallel_loop3A_162 = arith.constant 0 : i32
      %parallel_loop3A_163 = arith.index_cast %parallel_loop3A_162 : i32 to index
      %parallel_loop3A_164 = arith.index_cast %parallel_loop3A_161 : i32 to index
      %parallel_loop3A_165 = arith.constant 0 : index
      %parallel_loop3A_166 = tpu.vector_load %arg4[%parallel_loop3A_163, %parallel_loop3A_164, %parallel_loop3A_165] {strides = array<i32>} : memref<4x125x128xf32, #tpu.memory_space<vmem>>, vector<16xf32>,
      %parallel_loop3A_167 = arith.constant 0 : i32
      %parallel_loop3A_168 = arith.index_cast %parallel_loop3A_167 : i32 to index
      %parallel_loop3A_169 = arith.index_cast %parallel_loop3A_161 : i32 to index
      %parallel_loop3A_170 = arith.constant 64 : index
      %parallel_loop3A_171 = tpu.vector_load %arg4[%parallel_loop3A_168, %parallel_loop3A_169, %parallel_loop3A_170] {strides = array<i32>} : memref<4x125x128xf32, #tpu.memory_space<vmem>>, vector<16xf32>,
      %parallel_loop3A_172 = tpu.pack_subelements %parallel_loop3A_166, %parallel_loop3A_171 {pack_format = #tpu.pack_format<interleaved>, positions = array<i32: 0, 1>} : vector<16xf32>, vector<16xf32> -> vector<32xbf16>
      %parallel_loop3A_173 = vector.bitcast %parallel_loop3A_172 : vector<32xbf16> to vector<16xi32>
      %parallel_loop3A_174 = arith.constant 0 : i32
      %parallel_loop3A_175 = arith.index_cast %parallel_loop3A_174 : i32 to index
      %parallel_loop3A_176 = arith.index_cast %parallel_loop3A_161 : i32 to index
      %parallel_loop3A_177 = arith.constant 0 : index
      %parallel_loop3A_178 = tpu.vector_load %arg5[%parallel_loop3A_175, %parallel_loop3A_176, %parallel_loop3A_177] {strides = array<i32>} : memref<4x125x64xi32, #tpu.memory_space<vmem>>, vector<16xi32>,
      tpu.vector_store %arg5[%parallel_loop3A_175, %parallel_loop3A_176, %parallel_loop3A_177], %parallel_loop3A_173 {strides = array<i32>} : memref<4x125x64xi32, #tpu.memory_space<vmem>>, vector<16xi32>,
      %parallel_loop3A_179 = arith.constant 0 : i32
      %parallel_loop3A_180 = arith.index_cast %parallel_loop3A_179 : i32 to index
      %parallel_loop3A_181 = arith.index_cast %parallel_loop3A_161 : i32 to index
      %parallel_loop3A_182 = arith.constant 16 : index
      %parallel_loop3A_183 = tpu.vector_load %arg4[%parallel_loop3A_180, %parallel_loop3A_181, %parallel_loop3A_182] {strides = array<i32>} : memref<4x125x128xf32, #tpu.memory_space<vmem>>, vector<16xf32>,
      %parallel_loop3A_184 = arith.constant 0 : i32
      %parallel_loop3A_185 = arith.index_cast %parallel_loop3A_184 : i32 to index
      %parallel_loop3A_186 = arith.index_cast %parallel_loop3A_161 : i32 to index
      %parallel_loop3A_187 = arith.constant 80 : index
      %parallel_loop3A_188 = tpu.vector_load %arg4[%parallel_loop3A_185, %parallel_loop3A_186, %parallel_loop3A_187] {strides = array<i32>} : memref<4x125x128xf32, #tpu.memory_space<vmem>>, vector<16xf32>,
      %parallel_loop3A_189 = tpu.pack_subelements %parallel_loop3A_183, %parallel_loop3A_188 {pack_format = #tpu.pack_format<interleaved>, positions = array<i32: 0, 1>} : vector<16xf32>, vector<16xf32> -> vector<32xbf16>
      %parallel_loop3A_190 = vector.bitcast %parallel_loop3A_189 : vector<32xbf16> to vector<16xi32>
      %parallel_loop3A_191 = arith.constant 0 : i32
      %parallel_loop3A_192 = arith.index_cast %parallel_loop3A_191 : i32 to index
      %parallel_loop3A_193 = arith.index_cast %parallel_loop3A_161 : i32 to index
      %parallel_loop3A_194 = arith.constant 16 : index
      %parallel_loop3A_195 = tpu.vector_load %arg5[%parallel_loop3A_192, %parallel_loop3A_193, %parallel_loop3A_194] {strides = array<i32>} : memref<4x125x64xi32, #tpu.memory_space<vmem>>, vector<16xi32>,
      tpu.vector_store %arg5[%parallel_loop3A_192, %parallel_loop3A_193, %parallel_loop3A_194], %parallel_loop3A_190 {strides = array<i32>} : memref<4x125x64xi32, #tpu.memory_space<vmem>>, vector<16xi32>,
      %parallel_loop3A_196 = arith.constant 0 : i32
      %parallel_loop3A_197 = arith.index_cast %parallel_loop3A_196 : i32 to index
      %parallel_loop3A_198 = arith.index_cast %parallel_loop3A_161 : i32 to index
      %parallel_loop3A_199 = arith.constant 32 : index
      %parallel_loop3A_200 = tpu.vector_load %arg4[%parallel_loop3A_197, %parallel_loop3A_198, %parallel_loop3A_199] {strides = array<i32>} : memref<4x125x128xf32, #tpu.memory_space<vmem>>, vector<16xf32>,
      %parallel_loop3A_201 = arith.constant 0 : i32
      %parallel_loop3A_202 = arith.index_cast %parallel_loop3A_201 : i32 to index
      %parallel_loop3A_203 = arith.index_cast %parallel_loop3A_161 : i32 to index
      %parallel_loop3A_204 = arith.constant 96 : index
      %parallel_loop3A_205 = tpu.vector_load %arg4[%parallel_loop3A_202, %parallel_loop3A_203, %parallel_loop3A_204] {strides = array<i32>} : memref<4x125x128xf32, #tpu.memory_space<vmem>>, vector<16xf32>,
      %parallel_loop3A_206 = tpu.pack_subelements %parallel_loop3A_200, %parallel_loop3A_205 {pack_format = #tpu.pack_format<interleaved>, positions = array<i32: 0, 1>} : vector<16xf32>, vector<16xf32> -> vector<32xbf16>
      %parallel_loop3A_207 = vector.bitcast %parallel_loop3A_206 : vector<32xbf16> to vector<16xi32>
      %parallel_loop3A_208 = arith.constant 0 : i32
      %parallel_loop3A_209 = arith.index_cast %parallel_loop3A_208 : i32 to index
      %parallel_loop3A_210 = arith.index_cast %parallel_loop3A_161 : i32 to index
      %parallel_loop3A_211 = arith.constant 32 : index
      %parallel_loop3A_212 = tpu.vector_load %arg5[%parallel_loop3A_209, %parallel_loop3A_210, %parallel_loop3A_211] {strides = array<i32>} : memref<4x125x64xi32, #tpu.memory_space<vmem>>, vector<16xi32>,
      tpu.vector_store %arg5[%parallel_loop3A_209, %parallel_loop3A_210, %parallel_loop3A_211], %parallel_loop3A_207 {strides = array<i32>} : memref<4x125x64xi32, #tpu.memory_space<vmem>>, vector<16xi32>,
      %parallel_loop3A_213 = arith.constant 0 : i32
      %parallel_loop3A_214 = arith.index_cast %parallel_loop3A_213 : i32 to index
      %parallel_loop3A_215 = arith.index_cast %parallel_loop3A_161 : i32 to index
      %parallel_loop3A_216 = arith.constant 48 : index
      %parallel_loop3A_217 = tpu.vector_load %arg4[%parallel_loop3A_214, %parallel_loop3A_215, %parallel_loop3A_216] {strides = array<i32>} : memref<4x125x128xf32, #tpu.memory_space<vmem>>, vector<16xf32>,
      %parallel_loop3A_218 = arith.constant 0 : i32
      %parallel_loop3A_219 = arith.index_cast %parallel_loop3A_218 : i32 to index
      %parallel_loop3A_220 = arith.index_cast %parallel_loop3A_161 : i32 to index
      %parallel_loop3A_221 = arith.constant 112 : index
      %parallel_loop3A_222 = tpu.vector_load %arg4[%parallel_loop3A_219, %parallel_loop3A_220, %parallel_loop3A_221] {strides = array<i32>} : memref<4x125x128xf32, #tpu.memory_space<vmem>>, vector<16xf32>,
      %parallel_loop3A_223 = tpu.pack_subelements %parallel_loop3A_217, %parallel_loop3A_222 {pack_format = #tpu.pack_format<interleaved>, positions = array<i32: 0, 1>} : vector<16xf32>, vector<16xf32> -> vector<32xbf16>
      %parallel_loop3A_224 = vector.bitcast %parallel_loop3A_223 : vector<32xbf16> to vector<16xi32>
      %parallel_loop3A_225 = arith.constant 0 : i32
      %parallel_loop3A_226 = arith.index_cast %parallel_loop3A_225 : i32 to index
      %parallel_loop3A_227 = arith.index_cast %parallel_loop3A_161 : i32 to index
      %parallel_loop3A_228 = arith.constant 48 : index
      %parallel_loop3A_229 = tpu.vector_load %arg5[%parallel_loop3A_226, %parallel_loop3A_227, %parallel_loop3A_228] {strides = array<i32>} : memref<4x125x64xi32, #tpu.memory_space<vmem>>, vector<16xi32>,
      tpu.vector_store %arg5[%parallel_loop3A_226, %parallel_loop3A_227, %parallel_loop3A_228], %parallel_loop3A_224 {strides = array<i32>} : memref<4x125x64xi32, #tpu.memory_space<vmem>>, vector<16xi32>,
    } {sc.loop_unroll_factor = 10 : i64, sc.parallel_access}
    %add3A_94 = arith.constant 3000 : i32
    %add3A_95 = arith.addi %mul3A_2, %add3A_94 : i32
    %dma_start3A_96 = arith.constant 0 : i32
    %dma_start3A_97 = arith.constant 0 : i32
    %dma_start3A_98 = arith.constant 0 : i32
    %dma_start3A_99 = tpu.memref_slice %arg5[%dma_start3A_96, %dma_start3A_97, %dma_start3A_98] : memref<4x125x64xi32, #tpu.memory_space<vmem>> -> memref<1x125x64xi32, #tpu.memory_space<vmem>>
    %dma_start3A_100 = tpu.memref_squeeze %dma_start3A_99 : memref<1x125x64xi32, #tpu.memory_space<vmem>> -> memref<125x64xi32, #tpu.memory_space<vmem>>
    %dma_start3A_101 = arith.constant 0 : i32
    %dma_start3A_102 = tpu.memref_slice %arg3[%add3A_95, %dma_start3A_101] : memref<100000x64xi32, #tpu.memory_space<hbm>> -> memref<125x64xi32, #tpu.memory_space<hbm>>
    %dma_start3A_103 = arith.constant 0 : i32
    %dma_start3A_104 = tpu.memref_slice %arg3[%add3A_95, %dma_start3A_103] : memref<100000x64xi32, #tpu.memory_space<hbm>> -> memref<125x64xi32, #tpu.memory_space<hbm>>
    %dma_start3A_105 = arith.constant 0 : i32
    %dma_start3A_106 = arith.constant 0 : i32
    %dma_start3A_107 = tpu.memref_slice %arg5[%dma_start3A_96, %dma_start3A_105, %dma_start3A_106] : memref<4x125x64xi32, #tpu.memory_space<vmem>> -> memref<1x125x64xi32, #tpu.memory_space<vmem>>
    %dma_start3A_108 = tpu.memref_squeeze %dma_start3A_107 : memref<1x125x64xi32, #tpu.memory_space<vmem>> -> memref<125x64xi32, #tpu.memory_space<vmem>>
    tpu.enqueue_dma source(%dma_start3A_108 : memref<125x64xi32, #tpu.memory_space<vmem>>) target(%dma_start3A_104 : memref<125x64xi32, #tpu.memory_space<hbm>>) target_semaphore(%arg10 : memref<!tpu.dma_semaphore, #tpu.memory_space<semaphore_mem>>)
    %dma_wait3A_109 = arith.constant 0 : i32
    %dma_wait3A_110 = arith.constant 0 : i32
    %dma_wait3A_111 = arith.constant 0 : i32
    %dma_wait3A_112 = tpu.memref_slice %arg5[%dma_wait3A_109, %dma_wait3A_110, %dma_wait3A_111] : memref<4x125x64xi32, #tpu.memory_space<vmem>> -> memref<1x125x64xi32, #tpu.memory_space<vmem>>
    %dma_wait3A_113 = tpu.memref_squeeze %dma_wait3A_112 : memref<1x125x64xi32, #tpu.memory_space<vmem>> -> memref<125x64xi32, #tpu.memory_space<vmem>>
    %dma_wait3A_114 = arith.constant 0 : i32
    %dma_wait3A_115 = tpu.memref_slice %arg3[%mul3A_2, %dma_wait3A_114] : memref<100000x64xi32, #tpu.memory_space<hbm>> -> memref<125x64xi32, #tpu.memory_space<hbm>>
    %dma_wait3A_116 = arith.constant 0 : i32
    %dma_wait3A_117 = tpu.memref_slice %arg3[%mul3A_2, %dma_wait3A_116] : memref<100000x64xi32, #tpu.memory_space<hbm>> -> memref<125x64xi32, #tpu.memory_space<hbm>>
    %dma_wait3A_118 = arith.constant 0 : i32
    %dma_wait3A_119 = arith.constant 0 : i32
    %dma_wait3A_120 = tpu.memref_slice %arg5[%dma_wait3A_109, %dma_wait3A_118, %dma_wait3A_119] : memref<4x125x64xi32, #tpu.memory_space<vmem>> -> memref<1x125x64xi32, #tpu.memory_space<vmem>>
    %dma_wait3A_121 = tpu.memref_squeeze %dma_wait3A_120 : memref<1x125x64xi32, #tpu.memory_space<vmem>> -> memref<125x64xi32, #tpu.memory_space<vmem>>
    tpu.wait_dma2 semaphore(%arg10 : memref<!tpu.dma_semaphore, #tpu.memory_space<semaphore_mem>>) src(%dma_wait3A_121 : memref<125x64xi32, #tpu.memory_space<vmem>>) dst(%dma_wait3A_117 : memref<125x64xi32, #tpu.memory_space<hbm>>)
    %dma_wait3A_122 = arith.constant 1 : i32
    %dma_wait3A_123 = arith.constant 0 : i32
    %dma_wait3A_124 = arith.constant 0 : i32
    %dma_wait3A_125 = tpu.memref_slice %arg5[%dma_wait3A_122, %dma_wait3A_123, %dma_wait3A_124] : memref<4x125x64xi32, #tpu.memory_space<vmem>> -> memref<1x125x64xi32, #tpu.memory_space<vmem>>
    %dma_wait3A_126 = tpu.memref_squeeze %dma_wait3A_125 : memref<1x125x64xi32, #tpu.memory_space<vmem>> -> memref<125x64xi32, #tpu.memory_space<vmem>>
    %dma_wait3A_127 = arith.constant 0 : i32
    %dma_wait3A_128 = tpu.memref_slice %arg3[%mul3A_2, %dma_wait3A_127] : memref<100000x64xi32, #tpu.memory_space<hbm>> -> memref<125x64xi32, #tpu.memory_space<hbm>>
    %dma_wait3A_129 = arith.constant 0 : i32
    %dma_wait3A_130 = tpu.memref_slice %arg3[%mul3A_2, %dma_wait3A_129] : memref<100000x64xi32, #tpu.memory_space<hbm>> -> memref<125x64xi32, #tpu.memory_space<hbm>>
    %dma_wait3A_131 = arith.constant 0 : i32
    %dma_wait3A_132 = arith.constant 0 : i32
    %dma_wait3A_133 = tpu.memref_slice %arg5[%dma_wait3A_122, %dma_wait3A_131, %dma_wait3A_132] : memref<4x125x64xi32, #tpu.memory_space<vmem>> -> memref<1x125x64xi32, #tpu.memory_space<vmem>>
    %dma_wait3A_134 = tpu.memref_squeeze %dma_wait3A_133 : memref<1x125x64xi32, #tpu.memory_space<vmem>> -> memref<125x64xi32, #tpu.memory_space<vmem>>
    tpu.wait_dma2 semaphore(%arg11 : memref<!tpu.dma_semaphore, #tpu.memory_space<semaphore_mem>>) src(%dma_wait3A_134 : memref<125x64xi32, #tpu.memory_space<vmem>>) dst(%dma_wait3A_130 : memref<125x64xi32, #tpu.memory_space<hbm>>)
    %dma_wait3A_135 = arith.constant 2 : i32
    %dma_wait3A_136 = arith.constant 0 : i32
    %dma_wait3A_137 = arith.constant 0 : i32
    %dma_wait3A_138 = tpu.memref_slice %arg5[%dma_wait3A_135, %dma_wait3A_136, %dma_wait3A_137] : memref<4x125x64xi32, #tpu.memory_space<vmem>> -> memref<1x125x64xi32, #tpu.memory_space<vmem>>
    %dma_wait3A_139 = tpu.memref_squeeze %dma_wait3A_138 : memref<1x125x64xi32, #tpu.memory_space<vmem>> -> memref<125x64xi32, #tpu.memory_space<vmem>>
    %dma_wait3A_140 = arith.constant 0 : i32
    %dma_wait3A_141 = tpu.memref_slice %arg3[%mul3A_2, %dma_wait3A_140] : memref<100000x64xi32, #tpu.memory_space<hbm>> -> memref<125x64xi32, #tpu.memory_space<hbm>>
    %dma_wait3A_142 = arith.constant 0 : i32
    %dma_wait3A_143 = tpu.memref_slice %arg3[%mul3A_2, %dma_wait3A_142] : memref<100000x64xi32, #tpu.memory_space<hbm>> -> memref<125x64xi32, #tpu.memory_space<hbm>>
    %dma_wait3A_144 = arith.constant 0 : i32
    %dma_wait3A_145 = arith.constant 0 : i32
    %dma_wait3A_146 = tpu.memref_slice %arg5[%dma_wait3A_135, %dma_wait3A_144, %dma_wait3A_145] : memref<4x125x64xi32, #tpu.memory_space<vmem>> -> memref<1x125x64xi32, #tpu.memory_space<vmem>>
    %dma_wait3A_147 = tpu.memref_squeeze %dma_wait3A_146 : memref<1x125x64xi32, #tpu.memory_space<vmem>> -> memref<125x64xi32, #tpu.memory_space<vmem>>
    tpu.wait_dma2 semaphore(%arg12 : memref<!tpu.dma_semaphore, #tpu.memory_space<semaphore_mem>>) src(%dma_wait3A_147 : memref<125x64xi32, #tpu.memory_space<vmem>>) dst(%dma_wait3A_143 : memref<125x64xi32, #tpu.memory_space<hbm>>)
    %dma_wait3A_148 = arith.constant 3 : i32
    %dma_wait3A_149 = arith.constant 0 : i32
    %dma_wait3A_150 = arith.constant 0 : i32
    %dma_wait3A_151 = tpu.memref_slice %arg5[%dma_wait3A_148, %dma_wait3A_149, %dma_wait3A_150] : memref<4x125x64xi32, #tpu.memory_space<vmem>> -> memref<1x125x64xi32, #tpu.memory_space<vmem>>
    %dma_wait3A_152 = tpu.memref_squeeze %dma_wait3A_151 : memref<1x125x64xi32, #tpu.memory_space<vmem>> -> memref<125x64xi32, #tpu.memory_space<vmem>>
    %dma_wait3A_153 = arith.constant 0 : i32
    %dma_wait3A_154 = tpu.memref_slice %arg3[%mul3A_2, %dma_wait3A_153] : memref<100000x64xi32, #tpu.memory_space<hbm>> -> memref<125x64xi32, #tpu.memory_space<hbm>>
    %dma_wait3A_155 = arith.constant 0 : i32
    %dma_wait3A_156 = tpu.memref_slice %arg3[%mul3A_2, %dma_wait3A_155] : memref<100000x64xi32, #tpu.memory_space<hbm>> -> memref<125x64xi32, #tpu.memory_space<hbm>>
    %dma_wait3A_157 = arith.constant 0 : i32
    %dma_wait3A_158 = arith.constant 0 : i32
    %dma_wait3A_159 = tpu.memref_slice %arg5[%dma_wait3A_148, %dma_wait3A_157, %dma_wait3A_158] : memref<4x125x64xi32, #tpu.memory_space<vmem>> -> memref<1x125x64xi32, #tpu.memory_space<vmem>>
    %dma_wait3A_160 = tpu.memref_squeeze %dma_wait3A_159 : memref<1x125x64xi32, #tpu.memory_space<vmem>> -> memref<125x64xi32, #tpu.memory_space<vmem>>
    tpu.wait_dma2 semaphore(%arg13 : memref<!tpu.dma_semaphore, #tpu.memory_space<semaphore_mem>>) src(%dma_wait3A_160 : memref<125x64xi32, #tpu.memory_space<vmem>>) dst(%dma_wait3A_156 : memref<125x64xi32, #tpu.memory_space<hbm>>)
    return
  }
}

module attributes {stable_mosaic.version = 14 : i64} {
  func.func @body(%arg0: i32, %arg1: memref<2048x128xf32, #tpu.memory_space<vmem>>, %arg2: memref<128x128xf32, #tpu.memory_space<vmem>>, %arg3: memref<1x128xf32, #tpu.memory_space<vmem>>, %arg4: memref<2048x1xi32, #tpu.memory_space<vmem>>, %arg5: memref<32x8xf32, #tpu.memory_space<vmem>>, %arg6: memref<2048x136xf32, #tpu.memory_space<vmem>>) attributes {dimension_semantics = [#tpu.dimension_semantics<arbitrary>], iteration_bounds = array<i64: 8>, scalar_prefetch = 0 : i64, scratch_operands = 0 : i64, tpu.core_type = #tpu.core_type<tc>, window_params = [{transform_indices = @transform_0, window_bounds = array<i64: 2048, 128>}, {pipeline_mode = #tpu.pipeline_mode<synchronous>, transform_indices = @transform_1, window_bounds = array<i64: 128, 128>}, {pipeline_mode = #tpu.pipeline_mode<synchronous>, transform_indices = @transform_2, window_bounds = array<i64: 1, 128>}, {transform_indices = @transform_3, window_bounds = array<i64: 2048, 1>}, {pipeline_mode = #tpu.pipeline_mode<synchronous>, transform_indices = @transform_4, window_bounds = array<i64: 32, 8>}, {transform_indices = @transform_5, window_bounds = array<i64: 2048, 136>}]} {
    %get3A = arith.constant 0 : index
    %get3A_0 = arith.constant 0 : index
    %get3A_1 = vector.load %arg1[%get3A, %get3A_0] : memref<2048x128xf32, #tpu.memory_space<vmem>>, vector<2048x128xf32>
    %mul3A = arith.constant 2.000000e-02 : f32
    %mul3A_2 = vector.broadcast %mul3A : f32 to vector<2048x128xf32>
    %mul3A_3 = arith.mulf %get3A_1, %mul3A_2 : vector<2048x128xf32>
    %get3A_4 = arith.constant 0 : index
    %get3A_5 = arith.constant 0 : index
    %get3A_6 = vector.load %arg2[%get3A_4, %get3A_5] : memref<128x128xf32, #tpu.memory_space<vmem>>, vector<128x128xf32>
    %dot_general3A = arith.constant dense<0.000000e+00> : vector<2048x128xf32>
    %dot_general3A_7 = tpu.matmul %mul3A_3, %get3A_6, %dot_general3A {dimension_numbers = #tpu.dot_dimension_numbers<[1], [0], [0], [1], [0, 0, 1, 1], [], []>, transpose_lhs_hint = false} : vector<2048x128xf32>, vector<128x128xf32>, vector<2048x128xf32> -> vector<2048x128xf32>
    %get3A_8 = arith.constant 0 : index
    %get3A_9 = arith.constant 0 : index
    %get3A_10 = vector.load %arg3[%get3A_8, %get3A_9] : memref<1x128xf32, #tpu.memory_space<vmem>>, vector<1x128xf32>
    %add3A = vector.broadcast %get3A_10 : vector<1x128xf32> to vector<2048x128xf32>
    %add3A_11 = arith.addf %dot_general3A_7, %add3A : vector<2048x128xf32>
    %get3A_12 = arith.constant 0 : index
    %get3A_13 = arith.constant 0 : index
    %get3A_14 = vector.load %arg4[%get3A_12, %get3A_13] : memref<2048x1xi32, #tpu.memory_space<vmem>>, vector<2048x1xi32>
    %iota3A = tpu.iota {dimensions = array<i32: 1>} : vector<2048x32xi32>
    %eq3A = vector.broadcast %get3A_14 : vector<2048x1xi32> to vector<2048x32xi32>
    %eq3A_15 = arith.cmpi eq, %eq3A, %iota3A : vector<2048x32xi32>
    %convert_element_type3A = arith.extui %eq3A_15 : vector<2048x32xi1> to vector<2048x32xi32>
    %convert_element_type3A_16 = arith.sitofp %convert_element_type3A : vector<2048x32xi32> to vector<2048x32xf32>
    %get3A_17 = arith.constant 0 : index
    %get3A_18 = arith.constant 0 : index
    %get3A_19 = vector.load %arg5[%get3A_17, %get3A_18] : memref<32x8xf32, #tpu.memory_space<vmem>>, vector<32x8xf32>
    %dot_general3A_20 = arith.constant dense<0.000000e+00> : vector<2048x8xf32>
    %dot_general3A_21 = tpu.matmul %convert_element_type3A_16, %get3A_19, %dot_general3A_20 {dimension_numbers = #tpu.dot_dimension_numbers<[1], [0], [0], [1], [0, 0, 1, 1], [], []>, transpose_lhs_hint = false} : vector<2048x32xf32>, vector<32x8xf32>, vector<2048x8xf32> -> vector<2048x8xf32>
    %concatenate3A = tpu.concatenate %add3A_11, %dot_general3A_21 in 1 : vector<2048x128xf32>, vector<2048x8xf32> -> vector<2048x136xf32>
    %swap3A = arith.constant 0 : index
    %swap3A_22 = arith.constant 0 : index
    %swap3A_23 = vector.load %arg6[%swap3A, %swap3A_22] : memref<2048x136xf32, #tpu.memory_space<vmem>>, vector<2048x136xf32>
    tpu.vector_store %arg6[%swap3A, %swap3A_22], %concatenate3A {strides = array<i32>} : memref<2048x136xf32, #tpu.memory_space<vmem>>, vector<2048x136xf32>,
    return
  }
  func.func @transform_0(%arg0: i32) -> (i32, i32) {
    %c0_i32 = arith.constant 0 : i32
    %c0_i32_0 = arith.constant 0 : i32
    return %arg0, %c0_i32 : i32, i32
  }
  func.func @transform_1(%arg0: i32) -> (i32, i32) {
    %c0_i32 = arith.constant 0 : i32
    %c0_i32_0 = arith.constant 0 : i32
    %c0_i32_1 = arith.constant 0 : i32
    return %c0_i32, %c0_i32_0 : i32, i32
  }
  func.func @transform_2(%arg0: i32) -> (i32, i32) {
    %c0_i32 = arith.constant 0 : i32
    %c0_i32_0 = arith.constant 0 : i32
    %c0_i32_1 = arith.constant 0 : i32
    return %c0_i32, %c0_i32_0 : i32, i32
  }
  func.func @transform_3(%arg0: i32) -> (i32, i32) {
    %c0_i32 = arith.constant 0 : i32
    %c0_i32_0 = arith.constant 0 : i32
    return %arg0, %c0_i32 : i32, i32
  }
  func.func @transform_4(%arg0: i32) -> (i32, i32) {
    %c0_i32 = arith.constant 0 : i32
    %c0_i32_0 = arith.constant 0 : i32
    %c0_i32_1 = arith.constant 0 : i32
    return %c0_i32, %c0_i32_0 : i32, i32
  }
  func.func @transform_5(%arg0: i32) -> (i32, i32) {
    %c0_i32 = arith.constant 0 : i32
    %c0_i32_0 = arith.constant 0 : i32
    return %arg0, %c0_i32 : i32, i32
  }
}

</mosaic_0001>

<sc_bundles>
// kernel: kernel.5.cloned.1.call-start
scs
__scs_entry_jumppad:
0x0: {  	(pc) =	sbr.rel $0x88, $3  }
0x1: {  	(tag) =	ssettag $0x0;
	lr =	simm.s32 $0x1  }
0x2: {  	[smem:$0x3F9B] =	sst lr;
	_ =	strace $0xD0000000  }
0x3: {  	_ = 	snop  }
0x4: {  	_ = 	snop  }
0x5: {  	_ = 	snop  }
0x6: {  	_ = 	snop  }
0x7: {  	_ = 	snop  }
__scs_overlays_trampoline_lowered:
0x8: {  	[smem:$0x3FAA] =	sst s0  }
0x9: {  	[smem:$0x3FAB] =	sst s1  }
0xa: {  	[smem:$0x3FAC] =	sst s2  }
0xb: {  	[smem:$0x3FAD] =	sst s3  }
0xc: {  	[smem:$0x3FAE] =	sst s4  }
0xd: {  	[smem:$0x3FAF] =	sst s5  }
0xe: {  	[smem:$0x3FB0] =	sst s6  }
0xf: {  	[smem:$0x3FB1] =	sst s7  }
0x10: {  	[smem:$0x3FB2] =	sst s8  }
0x11: {  	[smem:$0x3FB3] =	sst s9;
	s0 =	simm.s32 @!p0 $0x0  }
0x12: {  	s1 =	sld [smem:$0x3F99];
	s0 =	simm.s32 @p0 $0x1  }
0x13: {  	[smem:$0x3FB4] =	sst s0;
	s0 =	simm.s32 @!p1 $0x0  }
0x14: {  	s2 =	sld [smem:$0x3F98];
	s0 =	simm.s32 @p1 $0x1  }
0x15: {  	[smem:$0x3FB5] =	sst s0;
	s0 =	simm.s32 @!p2 $0x0  }
0x16: {  	s3 =	sld [smem:$0x3FDB];
	s0 =	simm.s32 @p2 $0x1  }
0x17: {  	s4 =	simm.s32 $0x1BF5;
	[smem:$0x3FB7] =	sst s0  }
0x18: {  	s0 =	sld [smem:$0x3F9A];
	_ =	swait.ge [sflag:s4], $0x0  }
0x19: {  	s7 =	sld [smem:$0x3F9B]  }
0x1a: {  	s8 =	sadd.s32 $0xFFFFE003, lr  }
0x1b: {  	s9 =	sadd.s32 $0xFFFFFEF7, lr;
	s5 =	simm.s32 $0xFFFFFFFF;
	p2 =	slt.u32 s8, $0xFFFFF086  }
0x1c: {  	p1 =	slt.u32 s9, $0xF7A;
	s5 =	simm.s32 @!p2 $0x0  }
0x1d: {  	s5 =	simm.s32 @p1 $0x1;
	p0 =	seq.s32 s7, s2  }
0x1e: {  	s7 =	smul.u32 @!p0 $0xF7A, s2;
	p2 =	seq.s32 @!p0 s5, $0x0  }
0x1f: {  	s9 =	smul.u32 $0xF7A, s1;
	s8 =	simm.s32 @!p0 $0x1BF5;
	p2 =	por !p2, p0  }
0x20: {  	[sflag:s8] =	ssyncset.s32 @!p0 $0xFFFFF086;
	s6 =	sadd.s32 @!p0 s3, s7;
	s7 =	simm.s32 @!p0 $0x108  }
0x21: {  	s3 =	sadd.s32 s3, s9;
	s6 =	sadd.s32 @!p0 $0x88, s6;
	s7 =	simm.s32 @p2 $0x1082  }
0x22: {  	[simem:s7], [sflag:s8] =	dma.local @!p0 [hbm:s6], $0xF7A  }
0x23: {  	s9 =	sor.u32 $0xD0000000, s2;
	s6 =	simm.s32 $0x108;
	_ =	swait.ge @!p0 [sflag:s8], $0x0  }
0x24: {  	s3 =	sadd.s32 $0x88, s3;
	s6 =	simm.s32 @!p1 $0x1082;
	[sflag:s4] =	ssyncset.s32 $0xFFFFF086  }
0x25: {  	[simem:s6], [sflag:s4] =	dma.local [hbm:s3], $0xF7A  }
0x26: {  	[smem:$0x3F9B] =	sst s1;
	(tag) =	ssettag s2;
	_ =	strace s9  }
0x27: {  	s1 =	sld [smem:$0x3FAB]  }
0x28: {  	s2 =	sld [smem:$0x3FAC]  }
0x29: {  	s4 =	sld [smem:$0x3FAE]  }
0x2a: {  	p0 =	seq.s32 s5, $0x0;
	s5 =	sld [smem:$0x3FAF]  }
0x2b: {  	s6 =	sld [smem:$0x3FB0]  }
0x2c: {  	s7 =	sld [smem:$0x3FB1]  }
0x2d: {  	s3 =	simm.s32 $0x108;
	s8 =	sld [smem:$0x3FB2]  }
0x2e: {  	s3 =	simm.s32 @!p0 $0x1082;
	s9 =	sld [smem:$0x3FB3]  }
0x2f: {  	lr =	sadd.s32 s0, s3;
	s0 =	sld [smem:$0x3FAA]  }
0x30: {  	s3 =	sld [smem:$0x3FAD]  }
0x31: {  	[smem:$0x3FB6] =	sst s10  }
0x32: {  	s10 =	sld [smem:$0x3FB4];
	_ =	sdelay $0x3  }
0x33: {  	p0 =	seq.s32 s10, $0x1;
	s10 =	sld [smem:$0x3FB6];
	_ =	sdelay $0x3  }
0x34: {  	[smem:$0x3FB6] =	sst s10  }
0x35: {  	s10 =	sld [smem:$0x3FB5];
	_ =	sdelay $0x3  }
0x36: {  	p1 =	seq.s32 s10, $0x1;
	s10 =	sld [smem:$0x3FB6];
	_ =	sdelay $0x3  }
0x37: {  	[smem:$0x3FB6] =	sst s10  }
0x38: {  	s10 =	sld [smem:$0x3FB7]  }
0x39: {  	_ = 	snop;
	(pc) =	sbr.ind lr, $3  }
0x3a: {  	_ = 	snop  }
0x3b: {  	_ = 	snop  }
0x3c: {  	p2 =	seq.s32 s10, $0x1;
	s10 =	sld [smem:$0x3FB6]  }
0x3d: {  	_ =	shalt  }
0x3e: {  	_ =	shalt  }
0x3f: {  	_ =	shalt  }
0x40: {  	_ =	shalt  }
0x41: {  	_ =	shalt  }
0x42: {  	_ =	shalt  }
0x43: {  	_ =	shalt  }
0x44: {  	_ =	shalt  }
0x45: {  	_ =	shalt  }
0x46: {  	_ =	shalt  }
0x47: {  	_ =	shalt  }
0x48: {  	_ =	shalt  }
0x49: {  	_ =	shalt  }
0x4a: {  	_ =	shalt  }
0x4b: {  	_ =	shalt  }
0x4c: {  	_ =	shalt  }
0x4d: {  	_ =	shalt  }
0x4e: {  	_ =	shalt  }
0x4f: {  	_ =	shalt  }
0x50: {  	_ =	shalt  }
0x51: {  	_ =	shalt  }
0x52: {  	_ =	shalt  }
0x53: {  	_ =	shalt  }
0x54: {  	_ =	shalt  }
0x55: {  	_ =	shalt  }
0x56: {  	_ =	shalt  }
0x57: {  	_ =	shalt  }
0x58: {  	_ =	shalt  }
0x59: {  	_ =	shalt  }
0x5a: {  	_ =	shalt  }
0x5b: {  	_ =	shalt  }
0x5c: {  	_ =	shalt  }
0x5d: {  	_ =	shalt  }
0x5e: {  	_ =	shalt  }
0x5f: {  	_ =	shalt  }
0x60: {  	_ =	shalt  }
0x61: {  	_ =	shalt  }
0x62: {  	_ =	shalt  }
0x63: {  	_ =	shalt  }
0x64: {  	_ =	shalt  }
0x65: {  	_ =	shalt  }
0x66: {  	_ =	shalt  }
0x67: {  	_ =	shalt  }
0x68: {  	_ =	shalt  }
0x69: {  	_ =	shalt  }
0x6a: {  	_ =	shalt  }
0x6b: {  	_ =	shalt  }
0x6c: {  	_ =	shalt  }
0x6d: {  	_ =	shalt  }
0x6e: {  	_ =	shalt  }
0x6f: {  	_ =	shalt  }
0x70: {  	_ =	shalt  }
0x71: {  	_ =	shalt  }
0x72: {  	_ =	shalt  }
0x73: {  	_ =	shalt  }
0x74: {  	_ =	shalt  }
0x75: {  	_ =	shalt  }
0x76: {  	_ =	shalt  }
0x77: {  	_ =	shalt  }
0x78: {  	_ =	shalt  }
0x79: {  	_ =	shalt  }
0x7a: {  	_ =	shalt  }
0x7b: {  	_ =	shalt  }
0x7c: {  	_ =	shalt  }
0x7d: {  	_ =	shalt  }
0x7e: {  	_ =	shalt  }
0x7f: {  	_ =	shalt  }
0x80: {  	_ =	shalt  }
0x81: {  	_ =	shalt  }
0x82: {  	_ =	shalt  }
0x83: {  	_ =	shalt  }
0x84: {  	_ =	shalt  }
0x85: {  	_ =	shalt  }
0x86: {  	_ =	shalt  }
0x87: {  	_ =	shalt  }
.Lfunc_end0:
.L_simem_size_0:
called_computation_lowered:
.L_overlay_start_0:
0x88: {  	s2 =	sld [smem:$0x3FD9]  }
0x89: {  	s3 =	sld [smem:$0x3FFE];
	_ =	sdelay $0x1  }
0x8a: {  	s1 =	srdreg.scid  }
0x8b: {  	s0 =	sand.u32 $0x1, s1  }
0x8c: {  	s17 =	sshll.u32 s0, $0xA;
	s2 =	sadd.s32 s3, s2  }
0x8d: {  	s2 =	sadd.s32 s2, s17  }
0x8e: {  	[smem:$0x3FC2] =	sst s2  }
0x8f: {  	_ = 	snop  }
0x90: {  	s2 =	sld [smem:$0x3FC9];
	(tm) =	ssettm $0x1  }
0x91: {  	s18 =	sld [smem:$0x3FFB];
	_ =	sdelay $0x3  }
0x92: {  	_ =	strace s18  }
0x93: {  	s3 =	sld [smem:$0x3FFC];
	_ =	sdelay $0x3  }
0x94: {  	_ =	strace s3  }
0x95: {  	s3 =	sld [smem:$0x3FFD];
	_ =	sdelay $0x3  }
0x96: {  	_ =	strace s3  }
0x97: {  	_ =	strace $0x8FFFFFFF  }
0x98: {  	s19 =	sld [smem:$0x3FDB];
	_ =	sdelay $0x1  }
0x99: {  	s4 =	simm.s32 $_scs_section_size  }
0x9a: {  	s5 =	simm.s32 $_size__tile_overlayer_lowered;
	s6 =	simm.s32 $_tile_overlayer_lowered  }
0x9b: {  	s22 =	simm.s32 $0x1BFF;
	s21 =	sshll.u32 s6, $0x1;
	s3 =	sadd.s32 s4, s19  }
0x9c: {  	s7 =	simm.s32 $0x0;
	s20 =	sshll.u32 s5, $0x1;
	s5 =	sadd.s32 s21, s3  }
0x9d: {  	[timem:s7], [sflag:s22] =	dma.local [hbm:s5], s20  }
0x9e: {  	_ =	swait.ge [sflag:s22], s20  }
0x9f: {  	s4 =	ssub.s32 $0x0, s20;
	[sflag:s22] =	ssyncset.done $0x0  }
0xa0: {  	[sflag:s22] =	ssyncadd.s32 s4;
	_ =	sdelay $0x1  }
0xa1: {  	s23 =	simm.s32 $0x1B8B  }
0xa2: {  	_ =	swait.ge [sflag:s23], $0x1  }
0xa3: {  	[sflag:s23] =	ssyncset.done $0x0  }
0xa4: {  	s25 =	simm.s32 $0x1B8E;
	s24 =	sld [smem:$0x3FFE];
	[sflag:s23] =	ssyncadd.s32 $0xFFFFFFFF  }
0xa5: {  	s26 =	simm.s32 $execute0_lowered;
	[smem:$0x3FD2] =	sst s25  }
0xa6: {  	s5 =	sshll.u32 s26, $0x1;
	_ =	strace $0x80000046;
	[dreg:$0x1] =	wrdreg $0xFFFFFFFF  }
0xa7: {  	s28 =	simm.s32 $_size_execute0_lowered;
	s3 =	sadd.s32 s3, s5;
	[dreg:$0x0] =	wrdreg $0x0  }
0xa8: {  	s5 =	sshll.u32 s28, $0x1;
	[dreg:$0x2] =	wrdreg s3  }
0xa9: {  	[dreg:$0x3] =	wrdreg s5  }
0xaa: {  	[dreg:$0x4] =	wrdreg $0xC0  }
0xab: {  	_ =	task [dreg:s7], $0x5FFFF  }
0xac: {  	[dreg:$0x1] =	wrdreg $0xFFFFFFFF  }
0xad: {  	[dreg:$0x0] =	wrdreg $0x60  }
0xae: {  	[dreg:$0x2] =	wrdreg s2  }
0xaf: {  	[dreg:$0x3] =	wrdreg s24  }
0xb0: {  	[dreg:$0x4] =	wrdreg $0x9  }
0xb1: {  	_ =	task.clear_ibuf [dreg:s7], $0x5FFFF;
	_ =	strace $0x90000046  }
0xb2: {  	s29 =	simm.s32 $0x9;
	_ =	strace $0x80000048  }
0xb3: {  	_ =	swait.ge [sflag:s29], $0x1  }
0xb4: {  	[sflag:s29] =	ssyncadd.s32 $0xFFFFFFFF  }
0xb5: {  	_ =	strace $0x90000048  }
0xb6: {  	_ =	sfence  }
0xb7: {  	s30 =	sld [smem:$0x0];
	_ =	sdelay $0x2  }
0xb8: {  	s31 =	sshll.u32 s1, $0xD;
	s1 =	sshrl.u32 s1, $0x2  }
0xb9: {  	s3 =	sand.u32 $0x4000, s31;
	s1 =	sadd.s32 s1, s30  }
0xba: {  	s0 =	sor.u32 s3, s0;
	s1 =	sshll.u32 s1, $0x11  }
0xbb: {  	s0 =	sor.u32 s1, s0  }
0xbc: {  	s0 =	sadd.s32 $0x8F2B, s0  }
0xbd: {  	[sflag:s0] =	ssyncadd.remote.s32 $0x1  }
0xbe: {  	_ =	sfence.sel $0xFFFF  }
0xbf: {  	[dreg:$0x0] =	wrdreg $0xFFFFFFFF;
	(pc) =	sbr.abs _section_cstart, $3  }
0xc0: {  	[dreg:$0x1] =	wrdreg $0xFFFFFFFF  }
0xc1: {  	_ =	task.clear_ibuf [dreg:s7], $0x2FFFF;
	_ =	strace $0x9FFFFFFF  }
0xc2: {  	(tm) =	ssettm $0x7FFFFFFF  }
0xc3: {  	_ =	shalt  }
tec
execute0_lowered:
.L_overlay_start_1:
0x0: {  	(tag) =	ssettag $0x1  }
0x1: {  	s2 =	rddreg [dreg:$0x0];
	s0 =	srdreg.scid  }
0x2: {  	s3 =	stileid.u32;
	s1 =	rddreg [dreg:$0x1]  }
0x3: {  	s19 =	simm.s32 $0x3E80;
	s20 =	simm.s32 $0x7D00;
	s21 =	simm.s32 $0xBB80  }
0x4: {  	s22 =	simm.s32 $0x1;
	s0 =	sand.u32 $0x1, s0;
	s4 =	sshll.u32 s3, $0x1  }
0x5: {  	s28 =	simm.s32 $0x7;
	s29 =	simm.s32 $0x13880;
	s6 =	sor.u32 s0, s4  }
0x6: {  	s30 =	simm.s32 $0x4;
	s31 =	simm.s32 $0x8;
	s4 =	smul.u32 $0x61A80, s6  }
0x7: {  	s3 =	simm.s32 $0x0;
	s0 =	ssub.s32 $0x2, s0;
	s7 =	smul.u32 $0xC350, s6  }
0x8: {  	[smem:$0x7FF] =	sst s3;
	s5 =	sshrl.u32 s0, $0x1;
	s26 =	smul.u32 $0x30D40, s6  }
0x9: {  	_ =	strace $0x80000047;
	s0 =	ssub.s32 s0, s5;
	s5 =	smul.u32 $0xC35, s6  }
0xa: {  	s6 =	simm.s32 $0x0;
	s8 =	sshrl.u32 s4, $0x3;
	s4 =	sadd.s32 $0x1400, s1  }
0xb: {  	s7 =	sadd.s32 s2, s7;
	s0 =	smax.u32 s0, $0x1;
	s23 =	sadd.s32 s2, s8  }
0xc: {  	[dreg:$0x3] =	wrdreg s7;
	s10 =	sadd.s32 $0x1F4, s5;
	s11 =	sadd.s32 $0x7D, s5  }
0xd: {  	s12 =	sadd.s32 $0x271, s5;
	s13 =	sadd.s32 $0xFA, s5;
	s14 =	sadd.s32 $0x2EE, s5  }
0xe: {  	s15 =	sadd.s32 $0x177, s5;
	[dreg:$0x8] =	wrdreg s0;
	s24 =	sadd.s32 $0x7D0, s23  }
0xf: {  	s16 =	sadd.s32 $0x36B, s5;
	s1 =	sadd.s32 $0x1770, s23;
	[dreg:$0x4] =	wrdreg s24  }
0x10: {  	s25 =	sadd.s32 $0xFA0, s23;
	[dreg:$0x6] =	wrdreg s1;
	s1 =	sshrl.u32 s26, $0x3  }
0x11: {  	s23 =	simm.s32 $0xFA00;
	[dreg:$0x5] =	wrdreg s25;
	s1 =	sadd.s32 s4, s1  }
0x12: {  	s24 =	simm.s32 $0x2;
	s25 =	simm.s32 $0x11940;
	s1 =	sadd.s32 $0x5DC0, s1  }
0x13: {  	s26 =	simm.s32 $0x3;
	[dreg:$0x7] =	wrdreg s1;
	s1 =	simm.s32 $0x157C0  }
.LBB2_1:
0x14: {  	[dreg:$0x9] =	wrdreg s6  }
0x15: {  	s0 =	rddreg [dreg:$0x3]  }
0x16: {  	[tilespmem:s3], [sflag:$0x1] =	stream.linear.gather [hbm4b:s0+s3], $0x3E80, $0x38;
	[tilespmem:$0x17700] =	vst v63  }
0x17: {  	s9 =	rddreg [dreg:$0x4]  }
0x18: {  	[tilespmem:s19], [sflag:$0x2] =	stream.linear.gather [hbm4b:s9+s3], $0x3E80, $0x38;
	[tilespmem:$0x17700] =	vst v63  }
0x19: {  	s17 =	rddreg [dreg:$0x5]  }
0x1a: {  	[tilespmem:s20], [sflag:$0x3] =	stream.linear.gather [hbm4b:s17+s3], $0x3E80, $0x38;
	[tilespmem:$0x17700] =	vst v63  }
0x1b: {  	s18 =	rddreg [dreg:$0x6];
	s8 =	simm.s32 $0x0  }
0x1c: {  	[tilespmem:s21], [sflag:$0x4] =	stream.linear.gather [hbm4b:s18+s3], $0x3E80, $0x38;
	[tilespmem:$0x17700] =	vst v63  }
.LBB2_2:
0x1d: {  	_ =	swait.ge [sflag:s22], $0x3E80  }
0x1e: {  	p0 =	seq.s32 s8, $0x0;
	[sflag:s22] =	ssyncset.done $0x0  }
0x1f: {  	s0 =	simm.s32 @!p0 $0x5;
	[sflag:s22] =	ssyncadd.s32 $0xFFFFC180  }
0x20: {  	_ =	swait.ge @!p0 [sflag:s0], $0x1F40  }
0x21: {  	[sflag:s0] =	ssyncset.done @!p0 $0x0  }
0x22: {  	s7 =	simm.s32 $0x280;
	[sflag:s0] =	ssyncadd.s32 @!p0 $0xFFFFE0C0  }
0x23: {  	v0 =	vld [tilespmem:s7+$0x200]  }
0x24: {  	v1 =	vld [tilespmem:s7+$0x240]  }
0x25: {  	v2 =	vld [tilespmem:s7+$0xFFFFFDC0]  }
0x26: {  	v3 =	vld [tilespmem:s7+$0xFFFFFE00]  }
0x27: {  	v4 =	vld [tilespmem:s7+$0xFFFFFE40]  }
0x28: {  	v5 =	vld [tilespmem:s7+$0xFFFFFE80]  }
0x29: {  	v6 =	vld [tilespmem:s7+$0xFFFFFEC0]  }
0x2a: {  	v8 =	vld [tilespmem:s7+$0xFFFFFF40]  }
0x2b: {  	v9 =	vld [tilespmem:s7+$0xFFFFFF80]  }
0x2c: {  	v10 =	vld [tilespmem:s7+$0xFFFFFFC0]  }
0x2d: {  	v11 =	vld [tilespmem:s7+$0x0]  }
0x2e: {  	v12 =	vld [tilespmem:s7+$0x40]  }
0x2f: {  	v14 =	vld [tilespmem:s7+$0xC0]  }
0x30: {  	v15 =	vld [tilespmem:s7+$0x100]  }
0x31: {  	v16 =	vld [tilespmem:s7+$0x140]  }
0x32: {  	v17 =	vld [tilespmem:s7+$0x180]  }
0x33: {  	s9 =	simm.s32 $0xFB40;
	v38 =	vld [tilespmem:s7+$0x1C0];
	v0 =	vpack.i.f32.bf16 v1, v0  }
0x34: {  	v1 =	vld [tilespmem:s7+$0xFFFFFF00];
	[tilespmem:s9+$0x100] =	vst v0  }
0x35: {  	v3 =	vpack.i.f32.bf16 v4, v3;
	v0 =	vld [tilespmem:s7+$0x210]  }
0x36: {  	v5 =	vpack.i.f32.bf16 v6, v5;
	[tilespmem:s9+$0xFFFFFF00] =	vst v3;
	v7 =	vld [tilespmem:s7+$0x250]  }
0x37: {  	v9 =	vpack.i.f32.bf16 v10, v9;
	[tilespmem:s9+$0xFFFFFF40] =	vst v5;
	v6 =	vld [tilespmem:s7+$0xFFFFFE10]  }
0x38: {  	[tilespmem:s9+$0xFFFFFFC0] =	vst v9;
	v5 =	vld [tilespmem:s7+$0xFFFFFE50]  }
0x39: {  	v11 =	vpack.i.f32.bf16 v12, v11;
	v42 =	vld [tilespmem:s7+$0xFFFFFF90]  }
0x3a: {  	v15 =	vpack.i.f32.bf16 v16, v15;
	[tilespmem:s9+$0x0] =	vst v11;
	v43 =	vld [tilespmem:s7+$0xFFFFFFD0]  }
0x3b: {  	[tilespmem:s9+$0x80] =	vst v15;
	v44 =	vld [tilespmem:s7+$0x10]  }
0x3c: {  	v47 =	vld [tilespmem:s7+$0x110]  }
0x3d: {  	v48 =	vld [tilespmem:s7+$0x150];
	v1 =	vpack.i.f32.bf16 v8, v1  }
0x3e: {  	[tilespmem:s9+$0xFFFFFF80] =	vst v1;
	v0 =	vpack.i.f32.bf16 v7, v0;
	v7 =	vld [tilespmem:s7+$0x80]  }
0x3f: {  	v40 =	vld [tilespmem:s7+$0xFFFFFF10]  }
0x40: {  	v41 =	vld [tilespmem:s7+$0xFFFFFF50];
	[tilespmem:s9+$0x110] =	vst v0  }
0x41: {  	v11 =	vpack.i.f32.bf16 v43, v42;
	v0 =	vld [tilespmem:s7+$0x220]  }
0x42: {  	[tilespmem:s9+$0xFFFFFFD0] =	vst v11;
	v13 =	vld [tilespmem:s7+$0x260]  }
0x43: {  	v54 =	vld [tilespmem:s7+$0xFFFFFFA0];
	v7 =	vpack.i.f32.bf16 v14, v7  }
0x44: {  	[tilespmem:s9+$0x40] =	vst v7;
	v7 =	vld [tilespmem:s7+$0x50]  }
0x45: {  	v9 =	vpack.i.f32.bf16 v41, v40;
	v45 =	vld [tilespmem:s7+$0x90]  }
0x46: {  	[tilespmem:s9+$0xFFFFFF90] =	vst v9;
	v46 =	vld [tilespmem:s7+$0xD0]  }
0x47: {  	v52 =	vld [tilespmem:s7+$0xFFFFFF20]  }
0x48: {  	v0 =	vpack.i.f32.bf16 v13, v0;
	v53 =	vld [tilespmem:s7+$0xFFFFFF60]  }
0x49: {  	[tilespmem:s9+$0x120] =	vst v0;
	v0 =	vld [tilespmem:s7+$0xFFFFFD80]  }
0x4a: {  	v13 =	vpack.i.f32.bf16 v38, v17;
	v4 =	vld [tilespmem:s7+$0x230]  }
0x4b: {  	[tilespmem:s9+$0xC0] =	vst v13;
	v13 =	vpack.i.f32.bf16 v48, v47;
	v3 =	vld [tilespmem:s7+$0x270]  }
0x4c: {  	v49 =	vld [tilespmem:s7+$0x190];
	[tilespmem:s9+$0x90] =	vst v13  }
0x4d: {  	v59 =	vld [tilespmem:s7+$0x120];
	v7 =	vpack.i.f32.bf16 v7, v44  }
0x4e: {  	[tilespmem:s9+$0x10] =	vst v7;
	v7 =	vld [tilespmem:s7+$0xFFFFFFE0]  }
0x4f: {  	v0 =	vpack.i.f32.bf16 v2, v0;
	v2 =	vld [tilespmem:s7+$0xFFFFFE90]  }
0x50: {  	v15 =	vpack.i.f32.bf16 v46, v45;
	v55 =	vld [tilespmem:s7+$0x20]  }
0x51: {  	[tilespmem:s9+$0x50] =	vst v15;
	v56 =	vld [tilespmem:s7+$0x60]  }
0x52: {  	[tilespmem:s9+$0xFFFFFEC0] =	vst v0;
	v0 =	vld [tilespmem:s7+$0xFFFFFED0]  }
0x53: {  	v57 =	vld [tilespmem:s7+$0xA0]  }
0x54: {  	v39 =	vld [tilespmem:s7+$0xFFFFFD90]  }
0x55: {  	v11 =	vpack.i.f32.bf16 v53, v52;
	v1 =	vld [tilespmem:s7+$0xFFFFFDD0]  }
0x56: {  	v5 =	vpack.i.f32.bf16 v5, v6;
	[tilespmem:s9+$0xFFFFFFA0] =	vst v11;
	v58 =	vld [tilespmem:s7+$0xE0]  }
0x57: {  	[tilespmem:s9+$0xFFFFFF10] =	vst v5;
	v3 =	vpack.i.f32.bf16 v3, v4;
	v11 =	vld [tilespmem:s7+$0xFFFFFF70]  }
0x58: {  	[tilespmem:s9+$0x130] =	vst v3;
	v3 =	vpack.i.f32.bf16 v7, v54;
	v7 =	vld [tilespmem:s7+$0xFFFFFF30]  }
0x59: {  	[tilespmem:s9+$0xFFFFFFE0] =	vst v3;
	v0 =	vpack.i.f32.bf16 v0, v2;
	v2 =	vld [tilespmem:s7+$0xFFFFFE20]  }
0x5a: {  	v1 =	vpack.i.f32.bf16 v1, v39;
	[tilespmem:s9+$0xFFFFFF50] =	vst v0;
	v0 =	vld [tilespmem:s7+$0xFFFFFE60]  }
0x5b: {  	[tilespmem:s9+$0xFFFFFED0] =	vst v1;
	v1 =	vld [tilespmem:s7+$0x1D0]  }
0x5c: {  	v63 =	vld [tilespmem:s7+$0xFFFFFFB0]  }
0x5d: {  	v50 =	vld [tilespmem:s7+$0xFFFFFEA0]  }
0x5e: {  	v6 =	vld [tilespmem:s7+$0xFFFFFDA0]  }
0x5f: {  	v5 =	vld [tilespmem:s7+$0xFFFFFDE0];
	v0 =	vpack.i.f32.bf16 v0, v2  }
0x60: {  	v51 =	vld [tilespmem:s7+$0xFFFFFEE0];
	v1 =	vpack.i.f32.bf16 v1, v49;
	[tilespmem:s9+$0xFFFFFF20] =	vst v0  }
0x61: {  	[tilespmem:s9+$0xD0] =	vst v1;
	v1 =	vld [tilespmem:s7+$0x160]  }
0x62: {  	v60 =	vld [tilespmem:s7+$0xFFFFFE30]  }
0x63: {  	v61 =	vld [tilespmem:s7+$0xFFFFFE70]  }
0x64: {  	v5 =	vpack.i.f32.bf16 v5, v6;
	v6 =	vld [tilespmem:s7+$0x1A0]  }
0x65: {  	[tilespmem:s9+$0xFFFFFEE0] =	vst v5;
	v5 =	vld [tilespmem:s7+$0x1E0]  }
0x66: {  	v9 =	vpack.i.f32.bf16 v51, v50;
	v2 =	vld [tilespmem:s7+$0xFFFFFDB0]  }
0x67: {  	[tilespmem:s9+$0xFFFFFF60] =	vst v9;
	v0 =	vld [tilespmem:s7+$0xFFFFFDF0]  }
0x68: {  	v3 =	vpack.i.f32.bf16 v56, v55;
	v62 =	vld [tilespmem:s7+$0xFFFFFEB0]  }
0x69: {  	[tilespmem:s9+$0x20] =	vst v3;
	v3 =	vpack.i.f32.bf16 v58, v57;
	v4 =	vld [tilespmem:s7+$0xFFFFFEF0]  }
0x6a: {  	[tilespmem:s9+$0x60] =	vst v3;
	v3 =	vld [tilespmem:s7+$0xFFFFFFF0];
	v1 =	vpack.i.f32.bf16 v1, v59  }
0x6b: {  	[tilespmem:s9+$0xA0] =	vst v1;
	v1 =	vpack.i.f32.bf16 v5, v6;
	v5 =	vld [tilespmem:s7+$0x30]  }
0x6c: {  	v6 =	vld [tilespmem:s7+$0x70];
	[tilespmem:s9+$0xE0] =	vst v1;
	v0 =	vpack.i.f32.bf16 v0, v2  }
0x6d: {  	v1 =	vpack.i.f32.bf16 v61, v60;
	v2 =	vld [tilespmem:s7+$0xF0];
	[tilespmem:s9+$0xFFFFFEF0] =	vst v0  }
0x6e: {  	v0 =	vld [tilespmem:s7+$0xB0];
	[tilespmem:s9+$0xFFFFFF30] =	vst v1;
	v1 =	vpack.i.f32.bf16 v4, v62  }
0x6f: {  	v4 =	vpack.i.f32.bf16 v11, v7;
	[tilespmem:s9+$0xFFFFFF70] =	vst v1;
	v1 =	vld [tilespmem:s7+$0x130]  }
0x70: {  	v3 =	vpack.i.f32.bf16 v3, v63;
	[tilespmem:s9+$0xFFFFFFB0] =	vst v4;
	v4 =	vld [tilespmem:s7+$0x170]  }
0x71: {  	[tilespmem:s9+$0xFFFFFFF0] =	vst v3;
	v3 =	vld [tilespmem:s7+$0x1B0];
	v5 =	vpack.i.f32.bf16 v6, v5  }
0x72: {  	s18 =	simm.s32 $0x0;
	s17 =	simm.s32 $0x3C70;
	s6 =	simm.s32 $0x780;
	[tilespmem:s9+$0x30] =	vst v5;
	v5 =	vld [tilespmem:s7+$0x1F0]  }
.LBB2_3:
0x73: {  	v6 =	vld [tilespmem:s6+$0x200];
	v0 =	vpack.i.f32.bf16 v2, v0  }
0x74: {  	v2 =	vld [tilespmem:s6+$0x240];
	[tilespmem:s9+$0x70] =	vst v0  }
0x75: {  	v0 =	vld [tilespmem:s6+$0xFFFFFDC0];
	v1 =	vpack.i.f32.bf16 v4, v1  }
0x76: {  	v4 =	vld [tilespmem:s6+$0xFFFFFE00];
	[tilespmem:s9+$0xB0] =	vst v1  }
0x77: {  	s18 =	sadd.s32 $0xA, s18;
	v1 =	vld [tilespmem:s6+$0xFFFFFE40];
	v3 =	vpack.i.f32.bf16 v5, v3  }
0x78: {  	p1 =	slt.u32 s18, $0x6E;
	v5 =	vld [tilespmem:s6+$0xFFFFFE80];
	[tilespmem:s9+$0xF0] =	vst v3  }
0x79: {  	s9 =	sadd.s32 $0x280, s9;
	v3 =	vld [tilespmem:s6+$0xFFFFFEC0];
	v2 =	vpack.i.f32.bf16 v2, v6  }
0x7a: {  	v6 =	vld [tilespmem:s6+$0xFFFFFF00];
	[tilespmem:s9+$0x100] =	vst v2  }
0x7b: {  	v2 =	vld [tilespmem:s6+$0x210]  }
0x7c: {  	v1 =	vpack.i.f32.bf16 v1, v4;
	v4 =	vld [tilespmem:s6+$0x250]  }
0x7d: {  	[tilespmem:s9+$0xFFFFFF00] =	vst v1;
	v1 =	vld [tilespmem:s6+$0xFFFFFF40]  }
0x7e: {  	v3 =	vpack.i.f32.bf16 v3, v5;
	v5 =	vld [tilespmem:s6+$0xFFFFFF80]  }
0x7f: {  	[tilespmem:s9+$0xFFFFFF40] =	vst v3;
	v3 =	vld [tilespmem:s6+$0xFFFFFFC0]  }
0x80: {  	v7 =	vld [tilespmem:s6+$0x0]  }
0x81: {  	v8 =	vld [tilespmem:s6+$0x40];
	v2 =	vpack.i.f32.bf16 v4, v2  }
0x82: {  	v1 =	vpack.i.f32.bf16 v1, v6;
	v4 =	vld [tilespmem:s6+$0x80];
	[tilespmem:s9+$0x110] =	vst v2  }
0x83: {  	[tilespmem:s9+$0xFFFFFF80] =	vst v1;
	v1 =	vld [tilespmem:s6+$0x220]  }
0x84: {  	v2 =	vpack.i.f32.bf16 v3, v5;
	v3 =	vld [tilespmem:s6+$0x260]  }
0x85: {  	[tilespmem:s9+$0xFFFFFFC0] =	vst v2;
	v2 =	vld [tilespmem:s6+$0xC0]  }
0x86: {  	v5 =	vpack.i.f32.bf16 v8, v7;
	v6 =	vld [tilespmem:s6+$0x100]  }
0x87: {  	[tilespmem:s9+$0x0] =	vst v5;
	v5 =	vld [tilespmem:s6+$0x140]  }
0x88: {  	v7 =	vld [tilespmem:s6+$0x180]  }
0x89: {  	v8 =	vld [tilespmem:s6+$0x1C0];
	v1 =	vpack.i.f32.bf16 v3, v1  }
0x8a: {  	v3 =	vld [tilespmem:s6+$0xFFFFFD80];
	v2 =	vpack.i.f32.bf16 v2, v4;
	[tilespmem:s9+$0x120] =	vst v1  }
0x8b: {  	[tilespmem:s9+$0x40] =	vst v2;
	v1 =	vld [tilespmem:s6+$0x230]  }
0x8c: {  	v2 =	vpack.i.f32.bf16 v5, v6;
	v4 =	vld [tilespmem:s6+$0x270]  }
0x8d: {  	v5 =	vld [tilespmem:s6+$0xFFFFFE10];
	[tilespmem:s9+$0x80] =	vst v2  }
0x8e: {  	v2 =	vld [tilespmem:s6+$0xFFFFFE50];
	v6 =	vpack.i.f32.bf16 v8, v7  }
0x8f: {  	v0 =	vpack.i.f32.bf16 v0, v3;
	v3 =	vld [tilespmem:s6+$0xFFFFFE90];
	[tilespmem:s9+$0xC0] =	vst v6  }
0x90: {  	[tilespmem:s9+$0xFFFFFEC0] =	vst v0;
	v0 =	vld [tilespmem:s6+$0xFFFFFED0]  }
0x91: {  	v6 =	vld [tilespmem:s6+$0xFFFFFD90];
	v1 =	vpack.i.f32.bf16 v4, v1  }
0x92: {  	s0 =	simm.s32 $0x0;
	v4 =	vld [tilespmem:s6+$0xFFFFFDD0];
	[tilespmem:s9+$0x130] =	vst v1  }
0x93: {  	v1 =	vpack.i.f32.bf16 v2, v5;
	v2 =	vld [tilespmem:s6+$0xFFFFFF10]  }
0x94: {  	[tilespmem:s9+$0xFFFFFF10] =	vst v1;
	v1 =	vld [tilespmem:s6+$0xFFFFFF50]  }
0x95: {  	v0 =	vpack.i.f32.bf16 v0, v3;
	v3 =	vld [tilespmem:s6+$0xFFFFFF90]  }
0x96: {  	[tilespmem:s9+$0xFFFFFF50] =	vst v0;
	v0 =	vld [tilespmem:s6+$0xFFFFFFD0]  }
0x97: {  	v4 =	vpack.i.f32.bf16 v4, v6;
	v5 =	vld [tilespmem:s6+$0x10]  }
0x98: {  	[tilespmem:s9+$0xFFFFFED0] =	vst v4;
	v4 =	vld [tilespmem:s6+$0x50]  }
0x99: {  	v1 =	vpack.i.f32.bf16 v1, v2;
	v2 =	vld [tilespmem:s6+$0x90]  }
0x9a: {  	[tilespmem:s9+$0xFFFFFF90] =	vst v1;
	v1 =	vld [tilespmem:s6+$0xD0]  }
0x9b: {  	v0 =	vpack.i.f32.bf16 v0, v3;
	v3 =	vld [tilespmem:s6+$0x110]  }
0x9c: {  	[tilespmem:s9+$0xFFFFFFD0] =	vst v0;
	v0 =	vld [tilespmem:s6+$0x150]  }
0x9d: {  	v4 =	vpack.i.f32.bf16 v4, v5;
	v5 =	vld [tilespmem:s6+$0x190]  }
0x9e: {  	[tilespmem:s9+$0x10] =	vst v4;
	v4 =	vld [tilespmem:s6+$0x1D0]  }
0x9f: {  	v6 =	vld [tilespmem:s6+$0xFFFFFDA0];
	v1 =	vpack.i.f32.bf16 v1, v2  }
0xa0: {  	v2 =	vld [tilespmem:s6+$0xFFFFFDE0];
	[tilespmem:s9+$0x50] =	vst v1  }
0xa1: {  	v1 =	vld [tilespmem:s6+$0xFFFFFE20];
	v0 =	vpack.i.f32.bf16 v0, v3  }
0xa2: {  	v3 =	vld [tilespmem:s6+$0xFFFFFE60];
	[tilespmem:s9+$0x90] =	vst v0  }
0xa3: {  	v0 =	vld [tilespmem:s6+$0xFFFFFEA0];
	v4 =	vpack.i.f32.bf16 v4, v5  }
0xa4: {  	v5 =	vld [tilespmem:s6+$0xFFFFFEE0];
	[tilespmem:s9+$0xD0] =	vst v4  }
0xa5: {  	v2 =	vpack.i.f32.bf16 v2, v6;
	v4 =	vld [tilespmem:s6+$0xFFFFFF20]  }
0xa6: {  	[tilespmem:s9+$0xFFFFFEE0] =	vst v2;
	v2 =	vld [tilespmem:s6+$0xFFFFFF60]  }
0xa7: {  	v1 =	vpack.i.f32.bf16 v3, v1;
	v3 =	vld [tilespmem:s6+$0xFFFFFFA0]  }
0xa8: {  	[tilespmem:s9+$0xFFFFFF20] =	vst v1;
	v1 =	vld [tilespmem:s6+$0xFFFFFFE0]  }
0xa9: {  	v0 =	vpack.i.f32.bf16 v5, v0;
	v5 =	vld [tilespmem:s6+$0x20]  }
0xaa: {  	[tilespmem:s9+$0xFFFFFF60] =	vst v0;
	v0 =	vld [tilespmem:s6+$0x60]  }
0xab: {  	v2 =	vpack.i.f32.bf16 v2, v4;
	v4 =	vld [tilespmem:s6+$0xA0]  }
0xac: {  	[tilespmem:s9+$0xFFFFFFA0] =	vst v2;
	v2 =	vld [tilespmem:s6+$0xE0]  }
0xad: {  	v1 =	vpack.i.f32.bf16 v1, v3;
	v3 =	vld [tilespmem:s6+$0x120]  }
0xae: {  	[tilespmem:s9+$0xFFFFFFE0] =	vst v1;
	v1 =	vld [tilespmem:s6+$0x160]  }
0xaf: {  	v0 =	vpack.i.f32.bf16 v0, v5;
	v5 =	vld [tilespmem:s6+$0x1A0]  }
0xb0: {  	[tilespmem:s9+$0x20] =	vst v0;
	v0 =	vld [tilespmem:s6+$0x1E0]  }
0xb1: {  	v6 =	vld [tilespmem:s6+$0xFFFFFDB0];
	v2 =	vpack.i.f32.bf16 v2, v4  }
0xb2: {  	v4 =	vld [tilespmem:s6+$0xFFFFFDF0];
	[tilespmem:s9+$0x60] =	vst v2  }
0xb3: {  	v2 =	vld [tilespmem:s6+$0xFFFFFE30];
	v1 =	vpack.i.f32.bf16 v1, v3  }
0xb4: {  	v3 =	vld [tilespmem:s6+$0xFFFFFE70];
	[tilespmem:s9+$0xA0] =	vst v1  }
0xb5: {  	v1 =	vld [tilespmem:s6+$0xFFFFFEB0];
	v0 =	vpack.i.f32.bf16 v0, v5  }
0xb6: {  	v5 =	vld [tilespmem:s6+$0xFFFFFEF0];
	[tilespmem:s9+$0xE0] =	vst v0  }
0xb7: {  	v0 =	vpack.i.f32.bf16 v4, v6;
	v4 =	vld [tilespmem:s6+$0xFFFFFF30]  }
0xb8: {  	[tilespmem:s9+$0xFFFFFEF0] =	vst v0;
	v0 =	vld [tilespmem:s6+$0xFFFFFF70]  }
0xb9: {  	v2 =	vpack.i.f32.bf16 v3, v2;
	v3 =	vld [tilespmem:s6+$0xFFFFFFB0]  }
0xba: {  	[tilespmem:s9+$0xFFFFFF30] =	vst v2;
	v6 =	vld [tilespmem:s6+$0xFFFFFFF0]  }
0xbb: {  	v1 =	vpack.i.f32.bf16 v5, v1;
	v5 =	vld [tilespmem:s6+$0x30]  }
0xbc: {  	[tilespmem:s9+$0xFFFFFF70] =	vst v1;
	v7 =	vld [tilespmem:s6+$0x70]  }
0xbd: {  	v1 =	vpack.i.f32.bf16 v0, v4;
	v0 =	vld [tilespmem:s6+$0xB0]  }
.Ltmp0:
0xbe: {  	[tilespmem:s9+$0xFFFFFFB0] =	vst v1;
	v2 =	vld [tilespmem:s6+$0xF0];
	(pc) =	sbr.rel @p1 .LBB2_3-.Ltmp0, $4  }
0xbf: {  	v3 =	vpack.i.f32.bf16 v6, v3;
	v1 =	vld [tilespmem:s6+$0x130]  }
0xc0: {  	[tilespmem:s9+$0xFFFFFFF0] =	vst v3;
	v4 =	vld [tilespmem:s6+$0x170]  }
0xc1: {  	v5 =	vpack.i.f32.bf16 v7, v5;
	v3 =	vld [tilespmem:s6+$0x1B0]  }
0xc2: {  	[tilespmem:s9+$0x30] =	vst v5;
	v5 =	vld [tilespmem:s6+$0x1F0];
	s6 =	sadd.s32 $0x500, s6  }
0xc3: {  	_ =	sdelay $0x1  }
0xc4: {  	v0 =	vpack.i.f32.bf16 v2, v0  }
0xc5: {  	[tilespmem:s9+$0x70] =	vst v0;
	v62 =	vpack.i.f32.bf16 v4, v1  }
0xc6: {  	[tilespmem:s9+$0xB0] =	vst v62;
	v63 =	vpack.i.f32.bf16 v5, v3  }
0xc7: {  	[tilespmem:s9+$0xF0] =	vst v63  }
.LBB2_5:
0xc8: {  	v0 =	vld [tilespmem:s17+$0xFFFFFF90]  }
0xc9: {  	v1 =	vld [tilespmem:s17+$0xFFFFFFD0];
	_ =	sdelay $0x4  }
0xca: {  	s6 =	sshra.s32 s0, $0x2;
	v0 =	vpack.i.f32.bf16 v1, v0  }
0xcb: {  	[tilespmem:s6+$0x11800] =	vst v0  }
0xcc: {  	v0 =	vld [tilespmem:s17+$0xFFFFFFA0]  }
0xcd: {  	v61 =	vld [tilespmem:s17+$0xFFFFFFE0];
	_ =	sdelay $0x4  }
0xce: {  	v0 =	vpack.i.f32.bf16 v61, v0  }
0xcf: {  	[tilespmem:s6+$0x11810] =	vst v0  }
0xd0: {  	v0 =	vld [tilespmem:s17+$0xFFFFFFB0]  }
0xd1: {  	v62 =	vld [tilespmem:s17+$0xFFFFFFF0];
	_ =	sdelay $0x4  }
0xd2: {  	v0 =	vpack.i.f32.bf16 v62, v0  }
0xd3: {  	[tilespmem:s6+$0x11820] =	vst v0  }
0xd4: {  	v0 =	vld [tilespmem:s17+$0xFFFFFFC0]  }
0xd5: {  	v63 =	vld [tilespmem:s17+$0x0]  }
0xd6: {  	p1 =	sne.s32 s0, $0x400  }
.Ltmp1:
0xd7: {  	_ = 	snop;
	(pc) =	sbr.rel @p1 .LBB2_5-.Ltmp1, $3  }
0xd8: {  	_ =	sdelay $0x1  }
0xd9: {  	v0 =	vpack.i.f32.bf16 v63, v0  }
0xda: {  	s0 =	sadd.s32 $0x100, s0;
	s17 =	sadd.s32 $0x80, s17;
	[tilespmem:s6+$0x11830] =	vst v0  }
0xdb: {  	s9 =	smul.u32 $0x1F4, s8;
	_ =	sdelay $0x1  }
0xdc: {  	s0 =	sadd.s32 s5, s9  }
0xdd: {  	s0 =	sshll.u32 s0, $0x3  }
0xde: {  	s6 =	sadd.s32 s9, s10;
	s0 =	sadd.s32 s4, s0  }
0xdf: {  	[hbm4b:s0+s3] =	stream.linear.scatter [tilespmem:s23], [sflag:$0x5], $0x1F40, $0x38;
	[tilespmem:$0x17700] =	vst v63  }
0xe0: {  	s0 =	sshll.u32 s6, $0x4  }
0xe1: {  	s0 =	sand.u32 $0x1FFFFFF0, s0  }
0xe2: {  	s0 =	sadd.s32 s2, s0  }
0xe3: {  	[tilespmem:s3], [sflag:$0x1] =	stream.linear.gather [hbm4b:s0+s3], $0x3E80, $0x38;
	[tilespmem:$0x17700] =	vst v63  }
0xe4: {  	_ =	swait.ge [sflag:s24], $0x3E80  }
0xe5: {  	[sflag:s24] =	ssyncset.done $0x0  }
0xe6: {  	s0 =	simm.s32 @!p0 $0x6;
	[sflag:s24] =	ssyncadd.s32 $0xFFFFC180  }
0xe7: {  	_ =	swait.ge @!p0 [sflag:s0], $0x1F40  }
0xe8: {  	[sflag:s0] =	ssyncset.done @!p0 $0x0  }
0xe9: {  	s7 =	simm.s32 $0x4370;
	[sflag:s0] =	ssyncadd.s32 @!p0 $0xFFFFE0C0  }
0xea: {  	v0 =	vld [tilespmem:s7+$0xFFFFFF90]  }
0xeb: {  	v1 =	vld [tilespmem:s7+$0xFFFFFFD0]  }
0xec: {  	v2 =	vld [tilespmem:s7+$0xFFFFFB50]  }
0xed: {  	v3 =	vld [tilespmem:s7+$0xFFFFFB90]  }
0xee: {  	v4 =	vld [tilespmem:s7+$0xFFFFFBD0]  }
0xef: {  	v5 =	vld [tilespmem:s7+$0xFFFFFC10]  }
0xf0: {  	v6 =	vld [tilespmem:s7+$0xFFFFFC50]  }
0xf1: {  	v8 =	vld [tilespmem:s7+$0xFFFFFCD0]  }
0xf2: {  	v9 =	vld [tilespmem:s7+$0xFFFFFD10]  }
0xf3: {  	v10 =	vld [tilespmem:s7+$0xFFFFFD50]  }
0xf4: {  	v11 =	vld [tilespmem:s7+$0xFFFFFD90]  }
0xf5: {  	v12 =	vld [tilespmem:s7+$0xFFFFFDD0]  }
0xf6: {  	v14 =	vld [tilespmem:s7+$0xFFFFFE50]  }
0xf7: {  	v15 =	vld [tilespmem:s7+$0xFFFFFE90]  }
0xf8: {  	v16 =	vld [tilespmem:s7+$0xFFFFFED0]  }
0xf9: {  	v17 =	vld [tilespmem:s7+$0xFFFFFF10]  }
0xfa: {  	s17 =	simm.s32 $0x11BB0;
	v38 =	vld [tilespmem:s7+$0xFFFFFF50];
	v0 =	vpack.i.f32.bf16 v1, v0  }
0xfb: {  	v1 =	vld [tilespmem:s7+$0xFFFFFC90];
	[tilespmem:s17+$0xFFFFFFD0] =	vst v0  }
0xfc: {  	v3 =	vpack.i.f32.bf16 v4, v3;
	v0 =	vld [tilespmem:s7+$0xFFFFFFA0]  }
0xfd: {  	v5 =	vpack.i.f32.bf16 v6, v5;
	[tilespmem:s17+$0xFFFFFDD0] =	vst v3;
	v7 =	vld [tilespmem:s7+$0xFFFFFFE0]  }
0xfe: {  	v9 =	vpack.i.f32.bf16 v10, v9;
	[tilespmem:s17+$0xFFFFFE10] =	vst v5;
	v6 =	vld [tilespmem:s7+$0xFFFFFBA0]  }
0xff: {  	[tilespmem:s17+$0xFFFFFE90] =	vst v9;
	v5 =	vld [tilespmem:s7+$0xFFFFFBE0]  }
0x100: {  	v11 =	vpack.i.f32.bf16 v12, v11;
	v42 =	vld [tilespmem:s7+$0xFFFFFD20]  }
0x101: {  	v15 =	vpack.i.f32.bf16 v16, v15;
	[tilespmem:s17+$0xFFFFFED0] =	vst v11;
	v43 =	vld [tilespmem:s7+$0xFFFFFD60]  }
0x102: {  	[tilespmem:s17+$0xFFFFFF50] =	vst v15;
	v44 =	vld [tilespmem:s7+$0xFFFFFDA0]  }
0x103: {  	v47 =	vld [tilespmem:s7+$0xFFFFFEA0]  }
0x104: {  	v48 =	vld [tilespmem:s7+$0xFFFFFEE0];
	v1 =	vpack.i.f32.bf16 v8, v1  }
0x105: {  	[tilespmem:s17+$0xFFFFFE50] =	vst v1;
	v0 =	vpack.i.f32.bf16 v7, v0;
	v7 =	vld [tilespmem:s7+$0xFFFFFE10]  }
0x106: {  	v40 =	vld [tilespmem:s7+$0xFFFFFCA0]  }
0x107: {  	v41 =	vld [tilespmem:s7+$0xFFFFFCE0];
	[tilespmem:s17+$0xFFFFFFE0] =	vst v0  }
0x108: {  	v11 =	vpack.i.f32.bf16 v43, v42;
	v0 =	vld [tilespmem:s7+$0xFFFFFFB0]  }
0x109: {  	[tilespmem:s17+$0xFFFFFEA0] =	vst v11;
	v13 =	vld [tilespmem:s7+$0xFFFFFFF0]  }
0x10a: {  	v54 =	vld [tilespmem:s7+$0xFFFFFD30];
	v7 =	vpack.i.f32.bf16 v14, v7  }
0x10b: {  	[tilespmem:s17+$0xFFFFFF10] =	vst v7;
	v7 =	vld [tilespmem:s7+$0xFFFFFDE0]  }
0x10c: {  	v9 =	vpack.i.f32.bf16 v41, v40;
	v45 =	vld [tilespmem:s7+$0xFFFFFE20]  }
0x10d: {  	[tilespmem:s17+$0xFFFFFE60] =	vst v9;
	v46 =	vld [tilespmem:s7+$0xFFFFFE60]  }
0x10e: {  	v52 =	vld [tilespmem:s7+$0xFFFFFCB0]  }
0x10f: {  	v0 =	vpack.i.f32.bf16 v13, v0;
	v53 =	vld [tilespmem:s7+$0xFFFFFCF0]  }
0x110: {  	[tilespmem:s17+$0xFFFFFFF0] =	vst v0;
	v0 =	vld [tilespmem:s7+$0xFFFFFB10]  }
0x111: {  	v13 =	vpack.i.f32.bf16 v38, v17;
	v4 =	vld [tilespmem:s7+$0xFFFFFFC0]  }
0x112: {  	[tilespmem:s17+$0xFFFFFF90] =	vst v13;
	v13 =	vpack.i.f32.bf16 v48, v47;
	v3 =	vld [tilespmem:s7+$0x0]  }
0x113: {  	v49 =	vld [tilespmem:s7+$0xFFFFFF20];
	[tilespmem:s17+$0xFFFFFF60] =	vst v13  }
0x114: {  	v59 =	vld [tilespmem:s7+$0xFFFFFEB0];
	v7 =	vpack.i.f32.bf16 v7, v44  }
0x115: {  	[tilespmem:s17+$0xFFFFFEE0] =	vst v7;
	v7 =	vld [tilespmem:s7+$0xFFFFFD70]  }
0x116: {  	v0 =	vpack.i.f32.bf16 v2, v0;
	v2 =	vld [tilespmem:s7+$0xFFFFFC20]  }
0x117: {  	v15 =	vpack.i.f32.bf16 v46, v45;
	v55 =	vld [tilespmem:s7+$0xFFFFFDB0]  }
0x118: {  	[tilespmem:s17+$0xFFFFFF20] =	vst v15;
	v56 =	vld [tilespmem:s7+$0xFFFFFDF0]  }
0x119: {  	[tilespmem:s17+$0xFFFFFD90] =	vst v0;
	v0 =	vld [tilespmem:s7+$0xFFFFFC60]  }
0x11a: {  	v57 =	vld [tilespmem:s7+$0xFFFFFE30]  }
0x11b: {  	v39 =	vld [tilespmem:s7+$0xFFFFFB20]  }
0x11c: {  	v11 =	vpack.i.f32.bf16 v53, v52;
	v1 =	vld [tilespmem:s7+$0xFFFFFB60]  }
0x11d: {  	v5 =	vpack.i.f32.bf16 v5, v6;
	[tilespmem:s17+$0xFFFFFE70] =	vst v11;
	v58 =	vld [tilespmem:s7+$0xFFFFFE70]  }
0x11e: {  	[tilespmem:s17+$0xFFFFFDE0] =	vst v5;
	v3 =	vpack.i.f32.bf16 v3, v4;
	v11 =	vld [tilespmem:s7+$0xFFFFFD00]  }
0x11f: {  	[tilespmem:s17+$0x0] =	vst v3;
	v3 =	vpack.i.f32.bf16 v7, v54;
	v7 =	vld [tilespmem:s7+$0xFFFFFCC0]  }
0x120: {  	[tilespmem:s17+$0xFFFFFEB0] =	vst v3;
	v0 =	vpack.i.f32.bf16 v0, v2;
	v2 =	vld [tilespmem:s7+$0xFFFFFBB0]  }
0x121: {  	v1 =	vpack.i.f32.bf16 v1, v39;
	[tilespmem:s17+$0xFFFFFE20] =	vst v0;
	v0 =	vld [tilespmem:s7+$0xFFFFFBF0]  }
0x122: {  	[tilespmem:s17+$0xFFFFFDA0] =	vst v1;
	v1 =	vld [tilespmem:s7+$0xFFFFFF60]  }
0x123: {  	v63 =	vld [tilespmem:s7+$0xFFFFFD40]  }
0x124: {  	v50 =	vld [tilespmem:s7+$0xFFFFFC30]  }
0x125: {  	v6 =	vld [tilespmem:s7+$0xFFFFFB30]  }
0x126: {  	v5 =	vld [tilespmem:s7+$0xFFFFFB70];
	v0 =	vpack.i.f32.bf16 v0, v2  }
0x127: {  	v51 =	vld [tilespmem:s7+$0xFFFFFC70];
	v1 =	vpack.i.f32.bf16 v1, v49;
	[tilespmem:s17+$0xFFFFFDF0] =	vst v0  }
0x128: {  	[tilespmem:s17+$0xFFFFFFA0] =	vst v1;
	v1 =	vld [tilespmem:s7+$0xFFFFFEF0]  }
0x129: {  	v60 =	vld [tilespmem:s7+$0xFFFFFBC0]  }
0x12a: {  	v61 =	vld [tilespmem:s7+$0xFFFFFC00]  }
0x12b: {  	v5 =	vpack.i.f32.bf16 v5, v6;
	v6 =	vld [tilespmem:s7+$0xFFFFFF30]  }
0x12c: {  	[tilespmem:s17+$0xFFFFFDB0] =	vst v5;
	v5 =	vld [tilespmem:s7+$0xFFFFFF70]  }
0x12d: {  	v9 =	vpack.i.f32.bf16 v51, v50;
	v2 =	vld [tilespmem:s7+$0xFFFFFB40]  }
0x12e: {  	[tilespmem:s17+$0xFFFFFE30] =	vst v9;
	v0 =	vld [tilespmem:s7+$0xFFFFFB80]  }
0x12f: {  	v3 =	vpack.i.f32.bf16 v56, v55;
	v62 =	vld [tilespmem:s7+$0xFFFFFC40]  }
0x130: {  	[tilespmem:s17+$0xFFFFFEF0] =	vst v3;
	v3 =	vpack.i.f32.bf16 v58, v57;
	v4 =	vld [tilespmem:s7+$0xFFFFFC80]  }
0x131: {  	[tilespmem:s17+$0xFFFFFF30] =	vst v3;
	v3 =	vld [tilespmem:s7+$0xFFFFFD80];
	v1 =	vpack.i.f32.bf16 v1, v59  }
0x132: {  	[tilespmem:s17+$0xFFFFFF70] =	vst v1;
	v1 =	vpack.i.f32.bf16 v5, v6;
	v5 =	vld [tilespmem:s7+$0xFFFFFDC0]  }
0x133: {  	v6 =	vld [tilespmem:s7+$0xFFFFFE00];
	[tilespmem:s17+$0xFFFFFFB0] =	vst v1;
	v0 =	vpack.i.f32.bf16 v0, v2  }
0x134: {  	v1 =	vpack.i.f32.bf16 v61, v60;
	v2 =	vld [tilespmem:s7+$0xFFFFFE80];
	[tilespmem:s17+$0xFFFFFDC0] =	vst v0  }
0x135: {  	v0 =	vld [tilespmem:s7+$0xFFFFFE40];
	[tilespmem:s17+$0xFFFFFE00] =	vst v1;
	v1 =	vpack.i.f32.bf16 v4, v62  }
0x136: {  	v4 =	vpack.i.f32.bf16 v11, v7;
	[tilespmem:s17+$0xFFFFFE40] =	vst v1;
	v1 =	vld [tilespmem:s7+$0xFFFFFEC0]  }
0x137: {  	v3 =	vpack.i.f32.bf16 v3, v63;
	[tilespmem:s17+$0xFFFFFE80] =	vst v4;
	v4 =	vld [tilespmem:s7+$0xFFFFFF00]  }
0x138: {  	[tilespmem:s17+$0xFFFFFEC0] =	vst v3;
	v3 =	vld [tilespmem:s7+$0xFFFFFF40];
	v5 =	vpack.i.f32.bf16 v6, v5  }
0x139: {  	s18 =	simm.s32 $0x13770;
	s6 =	simm.s32 $0x0;
	s0 =	simm.s32 $0x4870;
	[tilespmem:s17+$0xFFFFFF00] =	vst v5;
	v5 =	vld [tilespmem:s7+$0xFFFFFF80]  }
.LBB2_7:
0x13a: {  	v6 =	vld [tilespmem:s0+$0xFFFFFF90];
	v0 =	vpack.i.f32.bf16 v2, v0  }
0x13b: {  	v2 =	vld [tilespmem:s0+$0xFFFFFFD0];
	[tilespmem:s17+$0xFFFFFF40] =	vst v0  }
0x13c: {  	v0 =	vld [tilespmem:s0+$0xFFFFFB50];
	v1 =	vpack.i.f32.bf16 v4, v1  }
0x13d: {  	v4 =	vld [tilespmem:s0+$0xFFFFFB90];
	[tilespmem:s17+$0xFFFFFF80] =	vst v1  }
0x13e: {  	s6 =	sadd.s32 $0xA, s6;
	v1 =	vld [tilespmem:s0+$0xFFFFFBD0];
	v3 =	vpack.i.f32.bf16 v5, v3  }
0x13f: {  	p1 =	slt.u32 s6, $0x6E;
	v5 =	vld [tilespmem:s0+$0xFFFFFC10];
	[tilespmem:s17+$0xFFFFFFC0] =	vst v3  }
0x140: {  	s17 =	sadd.s32 $0x280, s17;
	v3 =	vld [tilespmem:s0+$0xFFFFFC50];
	v2 =	vpack.i.f32.bf16 v2, v6  }
0x141: {  	v6 =	vld [tilespmem:s0+$0xFFFFFC90];
	[tilespmem:s17+$0xFFFFFFD0] =	vst v2  }
0x142: {  	v2 =	vld [tilespmem:s0+$0xFFFFFFA0]  }
0x143: {  	v1 =	vpack.i.f32.bf16 v1, v4;
	v4 =	vld [tilespmem:s0+$0xFFFFFFE0]  }
0x144: {  	[tilespmem:s17+$0xFFFFFDD0] =	vst v1;
	v1 =	vld [tilespmem:s0+$0xFFFFFCD0]  }
0x145: {  	v3 =	vpack.i.f32.bf16 v3, v5;
	v5 =	vld [tilespmem:s0+$0xFFFFFD10]  }
0x146: {  	[tilespmem:s17+$0xFFFFFE10] =	vst v3;
	v3 =	vld [tilespmem:s0+$0xFFFFFD50]  }
0x147: {  	v7 =	vld [tilespmem:s0+$0xFFFFFD90]  }
0x148: {  	v8 =	vld [tilespmem:s0+$0xFFFFFDD0];
	v2 =	vpack.i.f32.bf16 v4, v2  }
0x149: {  	v1 =	vpack.i.f32.bf16 v1, v6;
	v4 =	vld [tilespmem:s0+$0xFFFFFE10];
	[tilespmem:s17+$0xFFFFFFE0] =	vst v2  }
0x14a: {  	[tilespmem:s17+$0xFFFFFE50] =	vst v1;
	v1 =	vld [tilespmem:s0+$0xFFFFFFB0]  }
0x14b: {  	v2 =	vpack.i.f32.bf16 v3, v5;
	v3 =	vld [tilespmem:s0+$0xFFFFFFF0]  }
0x14c: {  	[tilespmem:s17+$0xFFFFFE90] =	vst v2;
	v2 =	vld [tilespmem:s0+$0xFFFFFE50]  }
0x14d: {  	v5 =	vpack.i.f32.bf16 v8, v7;
	v6 =	vld [tilespmem:s0+$0xFFFFFE90]  }
0x14e: {  	[tilespmem:s17+$0xFFFFFED0] =	vst v5;
	v5 =	vld [tilespmem:s0+$0xFFFFFED0]  }
0x14f: {  	v7 =	vld [tilespmem:s0+$0xFFFFFF10]  }
0x150: {  	v8 =	vld [tilespmem:s0+$0xFFFFFF50];
	v1 =	vpack.i.f32.bf16 v3, v1  }
0x151: {  	v3 =	vld [tilespmem:s0+$0xFFFFFB10];
	v2 =	vpack.i.f32.bf16 v2, v4;
	[tilespmem:s17+$0xFFFFFFF0] =	vst v1  }
0x152: {  	[tilespmem:s17+$0xFFFFFF10] =	vst v2;
	v1 =	vld [tilespmem:s0+$0xFFFFFFC0]  }
0x153: {  	v2 =	vpack.i.f32.bf16 v5, v6;
	v4 =	vld [tilespmem:s0+$0x0]  }
0x154: {  	v5 =	vld [tilespmem:s0+$0xFFFFFBA0];
	[tilespmem:s17+$0xFFFFFF50] =	vst v2  }
0x155: {  	v2 =	vld [tilespmem:s0+$0xFFFFFBE0];
	v6 =	vpack.i.f32.bf16 v8, v7  }
0x156: {  	v0 =	vpack.i.f32.bf16 v0, v3;
	v3 =	vld [tilespmem:s0+$0xFFFFFC20];
	[tilespmem:s17+$0xFFFFFF90] =	vst v6  }
0x157: {  	[tilespmem:s17+$0xFFFFFD90] =	vst v0;
	v0 =	vld [tilespmem:s0+$0xFFFFFC60]  }
0x158: {  	v6 =	vld [tilespmem:s0+$0xFFFFFB20];
	v1 =	vpack.i.f32.bf16 v4, v1  }
0x159: {  	s7 =	simm.s32 $0x0;
	v4 =	vld [tilespmem:s0+$0xFFFFFB60];
	[tilespmem:s17+$0x0] =	vst v1  }
0x15a: {  	v1 =	vpack.i.f32.bf16 v2, v5;
	v2 =	vld [tilespmem:s0+$0xFFFFFCA0]  }
0x15b: {  	[tilespmem:s17+$0xFFFFFDE0] =	vst v1;
	v1 =	vld [tilespmem:s0+$0xFFFFFCE0]  }
0x15c: {  	v0 =	vpack.i.f32.bf16 v0, v3;
	v3 =	vld [tilespmem:s0+$0xFFFFFD20]  }
0x15d: {  	[tilespmem:s17+$0xFFFFFE20] =	vst v0;
	v0 =	vld [tilespmem:s0+$0xFFFFFD60]  }
0x15e: {  	v4 =	vpack.i.f32.bf16 v4, v6;
	v5 =	vld [tilespmem:s0+$0xFFFFFDA0]  }
0x15f: {  	[tilespmem:s17+$0xFFFFFDA0] =	vst v4;
	v4 =	vld [tilespmem:s0+$0xFFFFFDE0]  }
0x160: {  	v1 =	vpack.i.f32.bf16 v1, v2;
	v2 =	vld [tilespmem:s0+$0xFFFFFE20]  }
0x161: {  	[tilespmem:s17+$0xFFFFFE60] =	vst v1;
	v1 =	vld [tilespmem:s0+$0xFFFFFE60]  }
0x162: {  	v0 =	vpack.i.f32.bf16 v0, v3;
	v3 =	vld [tilespmem:s0+$0xFFFFFEA0]  }
0x163: {  	[tilespmem:s17+$0xFFFFFEA0] =	vst v0;
	v0 =	vld [tilespmem:s0+$0xFFFFFEE0]  }
0x164: {  	v4 =	vpack.i.f32.bf16 v4, v5;
	v5 =	vld [tilespmem:s0+$0xFFFFFF20]  }
0x165: {  	[tilespmem:s17+$0xFFFFFEE0] =	vst v4;
	v4 =	vld [tilespmem:s0+$0xFFFFFF60]  }
0x166: {  	v6 =	vld [tilespmem:s0+$0xFFFFFB30];
	v1 =	vpack.i.f32.bf16 v1, v2  }
0x167: {  	v2 =	vld [tilespmem:s0+$0xFFFFFB70];
	[tilespmem:s17+$0xFFFFFF20] =	vst v1  }
0x168: {  	v1 =	vld [tilespmem:s0+$0xFFFFFBB0];
	v0 =	vpack.i.f32.bf16 v0, v3  }
0x169: {  	v3 =	vld [tilespmem:s0+$0xFFFFFBF0];
	[tilespmem:s17+$0xFFFFFF60] =	vst v0  }
0x16a: {  	v0 =	vld [tilespmem:s0+$0xFFFFFC30];
	v4 =	vpack.i.f32.bf16 v4, v5  }
0x16b: {  	v5 =	vld [tilespmem:s0+$0xFFFFFC70];
	[tilespmem:s17+$0xFFFFFFA0] =	vst v4  }
0x16c: {  	v2 =	vpack.i.f32.bf16 v2, v6;
	v4 =	vld [tilespmem:s0+$0xFFFFFCB0]  }
0x16d: {  	[tilespmem:s17+$0xFFFFFDB0] =	vst v2;
	v2 =	vld [tilespmem:s0+$0xFFFFFCF0]  }
0x16e: {  	v1 =	vpack.i.f32.bf16 v3, v1;
	v3 =	vld [tilespmem:s0+$0xFFFFFD30]  }
0x16f: {  	[tilespmem:s17+$0xFFFFFDF0] =	vst v1;
	v1 =	vld [tilespmem:s0+$0xFFFFFD70]  }
0x170: {  	v0 =	vpack.i.f32.bf16 v5, v0;
	v5 =	vld [tilespmem:s0+$0xFFFFFDB0]  }
0x171: {  	[tilespmem:s17+$0xFFFFFE30] =	vst v0;
	v0 =	vld [tilespmem:s0+$0xFFFFFDF0]  }
0x172: {  	v2 =	vpack.i.f32.bf16 v2, v4;
	v4 =	vld [tilespmem:s0+$0xFFFFFE30]  }
0x173: {  	[tilespmem:s17+$0xFFFFFE70] =	vst v2;
	v2 =	vld [tilespmem:s0+$0xFFFFFE70]  }
0x174: {  	v1 =	vpack.i.f32.bf16 v1, v3;
	v3 =	vld [tilespmem:s0+$0xFFFFFEB0]  }
0x175: {  	[tilespmem:s17+$0xFFFFFEB0] =	vst v1;
	v1 =	vld [tilespmem:s0+$0xFFFFFEF0]  }
0x176: {  	v0 =	vpack.i.f32.bf16 v0, v5;
	v5 =	vld [tilespmem:s0+$0xFFFFFF30]  }
0x177: {  	[tilespmem:s17+$0xFFFFFEF0] =	vst v0;
	v0 =	vld [tilespmem:s0+$0xFFFFFF70]  }
0x178: {  	v6 =	vld [tilespmem:s0+$0xFFFFFB40];
	v2 =	vpack.i.f32.bf16 v2, v4  }
0x179: {  	v4 =	vld [tilespmem:s0+$0xFFFFFB80];
	[tilespmem:s17+$0xFFFFFF30] =	vst v2  }
0x17a: {  	v2 =	vld [tilespmem:s0+$0xFFFFFBC0];
	v1 =	vpack.i.f32.bf16 v1, v3  }
0x17b: {  	v3 =	vld [tilespmem:s0+$0xFFFFFC00];
	[tilespmem:s17+$0xFFFFFF70] =	vst v1  }
0x17c: {  	v1 =	vld [tilespmem:s0+$0xFFFFFC40];
	v0 =	vpack.i.f32.bf16 v0, v5  }
0x17d: {  	v5 =	vld [tilespmem:s0+$0xFFFFFC80];
	[tilespmem:s17+$0xFFFFFFB0] =	vst v0  }
0x17e: {  	v0 =	vpack.i.f32.bf16 v4, v6;
	v4 =	vld [tilespmem:s0+$0xFFFFFCC0]  }
0x17f: {  	[tilespmem:s17+$0xFFFFFDC0] =	vst v0;
	v0 =	vld [tilespmem:s0+$0xFFFFFD00]  }
0x180: {  	v2 =	vpack.i.f32.bf16 v3, v2;
	v3 =	vld [tilespmem:s0+$0xFFFFFD40]  }
0x181: {  	[tilespmem:s17+$0xFFFFFE00] =	vst v2;
	v6 =	vld [tilespmem:s0+$0xFFFFFD80]  }
0x182: {  	v1 =	vpack.i.f32.bf16 v5, v1;
	v5 =	vld [tilespmem:s0+$0xFFFFFDC0]  }
0x183: {  	[tilespmem:s17+$0xFFFFFE40] =	vst v1;
	v7 =	vld [tilespmem:s0+$0xFFFFFE00]  }
0x184: {  	v1 =	vpack.i.f32.bf16 v0, v4;
	v0 =	vld [tilespmem:s0+$0xFFFFFE40]  }
.Ltmp2:
0x185: {  	[tilespmem:s17+$0xFFFFFE80] =	vst v1;
	v2 =	vld [tilespmem:s0+$0xFFFFFE80];
	(pc) =	sbr.rel @p1 .LBB2_7-.Ltmp2, $4  }
0x186: {  	v3 =	vpack.i.f32.bf16 v6, v3;
	v1 =	vld [tilespmem:s0+$0xFFFFFEC0]  }
0x187: {  	[tilespmem:s17+$0xFFFFFEC0] =	vst v3;
	v4 =	vld [tilespmem:s0+$0xFFFFFF00]  }
0x188: {  	v5 =	vpack.i.f32.bf16 v7, v5;
	v3 =	vld [tilespmem:s0+$0xFFFFFF40]  }
0x189: {  	[tilespmem:s17+$0xFFFFFF00] =	vst v5;
	v5 =	vld [tilespmem:s0+$0xFFFFFF80];
	s0 =	sadd.s32 $0x500, s0  }
0x18a: {  	_ =	sdelay $0x1  }
0x18b: {  	v0 =	vpack.i.f32.bf16 v2, v0  }
0x18c: {  	[tilespmem:s17+$0xFFFFFF40] =	vst v0;
	v62 =	vpack.i.f32.bf16 v4, v1  }
0x18d: {  	[tilespmem:s17+$0xFFFFFF80] =	vst v62;
	v63 =	vpack.i.f32.bf16 v5, v3  }
0x18e: {  	[tilespmem:s17+$0xFFFFFFC0] =	vst v63  }
.LBB2_9:
0x18f: {  	s0 =	sshra.s32 s7, $0x2  }
0x190: {  	v0 =	vld [tilespmem:s0+$0x7A80]  }
0x191: {  	v1 =	vld [tilespmem:s0+$0x7AC0];
	_ =	sdelay $0x4  }
0x192: {  	v0 =	vpack.i.f32.bf16 v1, v0  }
0x193: {  	[tilespmem:s18+$0xFFFFFFD0] =	vst v0  }
0x194: {  	v0 =	vld [tilespmem:s0+$0x7A90]  }
0x195: {  	v61 =	vld [tilespmem:s0+$0x7AD0];
	_ =	sdelay $0x4  }
0x196: {  	v0 =	vpack.i.f32.bf16 v61, v0  }
0x197: {  	[tilespmem:s18+$0xFFFFFFE0] =	vst v0  }
0x198: {  	v0 =	vld [tilespmem:s0+$0x7AA0]  }
0x199: {  	v62 =	vld [tilespmem:s0+$0x7AE0];
	_ =	sdelay $0x4  }
0x19a: {  	v0 =	vpack.i.f32.bf16 v62, v0  }
0x19b: {  	[tilespmem:s18+$0xFFFFFFF0] =	vst v0  }
0x19c: {  	v0 =	vld [tilespmem:s0+$0x7AB0]  }
0x19d: {  	v63 =	vld [tilespmem:s0+$0x7AF0]  }
0x19e: {  	p1 =	sne.s32 s7, $0x800  }
.Ltmp3:
0x19f: {  	_ = 	snop;
	(pc) =	sbr.rel @p1 .LBB2_9-.Ltmp3, $3  }
0x1a0: {  	_ =	sdelay $0x1  }
0x1a1: {  	v0 =	vpack.i.f32.bf16 v63, v0  }
0x1a2: {  	s7 =	sadd.s32 $0x200, s7;
	[tilespmem:s18+$0x0] =	vst v0;
	s18 =	sadd.s32 $0x40, s18  }
0x1a3: {  	p1 =	sne.s32 s8, $0x5  }
.Ltmp4:
0x1a4: {  	s0 =	sadd.s32 s9, s11;
	(pc) =	sbr.rel @p1 .LBB2_12-.Ltmp4, $4  }
0x1a5: {  	s0 =	sshll.u32 s0, $0x3  }
0x1a6: {  	s0 =	sand.u32 $0x1FFFFFF8, s0  }
0x1a7: {  	s0 =	sadd.s32 s4, s0  }
0x1a8: {  	[hbm4b:s0+s3] =	stream.linear.scatter [tilespmem:s25], [sflag:$0x6], $0x1F40, $0x38;
	[tilespmem:$0x17700] =	vst v63  }
.Ltmp5:
0x1a9: {  	(pc) =	sbr.rel .LBB2_13-.Ltmp5, $4  }
0x1aa: {  	_ = 	snop  }
0x1ab: {  	_ =	swait.ge [sflag:s26], $0x3E80  }
0x1ac: {  	[sflag:s26] =	ssyncset.done $0x0  }
0x1ad: {  	[sflag:s26] =	ssyncadd.s32 $0xFFFFC180  }
.LBB2_12:
0x1ae: {  	s0 =	sadd.s32 s9, s12  }
0x1af: {  	s0 =	sshll.u32 s0, $0x4  }
0x1b0: {  	s0 =	sand.u32 $0x1FFFFFF0, s0  }
.Ltmp6:
0x1b1: {  	s0 =	sadd.s32 s2, s0;
	(pc) =	sbr.rel @p0 .LBB2_14-.Ltmp6, $4  }
0x1b2: {  	[tilespmem:s19], [sflag:$0x2] =	stream.linear.gather [hbm4b:s0+s3], $0x3E80, $0x38;
	[tilespmem:$0x17700] =	vst v63  }
0x1b3: {  	_ =	swait.ge [sflag:s26], $0x3E80  }
0x1b4: {  	[sflag:s26] =	ssyncset.done $0x0  }
0x1b5: {  	[sflag:s26] =	ssyncadd.s32 $0xFFFFC180  }
.LBB2_13:
0x1b6: {  	_ =	swait.ge [sflag:s28], $0x1F40  }
0x1b7: {  	[sflag:s28] =	ssyncset.done $0x0  }
0x1b8: {  	[sflag:s28] =	ssyncadd.s32 $0xFFFFE0C0  }
.LBB2_14:
0x1b9: {  	s0 =	simm.s32 $0x81F0  }
0x1ba: {  	v0 =	vld [tilespmem:s0+$0xFFFFFF90]  }
0x1bb: {  	v1 =	vld [tilespmem:s0+$0xFFFFFFD0]  }
0x1bc: {  	v2 =	vld [tilespmem:s0+$0xFFFFFB50]  }
0x1bd: {  	v3 =	vld [tilespmem:s0+$0xFFFFFB90]  }
0x1be: {  	v4 =	vld [tilespmem:s0+$0xFFFFFBD0]  }
0x1bf: {  	v5 =	vld [tilespmem:s0+$0xFFFFFC10]  }
0x1c0: {  	v6 =	vld [tilespmem:s0+$0xFFFFFC50]  }
0x1c1: {  	v8 =	vld [tilespmem:s0+$0xFFFFFCD0]  }
0x1c2: {  	v9 =	vld [tilespmem:s0+$0xFFFFFD10]  }
0x1c3: {  	v10 =	vld [tilespmem:s0+$0xFFFFFD50]  }
0x1c4: {  	v11 =	vld [tilespmem:s0+$0xFFFFFD90]  }
0x1c5: {  	v12 =	vld [tilespmem:s0+$0xFFFFFDD0]  }
0x1c6: {  	v14 =	vld [tilespmem:s0+$0xFFFFFE50]  }
0x1c7: {  	v15 =	vld [tilespmem:s0+$0xFFFFFE90]  }
0x1c8: {  	v16 =	vld [tilespmem:s0+$0xFFFFFED0]  }
0x1c9: {  	v17 =	vld [tilespmem:s0+$0xFFFFFF10]  }
0x1ca: {  	s17 =	simm.s32 $0x13AF0;
	v38 =	vld [tilespmem:s0+$0xFFFFFF50];
	v0 =	vpack.i.f32.bf16 v1, v0  }
0x1cb: {  	v1 =	vld [tilespmem:s0+$0xFFFFFC90];
	[tilespmem:s17+$0xFFFFFFD0] =	vst v0  }
0x1cc: {  	v3 =	vpack.i.f32.bf16 v4, v3;
	v0 =	vld [tilespmem:s0+$0xFFFFFFA0]  }
0x1cd: {  	v5 =	vpack.i.f32.bf16 v6, v5;
	[tilespmem:s17+$0xFFFFFDD0] =	vst v3;
	v7 =	vld [tilespmem:s0+$0xFFFFFFE0]  }
0x1ce: {  	v9 =	vpack.i.f32.bf16 v10, v9;
	[tilespmem:s17+$0xFFFFFE10] =	vst v5;
	v6 =	vld [tilespmem:s0+$0xFFFFFBA0]  }
0x1cf: {  	[tilespmem:s17+$0xFFFFFE90] =	vst v9;
	v5 =	vld [tilespmem:s0+$0xFFFFFBE0]  }
0x1d0: {  	v11 =	vpack.i.f32.bf16 v12, v11;
	v42 =	vld [tilespmem:s0+$0xFFFFFD20]  }
0x1d1: {  	v15 =	vpack.i.f32.bf16 v16, v15;
	[tilespmem:s17+$0xFFFFFED0] =	vst v11;
	v43 =	vld [tilespmem:s0+$0xFFFFFD60]  }
0x1d2: {  	[tilespmem:s17+$0xFFFFFF50] =	vst v15;
	v44 =	vld [tilespmem:s0+$0xFFFFFDA0]  }
0x1d3: {  	v47 =	vld [tilespmem:s0+$0xFFFFFEA0]  }
0x1d4: {  	v48 =	vld [tilespmem:s0+$0xFFFFFEE0];
	v1 =	vpack.i.f32.bf16 v8, v1  }
0x1d5: {  	[tilespmem:s17+$0xFFFFFE50] =	vst v1;
	v0 =	vpack.i.f32.bf16 v7, v0;
	v7 =	vld [tilespmem:s0+$0xFFFFFE10]  }
0x1d6: {  	v40 =	vld [tilespmem:s0+$0xFFFFFCA0]  }
0x1d7: {  	v41 =	vld [tilespmem:s0+$0xFFFFFCE0];
	[tilespmem:s17+$0xFFFFFFE0] =	vst v0  }
0x1d8: {  	v11 =	vpack.i.f32.bf16 v43, v42;
	v0 =	vld [tilespmem:s0+$0xFFFFFFB0]  }
0x1d9: {  	[tilespmem:s17+$0xFFFFFEA0] =	vst v11;
	v13 =	vld [tilespmem:s0+$0xFFFFFFF0]  }
0x1da: {  	v54 =	vld [tilespmem:s0+$0xFFFFFD30];
	v7 =	vpack.i.f32.bf16 v14, v7  }
0x1db: {  	[tilespmem:s17+$0xFFFFFF10] =	vst v7;
	v7 =	vld [tilespmem:s0+$0xFFFFFDE0]  }
0x1dc: {  	v9 =	vpack.i.f32.bf16 v41, v40;
	v45 =	vld [tilespmem:s0+$0xFFFFFE20]  }
0x1dd: {  	[tilespmem:s17+$0xFFFFFE60] =	vst v9;
	v46 =	vld [tilespmem:s0+$0xFFFFFE60]  }
0x1de: {  	v52 =	vld [tilespmem:s0+$0xFFFFFCB0]  }
0x1df: {  	v0 =	vpack.i.f32.bf16 v13, v0;
	v53 =	vld [tilespmem:s0+$0xFFFFFCF0]  }
0x1e0: {  	[tilespmem:s17+$0xFFFFFFF0] =	vst v0;
	v0 =	vld [tilespmem:s0+$0xFFFFFB10]  }
0x1e1: {  	v13 =	vpack.i.f32.bf16 v38, v17;
	v4 =	vld [tilespmem:s0+$0xFFFFFFC0]  }
0x1e2: {  	[tilespmem:s17+$0xFFFFFF90] =	vst v13;
	v13 =	vpack.i.f32.bf16 v48, v47;
	v3 =	vld [tilespmem:s0+$0x0]  }
0x1e3: {  	v49 =	vld [tilespmem:s0+$0xFFFFFF20];
	[tilespmem:s17+$0xFFFFFF60] =	vst v13  }
0x1e4: {  	v59 =	vld [tilespmem:s0+$0xFFFFFEB0];
	v7 =	vpack.i.f32.bf16 v7, v44  }
0x1e5: {  	[tilespmem:s17+$0xFFFFFEE0] =	vst v7;
	v7 =	vld [tilespmem:s0+$0xFFFFFD70]  }
0x1e6: {  	v0 =	vpack.i.f32.bf16 v2, v0;
	v2 =	vld [tilespmem:s0+$0xFFFFFC20]  }
0x1e7: {  	v15 =	vpack.i.f32.bf16 v46, v45;
	v55 =	vld [tilespmem:s0+$0xFFFFFDB0]  }
0x1e8: {  	[tilespmem:s17+$0xFFFFFF20] =	vst v15;
	v56 =	vld [tilespmem:s0+$0xFFFFFDF0]  }
0x1e9: {  	[tilespmem:s17+$0xFFFFFD90] =	vst v0;
	v0 =	vld [tilespmem:s0+$0xFFFFFC60]  }
0x1ea: {  	v57 =	vld [tilespmem:s0+$0xFFFFFE30]  }
0x1eb: {  	v39 =	vld [tilespmem:s0+$0xFFFFFB20]  }
0x1ec: {  	v11 =	vpack.i.f32.bf16 v53, v52;
	v1 =	vld [tilespmem:s0+$0xFFFFFB60]  }
0x1ed: {  	v5 =	vpack.i.f32.bf16 v5, v6;
	[tilespmem:s17+$0xFFFFFE70] =	vst v11;
	v58 =	vld [tilespmem:s0+$0xFFFFFE70]  }
0x1ee: {  	[tilespmem:s17+$0xFFFFFDE0] =	vst v5;
	v3 =	vpack.i.f32.bf16 v3, v4;
	v11 =	vld [tilespmem:s0+$0xFFFFFD00]  }
0x1ef: {  	[tilespmem:s17+$0x0] =	vst v3;
	v3 =	vpack.i.f32.bf16 v7, v54;
	v7 =	vld [tilespmem:s0+$0xFFFFFCC0]  }
0x1f0: {  	[tilespmem:s17+$0xFFFFFEB0] =	vst v3;
	v0 =	vpack.i.f32.bf16 v0, v2;
	v2 =	vld [tilespmem:s0+$0xFFFFFBB0]  }
0x1f1: {  	v1 =	vpack.i.f32.bf16 v1, v39;
	[tilespmem:s17+$0xFFFFFE20] =	vst v0;
	v0 =	vld [tilespmem:s0+$0xFFFFFBF0]  }
0x1f2: {  	[tilespmem:s17+$0xFFFFFDA0] =	vst v1;
	v1 =	vld [tilespmem:s0+$0xFFFFFF60]  }
0x1f3: {  	v63 =	vld [tilespmem:s0+$0xFFFFFD40]  }
0x1f4: {  	v50 =	vld [tilespmem:s0+$0xFFFFFC30]  }
0x1f5: {  	v6 =	vld [tilespmem:s0+$0xFFFFFB30]  }
0x1f6: {  	v5 =	vld [tilespmem:s0+$0xFFFFFB70];
	v0 =	vpack.i.f32.bf16 v0, v2  }
0x1f7: {  	v51 =	vld [tilespmem:s0+$0xFFFFFC70];
	v1 =	vpack.i.f32.bf16 v1, v49;
	[tilespmem:s17+$0xFFFFFDF0] =	vst v0  }
0x1f8: {  	[tilespmem:s17+$0xFFFFFFA0] =	vst v1;
	v1 =	vld [tilespmem:s0+$0xFFFFFEF0]  }
0x1f9: {  	v60 =	vld [tilespmem:s0+$0xFFFFFBC0]  }
0x1fa: {  	v61 =	vld [tilespmem:s0+$0xFFFFFC00]  }
0x1fb: {  	v5 =	vpack.i.f32.bf16 v5, v6;
	v6 =	vld [tilespmem:s0+$0xFFFFFF30]  }
0x1fc: {  	[tilespmem:s17+$0xFFFFFDB0] =	vst v5;
	v5 =	vld [tilespmem:s0+$0xFFFFFF70]  }
0x1fd: {  	v9 =	vpack.i.f32.bf16 v51, v50;
	v2 =	vld [tilespmem:s0+$0xFFFFFB40]  }
0x1fe: {  	[tilespmem:s17+$0xFFFFFE30] =	vst v9;
	v0 =	vld [tilespmem:s0+$0xFFFFFB80]  }
0x1ff: {  	v3 =	vpack.i.f32.bf16 v56, v55;
	v62 =	vld [tilespmem:s0+$0xFFFFFC40]  }
0x200: {  	[tilespmem:s17+$0xFFFFFEF0] =	vst v3;
	v3 =	vpack.i.f32.bf16 v58, v57;
	v4 =	vld [tilespmem:s0+$0xFFFFFC80]  }
0x201: {  	[tilespmem:s17+$0xFFFFFF30] =	vst v3;
	v3 =	vld [tilespmem:s0+$0xFFFFFD80];
	v1 =	vpack.i.f32.bf16 v1, v59  }
0x202: {  	[tilespmem:s17+$0xFFFFFF70] =	vst v1;
	v1 =	vpack.i.f32.bf16 v5, v6;
	v5 =	vld [tilespmem:s0+$0xFFFFFDC0]  }
0x203: {  	v6 =	vld [tilespmem:s0+$0xFFFFFE00];
	[tilespmem:s17+$0xFFFFFFB0] =	vst v1;
	v0 =	vpack.i.f32.bf16 v0, v2  }
0x204: {  	v1 =	vpack.i.f32.bf16 v61, v60;
	v2 =	vld [tilespmem:s0+$0xFFFFFE80];
	[tilespmem:s17+$0xFFFFFDC0] =	vst v0  }
0x205: {  	v0 =	vld [tilespmem:s0+$0xFFFFFE40];
	[tilespmem:s17+$0xFFFFFE00] =	vst v1;
	v1 =	vpack.i.f32.bf16 v4, v62  }
0x206: {  	v4 =	vpack.i.f32.bf16 v11, v7;
	[tilespmem:s17+$0xFFFFFE40] =	vst v1;
	v1 =	vld [tilespmem:s0+$0xFFFFFEC0]  }
0x207: {  	v3 =	vpack.i.f32.bf16 v3, v63;
	[tilespmem:s17+$0xFFFFFE80] =	vst v4;
	v4 =	vld [tilespmem:s0+$0xFFFFFF00]  }
0x208: {  	[tilespmem:s17+$0xFFFFFEC0] =	vst v3;
	v3 =	vld [tilespmem:s0+$0xFFFFFF40];
	v5 =	vpack.i.f32.bf16 v6, v5  }
0x209: {  	s6 =	simm.s32 $0x0;
	s18 =	simm.s32 $0x15680;
	[tilespmem:s17+$0xFFFFFF00] =	vst v5;
	v5 =	vld [tilespmem:s0+$0xFFFFFF80];
	s0 =	simm.s32 $0x86F0  }
.LBB2_15:
0x20a: {  	v6 =	vld [tilespmem:s0+$0xFFFFFF90];
	v0 =	vpack.i.f32.bf16 v2, v0  }
0x20b: {  	v2 =	vld [tilespmem:s0+$0xFFFFFFD0];
	[tilespmem:s17+$0xFFFFFF40] =	vst v0  }
0x20c: {  	v0 =	vld [tilespmem:s0+$0xFFFFFB50];
	v1 =	vpack.i.f32.bf16 v4, v1  }
0x20d: {  	v4 =	vld [tilespmem:s0+$0xFFFFFB90];
	[tilespmem:s17+$0xFFFFFF80] =	vst v1  }
0x20e: {  	s6 =	sadd.s32 $0xA, s6;
	v1 =	vld [tilespmem:s0+$0xFFFFFBD0];
	v3 =	vpack.i.f32.bf16 v5, v3  }
0x20f: {  	p2 =	slt.u32 s6, $0x6E;
	v5 =	vld [tilespmem:s0+$0xFFFFFC10];
	[tilespmem:s17+$0xFFFFFFC0] =	vst v3  }
0x210: {  	s17 =	sadd.s32 $0x280, s17;
	v3 =	vld [tilespmem:s0+$0xFFFFFC50];
	v2 =	vpack.i.f32.bf16 v2, v6  }
0x211: {  	v6 =	vld [tilespmem:s0+$0xFFFFFC90];
	[tilespmem:s17+$0xFFFFFFD0] =	vst v2  }
0x212: {  	v2 =	vld [tilespmem:s0+$0xFFFFFFA0]  }
0x213: {  	v1 =	vpack.i.f32.bf16 v1, v4;
	v4 =	vld [tilespmem:s0+$0xFFFFFFE0]  }
0x214: {  	[tilespmem:s17+$0xFFFFFDD0] =	vst v1;
	v1 =	vld [tilespmem:s0+$0xFFFFFCD0]  }
0x215: {  	v3 =	vpack.i.f32.bf16 v3, v5;
	v5 =	vld [tilespmem:s0+$0xFFFFFD10]  }
0x216: {  	[tilespmem:s17+$0xFFFFFE10] =	vst v3;
	v3 =	vld [tilespmem:s0+$0xFFFFFD50]  }
0x217: {  	v7 =	vld [tilespmem:s0+$0xFFFFFD90]  }
0x218: {  	v8 =	vld [tilespmem:s0+$0xFFFFFDD0];
	v2 =	vpack.i.f32.bf16 v4, v2  }
0x219: {  	v1 =	vpack.i.f32.bf16 v1, v6;
	v4 =	vld [tilespmem:s0+$0xFFFFFE10];
	[tilespmem:s17+$0xFFFFFFE0] =	vst v2  }
0x21a: {  	[tilespmem:s17+$0xFFFFFE50] =	vst v1;
	v1 =	vld [tilespmem:s0+$0xFFFFFFB0]  }
0x21b: {  	v2 =	vpack.i.f32.bf16 v3, v5;
	v3 =	vld [tilespmem:s0+$0xFFFFFFF0]  }
0x21c: {  	[tilespmem:s17+$0xFFFFFE90] =	vst v2;
	v2 =	vld [tilespmem:s0+$0xFFFFFE50]  }
0x21d: {  	v5 =	vpack.i.f32.bf16 v8, v7;
	v6 =	vld [tilespmem:s0+$0xFFFFFE90]  }
0x21e: {  	[tilespmem:s17+$0xFFFFFED0] =	vst v5;
	v5 =	vld [tilespmem:s0+$0xFFFFFED0]  }
0x21f: {  	v7 =	vld [tilespmem:s0+$0xFFFFFF10]  }
0x220: {  	v8 =	vld [tilespmem:s0+$0xFFFFFF50];
	v1 =	vpack.i.f32.bf16 v3, v1  }
0x221: {  	v3 =	vld [tilespmem:s0+$0xFFFFFB10];
	v2 =	vpack.i.f32.bf16 v2, v4;
	[tilespmem:s17+$0xFFFFFFF0] =	vst v1  }
0x222: {  	[tilespmem:s17+$0xFFFFFF10] =	vst v2;
	v1 =	vld [tilespmem:s0+$0xFFFFFFC0]  }
0x223: {  	v2 =	vpack.i.f32.bf16 v5, v6;
	v4 =	vld [tilespmem:s0+$0x0]  }
0x224: {  	v5 =	vld [tilespmem:s0+$0xFFFFFBA0];
	[tilespmem:s17+$0xFFFFFF50] =	vst v2  }
0x225: {  	v2 =	vld [tilespmem:s0+$0xFFFFFBE0];
	v6 =	vpack.i.f32.bf16 v8, v7  }
0x226: {  	v0 =	vpack.i.f32.bf16 v0, v3;
	v3 =	vld [tilespmem:s0+$0xFFFFFC20];
	[tilespmem:s17+$0xFFFFFF90] =	vst v6  }
0x227: {  	[tilespmem:s17+$0xFFFFFD90] =	vst v0;
	v0 =	vld [tilespmem:s0+$0xFFFFFC60]  }
0x228: {  	v6 =	vld [tilespmem:s0+$0xFFFFFB20];
	v1 =	vpack.i.f32.bf16 v4, v1  }
0x229: {  	s7 =	simm.s32 $0x0;
	v4 =	vld [tilespmem:s0+$0xFFFFFB60];
	[tilespmem:s17+$0x0] =	vst v1  }
0x22a: {  	v1 =	vpack.i.f32.bf16 v2, v5;
	v2 =	vld [tilespmem:s0+$0xFFFFFCA0]  }
0x22b: {  	[tilespmem:s17+$0xFFFFFDE0] =	vst v1;
	v1 =	vld [tilespmem:s0+$0xFFFFFCE0]  }
0x22c: {  	v0 =	vpack.i.f32.bf16 v0, v3;
	v3 =	vld [tilespmem:s0+$0xFFFFFD20]  }
0x22d: {  	[tilespmem:s17+$0xFFFFFE20] =	vst v0;
	v0 =	vld [tilespmem:s0+$0xFFFFFD60]  }
0x22e: {  	v4 =	vpack.i.f32.bf16 v4, v6;
	v5 =	vld [tilespmem:s0+$0xFFFFFDA0]  }
0x22f: {  	[tilespmem:s17+$0xFFFFFDA0] =	vst v4;
	v4 =	vld [tilespmem:s0+$0xFFFFFDE0]  }
0x230: {  	v1 =	vpack.i.f32.bf16 v1, v2;
	v2 =	vld [tilespmem:s0+$0xFFFFFE20]  }
0x231: {  	[tilespmem:s17+$0xFFFFFE60] =	vst v1;
	v1 =	vld [tilespmem:s0+$0xFFFFFE60]  }
0x232: {  	v0 =	vpack.i.f32.bf16 v0, v3;
	v3 =	vld [tilespmem:s0+$0xFFFFFEA0]  }
0x233: {  	[tilespmem:s17+$0xFFFFFEA0] =	vst v0;
	v0 =	vld [tilespmem:s0+$0xFFFFFEE0]  }
0x234: {  	v4 =	vpack.i.f32.bf16 v4, v5;
	v5 =	vld [tilespmem:s0+$0xFFFFFF20]  }
0x235: {  	[tilespmem:s17+$0xFFFFFEE0] =	vst v4;
	v4 =	vld [tilespmem:s0+$0xFFFFFF60]  }
0x236: {  	v6 =	vld [tilespmem:s0+$0xFFFFFB30];
	v1 =	vpack.i.f32.bf16 v1, v2  }
0x237: {  	v2 =	vld [tilespmem:s0+$0xFFFFFB70];
	[tilespmem:s17+$0xFFFFFF20] =	vst v1  }
0x238: {  	v1 =	vld [tilespmem:s0+$0xFFFFFBB0];
	v0 =	vpack.i.f32.bf16 v0, v3  }
0x239: {  	v3 =	vld [tilespmem:s0+$0xFFFFFBF0];
	[tilespmem:s17+$0xFFFFFF60] =	vst v0  }
0x23a: {  	v0 =	vld [tilespmem:s0+$0xFFFFFC30];
	v4 =	vpack.i.f32.bf16 v4, v5  }
0x23b: {  	v5 =	vld [tilespmem:s0+$0xFFFFFC70];
	[tilespmem:s17+$0xFFFFFFA0] =	vst v4  }
0x23c: {  	v2 =	vpack.i.f32.bf16 v2, v6;
	v4 =	vld [tilespmem:s0+$0xFFFFFCB0]  }
0x23d: {  	[tilespmem:s17+$0xFFFFFDB0] =	vst v2;
	v2 =	vld [tilespmem:s0+$0xFFFFFCF0]  }
0x23e: {  	v1 =	vpack.i.f32.bf16 v3, v1;
	v3 =	vld [tilespmem:s0+$0xFFFFFD30]  }
0x23f: {  	[tilespmem:s17+$0xFFFFFDF0] =	vst v1;
	v1 =	vld [tilespmem:s0+$0xFFFFFD70]  }
0x240: {  	v0 =	vpack.i.f32.bf16 v5, v0;
	v5 =	vld [tilespmem:s0+$0xFFFFFDB0]  }
0x241: {  	[tilespmem:s17+$0xFFFFFE30] =	vst v0;
	v0 =	vld [tilespmem:s0+$0xFFFFFDF0]  }
0x242: {  	v2 =	vpack.i.f32.bf16 v2, v4;
	v4 =	vld [tilespmem:s0+$0xFFFFFE30]  }
0x243: {  	[tilespmem:s17+$0xFFFFFE70] =	vst v2;
	v2 =	vld [tilespmem:s0+$0xFFFFFE70]  }
0x244: {  	v1 =	vpack.i.f32.bf16 v1, v3;
	v3 =	vld [tilespmem:s0+$0xFFFFFEB0]  }
0x245: {  	[tilespmem:s17+$0xFFFFFEB0] =	vst v1;
	v1 =	vld [tilespmem:s0+$0xFFFFFEF0]  }
0x246: {  	v0 =	vpack.i.f32.bf16 v0, v5;
	v5 =	vld [tilespmem:s0+$0xFFFFFF30]  }
0x247: {  	[tilespmem:s17+$0xFFFFFEF0] =	vst v0;
	v0 =	vld [tilespmem:s0+$0xFFFFFF70]  }
0x248: {  	v6 =	vld [tilespmem:s0+$0xFFFFFB40];
	v2 =	vpack.i.f32.bf16 v2, v4  }
0x249: {  	v4 =	vld [tilespmem:s0+$0xFFFFFB80];
	[tilespmem:s17+$0xFFFFFF30] =	vst v2  }
0x24a: {  	v2 =	vld [tilespmem:s0+$0xFFFFFBC0];
	v1 =	vpack.i.f32.bf16 v1, v3  }
0x24b: {  	v3 =	vld [tilespmem:s0+$0xFFFFFC00];
	[tilespmem:s17+$0xFFFFFF70] =	vst v1  }
0x24c: {  	v1 =	vld [tilespmem:s0+$0xFFFFFC40];
	v0 =	vpack.i.f32.bf16 v0, v5  }
0x24d: {  	v5 =	vld [tilespmem:s0+$0xFFFFFC80];
	[tilespmem:s17+$0xFFFFFFB0] =	vst v0  }
0x24e: {  	v0 =	vpack.i.f32.bf16 v4, v6;
	v4 =	vld [tilespmem:s0+$0xFFFFFCC0]  }
0x24f: {  	[tilespmem:s17+$0xFFFFFDC0] =	vst v0;
	v0 =	vld [tilespmem:s0+$0xFFFFFD00]  }
0x250: {  	v2 =	vpack.i.f32.bf16 v3, v2;
	v3 =	vld [tilespmem:s0+$0xFFFFFD40]  }
0x251: {  	[tilespmem:s17+$0xFFFFFE00] =	vst v2;
	v6 =	vld [tilespmem:s0+$0xFFFFFD80]  }
0x252: {  	v1 =	vpack.i.f32.bf16 v5, v1;
	v5 =	vld [tilespmem:s0+$0xFFFFFDC0]  }
0x253: {  	[tilespmem:s17+$0xFFFFFE40] =	vst v1;
	v7 =	vld [tilespmem:s0+$0xFFFFFE00]  }
0x254: {  	v1 =	vpack.i.f32.bf16 v0, v4;
	v0 =	vld [tilespmem:s0+$0xFFFFFE40]  }
.Ltmp7:
0x255: {  	[tilespmem:s17+$0xFFFFFE80] =	vst v1;
	v2 =	vld [tilespmem:s0+$0xFFFFFE80];
	(pc) =	sbr.rel @p2 .LBB2_15-.Ltmp7, $4  }
0x256: {  	v3 =	vpack.i.f32.bf16 v6, v3;
	v1 =	vld [tilespmem:s0+$0xFFFFFEC0]  }
0x257: {  	[tilespmem:s17+$0xFFFFFEC0] =	vst v3;
	v4 =	vld [tilespmem:s0+$0xFFFFFF00]  }
0x258: {  	v5 =	vpack.i.f32.bf16 v7, v5;
	v3 =	vld [tilespmem:s0+$0xFFFFFF40]  }
0x259: {  	[tilespmem:s17+$0xFFFFFF00] =	vst v5;
	v5 =	vld [tilespmem:s0+$0xFFFFFF80];
	s0 =	sadd.s32 $0x500, s0  }
0x25a: {  	_ =	sdelay $0x1  }
0x25b: {  	v0 =	vpack.i.f32.bf16 v2, v0  }
0x25c: {  	[tilespmem:s17+$0xFFFFFF40] =	vst v0;
	v62 =	vpack.i.f32.bf16 v4, v1  }
0x25d: {  	[tilespmem:s17+$0xFFFFFF80] =	vst v62;
	v63 =	vpack.i.f32.bf16 v5, v3  }
0x25e: {  	[tilespmem:s17+$0xFFFFFFC0] =	vst v63  }
.LBB2_17:
0x25f: {  	s0 =	sshra.s32 s7, $0x2  }
0x260: {  	v0 =	vld [tilespmem:s0+$0xB900]  }
0x261: {  	v1 =	vld [tilespmem:s0+$0xB940];
	_ =	sdelay $0x4  }
0x262: {  	v0 =	vpack.i.f32.bf16 v1, v0  }
0x263: {  	[tilespmem:s18+$0x0] =	vst v0  }
0x264: {  	v0 =	vld [tilespmem:s0+$0xB910]  }
0x265: {  	v61 =	vld [tilespmem:s0+$0xB950];
	_ =	sdelay $0x4  }
0x266: {  	v0 =	vpack.i.f32.bf16 v61, v0  }
0x267: {  	[tilespmem:s18+$0x10] =	vst v0  }
0x268: {  	v0 =	vld [tilespmem:s0+$0xB920]  }
0x269: {  	v62 =	vld [tilespmem:s0+$0xB960];
	_ =	sdelay $0x4  }
0x26a: {  	v0 =	vpack.i.f32.bf16 v62, v0  }
0x26b: {  	[tilespmem:s18+$0x20] =	vst v0  }
0x26c: {  	v0 =	vld [tilespmem:s0+$0xB930]  }
0x26d: {  	v63 =	vld [tilespmem:s0+$0xB970]  }
0x26e: {  	p2 =	sne.s32 s7, $0x800  }
.Ltmp8:
0x26f: {  	_ = 	snop;
	(pc) =	sbr.rel @p2 .LBB2_17-.Ltmp8, $3  }
0x270: {  	_ =	sdelay $0x1  }
0x271: {  	v0 =	vpack.i.f32.bf16 v63, v0  }
0x272: {  	s7 =	sadd.s32 $0x200, s7;
	[tilespmem:s18+$0x30] =	vst v0;
	s18 =	sadd.s32 $0x40, s18  }
.Ltmp9:
0x273: {  	s0 =	sadd.s32 s9, s13;
	(pc) =	sbr.rel @p1 .LBB2_20-.Ltmp9, $4  }
0x274: {  	s0 =	sshll.u32 s0, $0x3  }
0x275: {  	s0 =	sand.u32 $0x1FFFFFF8, s0  }
0x276: {  	s0 =	sadd.s32 s4, s0  }
0x277: {  	[hbm4b:s0+s3] =	stream.linear.scatter [tilespmem:s29], [sflag:$0x7], $0x1F40, $0x38;
	[tilespmem:$0x17700] =	vst v63  }
.Ltmp10:
0x278: {  	(pc) =	sbr.rel .LBB2_21-.Ltmp10, $4  }
0x279: {  	_ = 	snop  }
0x27a: {  	_ =	swait.ge [sflag:s30], $0x3E80  }
0x27b: {  	[sflag:s30] =	ssyncset.done $0x0  }
0x27c: {  	[sflag:s30] =	ssyncadd.s32 $0xFFFFC180  }
.LBB2_20:
0x27d: {  	s0 =	sadd.s32 s9, s14  }
0x27e: {  	s0 =	sshll.u32 s0, $0x4  }
0x27f: {  	s0 =	sand.u32 $0x1FFFFFF0, s0  }
.Ltmp11:
0x280: {  	s0 =	sadd.s32 s2, s0;
	(pc) =	sbr.rel @p0 .LBB2_22-.Ltmp11, $4  }
0x281: {  	[tilespmem:s20], [sflag:$0x3] =	stream.linear.gather [hbm4b:s0+s3], $0x3E80, $0x38;
	[tilespmem:$0x17700] =	vst v63  }
0x282: {  	_ =	swait.ge [sflag:s30], $0x3E80  }
0x283: {  	[sflag:s30] =	ssyncset.done $0x0  }
0x284: {  	[sflag:s30] =	ssyncadd.s32 $0xFFFFC180  }
.LBB2_21:
0x285: {  	_ =	swait.ge [sflag:s31], $0x1F40  }
0x286: {  	[sflag:s31] =	ssyncset.done $0x0  }
0x287: {  	[sflag:s31] =	ssyncadd.s32 $0xFFFFE0C0  }
.LBB2_22:
0x288: {  	s0 =	simm.s32 $0xC070  }
0x289: {  	v0 =	vld [tilespmem:s0+$0xFFFFFF90]  }
0x28a: {  	v1 =	vld [tilespmem:s0+$0xFFFFFFD0]  }
0x28b: {  	v2 =	vld [tilespmem:s0+$0xFFFFFB50]  }
0x28c: {  	v3 =	vld [tilespmem:s0+$0xFFFFFB90]  }
0x28d: {  	v4 =	vld [tilespmem:s0+$0xFFFFFBD0]  }
0x28e: {  	v5 =	vld [tilespmem:s0+$0xFFFFFC10]  }
0x28f: {  	v6 =	vld [tilespmem:s0+$0xFFFFFC50]  }
0x290: {  	v8 =	vld [tilespmem:s0+$0xFFFFFCD0]  }
0x291: {  	v9 =	vld [tilespmem:s0+$0xFFFFFD10]  }
0x292: {  	v10 =	vld [tilespmem:s0+$0xFFFFFD50]  }
0x293: {  	v11 =	vld [tilespmem:s0+$0xFFFFFD90]  }
0x294: {  	v12 =	vld [tilespmem:s0+$0xFFFFFDD0]  }
0x295: {  	v14 =	vld [tilespmem:s0+$0xFFFFFE50]  }
0x296: {  	v15 =	vld [tilespmem:s0+$0xFFFFFE90]  }
0x297: {  	v16 =	vld [tilespmem:s0+$0xFFFFFED0]  }
0x298: {  	v17 =	vld [tilespmem:s0+$0xFFFFFF10]  }
0x299: {  	s17 =	simm.s32 $0x15A30;
	v38 =	vld [tilespmem:s0+$0xFFFFFF50];
	v0 =	vpack.i.f32.bf16 v1, v0  }
0x29a: {  	v1 =	vld [tilespmem:s0+$0xFFFFFC90];
	[tilespmem:s17+$0xFFFFFFD0] =	vst v0  }
0x29b: {  	v3 =	vpack.i.f32.bf16 v4, v3;
	v0 =	vld [tilespmem:s0+$0xFFFFFFA0]  }
0x29c: {  	v5 =	vpack.i.f32.bf16 v6, v5;
	[tilespmem:s17+$0xFFFFFDD0] =	vst v3;
	v7 =	vld [tilespmem:s0+$0xFFFFFFE0]  }
0x29d: {  	v9 =	vpack.i.f32.bf16 v10, v9;
	[tilespmem:s17+$0xFFFFFE10] =	vst v5;
	v6 =	vld [tilespmem:s0+$0xFFFFFBA0]  }
0x29e: {  	[tilespmem:s17+$0xFFFFFE90] =	vst v9;
	v5 =	vld [tilespmem:s0+$0xFFFFFBE0]  }
0x29f: {  	v11 =	vpack.i.f32.bf16 v12, v11;
	v42 =	vld [tilespmem:s0+$0xFFFFFD20]  }
0x2a0: {  	v15 =	vpack.i.f32.bf16 v16, v15;
	[tilespmem:s17+$0xFFFFFED0] =	vst v11;
	v43 =	vld [tilespmem:s0+$0xFFFFFD60]  }
0x2a1: {  	[tilespmem:s17+$0xFFFFFF50] =	vst v15;
	v44 =	vld [tilespmem:s0+$0xFFFFFDA0]  }
0x2a2: {  	v47 =	vld [tilespmem:s0+$0xFFFFFEA0]  }
0x2a3: {  	v48 =	vld [tilespmem:s0+$0xFFFFFEE0];
	v1 =	vpack.i.f32.bf16 v8, v1  }
0x2a4: {  	[tilespmem:s17+$0xFFFFFE50] =	vst v1;
	v0 =	vpack.i.f32.bf16 v7, v0;
	v7 =	vld [tilespmem:s0+$0xFFFFFE10]  }
0x2a5: {  	v40 =	vld [tilespmem:s0+$0xFFFFFCA0]  }
0x2a6: {  	v41 =	vld [tilespmem:s0+$0xFFFFFCE0];
	[tilespmem:s17+$0xFFFFFFE0] =	vst v0  }
0x2a7: {  	v11 =	vpack.i.f32.bf16 v43, v42;
	v0 =	vld [tilespmem:s0+$0xFFFFFFB0]  }
0x2a8: {  	[tilespmem:s17+$0xFFFFFEA0] =	vst v11;
	v13 =	vld [tilespmem:s0+$0xFFFFFFF0]  }
0x2a9: {  	v54 =	vld [tilespmem:s0+$0xFFFFFD30];
	v7 =	vpack.i.f32.bf16 v14, v7  }
0x2aa: {  	[tilespmem:s17+$0xFFFFFF10] =	vst v7;
	v7 =	vld [tilespmem:s0+$0xFFFFFDE0]  }
0x2ab: {  	v9 =	vpack.i.f32.bf16 v41, v40;
	v45 =	vld [tilespmem:s0+$0xFFFFFE20]  }
0x2ac: {  	[tilespmem:s17+$0xFFFFFE60] =	vst v9;
	v46 =	vld [tilespmem:s0+$0xFFFFFE60]  }
0x2ad: {  	v52 =	vld [tilespmem:s0+$0xFFFFFCB0]  }
0x2ae: {  	v0 =	vpack.i.f32.bf16 v13, v0;
	v53 =	vld [tilespmem:s0+$0xFFFFFCF0]  }
0x2af: {  	[tilespmem:s17+$0xFFFFFFF0] =	vst v0;
	v0 =	vld [tilespmem:s0+$0xFFFFFB10]  }
0x2b0: {  	v13 =	vpack.i.f32.bf16 v38, v17;
	v4 =	vld [tilespmem:s0+$0xFFFFFFC0]  }
0x2b1: {  	[tilespmem:s17+$0xFFFFFF90] =	vst v13;
	v13 =	vpack.i.f32.bf16 v48, v47;
	v3 =	vld [tilespmem:s0+$0x0]  }
0x2b2: {  	v49 =	vld [tilespmem:s0+$0xFFFFFF20];
	[tilespmem:s17+$0xFFFFFF60] =	vst v13  }
0x2b3: {  	v59 =	vld [tilespmem:s0+$0xFFFFFEB0];
	v7 =	vpack.i.f32.bf16 v7, v44  }
0x2b4: {  	[tilespmem:s17+$0xFFFFFEE0] =	vst v7;
	v7 =	vld [tilespmem:s0+$0xFFFFFD70]  }
0x2b5: {  	v0 =	vpack.i.f32.bf16 v2, v0;
	v2 =	vld [tilespmem:s0+$0xFFFFFC20]  }
0x2b6: {  	v15 =	vpack.i.f32.bf16 v46, v45;
	v55 =	vld [tilespmem:s0+$0xFFFFFDB0]  }
0x2b7: {  	[tilespmem:s17+$0xFFFFFF20] =	vst v15;
	v56 =	vld [tilespmem:s0+$0xFFFFFDF0]  }
0x2b8: {  	[tilespmem:s17+$0xFFFFFD90] =	vst v0;
	v0 =	vld [tilespmem:s0+$0xFFFFFC60]  }
0x2b9: {  	v57 =	vld [tilespmem:s0+$0xFFFFFE30]  }
0x2ba: {  	v39 =	vld [tilespmem:s0+$0xFFFFFB20]  }
0x2bb: {  	v11 =	vpack.i.f32.bf16 v53, v52;
	v1 =	vld [tilespmem:s0+$0xFFFFFB60]  }
0x2bc: {  	v5 =	vpack.i.f32.bf16 v5, v6;
	[tilespmem:s17+$0xFFFFFE70] =	vst v11;
	v58 =	vld [tilespmem:s0+$0xFFFFFE70]  }
0x2bd: {  	[tilespmem:s17+$0xFFFFFDE0] =	vst v5;
	v3 =	vpack.i.f32.bf16 v3, v4;
	v11 =	vld [tilespmem:s0+$0xFFFFFD00]  }
0x2be: {  	[tilespmem:s17+$0x0] =	vst v3;
	v3 =	vpack.i.f32.bf16 v7, v54;
	v7 =	vld [tilespmem:s0+$0xFFFFFCC0]  }
0x2bf: {  	[tilespmem:s17+$0xFFFFFEB0] =	vst v3;
	v0 =	vpack.i.f32.bf16 v0, v2;
	v2 =	vld [tilespmem:s0+$0xFFFFFBB0]  }
0x2c0: {  	v1 =	vpack.i.f32.bf16 v1, v39;
	[tilespmem:s17+$0xFFFFFE20] =	vst v0;
	v0 =	vld [tilespmem:s0+$0xFFFFFBF0]  }
0x2c1: {  	[tilespmem:s17+$0xFFFFFDA0] =	vst v1;
	v1 =	vld [tilespmem:s0+$0xFFFFFF60]  }
0x2c2: {  	v63 =	vld [tilespmem:s0+$0xFFFFFD40]  }
0x2c3: {  	v50 =	vld [tilespmem:s0+$0xFFFFFC30]  }
0x2c4: {  	v6 =	vld [tilespmem:s0+$0xFFFFFB30]  }
0x2c5: {  	v5 =	vld [tilespmem:s0+$0xFFFFFB70];
	v0 =	vpack.i.f32.bf16 v0, v2  }
0x2c6: {  	v51 =	vld [tilespmem:s0+$0xFFFFFC70];
	v1 =	vpack.i.f32.bf16 v1, v49;
	[tilespmem:s17+$0xFFFFFDF0] =	vst v0  }
0x2c7: {  	[tilespmem:s17+$0xFFFFFFA0] =	vst v1;
	v1 =	vld [tilespmem:s0+$0xFFFFFEF0]  }
0x2c8: {  	v60 =	vld [tilespmem:s0+$0xFFFFFBC0]  }
0x2c9: {  	v61 =	vld [tilespmem:s0+$0xFFFFFC00]  }
0x2ca: {  	v5 =	vpack.i.f32.bf16 v5, v6;
	v6 =	vld [tilespmem:s0+$0xFFFFFF30]  }
0x2cb: {  	[tilespmem:s17+$0xFFFFFDB0] =	vst v5;
	v5 =	vld [tilespmem:s0+$0xFFFFFF70]  }
0x2cc: {  	v9 =	vpack.i.f32.bf16 v51, v50;
	v2 =	vld [tilespmem:s0+$0xFFFFFB40]  }
0x2cd: {  	[tilespmem:s17+$0xFFFFFE30] =	vst v9;
	v0 =	vld [tilespmem:s0+$0xFFFFFB80]  }
0x2ce: {  	v3 =	vpack.i.f32.bf16 v56, v55;
	v62 =	vld [tilespmem:s0+$0xFFFFFC40]  }
0x2cf: {  	[tilespmem:s17+$0xFFFFFEF0] =	vst v3;
	v3 =	vpack.i.f32.bf16 v58, v57;
	v4 =	vld [tilespmem:s0+$0xFFFFFC80]  }
0x2d0: {  	[tilespmem:s17+$0xFFFFFF30] =	vst v3;
	v3 =	vld [tilespmem:s0+$0xFFFFFD80];
	v1 =	vpack.i.f32.bf16 v1, v59  }
0x2d1: {  	[tilespmem:s17+$0xFFFFFF70] =	vst v1;
	v1 =	vpack.i.f32.bf16 v5, v6;
	v5 =	vld [tilespmem:s0+$0xFFFFFDC0]  }
0x2d2: {  	v6 =	vld [tilespmem:s0+$0xFFFFFE00];
	[tilespmem:s17+$0xFFFFFFB0] =	vst v1;
	v0 =	vpack.i.f32.bf16 v0, v2  }
0x2d3: {  	v1 =	vpack.i.f32.bf16 v61, v60;
	v2 =	vld [tilespmem:s0+$0xFFFFFE80];
	[tilespmem:s17+$0xFFFFFDC0] =	vst v0  }
0x2d4: {  	v0 =	vld [tilespmem:s0+$0xFFFFFE40];
	[tilespmem:s17+$0xFFFFFE00] =	vst v1;
	v1 =	vpack.i.f32.bf16 v4, v62  }
0x2d5: {  	v4 =	vpack.i.f32.bf16 v11, v7;
	[tilespmem:s17+$0xFFFFFE40] =	vst v1;
	v1 =	vld [tilespmem:s0+$0xFFFFFEC0]  }
0x2d6: {  	v3 =	vpack.i.f32.bf16 v3, v63;
	[tilespmem:s17+$0xFFFFFE80] =	vst v4;
	v4 =	vld [tilespmem:s0+$0xFFFFFF00]  }
0x2d7: {  	[tilespmem:s17+$0xFFFFFEC0] =	vst v3;
	v3 =	vld [tilespmem:s0+$0xFFFFFF40];
	v5 =	vpack.i.f32.bf16 v6, v5  }
0x2d8: {  	s6 =	simm.s32 $0x0;
	s18 =	simm.s32 $0x175C0;
	[tilespmem:s17+$0xFFFFFF00] =	vst v5;
	v5 =	vld [tilespmem:s0+$0xFFFFFF80];
	s0 =	simm.s32 $0xC570  }
.LBB2_23:
0x2d9: {  	v6 =	vld [tilespmem:s0+$0xFFFFFF90];
	v0 =	vpack.i.f32.bf16 v2, v0  }
0x2da: {  	v2 =	vld [tilespmem:s0+$0xFFFFFFD0];
	[tilespmem:s17+$0xFFFFFF40] =	vst v0  }
0x2db: {  	v0 =	vld [tilespmem:s0+$0xFFFFFB50];
	v1 =	vpack.i.f32.bf16 v4, v1  }
0x2dc: {  	v4 =	vld [tilespmem:s0+$0xFFFFFB90];
	[tilespmem:s17+$0xFFFFFF80] =	vst v1  }
0x2dd: {  	s6 =	sadd.s32 $0xA, s6;
	v1 =	vld [tilespmem:s0+$0xFFFFFBD0];
	v3 =	vpack.i.f32.bf16 v5, v3  }
0x2de: {  	p0 =	slt.u32 s6, $0x6E;
	v5 =	vld [tilespmem:s0+$0xFFFFFC10];
	[tilespmem:s17+$0xFFFFFFC0] =	vst v3  }
0x2df: {  	s17 =	sadd.s32 $0x280, s17;
	v3 =	vld [tilespmem:s0+$0xFFFFFC50];
	v2 =	vpack.i.f32.bf16 v2, v6  }
0x2e0: {  	v6 =	vld [tilespmem:s0+$0xFFFFFC90];
	[tilespmem:s17+$0xFFFFFFD0] =	vst v2  }
0x2e1: {  	v2 =	vld [tilespmem:s0+$0xFFFFFFA0]  }
0x2e2: {  	v1 =	vpack.i.f32.bf16 v1, v4;
	v4 =	vld [tilespmem:s0+$0xFFFFFFE0]  }
0x2e3: {  	[tilespmem:s17+$0xFFFFFDD0] =	vst v1;
	v1 =	vld [tilespmem:s0+$0xFFFFFCD0]  }
0x2e4: {  	v3 =	vpack.i.f32.bf16 v3, v5;
	v5 =	vld [tilespmem:s0+$0xFFFFFD10]  }
0x2e5: {  	[tilespmem:s17+$0xFFFFFE10] =	vst v3;
	v3 =	vld [tilespmem:s0+$0xFFFFFD50]  }
0x2e6: {  	v7 =	vld [tilespmem:s0+$0xFFFFFD90]  }
0x2e7: {  	v8 =	vld [tilespmem:s0+$0xFFFFFDD0];
	v2 =	vpack.i.f32.bf16 v4, v2  }
0x2e8: {  	v1 =	vpack.i.f32.bf16 v1, v6;
	v4 =	vld [tilespmem:s0+$0xFFFFFE10];
	[tilespmem:s17+$0xFFFFFFE0] =	vst v2  }
0x2e9: {  	[tilespmem:s17+$0xFFFFFE50] =	vst v1;
	v1 =	vld [tilespmem:s0+$0xFFFFFFB0]  }
0x2ea: {  	v2 =	vpack.i.f32.bf16 v3, v5;
	v3 =	vld [tilespmem:s0+$0xFFFFFFF0]  }
0x2eb: {  	[tilespmem:s17+$0xFFFFFE90] =	vst v2;
	v2 =	vld [tilespmem:s0+$0xFFFFFE50]  }
0x2ec: {  	v5 =	vpack.i.f32.bf16 v8, v7;
	v6 =	vld [tilespmem:s0+$0xFFFFFE90]  }
0x2ed: {  	[tilespmem:s17+$0xFFFFFED0] =	vst v5;
	v5 =	vld [tilespmem:s0+$0xFFFFFED0]  }
0x2ee: {  	v7 =	vld [tilespmem:s0+$0xFFFFFF10]  }
0x2ef: {  	v8 =	vld [tilespmem:s0+$0xFFFFFF50];
	v1 =	vpack.i.f32.bf16 v3, v1  }
0x2f0: {  	v3 =	vld [tilespmem:s0+$0xFFFFFB10];
	v2 =	vpack.i.f32.bf16 v2, v4;
	[tilespmem:s17+$0xFFFFFFF0] =	vst v1  }
0x2f1: {  	[tilespmem:s17+$0xFFFFFF10] =	vst v2;
	v1 =	vld [tilespmem:s0+$0xFFFFFFC0]  }
0x2f2: {  	v2 =	vpack.i.f32.bf16 v5, v6;
	v4 =	vld [tilespmem:s0+$0x0]  }
0x2f3: {  	v5 =	vld [tilespmem:s0+$0xFFFFFBA0];
	[tilespmem:s17+$0xFFFFFF50] =	vst v2  }
0x2f4: {  	v2 =	vld [tilespmem:s0+$0xFFFFFBE0];
	v6 =	vpack.i.f32.bf16 v8, v7  }
0x2f5: {  	v0 =	vpack.i.f32.bf16 v0, v3;
	v3 =	vld [tilespmem:s0+$0xFFFFFC20];
	[tilespmem:s17+$0xFFFFFF90] =	vst v6  }
0x2f6: {  	[tilespmem:s17+$0xFFFFFD90] =	vst v0;
	v0 =	vld [tilespmem:s0+$0xFFFFFC60]  }
0x2f7: {  	v6 =	vld [tilespmem:s0+$0xFFFFFB20];
	v1 =	vpack.i.f32.bf16 v4, v1  }
0x2f8: {  	s7 =	simm.s32 $0x0;
	v4 =	vld [tilespmem:s0+$0xFFFFFB60];
	[tilespmem:s17+$0x0] =	vst v1  }
0x2f9: {  	v1 =	vpack.i.f32.bf16 v2, v5;
	v2 =	vld [tilespmem:s0+$0xFFFFFCA0]  }
0x2fa: {  	[tilespmem:s17+$0xFFFFFDE0] =	vst v1;
	v1 =	vld [tilespmem:s0+$0xFFFFFCE0]  }
0x2fb: {  	v0 =	vpack.i.f32.bf16 v0, v3;
	v3 =	vld [tilespmem:s0+$0xFFFFFD20]  }
0x2fc: {  	[tilespmem:s17+$0xFFFFFE20] =	vst v0;
	v0 =	vld [tilespmem:s0+$0xFFFFFD60]  }
0x2fd: {  	v4 =	vpack.i.f32.bf16 v4, v6;
	v5 =	vld [tilespmem:s0+$0xFFFFFDA0]  }
0x2fe: {  	[tilespmem:s17+$0xFFFFFDA0] =	vst v4;
	v4 =	vld [tilespmem:s0+$0xFFFFFDE0]  }
0x2ff: {  	v1 =	vpack.i.f32.bf16 v1, v2;
	v2 =	vld [tilespmem:s0+$0xFFFFFE20]  }
0x300: {  	[tilespmem:s17+$0xFFFFFE60] =	vst v1;
	v1 =	vld [tilespmem:s0+$0xFFFFFE60]  }
0x301: {  	v0 =	vpack.i.f32.bf16 v0, v3;
	v3 =	vld [tilespmem:s0+$0xFFFFFEA0]  }
0x302: {  	[tilespmem:s17+$0xFFFFFEA0] =	vst v0;
	v0 =	vld [tilespmem:s0+$0xFFFFFEE0]  }
0x303: {  	v4 =	vpack.i.f32.bf16 v4, v5;
	v5 =	vld [tilespmem:s0+$0xFFFFFF20]  }
0x304: {  	[tilespmem:s17+$0xFFFFFEE0] =	vst v4;
	v4 =	vld [tilespmem:s0+$0xFFFFFF60]  }
0x305: {  	v6 =	vld [tilespmem:s0+$0xFFFFFB30];
	v1 =	vpack.i.f32.bf16 v1, v2  }
0x306: {  	v2 =	vld [tilespmem:s0+$0xFFFFFB70];
	[tilespmem:s17+$0xFFFFFF20] =	vst v1  }
0x307: {  	v1 =	vld [tilespmem:s0+$0xFFFFFBB0];
	v0 =	vpack.i.f32.bf16 v0, v3  }
0x308: {  	v3 =	vld [tilespmem:s0+$0xFFFFFBF0];
	[tilespmem:s17+$0xFFFFFF60] =	vst v0  }
0x309: {  	v0 =	vld [tilespmem:s0+$0xFFFFFC30];
	v4 =	vpack.i.f32.bf16 v4, v5  }
0x30a: {  	v5 =	vld [tilespmem:s0+$0xFFFFFC70];
	[tilespmem:s17+$0xFFFFFFA0] =	vst v4  }
0x30b: {  	v2 =	vpack.i.f32.bf16 v2, v6;
	v4 =	vld [tilespmem:s0+$0xFFFFFCB0]  }
0x30c: {  	[tilespmem:s17+$0xFFFFFDB0] =	vst v2;
	v2 =	vld [tilespmem:s0+$0xFFFFFCF0]  }
0x30d: {  	v1 =	vpack.i.f32.bf16 v3, v1;
	v3 =	vld [tilespmem:s0+$0xFFFFFD30]  }
0x30e: {  	[tilespmem:s17+$0xFFFFFDF0] =	vst v1;
	v1 =	vld [tilespmem:s0+$0xFFFFFD70]  }
0x30f: {  	v0 =	vpack.i.f32.bf16 v5, v0;
	v5 =	vld [tilespmem:s0+$0xFFFFFDB0]  }
0x310: {  	[tilespmem:s17+$0xFFFFFE30] =	vst v0;
	v0 =	vld [tilespmem:s0+$0xFFFFFDF0]  }
0x311: {  	v2 =	vpack.i.f32.bf16 v2, v4;
	v4 =	vld [tilespmem:s0+$0xFFFFFE30]  }
0x312: {  	[tilespmem:s17+$0xFFFFFE70] =	vst v2;
	v2 =	vld [tilespmem:s0+$0xFFFFFE70]  }
0x313: {  	v1 =	vpack.i.f32.bf16 v1, v3;
	v3 =	vld [tilespmem:s0+$0xFFFFFEB0]  }
0x314: {  	[tilespmem:s17+$0xFFFFFEB0] =	vst v1;
	v1 =	vld [tilespmem:s0+$0xFFFFFEF0]  }
0x315: {  	v0 =	vpack.i.f32.bf16 v0, v5;
	v5 =	vld [tilespmem:s0+$0xFFFFFF30]  }
0x316: {  	[tilespmem:s17+$0xFFFFFEF0] =	vst v0;
	v0 =	vld [tilespmem:s0+$0xFFFFFF70]  }
0x317: {  	v6 =	vld [tilespmem:s0+$0xFFFFFB40];
	v2 =	vpack.i.f32.bf16 v2, v4  }
0x318: {  	v4 =	vld [tilespmem:s0+$0xFFFFFB80];
	[tilespmem:s17+$0xFFFFFF30] =	vst v2  }
0x319: {  	v2 =	vld [tilespmem:s0+$0xFFFFFBC0];
	v1 =	vpack.i.f32.bf16 v1, v3  }
0x31a: {  	v3 =	vld [tilespmem:s0+$0xFFFFFC00];
	[tilespmem:s17+$0xFFFFFF70] =	vst v1  }
0x31b: {  	v1 =	vld [tilespmem:s0+$0xFFFFFC40];
	v0 =	vpack.i.f32.bf16 v0, v5  }
0x31c: {  	v5 =	vld [tilespmem:s0+$0xFFFFFC80];
	[tilespmem:s17+$0xFFFFFFB0] =	vst v0  }
0x31d: {  	v0 =	vpack.i.f32.bf16 v4, v6;
	v4 =	vld [tilespmem:s0+$0xFFFFFCC0]  }
0x31e: {  	[tilespmem:s17+$0xFFFFFDC0] =	vst v0;
	v0 =	vld [tilespmem:s0+$0xFFFFFD00]  }
0x31f: {  	v2 =	vpack.i.f32.bf16 v3, v2;
	v3 =	vld [tilespmem:s0+$0xFFFFFD40]  }
0x320: {  	[tilespmem:s17+$0xFFFFFE00] =	vst v2;
	v6 =	vld [tilespmem:s0+$0xFFFFFD80]  }
0x321: {  	v1 =	vpack.i.f32.bf16 v5, v1;
	v5 =	vld [tilespmem:s0+$0xFFFFFDC0]  }
0x322: {  	[tilespmem:s17+$0xFFFFFE40] =	vst v1;
	v7 =	vld [tilespmem:s0+$0xFFFFFE00]  }
0x323: {  	v1 =	vpack.i.f32.bf16 v0, v4;
	v0 =	vld [tilespmem:s0+$0xFFFFFE40]  }
.Ltmp12:
0x324: {  	[tilespmem:s17+$0xFFFFFE80] =	vst v1;
	v2 =	vld [tilespmem:s0+$0xFFFFFE80];
	(pc) =	sbr.rel @p0 .LBB2_23-.Ltmp12, $4  }
0x325: {  	v3 =	vpack.i.f32.bf16 v6, v3;
	v1 =	vld [tilespmem:s0+$0xFFFFFEC0]  }
0x326: {  	[tilespmem:s17+$0xFFFFFEC0] =	vst v3;
	v4 =	vld [tilespmem:s0+$0xFFFFFF00]  }
0x327: {  	v5 =	vpack.i.f32.bf16 v7, v5;
	v3 =	vld [tilespmem:s0+$0xFFFFFF40]  }
0x328: {  	[tilespmem:s17+$0xFFFFFF00] =	vst v5;
	v5 =	vld [tilespmem:s0+$0xFFFFFF80];
	s0 =	sadd.s32 $0x500, s0  }
0x329: {  	_ =	sdelay $0x1  }
0x32a: {  	v0 =	vpack.i.f32.bf16 v2, v0  }
0x32b: {  	[tilespmem:s17+$0xFFFFFF40] =	vst v0;
	v62 =	vpack.i.f32.bf16 v4, v1  }
0x32c: {  	[tilespmem:s17+$0xFFFFFF80] =	vst v62;
	v63 =	vpack.i.f32.bf16 v5, v3  }
0x32d: {  	[tilespmem:s17+$0xFFFFFFC0] =	vst v63  }
.LBB2_25:
0x32e: {  	s0 =	sshra.s32 s7, $0x2  }
0x32f: {  	v0 =	vld [tilespmem:s0+$0xF780]  }
0x330: {  	v1 =	vld [tilespmem:s0+$0xF7C0];
	_ =	sdelay $0x4  }
0x331: {  	v0 =	vpack.i.f32.bf16 v1, v0  }
0x332: {  	[tilespmem:s18+$0x0] =	vst v0  }
0x333: {  	v0 =	vld [tilespmem:s0+$0xF790]  }
0x334: {  	v61 =	vld [tilespmem:s0+$0xF7D0];
	_ =	sdelay $0x4  }
0x335: {  	v0 =	vpack.i.f32.bf16 v61, v0  }
0x336: {  	[tilespmem:s18+$0x10] =	vst v0  }
0x337: {  	v0 =	vld [tilespmem:s0+$0xF7A0]  }
0x338: {  	v62 =	vld [tilespmem:s0+$0xF7E0];
	_ =	sdelay $0x4  }
0x339: {  	v0 =	vpack.i.f32.bf16 v62, v0  }
0x33a: {  	[tilespmem:s18+$0x20] =	vst v0  }
0x33b: {  	v0 =	vld [tilespmem:s0+$0xF7B0]  }
0x33c: {  	v63 =	vld [tilespmem:s0+$0xF7F0]  }
0x33d: {  	p0 =	sne.s32 s7, $0x800  }
.Ltmp13:
0x33e: {  	_ = 	snop;
	(pc) =	sbr.rel @p0 .LBB2_25-.Ltmp13, $3  }
0x33f: {  	_ =	sdelay $0x1  }
0x340: {  	v0 =	vpack.i.f32.bf16 v63, v0  }
0x341: {  	s7 =	sadd.s32 $0x200, s7;
	[tilespmem:s18+$0x30] =	vst v0;
	s18 =	sadd.s32 $0x40, s18  }
0x342: {  	p0 =	seq.s32 s8, $0x5  }
.Ltmp14:
0x343: {  	s0 =	sadd.s32 s9, s15;
	(pc) =	sbr.rel @p0 .LBB2_28-.Ltmp14, $4  }
0x344: {  	s0 =	sshll.u32 s0, $0x3  }
0x345: {  	s0 =	sand.u32 $0x1FFFFFF8, s0  }
0x346: {  	s0 =	sadd.s32 s4, s0  }
0x347: {  	[hbm4b:s0+s3] =	stream.linear.scatter [tilespmem:s1], [sflag:$0x8], $0x1F40, $0x38;
	[tilespmem:$0x17700] =	vst v63  }
.Ltmp15:
0x348: {  	s0 =	sadd.s32 s9, s16;
	(pc) =	sbr.rel .LBB2_2-.Ltmp15, $4  }
0x349: {  	s0 =	sshll.u32 s0, $0x4  }
0x34a: {  	s0 =	sand.u32 $0x1FFFFFF0, s0  }
0x34b: {  	s8 =	sadd.s32 $0x1, s8;
	s0 =	sadd.s32 s2, s0  }
0x34c: {  	[tilespmem:s21], [sflag:$0x4] =	stream.linear.gather [hbm4b:s0+s3], $0x3E80, $0x38;
	[tilespmem:$0x17700] =	vst v63  }
.LBB2_28:
0x34d: {  	_ =	swait.ge [sflag:s22], $0x3E80  }
0x34e: {  	[sflag:s22] =	ssyncset.done $0x0  }
0x34f: {  	s17 =	simm.s32 $0x5;
	[sflag:s22] =	ssyncadd.s32 $0xFFFFC180  }
0x350: {  	_ =	swait.ge [sflag:s17], $0x1F40  }
0x351: {  	[sflag:s17] =	ssyncset.done $0x0  }
0x352: {  	s0 =	simm.s32 $0x280;
	[sflag:s17] =	ssyncadd.s32 $0xFFFFE0C0  }
0x353: {  	v0 =	vld [tilespmem:s0+$0x200]  }
0x354: {  	v1 =	vld [tilespmem:s0+$0x240]  }
0x355: {  	v2 =	vld [tilespmem:s0+$0xFFFFFDC0]  }
0x356: {  	v3 =	vld [tilespmem:s0+$0xFFFFFE00]  }
0x357: {  	v4 =	vld [tilespmem:s0+$0xFFFFFE40]  }
0x358: {  	v5 =	vld [tilespmem:s0+$0xFFFFFE80]  }
0x359: {  	v6 =	vld [tilespmem:s0+$0xFFFFFEC0]  }
0x35a: {  	v8 =	vld [tilespmem:s0+$0xFFFFFF40]  }
0x35b: {  	v9 =	vld [tilespmem:s0+$0xFFFFFF80]  }
0x35c: {  	v10 =	vld [tilespmem:s0+$0xFFFFFFC0]  }
0x35d: {  	v11 =	vld [tilespmem:s0+$0x0]  }
0x35e: {  	v12 =	vld [tilespmem:s0+$0x40]  }
0x35f: {  	v14 =	vld [tilespmem:s0+$0xC0]  }
0x360: {  	v15 =	vld [tilespmem:s0+$0x100]  }
0x361: {  	v16 =	vld [tilespmem:s0+$0x140]  }
0x362: {  	v17 =	vld [tilespmem:s0+$0x180]  }
0x363: {  	s8 =	simm.s32 $0xFB40;
	v38 =	vld [tilespmem:s0+$0x1C0];
	v0 =	vpack.i.f32.bf16 v1, v0  }
0x364: {  	v1 =	vld [tilespmem:s0+$0xFFFFFF00];
	[tilespmem:s8+$0x100] =	vst v0  }
0x365: {  	v3 =	vpack.i.f32.bf16 v4, v3;
	v0 =	vld [tilespmem:s0+$0x210]  }
0x366: {  	v5 =	vpack.i.f32.bf16 v6, v5;
	[tilespmem:s8+$0xFFFFFF00] =	vst v3;
	v7 =	vld [tilespmem:s0+$0x250]  }
0x367: {  	v9 =	vpack.i.f32.bf16 v10, v9;
	[tilespmem:s8+$0xFFFFFF40] =	vst v5;
	v6 =	vld [tilespmem:s0+$0xFFFFFE10]  }
0x368: {  	[tilespmem:s8+$0xFFFFFFC0] =	vst v9;
	v5 =	vld [tilespmem:s0+$0xFFFFFE50]  }
0x369: {  	v11 =	vpack.i.f32.bf16 v12, v11;
	v42 =	vld [tilespmem:s0+$0xFFFFFF90]  }
0x36a: {  	v15 =	vpack.i.f32.bf16 v16, v15;
	[tilespmem:s8+$0x0] =	vst v11;
	v43 =	vld [tilespmem:s0+$0xFFFFFFD0]  }
0x36b: {  	[tilespmem:s8+$0x80] =	vst v15;
	v44 =	vld [tilespmem:s0+$0x10]  }
0x36c: {  	v47 =	vld [tilespmem:s0+$0x110]  }
0x36d: {  	v48 =	vld [tilespmem:s0+$0x150];
	v1 =	vpack.i.f32.bf16 v8, v1  }
0x36e: {  	[tilespmem:s8+$0xFFFFFF80] =	vst v1;
	v0 =	vpack.i.f32.bf16 v7, v0;
	v7 =	vld [tilespmem:s0+$0x80]  }
0x36f: {  	v40 =	vld [tilespmem:s0+$0xFFFFFF10]  }
0x370: {  	v41 =	vld [tilespmem:s0+$0xFFFFFF50];
	[tilespmem:s8+$0x110] =	vst v0  }
0x371: {  	v11 =	vpack.i.f32.bf16 v43, v42;
	v0 =	vld [tilespmem:s0+$0x220]  }
0x372: {  	[tilespmem:s8+$0xFFFFFFD0] =	vst v11;
	v13 =	vld [tilespmem:s0+$0x260]  }
0x373: {  	v54 =	vld [tilespmem:s0+$0xFFFFFFA0];
	v7 =	vpack.i.f32.bf16 v14, v7  }
0x374: {  	[tilespmem:s8+$0x40] =	vst v7;
	v7 =	vld [tilespmem:s0+$0x50]  }
0x375: {  	v9 =	vpack.i.f32.bf16 v41, v40;
	v45 =	vld [tilespmem:s0+$0x90]  }
0x376: {  	[tilespmem:s8+$0xFFFFFF90] =	vst v9;
	v46 =	vld [tilespmem:s0+$0xD0]  }
0x377: {  	v52 =	vld [tilespmem:s0+$0xFFFFFF20]  }
0x378: {  	v0 =	vpack.i.f32.bf16 v13, v0;
	v53 =	vld [tilespmem:s0+$0xFFFFFF60]  }
0x379: {  	[tilespmem:s8+$0x120] =	vst v0;
	v0 =	vld [tilespmem:s0+$0xFFFFFD80]  }
0x37a: {  	v13 =	vpack.i.f32.bf16 v38, v17;
	v4 =	vld [tilespmem:s0+$0x230]  }
0x37b: {  	[tilespmem:s8+$0xC0] =	vst v13;
	v13 =	vpack.i.f32.bf16 v48, v47;
	v3 =	vld [tilespmem:s0+$0x270]  }
0x37c: {  	v49 =	vld [tilespmem:s0+$0x190];
	[tilespmem:s8+$0x90] =	vst v13  }
0x37d: {  	v59 =	vld [tilespmem:s0+$0x120];
	v7 =	vpack.i.f32.bf16 v7, v44  }
0x37e: {  	[tilespmem:s8+$0x10] =	vst v7;
	v7 =	vld [tilespmem:s0+$0xFFFFFFE0]  }
0x37f: {  	v0 =	vpack.i.f32.bf16 v2, v0;
	v2 =	vld [tilespmem:s0+$0xFFFFFE90]  }
0x380: {  	v15 =	vpack.i.f32.bf16 v46, v45;
	v55 =	vld [tilespmem:s0+$0x20]  }
0x381: {  	[tilespmem:s8+$0x50] =	vst v15;
	v56 =	vld [tilespmem:s0+$0x60]  }
0x382: {  	[tilespmem:s8+$0xFFFFFEC0] =	vst v0;
	v0 =	vld [tilespmem:s0+$0xFFFFFED0]  }
0x383: {  	v57 =	vld [tilespmem:s0+$0xA0]  }
0x384: {  	v39 =	vld [tilespmem:s0+$0xFFFFFD90]  }
0x385: {  	v11 =	vpack.i.f32.bf16 v53, v52;
	v1 =	vld [tilespmem:s0+$0xFFFFFDD0]  }
0x386: {  	v5 =	vpack.i.f32.bf16 v5, v6;
	[tilespmem:s8+$0xFFFFFFA0] =	vst v11;
	v58 =	vld [tilespmem:s0+$0xE0]  }
0x387: {  	[tilespmem:s8+$0xFFFFFF10] =	vst v5;
	v3 =	vpack.i.f32.bf16 v3, v4;
	v11 =	vld [tilespmem:s0+$0xFFFFFF70]  }
0x388: {  	[tilespmem:s8+$0x130] =	vst v3;
	v3 =	vpack.i.f32.bf16 v7, v54;
	v7 =	vld [tilespmem:s0+$0xFFFFFF30]  }
0x389: {  	[tilespmem:s8+$0xFFFFFFE0] =	vst v3;
	v0 =	vpack.i.f32.bf16 v0, v2;
	v2 =	vld [tilespmem:s0+$0xFFFFFE20]  }
0x38a: {  	v1 =	vpack.i.f32.bf16 v1, v39;
	[tilespmem:s8+$0xFFFFFF50] =	vst v0;
	v0 =	vld [tilespmem:s0+$0xFFFFFE60]  }
0x38b: {  	[tilespmem:s8+$0xFFFFFED0] =	vst v1;
	v1 =	vld [tilespmem:s0+$0x1D0]  }
0x38c: {  	v63 =	vld [tilespmem:s0+$0xFFFFFFB0]  }
0x38d: {  	v50 =	vld [tilespmem:s0+$0xFFFFFEA0]  }
0x38e: {  	v6 =	vld [tilespmem:s0+$0xFFFFFDA0]  }
0x38f: {  	v5 =	vld [tilespmem:s0+$0xFFFFFDE0];
	v0 =	vpack.i.f32.bf16 v0, v2  }
0x390: {  	v51 =	vld [tilespmem:s0+$0xFFFFFEE0];
	v1 =	vpack.i.f32.bf16 v1, v49;
	[tilespmem:s8+$0xFFFFFF20] =	vst v0  }
0x391: {  	[tilespmem:s8+$0xD0] =	vst v1;
	v1 =	vld [tilespmem:s0+$0x160]  }
0x392: {  	v60 =	vld [tilespmem:s0+$0xFFFFFE30]  }
0x393: {  	v61 =	vld [tilespmem:s0+$0xFFFFFE70]  }
0x394: {  	v5 =	vpack.i.f32.bf16 v5, v6;
	v6 =	vld [tilespmem:s0+$0x1A0]  }
0x395: {  	[tilespmem:s8+$0xFFFFFEE0] =	vst v5;
	v5 =	vld [tilespmem:s0+$0x1E0]  }
0x396: {  	v9 =	vpack.i.f32.bf16 v51, v50;
	v2 =	vld [tilespmem:s0+$0xFFFFFDB0]  }
0x397: {  	[tilespmem:s8+$0xFFFFFF60] =	vst v9;
	v0 =	vld [tilespmem:s0+$0xFFFFFDF0]  }
0x398: {  	v3 =	vpack.i.f32.bf16 v56, v55;
	v62 =	vld [tilespmem:s0+$0xFFFFFEB0]  }
0x399: {  	[tilespmem:s8+$0x20] =	vst v3;
	v3 =	vpack.i.f32.bf16 v58, v57;
	v4 =	vld [tilespmem:s0+$0xFFFFFEF0]  }
0x39a: {  	[tilespmem:s8+$0x60] =	vst v3;
	v3 =	vld [tilespmem:s0+$0xFFFFFFF0];
	v1 =	vpack.i.f32.bf16 v1, v59  }
0x39b: {  	[tilespmem:s8+$0xA0] =	vst v1;
	v1 =	vpack.i.f32.bf16 v5, v6;
	v5 =	vld [tilespmem:s0+$0x30]  }
0x39c: {  	v6 =	vld [tilespmem:s0+$0x70];
	[tilespmem:s8+$0xE0] =	vst v1;
	v0 =	vpack.i.f32.bf16 v0, v2  }
0x39d: {  	v1 =	vpack.i.f32.bf16 v61, v60;
	v2 =	vld [tilespmem:s0+$0xF0];
	[tilespmem:s8+$0xFFFFFEF0] =	vst v0  }
0x39e: {  	v0 =	vld [tilespmem:s0+$0xB0];
	[tilespmem:s8+$0xFFFFFF30] =	vst v1;
	v1 =	vpack.i.f32.bf16 v4, v62  }
0x39f: {  	v4 =	vpack.i.f32.bf16 v11, v7;
	[tilespmem:s8+$0xFFFFFF70] =	vst v1;
	v1 =	vld [tilespmem:s0+$0x130]  }
0x3a0: {  	v3 =	vpack.i.f32.bf16 v3, v63;
	[tilespmem:s8+$0xFFFFFFB0] =	vst v4;
	v4 =	vld [tilespmem:s0+$0x170]  }
0x3a1: {  	[tilespmem:s8+$0xFFFFFFF0] =	vst v3;
	v3 =	vld [tilespmem:s0+$0x1B0];
	v5 =	vpack.i.f32.bf16 v6, v5  }
0x3a2: {  	s6 =	simm.s32 $0x0;
	s9 =	simm.s32 $0x780;
	[tilespmem:s8+$0x30] =	vst v5;
	v5 =	vld [tilespmem:s0+$0x1F0]  }
.LBB2_29:
0x3a3: {  	v6 =	vld [tilespmem:s9+$0x200];
	v0 =	vpack.i.f32.bf16 v2, v0  }
0x3a4: {  	v2 =	vld [tilespmem:s9+$0x240];
	[tilespmem:s8+$0x70] =	vst v0  }
0x3a5: {  	v0 =	vld [tilespmem:s9+$0xFFFFFDC0];
	v1 =	vpack.i.f32.bf16 v4, v1  }
0x3a6: {  	v4 =	vld [tilespmem:s9+$0xFFFFFE00];
	[tilespmem:s8+$0xB0] =	vst v1  }
0x3a7: {  	s6 =	sadd.s32 $0xA, s6;
	v1 =	vld [tilespmem:s9+$0xFFFFFE40];
	v3 =	vpack.i.f32.bf16 v5, v3  }
0x3a8: {  	p0 =	slt.u32 s6, $0x6E;
	v5 =	vld [tilespmem:s9+$0xFFFFFE80];
	[tilespmem:s8+$0xF0] =	vst v3  }
0x3a9: {  	s8 =	sadd.s32 $0x280, s8;
	v3 =	vld [tilespmem:s9+$0xFFFFFEC0];
	v2 =	vpack.i.f32.bf16 v2, v6  }
0x3aa: {  	v6 =	vld [tilespmem:s9+$0xFFFFFF00];
	[tilespmem:s8+$0x100] =	vst v2  }
0x3ab: {  	v2 =	vld [tilespmem:s9+$0x210]  }
0x3ac: {  	v1 =	vpack.i.f32.bf16 v1, v4;
	v4 =	vld [tilespmem:s9+$0x250]  }
0x3ad: {  	[tilespmem:s8+$0xFFFFFF00] =	vst v1;
	v1 =	vld [tilespmem:s9+$0xFFFFFF40]  }
0x3ae: {  	v3 =	vpack.i.f32.bf16 v3, v5;
	v5 =	vld [tilespmem:s9+$0xFFFFFF80]  }
0x3af: {  	[tilespmem:s8+$0xFFFFFF40] =	vst v3;
	v3 =	vld [tilespmem:s9+$0xFFFFFFC0]  }
0x3b0: {  	v7 =	vld [tilespmem:s9+$0x0]  }
0x3b1: {  	v8 =	vld [tilespmem:s9+$0x40];
	v2 =	vpack.i.f32.bf16 v4, v2  }
0x3b2: {  	v1 =	vpack.i.f32.bf16 v1, v6;
	v4 =	vld [tilespmem:s9+$0x80];
	[tilespmem:s8+$0x110] =	vst v2  }
0x3b3: {  	[tilespmem:s8+$0xFFFFFF80] =	vst v1;
	v1 =	vld [tilespmem:s9+$0x220]  }
0x3b4: {  	v2 =	vpack.i.f32.bf16 v3, v5;
	v3 =	vld [tilespmem:s9+$0x260]  }
0x3b5: {  	[tilespmem:s8+$0xFFFFFFC0] =	vst v2;
	v2 =	vld [tilespmem:s9+$0xC0]  }
0x3b6: {  	v5 =	vpack.i.f32.bf16 v8, v7;
	v6 =	vld [tilespmem:s9+$0x100]  }
0x3b7: {  	[tilespmem:s8+$0x0] =	vst v5;
	v5 =	vld [tilespmem:s9+$0x140]  }
0x3b8: {  	v7 =	vld [tilespmem:s9+$0x180]  }
0x3b9: {  	v8 =	vld [tilespmem:s9+$0x1C0];
	v1 =	vpack.i.f32.bf16 v3, v1  }
0x3ba: {  	v3 =	vld [tilespmem:s9+$0xFFFFFD80];
	v2 =	vpack.i.f32.bf16 v2, v4;
	[tilespmem:s8+$0x120] =	vst v1  }
0x3bb: {  	[tilespmem:s8+$0x40] =	vst v2;
	v1 =	vld [tilespmem:s9+$0x230]  }
0x3bc: {  	v2 =	vpack.i.f32.bf16 v5, v6;
	v4 =	vld [tilespmem:s9+$0x270]  }
0x3bd: {  	v5 =	vld [tilespmem:s9+$0xFFFFFE10];
	[tilespmem:s8+$0x80] =	vst v2  }
0x3be: {  	v2 =	vld [tilespmem:s9+$0xFFFFFE50];
	v6 =	vpack.i.f32.bf16 v8, v7  }
0x3bf: {  	v0 =	vpack.i.f32.bf16 v0, v3;
	v3 =	vld [tilespmem:s9+$0xFFFFFE90];
	[tilespmem:s8+$0xC0] =	vst v6  }
0x3c0: {  	[tilespmem:s8+$0xFFFFFEC0] =	vst v0;
	v0 =	vld [tilespmem:s9+$0xFFFFFED0]  }
0x3c1: {  	v6 =	vld [tilespmem:s9+$0xFFFFFD90];
	v1 =	vpack.i.f32.bf16 v4, v1  }
0x3c2: {  	s0 =	simm.s32 $0x0;
	s7 =	simm.s32 $0x3C70;
	v4 =	vld [tilespmem:s9+$0xFFFFFDD0];
	[tilespmem:s8+$0x130] =	vst v1  }
0x3c3: {  	v1 =	vpack.i.f32.bf16 v2, v5;
	v2 =	vld [tilespmem:s9+$0xFFFFFF10]  }
0x3c4: {  	[tilespmem:s8+$0xFFFFFF10] =	vst v1;
	v1 =	vld [tilespmem:s9+$0xFFFFFF50]  }
0x3c5: {  	v0 =	vpack.i.f32.bf16 v0, v3;
	v3 =	vld [tilespmem:s9+$0xFFFFFF90]  }
0x3c6: {  	[tilespmem:s8+$0xFFFFFF50] =	vst v0;
	v0 =	vld [tilespmem:s9+$0xFFFFFFD0]  }
0x3c7: {  	v4 =	vpack.i.f32.bf16 v4, v6;
	v5 =	vld [tilespmem:s9+$0x10]  }
0x3c8: {  	[tilespmem:s8+$0xFFFFFED0] =	vst v4;
	v4 =	vld [tilespmem:s9+$0x50]  }
0x3c9: {  	v1 =	vpack.i.f32.bf16 v1, v2;
	v2 =	vld [tilespmem:s9+$0x90]  }
0x3ca: {  	[tilespmem:s8+$0xFFFFFF90] =	vst v1;
	v1 =	vld [tilespmem:s9+$0xD0]  }
0x3cb: {  	v0 =	vpack.i.f32.bf16 v0, v3;
	v3 =	vld [tilespmem:s9+$0x110]  }
0x3cc: {  	[tilespmem:s8+$0xFFFFFFD0] =	vst v0;
	v0 =	vld [tilespmem:s9+$0x150]  }
0x3cd: {  	v4 =	vpack.i.f32.bf16 v4, v5;
	v5 =	vld [tilespmem:s9+$0x190]  }
0x3ce: {  	[tilespmem:s8+$0x10] =	vst v4;
	v4 =	vld [tilespmem:s9+$0x1D0]  }
0x3cf: {  	v6 =	vld [tilespmem:s9+$0xFFFFFDA0];
	v1 =	vpack.i.f32.bf16 v1, v2  }
0x3d0: {  	v2 =	vld [tilespmem:s9+$0xFFFFFDE0];
	[tilespmem:s8+$0x50] =	vst v1  }
0x3d1: {  	v1 =	vld [tilespmem:s9+$0xFFFFFE20];
	v0 =	vpack.i.f32.bf16 v0, v3  }
0x3d2: {  	v3 =	vld [tilespmem:s9+$0xFFFFFE60];
	[tilespmem:s8+$0x90] =	vst v0  }
0x3d3: {  	v0 =	vld [tilespmem:s9+$0xFFFFFEA0];
	v4 =	vpack.i.f32.bf16 v4, v5  }
0x3d4: {  	v5 =	vld [tilespmem:s9+$0xFFFFFEE0];
	[tilespmem:s8+$0xD0] =	vst v4  }
0x3d5: {  	v2 =	vpack.i.f32.bf16 v2, v6;
	v4 =	vld [tilespmem:s9+$0xFFFFFF20]  }
0x3d6: {  	[tilespmem:s8+$0xFFFFFEE0] =	vst v2;
	v2 =	vld [tilespmem:s9+$0xFFFFFF60]  }
0x3d7: {  	v1 =	vpack.i.f32.bf16 v3, v1;
	v3 =	vld [tilespmem:s9+$0xFFFFFFA0]  }
0x3d8: {  	[tilespmem:s8+$0xFFFFFF20] =	vst v1;
	v1 =	vld [tilespmem:s9+$0xFFFFFFE0]  }
0x3d9: {  	v0 =	vpack.i.f32.bf16 v5, v0;
	v5 =	vld [tilespmem:s9+$0x20]  }
0x3da: {  	[tilespmem:s8+$0xFFFFFF60] =	vst v0;
	v0 =	vld [tilespmem:s9+$0x60]  }
0x3db: {  	v2 =	vpack.i.f32.bf16 v2, v4;
	v4 =	vld [tilespmem:s9+$0xA0]  }
0x3dc: {  	[tilespmem:s8+$0xFFFFFFA0] =	vst v2;
	v2 =	vld [tilespmem:s9+$0xE0]  }
0x3dd: {  	v1 =	vpack.i.f32.bf16 v1, v3;
	v3 =	vld [tilespmem:s9+$0x120]  }
0x3de: {  	[tilespmem:s8+$0xFFFFFFE0] =	vst v1;
	v1 =	vld [tilespmem:s9+$0x160]  }
0x3df: {  	v0 =	vpack.i.f32.bf16 v0, v5;
	v5 =	vld [tilespmem:s9+$0x1A0]  }
0x3e0: {  	[tilespmem:s8+$0x20] =	vst v0;
	v0 =	vld [tilespmem:s9+$0x1E0]  }
0x3e1: {  	v6 =	vld [tilespmem:s9+$0xFFFFFDB0];
	v2 =	vpack.i.f32.bf16 v2, v4  }
0x3e2: {  	v4 =	vld [tilespmem:s9+$0xFFFFFDF0];
	[tilespmem:s8+$0x60] =	vst v2  }
0x3e3: {  	v2 =	vld [tilespmem:s9+$0xFFFFFE30];
	v1 =	vpack.i.f32.bf16 v1, v3  }
0x3e4: {  	v3 =	vld [tilespmem:s9+$0xFFFFFE70];
	[tilespmem:s8+$0xA0] =	vst v1  }
0x3e5: {  	v1 =	vld [tilespmem:s9+$0xFFFFFEB0];
	v0 =	vpack.i.f32.bf16 v0, v5  }
0x3e6: {  	v5 =	vld [tilespmem:s9+$0xFFFFFEF0];
	[tilespmem:s8+$0xE0] =	vst v0  }
0x3e7: {  	v0 =	vpack.i.f32.bf16 v4, v6;
	v4 =	vld [tilespmem:s9+$0xFFFFFF30]  }
0x3e8: {  	[tilespmem:s8+$0xFFFFFEF0] =	vst v0;
	v0 =	vld [tilespmem:s9+$0xFFFFFF70]  }
0x3e9: {  	v2 =	vpack.i.f32.bf16 v3, v2;
	v3 =	vld [tilespmem:s9+$0xFFFFFFB0]  }
0x3ea: {  	[tilespmem:s8+$0xFFFFFF30] =	vst v2;
	v6 =	vld [tilespmem:s9+$0xFFFFFFF0]  }
0x3eb: {  	v1 =	vpack.i.f32.bf16 v5, v1;
	v5 =	vld [tilespmem:s9+$0x30]  }
0x3ec: {  	[tilespmem:s8+$0xFFFFFF70] =	vst v1;
	v7 =	vld [tilespmem:s9+$0x70]  }
0x3ed: {  	v1 =	vpack.i.f32.bf16 v0, v4;
	v0 =	vld [tilespmem:s9+$0xB0]  }
.Ltmp16:
0x3ee: {  	[tilespmem:s8+$0xFFFFFFB0] =	vst v1;
	v2 =	vld [tilespmem:s9+$0xF0];
	(pc) =	sbr.rel @p0 .LBB2_29-.Ltmp16, $4  }
0x3ef: {  	v3 =	vpack.i.f32.bf16 v6, v3;
	v1 =	vld [tilespmem:s9+$0x130]  }
0x3f0: {  	[tilespmem:s8+$0xFFFFFFF0] =	vst v3;
	v4 =	vld [tilespmem:s9+$0x170]  }
0x3f1: {  	v5 =	vpack.i.f32.bf16 v7, v5;
	v3 =	vld [tilespmem:s9+$0x1B0]  }
0x3f2: {  	[tilespmem:s8+$0x30] =	vst v5;
	v5 =	vld [tilespmem:s9+$0x1F0];
	s9 =	sadd.s32 $0x500, s9  }
0x3f3: {  	_ =	sdelay $0x1  }
0x3f4: {  	v0 =	vpack.i.f32.bf16 v2, v0  }
0x3f5: {  	[tilespmem:s8+$0x70] =	vst v0;
	v62 =	vpack.i.f32.bf16 v4, v1  }
0x3f6: {  	[tilespmem:s8+$0xB0] =	vst v62;
	v63 =	vpack.i.f32.bf16 v5, v3  }
0x3f7: {  	[tilespmem:s8+$0xF0] =	vst v63  }
.LBB2_31:
0x3f8: {  	v0 =	vld [tilespmem:s7+$0xFFFFFF90]  }
0x3f9: {  	v1 =	vld [tilespmem:s7+$0xFFFFFFD0];
	_ =	sdelay $0x4  }
0x3fa: {  	s6 =	sshra.s32 s0, $0x2;
	v0 =	vpack.i.f32.bf16 v1, v0  }
0x3fb: {  	[tilespmem:s6+$0x11800] =	vst v0  }
0x3fc: {  	v0 =	vld [tilespmem:s7+$0xFFFFFFA0]  }
0x3fd: {  	v61 =	vld [tilespmem:s7+$0xFFFFFFE0];
	_ =	sdelay $0x4  }
0x3fe: {  	v0 =	vpack.i.f32.bf16 v61, v0  }
0x3ff: {  	[tilespmem:s6+$0x11810] =	vst v0  }
0x400: {  	v0 =	vld [tilespmem:s7+$0xFFFFFFB0]  }
0x401: {  	v62 =	vld [tilespmem:s7+$0xFFFFFFF0];
	_ =	sdelay $0x4  }
0x402: {  	v0 =	vpack.i.f32.bf16 v62, v0  }
0x403: {  	[tilespmem:s6+$0x11820] =	vst v0  }
0x404: {  	v0 =	vld [tilespmem:s7+$0xFFFFFFC0]  }
0x405: {  	v63 =	vld [tilespmem:s7+$0x0]  }
0x406: {  	p0 =	sne.s32 s0, $0x400  }
.Ltmp17:
0x407: {  	_ = 	snop;
	(pc) =	sbr.rel @p0 .LBB2_31-.Ltmp17, $3  }
0x408: {  	_ =	sdelay $0x1  }
0x409: {  	v0 =	vpack.i.f32.bf16 v63, v0  }
0x40a: {  	s0 =	sadd.s32 $0x100, s0;
	s7 =	sadd.s32 $0x80, s7;
	[tilespmem:s6+$0x11830] =	vst v0  }
0x40b: {  	s0 =	rddreg [dreg:$0x7]  }
0x40c: {  	[hbm4b:s0+s3] =	stream.linear.scatter [tilespmem:s23], [sflag:$0x5], $0x1F40, $0x38;
	[tilespmem:$0x17700] =	vst v63  }
0x40d: {  	_ =	swait.ge [sflag:s17], $0x1F40  }
0x40e: {  	[sflag:s17] =	ssyncset.done $0x0  }
0x40f: {  	[sflag:s17] =	ssyncadd.s32 $0xFFFFE0C0;
	s17 =	simm.s32 $0x6  }
0x410: {  	_ =	swait.ge [sflag:s17], $0x1F40  }
0x411: {  	[sflag:s17] =	ssyncset.done $0x0  }
0x412: {  	[sflag:s17] =	ssyncadd.s32 $0xFFFFE0C0  }
0x413: {  	_ =	swait.ge [sflag:s28], $0x1F40  }
0x414: {  	[sflag:s28] =	ssyncset.done $0x0  }
0x415: {  	[sflag:s28] =	ssyncadd.s32 $0xFFFFE0C0  }
0x416: {  	_ =	swait.ge [sflag:s31], $0x1F40  }
0x417: {  	s6 =	rddreg [dreg:$0x9]  }
0x418: {  	s18 =	rddreg [dreg:$0x8];
	s6 =	sadd.s32 $0x1, s6  }
0x419: {  	p0 =	sne.s32 s6, s18  }
.Ltmp18:
0x41a: {  	_ = 	snop;
	(pc) =	sbr.rel @p0 .LBB2_1-.Ltmp18, $3  }
0x41b: {  	_ =	sdelay $0x1  }
0x41c: {  	[sflag:s31] =	ssyncset.done $0x0  }
0x41d: {  	[sflag:s31] =	ssyncadd.s32 $0xFFFFE0C0  }
0x41e: {  	_ =	sfence.sel $0x180000  }
0x41f: {  	[bflag:$0x0] =	sbarrier.arrive $0xFFFF  }
0x420: {  	_ =	strace $0x90000047  }
0x421: {  	s0 =	stileid.u32;
	[bflag:$0x2] =	sbarrier.arrive $0xFFFF  }
0x422: {  	p0 =	sne.s32 s0, $0x0;
	s0 =	rddreg [dreg:$0x2]  }
0x423: {  	s0 =	sadd.s32 @!p0 $0x100000, s0  }
0x424: {  	[sflag:s0] =	ssyncadd.tile.s32 @!p0 $0x1;
	_ =	shalt  }
.Lfunc_end2:
_tile_overlayer_lowered:
.L_overlay_start_2:
0x425: {  	(tag) =	ssettag $0x2  }
0x426: {  	s0 =	rddreg [dreg:$0x0];
	s2 =	stileid.u32  }
0x427: {  	s1 =	rddreg [dreg:$0x1];
	p0 =	sne.s32 s2, $0x0  }
0x428: {  	s3 =	rddreg [dreg:$0x2];
	[bflag:$0x3] =	sbarrier.arrive $0xFFFF;
	s2 =	simm.s32 @!p0 $0x1C09  }
0x429: {  	[timem:s3], [sflag:s2] =	dma.local @!p0 [hbm:s0], s1  }
0x42a: {  	s0 =	simm.s32 @!p0 $0x9  }
0x42b: {  	_ =	swait.ge @!p0 [sflag:s0], s1  }
0x42c: {  	s1 =	ssub.s32 @!p0 $0x0, s1;
	[sflag:s0] =	ssyncset.done @!p0 $0x0  }
0x42d: {  	[sflag:s0] =	ssyncadd.s32 @!p0 s1  }
0x42e: {  	[bflag:$0x3] =	sbarrier.arrive $0xFFFF  }
0x42f: {  	_ =	shalt  }

// kernel: kernel.8.cloned.1.call-start
scs
__scs_entry_jumppad:
0x0: {  	(pc) =	sbr.rel $0x88, $3  }
0x1: {  	(tag) =	ssettag $0x0;
	lr =	simm.s32 $0x1  }
0x2: {  	[smem:$0x3F9B] =	sst lr;
	_ =	strace $0xD0000000  }
0x3: {  	_ = 	snop  }
0x4: {  	_ = 	snop  }
0x5: {  	_ = 	snop  }
0x6: {  	_ = 	snop  }
0x7: {  	_ = 	snop  }
__scs_overlays_trampoline_lowered:
0x8: {  	[smem:$0x3FAA] =	sst s0  }
0x9: {  	[smem:$0x3FAB] =	sst s1  }
0xa: {  	[smem:$0x3FAC] =	sst s2  }
0xb: {  	[smem:$0x3FAD] =	sst s3  }
0xc: {  	[smem:$0x3FAE] =	sst s4  }
0xd: {  	[smem:$0x3FAF] =	sst s5  }
0xe: {  	[smem:$0x3FB0] =	sst s6  }
0xf: {  	[smem:$0x3FB1] =	sst s7  }
0x10: {  	[smem:$0x3FB2] =	sst s8  }
0x11: {  	[smem:$0x3FB3] =	sst s9;
	s0 =	simm.s32 @!p0 $0x0  }
0x12: {  	s1 =	sld [smem:$0x3F99];
	s0 =	simm.s32 @p0 $0x1  }
0x13: {  	[smem:$0x3FB4] =	sst s0;
	s0 =	simm.s32 @!p1 $0x0  }
0x14: {  	s2 =	sld [smem:$0x3F98];
	s0 =	simm.s32 @p1 $0x1  }
0x15: {  	[smem:$0x3FB5] =	sst s0;
	s0 =	simm.s32 @!p2 $0x0  }
0x16: {  	s3 =	sld [smem:$0x3FDB];
	s0 =	simm.s32 @p2 $0x1  }
0x17: {  	s4 =	simm.s32 $0x1BF5;
	[smem:$0x3FB7] =	sst s0  }
0x18: {  	s0 =	sld [smem:$0x3F9A];
	_ =	swait.ge [sflag:s4], $0x0  }
0x19: {  	s7 =	sld [smem:$0x3F9B]  }
0x1a: {  	s8 =	sadd.s32 $0xFFFFE003, lr  }
0x1b: {  	s9 =	sadd.s32 $0xFFFFFEF7, lr;
	s5 =	simm.s32 $0xFFFFFFFF;
	p2 =	slt.u32 s8, $0xFFFFF086  }
0x1c: {  	p1 =	slt.u32 s9, $0xF7A;
	s5 =	simm.s32 @!p2 $0x0  }
0x1d: {  	s5 =	simm.s32 @p1 $0x1;
	p0 =	seq.s32 s7, s2  }
0x1e: {  	s7 =	smul.u32 @!p0 $0xF7A, s2;
	p2 =	seq.s32 @!p0 s5, $0x0  }
0x1f: {  	s9 =	smul.u32 $0xF7A, s1;
	s8 =	simm.s32 @!p0 $0x1BF5;
	p2 =	por !p2, p0  }
0x20: {  	[sflag:s8] =	ssyncset.s32 @!p0 $0xFFFFF086;
	s6 =	sadd.s32 @!p0 s3, s7;
	s7 =	simm.s32 @!p0 $0x108  }
0x21: {  	s3 =	sadd.s32 s3, s9;
	s6 =	sadd.s32 @!p0 $0x88, s6;
	s7 =	simm.s32 @p2 $0x1082  }
0x22: {  	[simem:s7], [sflag:s8] =	dma.local @!p0 [hbm:s6], $0xF7A  }
0x23: {  	s9 =	sor.u32 $0xD0000000, s2;
	s6 =	simm.s32 $0x108;
	_ =	swait.ge @!p0 [sflag:s8], $0x0  }
0x24: {  	s3 =	sadd.s32 $0x88, s3;
	s6 =	simm.s32 @!p1 $0x1082;
	[sflag:s4] =	ssyncset.s32 $0xFFFFF086  }
0x25: {  	[simem:s6], [sflag:s4] =	dma.local [hbm:s3], $0xF7A  }
0x26: {  	[smem:$0x3F9B] =	sst s1;
	(tag) =	ssettag s2;
	_ =	strace s9  }
0x27: {  	s1 =	sld [smem:$0x3FAB]  }
0x28: {  	s2 =	sld [smem:$0x3FAC]  }
0x29: {  	s4 =	sld [smem:$0x3FAE]  }
0x2a: {  	p0 =	seq.s32 s5, $0x0;
	s5 =	sld [smem:$0x3FAF]  }
0x2b: {  	s6 =	sld [smem:$0x3FB0]  }
0x2c: {  	s7 =	sld [smem:$0x3FB1]  }
0x2d: {  	s3 =	simm.s32 $0x108;
	s8 =	sld [smem:$0x3FB2]  }
0x2e: {  	s3 =	simm.s32 @!p0 $0x1082;
	s9 =	sld [smem:$0x3FB3]  }
0x2f: {  	lr =	sadd.s32 s0, s3;
	s0 =	sld [smem:$0x3FAA]  }
0x30: {  	s3 =	sld [smem:$0x3FAD]  }
0x31: {  	[smem:$0x3FB6] =	sst s10  }
0x32: {  	s10 =	sld [smem:$0x3FB4];
	_ =	sdelay $0x3  }
0x33: {  	p0 =	seq.s32 s10, $0x1;
	s10 =	sld [smem:$0x3FB6];
	_ =	sdelay $0x3  }
0x34: {  	[smem:$0x3FB6] =	sst s10  }
0x35: {  	s10 =	sld [smem:$0x3FB5];
	_ =	sdelay $0x3  }
0x36: {  	p1 =	seq.s32 s10, $0x1;
	s10 =	sld [smem:$0x3FB6];
	_ =	sdelay $0x3  }
0x37: {  	[smem:$0x3FB6] =	sst s10  }
0x38: {  	s10 =	sld [smem:$0x3FB7]  }
0x39: {  	_ = 	snop;
	(pc) =	sbr.ind lr, $3  }
0x3a: {  	_ = 	snop  }
0x3b: {  	_ = 	snop  }
0x3c: {  	p2 =	seq.s32 s10, $0x1;
	s10 =	sld [smem:$0x3FB6]  }
0x3d: {  	_ =	shalt  }
0x3e: {  	_ =	shalt  }
0x3f: {  	_ =	shalt  }
0x40: {  	_ =	shalt  }
0x41: {  	_ =	shalt  }
0x42: {  	_ =	shalt  }
0x43: {  	_ =	shalt  }
0x44: {  	_ =	shalt  }
0x45: {  	_ =	shalt  }
0x46: {  	_ =	shalt  }
0x47: {  	_ =	shalt  }
0x48: {  	_ =	shalt  }
0x49: {  	_ =	shalt  }
0x4a: {  	_ =	shalt  }
0x4b: {  	_ =	shalt  }
0x4c: {  	_ =	shalt  }
0x4d: {  	_ =	shalt  }
0x4e: {  	_ =	shalt  }
0x4f: {  	_ =	shalt  }
0x50: {  	_ =	shalt  }
0x51: {  	_ =	shalt  }
0x52: {  	_ =	shalt  }
0x53: {  	_ =	shalt  }
0x54: {  	_ =	shalt  }
0x55: {  	_ =	shalt  }
0x56: {  	_ =	shalt  }
0x57: {  	_ =	shalt  }
0x58: {  	_ =	shalt  }
0x59: {  	_ =	shalt  }
0x5a: {  	_ =	shalt  }
0x5b: {  	_ =	shalt  }
0x5c: {  	_ =	shalt  }
0x5d: {  	_ =	shalt  }
0x5e: {  	_ =	shalt  }
0x5f: {  	_ =	shalt  }
0x60: {  	_ =	shalt  }
0x61: {  	_ =	shalt  }
0x62: {  	_ =	shalt  }
0x63: {  	_ =	shalt  }
0x64: {  	_ =	shalt  }
0x65: {  	_ =	shalt  }
0x66: {  	_ =	shalt  }
0x67: {  	_ =	shalt  }
0x68: {  	_ =	shalt  }
0x69: {  	_ =	shalt  }
0x6a: {  	_ =	shalt  }
0x6b: {  	_ =	shalt  }
0x6c: {  	_ =	shalt  }
0x6d: {  	_ =	shalt  }
0x6e: {  	_ =	shalt  }
0x6f: {  	_ =	shalt  }
0x70: {  	_ =	shalt  }
0x71: {  	_ =	shalt  }
0x72: {  	_ =	shalt  }
0x73: {  	_ =	shalt  }
0x74: {  	_ =	shalt  }
0x75: {  	_ =	shalt  }
0x76: {  	_ =	shalt  }
0x77: {  	_ =	shalt  }
0x78: {  	_ =	shalt  }
0x79: {  	_ =	shalt  }
0x7a: {  	_ =	shalt  }
0x7b: {  	_ =	shalt  }
0x7c: {  	_ =	shalt  }
0x7d: {  	_ =	shalt  }
0x7e: {  	_ =	shalt  }
0x7f: {  	_ =	shalt  }
0x80: {  	_ =	shalt  }
0x81: {  	_ =	shalt  }
0x82: {  	_ =	shalt  }
0x83: {  	_ =	shalt  }
0x84: {  	_ =	shalt  }
0x85: {  	_ =	shalt  }
0x86: {  	_ =	shalt  }
0x87: {  	_ =	shalt  }
.Lfunc_end0:
.L_simem_size_0:
called_computation.1_lowered:
.L_overlay_start_0:
0x88: {  	s2 =	sld [smem:$0x3FD9]  }
0x89: {  	s3 =	sld [smem:$0x3FFE];
	_ =	sdelay $0x1  }
0x8a: {  	s1 =	srdreg.scid  }
0x8b: {  	s0 =	sand.u32 $0x1, s1  }
0x8c: {  	s17 =	sshll.u32 s0, $0xA;
	s2 =	sadd.s32 s3, s2  }
0x8d: {  	s2 =	sadd.s32 s2, s17  }
0x8e: {  	[smem:$0x3FC2] =	sst s2  }
0x8f: {  	_ = 	snop  }
0x90: {  	s2 =	sld [smem:$0x3FD0];
	(tm) =	ssettm $0x1  }
0x91: {  	s18 =	sld [smem:$0x3FFB];
	_ =	sdelay $0x3  }
0x92: {  	_ =	strace s18  }
0x93: {  	s3 =	sld [smem:$0x3FFC];
	_ =	sdelay $0x3  }
0x94: {  	_ =	strace s3  }
0x95: {  	s3 =	sld [smem:$0x3FFD];
	_ =	sdelay $0x3  }
0x96: {  	_ =	strace s3  }
0x97: {  	_ =	strace $0x8FFFFFFF  }
0x98: {  	s19 =	sld [smem:$0x3FDB];
	_ =	sdelay $0x1  }
0x99: {  	s4 =	simm.s32 $_scs_section_size  }
0x9a: {  	s5 =	simm.s32 $_size__tile_overlayer_lowered;
	s6 =	simm.s32 $_tile_overlayer_lowered  }
0x9b: {  	s22 =	simm.s32 $0x1BFF;
	s21 =	sshll.u32 s6, $0x1;
	s3 =	sadd.s32 s4, s19  }
0x9c: {  	s7 =	simm.s32 $0x0;
	s20 =	sshll.u32 s5, $0x1;
	s5 =	sadd.s32 s21, s3  }
0x9d: {  	[timem:s7], [sflag:s22] =	dma.local [hbm:s5], s20  }
0x9e: {  	_ =	swait.ge [sflag:s22], s20  }
0x9f: {  	s4 =	ssub.s32 $0x0, s20;
	[sflag:s22] =	ssyncset.done $0x0  }
0xa0: {  	[sflag:s22] =	ssyncadd.s32 s4;
	_ =	sdelay $0x1  }
0xa1: {  	s23 =	simm.s32 $0x1B8B  }
0xa2: {  	_ =	swait.ge [sflag:s23], $0x1  }
0xa3: {  	[sflag:s23] =	ssyncset.done $0x0  }
0xa4: {  	s25 =	simm.s32 $0x1B8E;
	s24 =	sld [smem:$0x3FFE];
	[sflag:s23] =	ssyncadd.s32 $0xFFFFFFFF  }
0xa5: {  	s26 =	simm.s32 $execute0_lowered;
	[smem:$0x3FD2] =	sst s25  }
0xa6: {  	s5 =	sshll.u32 s26, $0x1;
	_ =	strace $0x80000049;
	[dreg:$0x1] =	wrdreg $0xFFFFFFFF  }
0xa7: {  	s28 =	simm.s32 $_size_execute0_lowered;
	s3 =	sadd.s32 s3, s5;
	[dreg:$0x0] =	wrdreg $0x0  }
0xa8: {  	s5 =	sshll.u32 s28, $0x1;
	[dreg:$0x2] =	wrdreg s3  }
0xa9: {  	[dreg:$0x3] =	wrdreg s5  }
0xaa: {  	[dreg:$0x4] =	wrdreg $0xC0  }
0xab: {  	_ =	task [dreg:s7], $0x5FFFF  }
0xac: {  	[dreg:$0x1] =	wrdreg $0xFFFFFFFF  }
0xad: {  	[dreg:$0x0] =	wrdreg $0x60  }
0xae: {  	[dreg:$0x2] =	wrdreg s24  }
0xaf: {  	[dreg:$0x3] =	wrdreg s2  }
0xb0: {  	[dreg:$0x4] =	wrdreg $0x9  }
0xb1: {  	_ =	task.clear_ibuf [dreg:s7], $0x5FFFF;
	_ =	strace $0x90000049  }
0xb2: {  	s29 =	simm.s32 $0x9;
	_ =	strace $0x8000004B  }
0xb3: {  	_ =	swait.ge [sflag:s29], $0x1  }
0xb4: {  	[sflag:s29] =	ssyncadd.s32 $0xFFFFFFFF  }
0xb5: {  	_ =	strace $0x9000004B  }
0xb6: {  	_ =	sfence  }
0xb7: {  	s30 =	sld [smem:$0x0];
	_ =	sdelay $0x2  }
0xb8: {  	s31 =	sshll.u32 s1, $0xD;
	s1 =	sshrl.u32 s1, $0x2  }
0xb9: {  	s3 =	sand.u32 $0x4000, s31;
	s1 =	sadd.s32 s1, s30  }
0xba: {  	s0 =	sor.u32 s3, s0;
	s1 =	sshll.u32 s1, $0x11  }
0xbb: {  	s0 =	sor.u32 s1, s0  }
0xbc: {  	s0 =	sadd.s32 $0x8F2B, s0  }
0xbd: {  	[sflag:s0] =	ssyncadd.remote.s32 $0x1  }
0xbe: {  	_ =	sfence.sel $0xFFFF  }
0xbf: {  	[dreg:$0x0] =	wrdreg $0xFFFFFFFF;
	(pc) =	sbr.abs _section_cstart, $3  }
0xc0: {  	[dreg:$0x1] =	wrdreg $0xFFFFFFFF  }
0xc1: {  	_ =	task.clear_ibuf [dreg:s7], $0x2FFFF;
	_ =	strace $0x9FFFFFFF  }
0xc2: {  	(tm) =	ssettm $0x7FFFFFFF  }
0xc3: {  	_ =	shalt  }
tec
execute0_lowered:
.L_overlay_start_1:
0x0: {  	(tag) =	ssettag $0x1  }
0x1: {  	s0 =	srdreg.scid;
	s1 =	rddreg [dreg:$0x0]  }
0x2: {  	s2 =	stileid.u32;
	s5 =	rddreg [dreg:$0x1]  }
0x3: {  	s8 =	simm.s32 $0x68;
	s10 =	simm.s32 $0x60;
	s20 =	simm.s32 $0x258  }
0x4: {  	s21 =	simm.s32 $0xFA00;
	s22 =	simm.s32 $0x2C0;
	s23 =	simm.s32 $0x11400  }
0x5: {  	s24 =	simm.s32 $0x1;
	s25 =	simm.s32 $0x2;
	s28 =	simm.s32 $0x4  }
0x6: {  	s29 =	simm.s32 $0x5;
	s30 =	simm.s32 $0x6;
	s31 =	simm.s32 $0x7  }
0x7: {  	s9 =	simm.s32 $0x0;
	s0 =	sand.u32 $0x1, s0;
	s2 =	sshll.u32 s2, $0x1  }
0x8: {  	s4 =	sor.u32 s0, s2;
	s2 =	simm.s32 $0x0;
	s0 =	ssub.s32 $0x2, s0  }
0x9: {  	s3 =	smul.u32 $0xC80, s4;
	[smem:$0x7FF] =	sst s2;
	s7 =	sshrl.u32 s0, $0x1  }
0xa: {  	s26 =	sshll.u32 s4, $0xD;
	_ =	strace $0x8000004A;
	s0 =	ssub.s32 s0, s7  }
0xb: {  	s5 =	sadd.s32 s5, s26;
	s7 =	simm.s32 $0x9;
	s26 =	simm.s32 $0x3  }
0xc: {  	s6 =	sadd.s32 s3, s1;
	s3 =	sadd.s32 $0x1400, s1;
	s1 =	simm.s32 $0x8  }
0xd: {  	s4 =	sadd.s32 $0xC4A00, s6;
	s6 =	smax.u32 s0, $0x1;
	s0 =	simm.s32 $0x12C00  }
.LBB2_1:
0xe: {  	[tilespmem:s2], [sflag:$0x9] =	stream.linear.gather [hbm4b:s4+s2], $0x6400, $0x38;
	[tilespmem:$0x16C00] =	vst v63  }
0xf: {  	_ =	swait.ge [sflag:s7], $0x6400  }
0x10: {  	[sflag:s7] =	ssyncset.done $0x0  }
0x11: {  	s11 =	simm.s32 $0x6400;
	[sflag:s7] =	ssyncadd.s32 $0xFFFF9C00  }
0x12: {  	[tilespmem:s11], [sflag:$0x1] =	stream.indirect.gather [hbm4b:s3+s8], $0x40, s2, s8, $0xb8;
	[tilespmem:$0x16C00] =	vst v63  }
0x13: {  	s12 =	simm.s32 $0x7E00  }
0x14: {  	[tilespmem:s12], [sflag:$0x2] =	stream.indirect.gather [hbm4b:s3+s10], $0x40, s8, s10, $0xb8;
	[tilespmem:$0x16C00] =	vst v63  }
0x15: {  	s13 =	simm.s32 $0xC8;
	s12 =	simm.s32 $0x9600  }
0x16: {  	[tilespmem:s12], [sflag:$0x3] =	stream.indirect.gather [hbm4b:s3+s8], $0x40, s13, s8, $0xb8;
	[tilespmem:$0x16C00] =	vst v63  }
0x17: {  	s14 =	simm.s32 $0x130;
	s15 =	simm.s32 $0xB000  }
0x18: {  	[tilespmem:s15], [sflag:$0x4] =	stream.indirect.gather [hbm4b:s3+s10], $0x40, s14, s10, $0xb8;
	[tilespmem:$0x16C00] =	vst v63  }
0x19: {  	s16 =	simm.s32 $0x190;
	s17 =	simm.s32 $0xC800  }
0x1a: {  	[tilespmem:s17], [sflag:$0x5] =	stream.indirect.gather [hbm4b:s3+s8], $0x40, s16, s8, $0xb8;
	[tilespmem:$0x16C00] =	vst v63  }
0x1b: {  	s18 =	simm.s32 $0x1F8;
	s19 =	simm.s32 $0xE200  }
0x1c: {  	[tilespmem:s19], [sflag:$0x6] =	stream.indirect.gather [hbm4b:s3+s10], $0x40, s18, s10, $0xb8;
	[tilespmem:$0x16C00] =	vst v63  }
0x1d: {  	_ = 	snop  }
0x1e: {  	[tilespmem:s21], [sflag:$0x7] =	stream.indirect.gather [hbm4b:s3+s8], $0x40, s20, s8, $0xb8;
	[tilespmem:$0x16C00] =	vst v63  }
0x1f: {  	s11 =	simm.s32 $0x0  }
0x20: {  	[tilespmem:s23], [sflag:$0x8] =	stream.indirect.gather [hbm4b:s3+s10], $0x40, s22, s10, $0xb8;
	[tilespmem:$0x16C00] =	vst v63  }
.LBB2_2:
0x21: {  	_ =	swait.ge [sflag:s24], $0x1A00  }
0x22: {  	[sflag:s24] =	ssyncset.done $0x0  }
0x23: {  	[sflag:s24] =	ssyncadd.s32 $0xFFFFE600  }
0x24: {  	_ =	swait.ge [sflag:s25], $0x1800  }
0x25: {  	[sflag:s25] =	ssyncset.done $0x0  }
0x26: {  	s13 =	simm.s32 $0x6440;
	[sflag:s25] =	ssyncadd.s32 $0xFFFFE800  }
0x27: {  	v3 =	vld [tilespmem:s13+$0xFFFFFFC0]  }
0x28: {  	v7 =	vld [tilespmem:s13+$0xFFFFFFD0]  }
0x29: {  	v6 =	vld [tilespmem:s13+$0x0]  }
0x2a: {  	v1 =	vld [tilespmem:s13+$0x10]  }
0x2b: {  	v5 =	vimm.f32 $0.0e+00;
	v9 =	vimm.f32 $0.0e+00;
	v2 =	vld [tilespmem:s13+$0xFFFFFFE0]  }
0x2c: {  	v8 =	vimm.f32 $0.0e+00;
	v0 =	vld [tilespmem:s13+$0xFFFFFFF0];
	v4 =	vshll.u32 v3, $0x10;
	v10 =	vadd.f32 v3, v5  }
0x2d: {  	v3 =	vshll.u32 v7, $0x10;
	v11 =	vadd.f32 v7, v5;
	v13 =	vadd.f32 v4, v5;
	v4 =	vld [tilespmem:s13+$0x20]  }
0x2e: {  	s12 =	simm.s32 $0x0;
	v14 =	vshll.u32 v6, $0x10;
	v7 =	vimm.f32 $0.0e+00;
	v12 =	vadd.f32 v3, v5;
	v3 =	vld [tilespmem:s13+$0x30];
	s13 =	simm.s32 $0x64C0  }
.LBB2_3:
0x2f: {  	v15 =	vld [tilespmem:s13+$0xFFFFFFC0];
	v13 =	vadd.f32 v14, v13;
	v10 =	vadd.f32 v6, v10;
	v6 =	vshll.u32 v1, $0x10  }
0x30: {  	s12 =	sadd.s32 $0x2, s12;
	v14 =	vld [tilespmem:s13+$0xFFFFFFD0];
	v16 =	vshll.u32 v2, $0x10;
	v12 =	vadd.f32 v6, v12;
	v11 =	vadd.f32 v1, v11  }
0x31: {  	v9 =	vadd.f32 v2, v9;
	p0 =	slt.u32 s12, $0x30;
	v6 =	vld [tilespmem:s13+$0x0];
	v5 =	vadd.f32 v16, v5;
	v2 =	vshll.u32 v0, $0x10  }
.Ltmp0:
0x32: {  	v7 =	vadd.f32 v0, v7;
	v1 =	vld [tilespmem:s13+$0x10];
	v8 =	vadd.f32 v2, v8;
	v0 =	vshll.u32 v4, $0x10;
	(pc) =	sbr.rel @p0 .LBB2_3-.Ltmp0, $4  }
0x33: {  	v9 =	vadd.f32 v4, v9;
	v2 =	vld [tilespmem:s13+$0xFFFFFFE0];
	v5 =	vadd.f32 v0, v5;
	v4 =	vshll.u32 v3, $0x10  }
0x34: {  	v7 =	vadd.f32 v3, v7;
	v16 =	vshll.u32 v15, $0x10;
	v0 =	vld [tilespmem:s13+$0xFFFFFFF0];
	v8 =	vadd.f32 v4, v8  }
0x35: {  	v10 =	vadd.f32 v15, v10;
	v13 =	vadd.f32 v16, v13;
	v3 =	vshll.u32 v14, $0x10;
	v4 =	vld [tilespmem:s13+$0x20]  }
0x36: {  	v11 =	vadd.f32 v14, v11;
	v12 =	vadd.f32 v3, v12;
	v14 =	vshll.u32 v6, $0x10;
	v3 =	vld [tilespmem:s13+$0x30];
	s13 =	sadd.s32 $0x80, s13  }
0x37: {  	s12 =	sshrl.u32 s11, $0x3  }
0x38: {  	s14 =	sshll.u32 s11, $0x2;
	s15 =	sshll.u32 s12, $0x5  }
0x39: {  	s13 =	ssub.s32 s14, s15  }
0x3a: {  	v13 =	vadd.f32 v14, v13;
	s13 =	sshll.u32 s13, $0xB  }
0x3b: {  	v14 =	vshll.u32 v1, $0x10;
	v6 =	vadd.f32 v6, v10;
	s16 =	sshra.s32 s13, $0x2  }
0x3c: {  	v10 =	vshll.u32 v2, $0x10;
	v12 =	vadd.f32 v14, v12;
	v2 =	vadd.f32 v2, v9;
	[tilespmem:s16+$0x12C00] =	vst v13  }
0x3d: {  	v1 =	vadd.f32 v1, v11;
	v5 =	vadd.f32 v10, v5;
	v9 =	vshll.u32 v0, $0x10;
	[tilespmem:s16+$0x12C40] =	vst v6  }
0x3e: {  	v0 =	vadd.f32 v0, v7;
	v10 =	vshll.u32 v4, $0x10;
	v2 =	vadd.f32 v4, v2;
	[tilespmem:s16+$0x12C10] =	vst v12  }
0x3f: {  	v5 =	vadd.f32 v10, v5;
	v6 =	vadd.f32 v9, v8;
	[tilespmem:s16+$0x12C50] =	vst v1  }
0x40: {  	v4 =	vshll.u32 v3, $0x10;
	v0 =	vadd.f32 v3, v0;
	[tilespmem:s16+$0x12C60] =	vst v2  }
0x41: {  	[tilespmem:s16+$0x12C20] =	vst v5;
	v1 =	vadd.f32 v4, v6  }
0x42: {  	[tilespmem:s16+$0x12C70] =	vst v0  }
0x43: {  	s17 =	simm.s32 $0x70F0;
	[tilespmem:s16+$0x12C30] =	vst v1  }
0x44: {  	v3 =	vld [tilespmem:s17+$0xFFFFFF90]  }
0x45: {  	v7 =	vld [tilespmem:s17+$0xFFFFFFA0]  }
0x46: {  	v5 =	vld [tilespmem:s17+$0xFFFFFFD0]  }
0x47: {  	v1 =	vld [tilespmem:s17+$0xFFFFFFE0]  }
0x48: {  	v9 =	vimm.f32 $0.0e+00;
	v6 =	vimm.f32 $0.0e+00;
	v2 =	vld [tilespmem:s17+$0xFFFFFFB0]  }
0x49: {  	v8 =	vimm.f32 $0.0e+00;
	v0 =	vld [tilespmem:s17+$0xFFFFFFC0];
	v4 =	vshll.u32 v3, $0x10;
	v10 =	vadd.f32 v3, v6  }
0x4a: {  	v3 =	vshll.u32 v7, $0x10;
	v13 =	vadd.f32 v7, v6;
	v11 =	vadd.f32 v4, v6;
	v4 =	vld [tilespmem:s17+$0xFFFFFFF0]  }
0x4b: {  	s13 =	simm.s32 $0x0;
	v14 =	vshll.u32 v5, $0x10;
	v7 =	vimm.f32 $0.0e+00;
	v12 =	vadd.f32 v3, v6;
	v3 =	vld [tilespmem:s17+$0x0];
	s17 =	simm.s32 $0x7170  }
.LBB2_5:
0x4c: {  	v15 =	vld [tilespmem:s17+$0xFFFFFF90];
	v11 =	vadd.f32 v14, v11;
	v10 =	vadd.f32 v5, v10;
	v5 =	vshll.u32 v1, $0x10  }
0x4d: {  	s13 =	sadd.s32 $0x2, s13;
	v14 =	vld [tilespmem:s17+$0xFFFFFFA0];
	v16 =	vshll.u32 v2, $0x10;
	v12 =	vadd.f32 v5, v12;
	v13 =	vadd.f32 v1, v13  }
0x4e: {  	v9 =	vadd.f32 v2, v9;
	p0 =	slt.u32 s13, $0x30;
	v5 =	vld [tilespmem:s17+$0xFFFFFFD0];
	v6 =	vadd.f32 v16, v6;
	v2 =	vshll.u32 v0, $0x10  }
.Ltmp1:
0x4f: {  	v7 =	vadd.f32 v0, v7;
	v1 =	vld [tilespmem:s17+$0xFFFFFFE0];
	v8 =	vadd.f32 v2, v8;
	v0 =	vshll.u32 v4, $0x10;
	(pc) =	sbr.rel @p0 .LBB2_5-.Ltmp1, $4  }
0x50: {  	v9 =	vadd.f32 v4, v9;
	v2 =	vld [tilespmem:s17+$0xFFFFFFB0];
	v6 =	vadd.f32 v0, v6;
	v4 =	vshll.u32 v3, $0x10  }
0x51: {  	v7 =	vadd.f32 v3, v7;
	v16 =	vshll.u32 v15, $0x10;
	v0 =	vld [tilespmem:s17+$0xFFFFFFC0];
	v8 =	vadd.f32 v4, v8  }
0x52: {  	v10 =	vadd.f32 v15, v10;
	v11 =	vadd.f32 v16, v11;
	v3 =	vshll.u32 v14, $0x10;
	v4 =	vld [tilespmem:s17+$0xFFFFFFF0]  }
0x53: {  	v13 =	vadd.f32 v14, v13;
	v12 =	vadd.f32 v3, v12;
	v14 =	vshll.u32 v5, $0x10;
	v3 =	vld [tilespmem:s17+$0x0];
	s17 =	sadd.s32 $0x80, s17  }
0x54: {  	v11 =	vadd.f32 v14, v11  }
0x55: {  	v14 =	vshll.u32 v1, $0x10;
	v5 =	vadd.f32 v5, v10  }
0x56: {  	v10 =	vshll.u32 v2, $0x10;
	v12 =	vadd.f32 v14, v12;
	v2 =	vadd.f32 v2, v9;
	[tilespmem:s16+$0x12C80] =	vst v11  }
0x57: {  	v1 =	vadd.f32 v1, v13;
	v6 =	vadd.f32 v10, v6;
	v9 =	vshll.u32 v0, $0x10;
	[tilespmem:s16+$0x12CC0] =	vst v5  }
0x58: {  	v0 =	vadd.f32 v0, v7;
	v10 =	vshll.u32 v4, $0x10;
	[tilespmem:s16+$0x12C90] =	vst v12;
	v2 =	vadd.f32 v4, v2  }
0x59: {  	v5 =	vadd.f32 v9, v8;
	[tilespmem:s16+$0x12CD0] =	vst v1;
	v6 =	vadd.f32 v10, v6  }
0x5a: {  	v4 =	vshll.u32 v3, $0x10;
	v0 =	vadd.f32 v3, v0;
	[tilespmem:s16+$0x12CE0] =	vst v2  }
0x5b: {  	v1 =	vadd.f32 v4, v5;
	[tilespmem:s16+$0x12CA0] =	vst v6  }
0x5c: {  	[tilespmem:s16+$0x12CF0] =	vst v0  }
0x5d: {  	s17 =	simm.s32 $0x7D70;
	[tilespmem:s16+$0x12CB0] =	vst v1  }
0x5e: {  	v3 =	vld [tilespmem:s17+$0xFFFFFF90]  }
0x5f: {  	v7 =	vld [tilespmem:s17+$0xFFFFFFA0]  }
0x60: {  	v5 =	vld [tilespmem:s17+$0xFFFFFFD0]  }
0x61: {  	v1 =	vld [tilespmem:s17+$0xFFFFFFE0]  }
0x62: {  	v9 =	vimm.f32 $0.0e+00;
	v6 =	vimm.f32 $0.0e+00;
	v2 =	vld [tilespmem:s17+$0xFFFFFFB0]  }
0x63: {  	v8 =	vimm.f32 $0.0e+00;
	v0 =	vld [tilespmem:s17+$0xFFFFFFC0];
	v4 =	vshll.u32 v3, $0x10;
	v10 =	vadd.f32 v3, v6  }
0x64: {  	v3 =	vshll.u32 v7, $0x10;
	v13 =	vadd.f32 v7, v6;
	v11 =	vadd.f32 v4, v6;
	v4 =	vld [tilespmem:s17+$0xFFFFFFF0]  }
0x65: {  	s13 =	simm.s32 $0x0;
	v14 =	vshll.u32 v5, $0x10;
	v7 =	vimm.f32 $0.0e+00;
	v12 =	vadd.f32 v3, v6;
	v3 =	vld [tilespmem:s17+$0x0];
	s17 =	simm.s32 $0x7DF0  }
.LBB2_7:
0x66: {  	v15 =	vld [tilespmem:s17+$0xFFFFFF90];
	v11 =	vadd.f32 v14, v11;
	v10 =	vadd.f32 v5, v10;
	v5 =	vshll.u32 v1, $0x10  }
0x67: {  	s13 =	sadd.s32 $0x2, s13;
	v14 =	vld [tilespmem:s17+$0xFFFFFFA0];
	v16 =	vshll.u32 v2, $0x10;
	v12 =	vadd.f32 v5, v12;
	v13 =	vadd.f32 v1, v13  }
0x68: {  	v9 =	vadd.f32 v2, v9;
	p0 =	slt.u32 s13, $0x30;
	v5 =	vld [tilespmem:s17+$0xFFFFFFD0];
	v6 =	vadd.f32 v16, v6;
	v2 =	vshll.u32 v0, $0x10  }
.Ltmp2:
0x69: {  	v7 =	vadd.f32 v0, v7;
	v1 =	vld [tilespmem:s17+$0xFFFFFFE0];
	v8 =	vadd.f32 v2, v8;
	v0 =	vshll.u32 v4, $0x10;
	(pc) =	sbr.rel @p0 .LBB2_7-.Ltmp2, $4  }
0x6a: {  	v9 =	vadd.f32 v4, v9;
	v2 =	vld [tilespmem:s17+$0xFFFFFFB0];
	v6 =	vadd.f32 v0, v6;
	v4 =	vshll.u32 v3, $0x10  }
0x6b: {  	v7 =	vadd.f32 v3, v7;
	v16 =	vshll.u32 v15, $0x10;
	v0 =	vld [tilespmem:s17+$0xFFFFFFC0];
	v8 =	vadd.f32 v4, v8  }
0x6c: {  	v10 =	vadd.f32 v15, v10;
	v11 =	vadd.f32 v16, v11;
	v3 =	vshll.u32 v14, $0x10;
	v4 =	vld [tilespmem:s17+$0xFFFFFFF0]  }
0x6d: {  	v13 =	vadd.f32 v14, v13;
	v12 =	vadd.f32 v3, v12;
	v14 =	vshll.u32 v5, $0x10;
	v3 =	vld [tilespmem:s17+$0x0];
	s17 =	sadd.s32 $0x80, s17  }
0x6e: {  	v11 =	vadd.f32 v14, v11  }
0x6f: {  	v14 =	vshll.u32 v1, $0x10;
	v5 =	vadd.f32 v5, v10  }
0x70: {  	v10 =	vshll.u32 v2, $0x10;
	v12 =	vadd.f32 v14, v12;
	v2 =	vadd.f32 v2, v9;
	[tilespmem:s16+$0x12D00] =	vst v11  }
0x71: {  	v1 =	vadd.f32 v1, v13;
	v6 =	vadd.f32 v10, v6;
	v9 =	vshll.u32 v0, $0x10;
	[tilespmem:s16+$0x12D40] =	vst v5  }
0x72: {  	v0 =	vadd.f32 v0, v7;
	v10 =	vshll.u32 v4, $0x10;
	[tilespmem:s16+$0x12D10] =	vst v12;
	v2 =	vadd.f32 v4, v2  }
0x73: {  	v5 =	vadd.f32 v9, v8;
	[tilespmem:s16+$0x12D50] =	vst v1;
	v6 =	vadd.f32 v10, v6  }
0x74: {  	v4 =	vshll.u32 v3, $0x10;
	v0 =	vadd.f32 v3, v0;
	[tilespmem:s16+$0x12D60] =	vst v2  }
0x75: {  	v1 =	vadd.f32 v4, v5;
	[tilespmem:s16+$0x12D20] =	vst v6  }
0x76: {  	[tilespmem:s16+$0x12D70] =	vst v0  }
0x77: {  	s17 =	simm.s32 $0x89F0;
	[tilespmem:s16+$0x12D30] =	vst v1  }
0x78: {  	v1 =	vld [tilespmem:s17+$0xFFFFFF90]  }
0x79: {  	v7 =	vld [tilespmem:s17+$0xFFFFFFA0]  }
0x7a: {  	v5 =	vld [tilespmem:s17+$0xFFFFFFD0]  }
0x7b: {  	v2 =	vld [tilespmem:s17+$0xFFFFFFE0]  }
0x7c: {  	v9 =	vimm.f32 $0.0e+00;
	v6 =	vimm.f32 $0.0e+00;
	v3 =	vld [tilespmem:s17+$0xFFFFFFB0]  }
0x7d: {  	v8 =	vimm.f32 $0.0e+00;
	v0 =	vld [tilespmem:s17+$0xFFFFFFC0];
	v4 =	vshll.u32 v1, $0x10;
	v10 =	vadd.f32 v1, v6  }
0x7e: {  	v1 =	vshll.u32 v7, $0x10;
	v13 =	vadd.f32 v7, v6;
	v11 =	vadd.f32 v4, v6;
	v4 =	vld [tilespmem:s17+$0xFFFFFFF0]  }
0x7f: {  	s13 =	simm.s32 $0x0;
	v14 =	vshll.u32 v5, $0x10;
	v7 =	vimm.f32 $0.0e+00;
	v12 =	vadd.f32 v1, v6;
	v1 =	vld [tilespmem:s17+$0x0];
	s17 =	simm.s32 $0x8A70  }
.LBB2_9:
0x80: {  	v15 =	vld [tilespmem:s17+$0xFFFFFF90];
	v11 =	vadd.f32 v14, v11;
	v10 =	vadd.f32 v5, v10;
	v5 =	vshll.u32 v2, $0x10  }
0x81: {  	s13 =	sadd.s32 $0x2, s13;
	v14 =	vld [tilespmem:s17+$0xFFFFFFA0];
	v16 =	vshll.u32 v3, $0x10;
	v12 =	vadd.f32 v5, v12;
	v13 =	vadd.f32 v2, v13  }
0x82: {  	v9 =	vadd.f32 v3, v9;
	p0 =	slt.u32 s13, $0x30;
	v5 =	vld [tilespmem:s17+$0xFFFFFFD0];
	v6 =	vadd.f32 v16, v6;
	v3 =	vshll.u32 v0, $0x10  }
.Ltmp3:
0x83: {  	v7 =	vadd.f32 v0, v7;
	v2 =	vld [tilespmem:s17+$0xFFFFFFE0];
	v8 =	vadd.f32 v3, v8;
	v0 =	vshll.u32 v4, $0x10;
	(pc) =	sbr.rel @p0 .LBB2_9-.Ltmp3, $4  }
0x84: {  	v9 =	vadd.f32 v4, v9;
	v3 =	vld [tilespmem:s17+$0xFFFFFFB0];
	v6 =	vadd.f32 v0, v6;
	v4 =	vshll.u32 v1, $0x10  }
0x85: {  	v7 =	vadd.f32 v1, v7;
	v16 =	vshll.u32 v15, $0x10;
	v0 =	vld [tilespmem:s17+$0xFFFFFFC0];
	v8 =	vadd.f32 v4, v8  }
0x86: {  	v10 =	vadd.f32 v15, v10;
	v11 =	vadd.f32 v16, v11;
	v1 =	vshll.u32 v14, $0x10;
	v4 =	vld [tilespmem:s17+$0xFFFFFFF0]  }
0x87: {  	v13 =	vadd.f32 v14, v13;
	v12 =	vadd.f32 v1, v12;
	v14 =	vshll.u32 v5, $0x10;
	v1 =	vld [tilespmem:s17+$0x0];
	s17 =	sadd.s32 $0x80, s17  }
0x88: {  	v11 =	vadd.f32 v14, v11  }
0x89: {  	v14 =	vshll.u32 v2, $0x10;
	v5 =	vadd.f32 v5, v10  }
0x8a: {  	v10 =	vshll.u32 v3, $0x10;
	v12 =	vadd.f32 v14, v12;
	v3 =	vadd.f32 v3, v9;
	[tilespmem:s16+$0x12D80] =	vst v11  }
0x8b: {  	v2 =	vadd.f32 v2, v13;
	v6 =	vadd.f32 v10, v6;
	v9 =	vshll.u32 v0, $0x10;
	[tilespmem:s16+$0x12DC0] =	vst v5  }
0x8c: {  	v0 =	vadd.f32 v0, v7;
	v10 =	vshll.u32 v4, $0x10;
	[tilespmem:s16+$0x12D90] =	vst v12;
	v3 =	vadd.f32 v4, v3  }
0x8d: {  	p0 =	seq.s32 s11, $0x1F;
	v5 =	vadd.f32 v9, v8;
	[tilespmem:s16+$0x12DD0] =	vst v2;
	v6 =	vadd.f32 v10, v6  }
0x8e: {  	s13 =	smul.u32 @!p0 $0xC80, s11;
	v4 =	vshll.u32 v1, $0x10;
	v0 =	vadd.f32 v1, v0;
	[tilespmem:s16+$0x12DE0] =	vst v3  }
0x8f: {  	v2 =	vadd.f32 v4, v5;
	[tilespmem:s16+$0x12DA0] =	vst v6  }
0x90: {  	s13 =	sshra.s32 @!p0 s13, $0x2;
	[tilespmem:s16+$0x12DF0] =	vst v0  }
0x91: {  	s17 =	simm.s32 @!p0 $0x68;
	s18 =	simm.s32 @!p0 $0x6400;
	[tilespmem:s16+$0x12DB0] =	vst v2;
	s16 =	sadd.s32 @!p0 $0x320, s13  }
0x92: {  	[tilespmem:s18], [sflag:$0x1] =	stream.indirect.gather @!p0 [hbm4b:s3+s17], $0x40, s16, s17, $0xb8;
	[tilespmem:$0x16C00] =	vst v63  }
0x93: {  	s16 =	sadd.s32 @!p0 $0x388, s13;
	s17 =	simm.s32 @!p0 $0x60;
	s18 =	simm.s32 @!p0 $0x7E00  }
0x94: {  	[tilespmem:s18], [sflag:$0x2] =	stream.indirect.gather @!p0 [hbm4b:s3+s17], $0x40, s16, s17, $0xb8;
	[tilespmem:$0x16C00] =	vst v63  }
0x95: {  	_ =	swait.ge [sflag:s26], $0x1A00  }
0x96: {  	[sflag:s26] =	ssyncset.done $0x0  }
0x97: {  	[sflag:s26] =	ssyncadd.s32 $0xFFFFE600  }
0x98: {  	_ =	swait.ge [sflag:s28], $0x1800  }
0x99: {  	[sflag:s28] =	ssyncset.done $0x0  }
0x9a: {  	s19 =	simm.s32 $0x9670;
	[sflag:s28] =	ssyncadd.s32 $0xFFFFE800  }
0x9b: {  	v3 =	vld [tilespmem:s19+$0xFFFFFF90]  }
0x9c: {  	v4 =	vld [tilespmem:s19+$0xFFFFFFA0]  }
0x9d: {  	v6 =	vld [tilespmem:s19+$0xFFFFFFD0]  }
0x9e: {  	v1 =	vld [tilespmem:s19+$0xFFFFFFE0]  }
0x9f: {  	v9 =	vimm.f32 $0.0e+00;
	v5 =	vimm.f32 $0.0e+00;
	v2 =	vld [tilespmem:s19+$0xFFFFFFB0]  }
0xa0: {  	v8 =	vimm.f32 $0.0e+00;
	v0 =	vld [tilespmem:s19+$0xFFFFFFC0];
	v7 =	vshll.u32 v3, $0x10;
	v10 =	vadd.f32 v3, v5  }
0xa1: {  	v3 =	vld [tilespmem:s19+$0xFFFFFFF0];
	v11 =	vadd.f32 v4, v5;
	v13 =	vadd.f32 v7, v5;
	v7 =	vshll.u32 v4, $0x10  }
0xa2: {  	s16 =	sand.u32 $0x7, s11;
	s17 =	simm.s32 $0x0;
	s18 =	simm.s32 $0x96F0;
	v14 =	vshll.u32 v6, $0x10;
	v4 =	vld [tilespmem:s19+$0x0];
	v12 =	vadd.f32 v7, v5;
	v7 =	vimm.f32 $0.0e+00  }
.LBB2_11:
0xa3: {  	v15 =	vld [tilespmem:s18+$0xFFFFFF90];
	v13 =	vadd.f32 v14, v13;
	v10 =	vadd.f32 v6, v10;
	v6 =	vshll.u32 v1, $0x10  }
0xa4: {  	s17 =	sadd.s32 $0x2, s17;
	v14 =	vld [tilespmem:s18+$0xFFFFFFA0];
	v16 =	vshll.u32 v2, $0x10;
	v12 =	vadd.f32 v6, v12;
	v11 =	vadd.f32 v1, v11  }
0xa5: {  	v9 =	vadd.f32 v2, v9;
	p1 =	slt.u32 s17, $0x30;
	v6 =	vld [tilespmem:s18+$0xFFFFFFD0];
	v5 =	vadd.f32 v16, v5;
	v2 =	vshll.u32 v0, $0x10  }
.Ltmp4:
0xa6: {  	v7 =	vadd.f32 v0, v7;
	v1 =	vld [tilespmem:s18+$0xFFFFFFE0];
	v8 =	vadd.f32 v2, v8;
	v0 =	vshll.u32 v3, $0x10;
	(pc) =	sbr.rel @p1 .LBB2_11-.Ltmp4, $4  }
0xa7: {  	v9 =	vadd.f32 v3, v9;
	v2 =	vld [tilespmem:s18+$0xFFFFFFB0];
	v5 =	vadd.f32 v0, v5;
	v3 =	vshll.u32 v4, $0x10  }
0xa8: {  	v7 =	vadd.f32 v4, v7;
	v16 =	vshll.u32 v15, $0x10;
	v0 =	vld [tilespmem:s18+$0xFFFFFFC0];
	v8 =	vadd.f32 v3, v8  }
0xa9: {  	v10 =	vadd.f32 v15, v10;
	v13 =	vadd.f32 v16, v13;
	v4 =	vshll.u32 v14, $0x10;
	v3 =	vld [tilespmem:s18+$0xFFFFFFF0]  }
0xaa: {  	v11 =	vadd.f32 v14, v11;
	v12 =	vadd.f32 v4, v12;
	v14 =	vshll.u32 v6, $0x10;
	v4 =	vld [tilespmem:s18+$0x0];
	s18 =	sadd.s32 $0x80, s18  }
0xab: {  	s17 =	sor.u32 $0x1, s14  }
0xac: {  	s17 =	ssub.s32 s17, s15  }
0xad: {  	v13 =	vadd.f32 v14, v13;
	s17 =	sshll.u32 s17, $0xB  }
0xae: {  	v14 =	vshll.u32 v1, $0x10;
	v6 =	vadd.f32 v6, v10;
	s17 =	sshra.s32 s17, $0x2  }
0xaf: {  	v10 =	vshll.u32 v2, $0x10;
	v12 =	vadd.f32 v14, v12;
	v2 =	vadd.f32 v2, v9;
	[tilespmem:s17+$0x12C00] =	vst v13  }
0xb0: {  	v1 =	vadd.f32 v1, v11;
	v5 =	vadd.f32 v10, v5;
	v9 =	vshll.u32 v0, $0x10;
	[tilespmem:s17+$0x12C40] =	vst v6  }
0xb1: {  	v0 =	vadd.f32 v0, v7;
	v10 =	vshll.u32 v3, $0x10;
	v2 =	vadd.f32 v3, v2;
	[tilespmem:s17+$0x12C10] =	vst v12  }
0xb2: {  	v6 =	vadd.f32 v9, v8;
	v5 =	vadd.f32 v10, v5;
	[tilespmem:s17+$0x12C50] =	vst v1  }
0xb3: {  	v3 =	vshll.u32 v4, $0x10;
	v0 =	vadd.f32 v4, v0;
	[tilespmem:s17+$0x12C60] =	vst v2  }
0xb4: {  	v1 =	vadd.f32 v3, v6;
	[tilespmem:s17+$0x12C20] =	vst v5  }
0xb5: {  	[tilespmem:s17+$0x12C70] =	vst v0  }
0xb6: {  	s19 =	simm.s32 $0xA2F0;
	[tilespmem:s17+$0x12C30] =	vst v1  }
0xb7: {  	v3 =	vld [tilespmem:s19+$0xFFFFFF90]  }
0xb8: {  	v7 =	vld [tilespmem:s19+$0xFFFFFFA0]  }
0xb9: {  	v5 =	vld [tilespmem:s19+$0xFFFFFFD0]  }
0xba: {  	v1 =	vld [tilespmem:s19+$0xFFFFFFE0]  }
0xbb: {  	v9 =	vimm.f32 $0.0e+00;
	v6 =	vimm.f32 $0.0e+00;
	v2 =	vld [tilespmem:s19+$0xFFFFFFB0]  }
0xbc: {  	v8 =	vimm.f32 $0.0e+00;
	v0 =	vld [tilespmem:s19+$0xFFFFFFC0];
	v4 =	vshll.u32 v3, $0x10;
	v10 =	vadd.f32 v3, v6  }
0xbd: {  	v3 =	vshll.u32 v7, $0x10;
	v13 =	vadd.f32 v7, v6;
	v11 =	vadd.f32 v4, v6;
	v4 =	vld [tilespmem:s19+$0xFFFFFFF0]  }
0xbe: {  	s18 =	simm.s32 $0x0;
	v14 =	vshll.u32 v5, $0x10;
	v7 =	vimm.f32 $0.0e+00;
	v12 =	vadd.f32 v3, v6;
	v3 =	vld [tilespmem:s19+$0x0];
	s19 =	simm.s32 $0xA370  }
.LBB2_13:
0xbf: {  	v15 =	vld [tilespmem:s19+$0xFFFFFF90];
	v11 =	vadd.f32 v14, v11;
	v10 =	vadd.f32 v5, v10;
	v5 =	vshll.u32 v1, $0x10  }
0xc0: {  	s18 =	sadd.s32 $0x2, s18;
	v14 =	vld [tilespmem:s19+$0xFFFFFFA0];
	v16 =	vshll.u32 v2, $0x10;
	v12 =	vadd.f32 v5, v12;
	v13 =	vadd.f32 v1, v13  }
0xc1: {  	v9 =	vadd.f32 v2, v9;
	p1 =	slt.u32 s18, $0x30;
	v5 =	vld [tilespmem:s19+$0xFFFFFFD0];
	v6 =	vadd.f32 v16, v6;
	v2 =	vshll.u32 v0, $0x10  }
.Ltmp5:
0xc2: {  	v7 =	vadd.f32 v0, v7;
	v1 =	vld [tilespmem:s19+$0xFFFFFFE0];
	v8 =	vadd.f32 v2, v8;
	v0 =	vshll.u32 v4, $0x10;
	(pc) =	sbr.rel @p1 .LBB2_13-.Ltmp5, $4  }
0xc3: {  	v9 =	vadd.f32 v4, v9;
	v2 =	vld [tilespmem:s19+$0xFFFFFFB0];
	v6 =	vadd.f32 v0, v6;
	v4 =	vshll.u32 v3, $0x10  }
0xc4: {  	v7 =	vadd.f32 v3, v7;
	v16 =	vshll.u32 v15, $0x10;
	v0 =	vld [tilespmem:s19+$0xFFFFFFC0];
	v8 =	vadd.f32 v4, v8  }
0xc5: {  	v10 =	vadd.f32 v15, v10;
	v11 =	vadd.f32 v16, v11;
	v3 =	vshll.u32 v14, $0x10;
	v4 =	vld [tilespmem:s19+$0xFFFFFFF0]  }
0xc6: {  	v13 =	vadd.f32 v14, v13;
	v12 =	vadd.f32 v3, v12;
	v14 =	vshll.u32 v5, $0x10;
	v3 =	vld [tilespmem:s19+$0x0];
	s19 =	sadd.s32 $0x80, s19  }
0xc7: {  	v11 =	vadd.f32 v14, v11  }
0xc8: {  	v14 =	vshll.u32 v1, $0x10;
	v5 =	vadd.f32 v5, v10  }
0xc9: {  	v10 =	vshll.u32 v2, $0x10;
	v12 =	vadd.f32 v14, v12;
	v2 =	vadd.f32 v2, v9;
	[tilespmem:s17+$0x12C80] =	vst v11  }
0xca: {  	v1 =	vadd.f32 v1, v13;
	v6 =	vadd.f32 v10, v6;
	v9 =	vshll.u32 v0, $0x10;
	[tilespmem:s17+$0x12CC0] =	vst v5  }
0xcb: {  	v0 =	vadd.f32 v0, v7;
	v10 =	vshll.u32 v4, $0x10;
	[tilespmem:s17+$0x12C90] =	vst v12;
	v2 =	vadd.f32 v4, v2  }
0xcc: {  	v5 =	vadd.f32 v9, v8;
	[tilespmem:s17+$0x12CD0] =	vst v1;
	v6 =	vadd.f32 v10, v6  }
0xcd: {  	v4 =	vshll.u32 v3, $0x10;
	v0 =	vadd.f32 v3, v0;
	[tilespmem:s17+$0x12CE0] =	vst v2  }
0xce: {  	v1 =	vadd.f32 v4, v5;
	[tilespmem:s17+$0x12CA0] =	vst v6  }
0xcf: {  	[tilespmem:s17+$0x12CF0] =	vst v0  }
0xd0: {  	s19 =	simm.s32 $0xAF00;
	[tilespmem:s17+$0x12CB0] =	vst v1  }
0xd1: {  	v3 =	vld [tilespmem:s19+$0x0]  }
0xd2: {  	v7 =	vld [tilespmem:s19+$0x10]  }
0xd3: {  	v5 =	vld [tilespmem:s19+$0x40]  }
0xd4: {  	v1 =	vld [tilespmem:s19+$0x50]  }
0xd5: {  	v9 =	vimm.f32 $0.0e+00;
	v6 =	vimm.f32 $0.0e+00;
	v2 =	vld [tilespmem:s19+$0x20]  }
0xd6: {  	v8 =	vimm.f32 $0.0e+00;
	v0 =	vld [tilespmem:s19+$0x30];
	v4 =	vshll.u32 v3, $0x10;
	v10 =	vadd.f32 v3, v6  }
0xd7: {  	v3 =	vshll.u32 v7, $0x10;
	v13 =	vadd.f32 v7, v6;
	v11 =	vadd.f32 v4, v6;
	v4 =	vld [tilespmem:s19+$0x60]  }
0xd8: {  	s18 =	simm.s32 $0x0;
	v14 =	vshll.u32 v5, $0x10;
	v7 =	vimm.f32 $0.0e+00;
	v12 =	vadd.f32 v3, v6;
	v3 =	vld [tilespmem:s19+$0x70];
	s19 =	simm.s32 $0xAF80  }
.LBB2_15:
0xd9: {  	v15 =	vld [tilespmem:s19+$0x0];
	v11 =	vadd.f32 v14, v11;
	v10 =	vadd.f32 v5, v10;
	v5 =	vshll.u32 v1, $0x10  }
0xda: {  	s18 =	sadd.s32 $0x2, s18;
	v14 =	vld [tilespmem:s19+$0x10];
	v16 =	vshll.u32 v2, $0x10;
	v12 =	vadd.f32 v5, v12;
	v13 =	vadd.f32 v1, v13  }
0xdb: {  	v9 =	vadd.f32 v2, v9;
	p1 =	slt.u32 s18, $0x30;
	v5 =	vld [tilespmem:s19+$0x40];
	v6 =	vadd.f32 v16, v6;
	v2 =	vshll.u32 v0, $0x10  }
.Ltmp6:
0xdc: {  	v7 =	vadd.f32 v0, v7;
	v1 =	vld [tilespmem:s19+$0x50];
	v8 =	vadd.f32 v2, v8;
	v0 =	vshll.u32 v4, $0x10;
	(pc) =	sbr.rel @p1 .LBB2_15-.Ltmp6, $4  }
0xdd: {  	v9 =	vadd.f32 v4, v9;
	v2 =	vld [tilespmem:s19+$0x20];
	v6 =	vadd.f32 v0, v6;
	v4 =	vshll.u32 v3, $0x10  }
0xde: {  	v7 =	vadd.f32 v3, v7;
	v16 =	vshll.u32 v15, $0x10;
	v0 =	vld [tilespmem:s19+$0x30];
	v8 =	vadd.f32 v4, v8  }
0xdf: {  	v10 =	vadd.f32 v15, v10;
	v11 =	vadd.f32 v16, v11;
	v3 =	vshll.u32 v14, $0x10;
	v4 =	vld [tilespmem:s19+$0x60]  }
0xe0: {  	v13 =	vadd.f32 v14, v13;
	v12 =	vadd.f32 v3, v12;
	v14 =	vshll.u32 v5, $0x10;
	v3 =	vld [tilespmem:s19+$0x70];
	s19 =	sadd.s32 $0x80, s19  }
0xe1: {  	v11 =	vadd.f32 v14, v11  }
0xe2: {  	v14 =	vshll.u32 v1, $0x10;
	v5 =	vadd.f32 v5, v10  }
0xe3: {  	v10 =	vshll.u32 v2, $0x10;
	v12 =	vadd.f32 v14, v12;
	v2 =	vadd.f32 v2, v9;
	[tilespmem:s17+$0x12D00] =	vst v11  }
0xe4: {  	v1 =	vadd.f32 v1, v13;
	v6 =	vadd.f32 v10, v6;
	v9 =	vshll.u32 v0, $0x10;
	[tilespmem:s17+$0x12D40] =	vst v5  }
0xe5: {  	v0 =	vadd.f32 v0, v7;
	v10 =	vshll.u32 v4, $0x10;
	[tilespmem:s17+$0x12D10] =	vst v12;
	v2 =	vadd.f32 v4, v2  }
0xe6: {  	v5 =	vadd.f32 v9, v8;
	[tilespmem:s17+$0x12D50] =	vst v1;
	v6 =	vadd.f32 v10, v6  }
0xe7: {  	v4 =	vshll.u32 v3, $0x10;
	v0 =	vadd.f32 v3, v0;
	[tilespmem:s17+$0x12D60] =	vst v2  }
0xe8: {  	v1 =	vadd.f32 v4, v5;
	[tilespmem:s17+$0x12D20] =	vst v6  }
0xe9: {  	[tilespmem:s17+$0x12D70] =	vst v0  }
0xea: {  	s19 =	simm.s32 $0xBB80;
	[tilespmem:s17+$0x12D30] =	vst v1  }
0xeb: {  	v3 =	vld [tilespmem:s19+$0x0]  }
0xec: {  	v7 =	vld [tilespmem:s19+$0x10]  }
0xed: {  	v5 =	vld [tilespmem:s19+$0x40]  }
0xee: {  	v1 =	vld [tilespmem:s19+$0x50]  }
0xef: {  	v9 =	vimm.f32 $0.0e+00;
	v6 =	vimm.f32 $0.0e+00;
	v2 =	vld [tilespmem:s19+$0x20]  }
0xf0: {  	v8 =	vimm.f32 $0.0e+00;
	v0 =	vld [tilespmem:s19+$0x30];
	v4 =	vshll.u32 v3, $0x10;
	v10 =	vadd.f32 v3, v6  }
0xf1: {  	v3 =	vshll.u32 v7, $0x10;
	v13 =	vadd.f32 v7, v6;
	v11 =	vadd.f32 v4, v6;
	v4 =	vld [tilespmem:s19+$0x60]  }
0xf2: {  	s18 =	simm.s32 $0x0;
	v14 =	vshll.u32 v5, $0x10;
	v7 =	vimm.f32 $0.0e+00;
	v12 =	vadd.f32 v3, v6;
	v3 =	vld [tilespmem:s19+$0x70];
	s19 =	simm.s32 $0xBC00  }
.LBB2_17:
0xf3: {  	v15 =	vld [tilespmem:s19+$0x0];
	v11 =	vadd.f32 v14, v11;
	v10 =	vadd.f32 v5, v10;
	v5 =	vshll.u32 v1, $0x10  }
0xf4: {  	s18 =	sadd.s32 $0x2, s18;
	v14 =	vld [tilespmem:s19+$0x10];
	v16 =	vshll.u32 v2, $0x10;
	v12 =	vadd.f32 v5, v12;
	v13 =	vadd.f32 v1, v13  }
0xf5: {  	v9 =	vadd.f32 v2, v9;
	p1 =	slt.u32 s18, $0x30;
	v5 =	vld [tilespmem:s19+$0x40];
	v6 =	vadd.f32 v16, v6;
	v2 =	vshll.u32 v0, $0x10  }
.Ltmp7:
0xf6: {  	v7 =	vadd.f32 v0, v7;
	v1 =	vld [tilespmem:s19+$0x50];
	v8 =	vadd.f32 v2, v8;
	v0 =	vshll.u32 v4, $0x10;
	(pc) =	sbr.rel @p1 .LBB2_17-.Ltmp7, $4  }
0xf7: {  	v9 =	vadd.f32 v4, v9;
	v2 =	vld [tilespmem:s19+$0x20];
	v6 =	vadd.f32 v0, v6;
	v4 =	vshll.u32 v3, $0x10  }
0xf8: {  	v7 =	vadd.f32 v3, v7;
	v16 =	vshll.u32 v15, $0x10;
	v0 =	vld [tilespmem:s19+$0x30];
	v8 =	vadd.f32 v4, v8  }
0xf9: {  	v10 =	vadd.f32 v15, v10;
	v11 =	vadd.f32 v16, v11;
	v3 =	vshll.u32 v14, $0x10;
	v4 =	vld [tilespmem:s19+$0x60]  }
0xfa: {  	v13 =	vadd.f32 v14, v13;
	v12 =	vadd.f32 v3, v12;
	v14 =	vshll.u32 v5, $0x10;
	v3 =	vld [tilespmem:s19+$0x70];
	s19 =	sadd.s32 $0x80, s19  }
0xfb: {  	v11 =	vadd.f32 v14, v11  }
0xfc: {  	v14 =	vshll.u32 v1, $0x10;
	v5 =	vadd.f32 v5, v10  }
0xfd: {  	v10 =	vshll.u32 v2, $0x10;
	v12 =	vadd.f32 v14, v12;
	v2 =	vadd.f32 v2, v9;
	[tilespmem:s17+$0x12D80] =	vst v11  }
0xfe: {  	v1 =	vadd.f32 v1, v13;
	v6 =	vadd.f32 v10, v6;
	v9 =	vshll.u32 v0, $0x10;
	[tilespmem:s17+$0x12DC0] =	vst v5  }
0xff: {  	v0 =	vadd.f32 v0, v7;
	v10 =	vshll.u32 v4, $0x10;
	[tilespmem:s17+$0x12D90] =	vst v12;
	v2 =	vadd.f32 v4, v2  }
0x100: {  	v5 =	vadd.f32 v9, v8;
	[tilespmem:s17+$0x12DD0] =	vst v1;
	v6 =	vadd.f32 v10, v6  }
0x101: {  	v4 =	vshll.u32 v3, $0x10;
	v0 =	vadd.f32 v3, v0;
	[tilespmem:s17+$0x12DE0] =	vst v2  }
0x102: {  	v1 =	vadd.f32 v4, v5;
	[tilespmem:s17+$0x12DA0] =	vst v6  }
0x103: {  	[tilespmem:s17+$0x12DF0] =	vst v0  }
0x104: {  	s18 =	simm.s32 @!p0 $0x68;
	s19 =	simm.s32 @!p0 $0x9600;
	[tilespmem:s17+$0x12DB0] =	vst v1;
	s17 =	sadd.s32 @!p0 $0x3E8, s13  }
0x105: {  	[tilespmem:s19], [sflag:$0x3] =	stream.indirect.gather @!p0 [hbm4b:s3+s18], $0x40, s17, s18, $0xb8;
	[tilespmem:$0x16C00] =	vst v63  }
0x106: {  	s17 =	sadd.s32 @!p0 $0x450, s13;
	s18 =	simm.s32 @!p0 $0x60;
	s19 =	simm.s32 @!p0 $0xB000  }
0x107: {  	[tilespmem:s19], [sflag:$0x4] =	stream.indirect.gather @!p0 [hbm4b:s3+s18], $0x40, s17, s18, $0xb8;
	[tilespmem:$0x16C00] =	vst v63  }
0x108: {  	_ =	swait.ge [sflag:s29], $0x1A00  }
0x109: {  	[sflag:s29] =	ssyncset.done $0x0  }
0x10a: {  	[sflag:s29] =	ssyncadd.s32 $0xFFFFE600  }
0x10b: {  	_ =	swait.ge [sflag:s30], $0x1800  }
0x10c: {  	[sflag:s30] =	ssyncset.done $0x0  }
0x10d: {  	s19 =	simm.s32 $0xC800;
	[sflag:s30] =	ssyncadd.s32 $0xFFFFE800  }
0x10e: {  	v3 =	vld [tilespmem:s19+$0x0]  }
0x10f: {  	v7 =	vld [tilespmem:s19+$0x10]  }
0x110: {  	v6 =	vld [tilespmem:s19+$0x40]  }
0x111: {  	v1 =	vld [tilespmem:s19+$0x50]  }
0x112: {  	v9 =	vimm.f32 $0.0e+00;
	v5 =	vimm.f32 $0.0e+00;
	v2 =	vld [tilespmem:s19+$0x20]  }
0x113: {  	v8 =	vimm.f32 $0.0e+00;
	v0 =	vld [tilespmem:s19+$0x30];
	v4 =	vshll.u32 v3, $0x10;
	v10 =	vadd.f32 v3, v5  }
0x114: {  	v3 =	vshll.u32 v7, $0x10;
	v11 =	vadd.f32 v7, v5;
	v13 =	vadd.f32 v4, v5;
	v4 =	vld [tilespmem:s19+$0x60]  }
0x115: {  	s17 =	simm.s32 $0x0;
	s18 =	simm.s32 $0xC880;
	v14 =	vshll.u32 v6, $0x10;
	v7 =	vimm.f32 $0.0e+00;
	v12 =	vadd.f32 v3, v5;
	v3 =	vld [tilespmem:s19+$0x70]  }
.LBB2_19:
0x116: {  	v15 =	vld [tilespmem:s18+$0x0];
	v13 =	vadd.f32 v14, v13;
	v10 =	vadd.f32 v6, v10;
	v6 =	vshll.u32 v1, $0x10  }
0x117: {  	s17 =	sadd.s32 $0x2, s17;
	v14 =	vld [tilespmem:s18+$0x10];
	v16 =	vshll.u32 v2, $0x10;
	v12 =	vadd.f32 v6, v12;
	v11 =	vadd.f32 v1, v11  }
0x118: {  	v9 =	vadd.f32 v2, v9;
	p1 =	slt.u32 s17, $0x30;
	v6 =	vld [tilespmem:s18+$0x40];
	v5 =	vadd.f32 v16, v5;
	v2 =	vshll.u32 v0, $0x10  }
.Ltmp8:
0x119: {  	v7 =	vadd.f32 v0, v7;
	v1 =	vld [tilespmem:s18+$0x50];
	v8 =	vadd.f32 v2, v8;
	v0 =	vshll.u32 v4, $0x10;
	(pc) =	sbr.rel @p1 .LBB2_19-.Ltmp8, $4  }
0x11a: {  	v9 =	vadd.f32 v4, v9;
	v2 =	vld [tilespmem:s18+$0x20];
	v5 =	vadd.f32 v0, v5;
	v4 =	vshll.u32 v3, $0x10  }
0x11b: {  	v7 =	vadd.f32 v3, v7;
	v16 =	vshll.u32 v15, $0x10;
	v0 =	vld [tilespmem:s18+$0x30];
	v8 =	vadd.f32 v4, v8  }
0x11c: {  	v10 =	vadd.f32 v15, v10;
	v13 =	vadd.f32 v16, v13;
	v3 =	vshll.u32 v14, $0x10;
	v4 =	vld [tilespmem:s18+$0x60]  }
0x11d: {  	v11 =	vadd.f32 v14, v11;
	v12 =	vadd.f32 v3, v12;
	v14 =	vshll.u32 v6, $0x10;
	v3 =	vld [tilespmem:s18+$0x70];
	s18 =	sadd.s32 $0x80, s18  }
0x11e: {  	s17 =	sor.u32 $0x2, s14  }
0x11f: {  	s17 =	ssub.s32 s17, s15  }
0x120: {  	v13 =	vadd.f32 v14, v13;
	s17 =	sshll.u32 s17, $0xB  }
0x121: {  	v14 =	vshll.u32 v1, $0x10;
	v6 =	vadd.f32 v6, v10;
	s17 =	sshra.s32 s17, $0x2  }
0x122: {  	v10 =	vshll.u32 v2, $0x10;
	v12 =	vadd.f32 v14, v12;
	v2 =	vadd.f32 v2, v9;
	[tilespmem:s17+$0x12C00] =	vst v13  }
0x123: {  	v1 =	vadd.f32 v1, v11;
	v5 =	vadd.f32 v10, v5;
	v9 =	vshll.u32 v0, $0x10;
	[tilespmem:s17+$0x12C40] =	vst v6  }
0x124: {  	v0 =	vadd.f32 v0, v7;
	v10 =	vshll.u32 v4, $0x10;
	v2 =	vadd.f32 v4, v2;
	[tilespmem:s17+$0x12C10] =	vst v12  }
0x125: {  	v6 =	vadd.f32 v9, v8;
	v5 =	vadd.f32 v10, v5;
	[tilespmem:s17+$0x12C50] =	vst v1  }
0x126: {  	v4 =	vshll.u32 v3, $0x10;
	v0 =	vadd.f32 v3, v0;
	[tilespmem:s17+$0x12C60] =	vst v2  }
0x127: {  	v1 =	vadd.f32 v4, v6;
	[tilespmem:s17+$0x12C20] =	vst v5  }
0x128: {  	[tilespmem:s17+$0x12C70] =	vst v0  }
0x129: {  	s19 =	simm.s32 $0xD480;
	[tilespmem:s17+$0x12C30] =	vst v1  }
0x12a: {  	v3 =	vld [tilespmem:s19+$0x0]  }
0x12b: {  	v7 =	vld [tilespmem:s19+$0x10]  }
0x12c: {  	v5 =	vld [tilespmem:s19+$0x40]  }
0x12d: {  	v1 =	vld [tilespmem:s19+$0x50]  }
0x12e: {  	v9 =	vimm.f32 $0.0e+00;
	v6 =	vimm.f32 $0.0e+00;
	v2 =	vld [tilespmem:s19+$0x20]  }
0x12f: {  	v8 =	vimm.f32 $0.0e+00;
	v0 =	vld [tilespmem:s19+$0x30];
	v4 =	vshll.u32 v3, $0x10;
	v10 =	vadd.f32 v3, v6  }
0x130: {  	v3 =	vshll.u32 v7, $0x10;
	v13 =	vadd.f32 v7, v6;
	v11 =	vadd.f32 v4, v6;
	v4 =	vld [tilespmem:s19+$0x60]  }
0x131: {  	s18 =	simm.s32 $0x0;
	v14 =	vshll.u32 v5, $0x10;
	v7 =	vimm.f32 $0.0e+00;
	v12 =	vadd.f32 v3, v6;
	v3 =	vld [tilespmem:s19+$0x70];
	s19 =	simm.s32 $0xD500  }
.LBB2_21:
0x132: {  	v15 =	vld [tilespmem:s19+$0x0];
	v11 =	vadd.f32 v14, v11;
	v10 =	vadd.f32 v5, v10;
	v5 =	vshll.u32 v1, $0x10  }
0x133: {  	s18 =	sadd.s32 $0x2, s18;
	v14 =	vld [tilespmem:s19+$0x10];
	v16 =	vshll.u32 v2, $0x10;
	v12 =	vadd.f32 v5, v12;
	v13 =	vadd.f32 v1, v13  }
0x134: {  	v9 =	vadd.f32 v2, v9;
	p1 =	slt.u32 s18, $0x30;
	v5 =	vld [tilespmem:s19+$0x40];
	v6 =	vadd.f32 v16, v6;
	v2 =	vshll.u32 v0, $0x10  }
.Ltmp9:
0x135: {  	v7 =	vadd.f32 v0, v7;
	v1 =	vld [tilespmem:s19+$0x50];
	v8 =	vadd.f32 v2, v8;
	v0 =	vshll.u32 v4, $0x10;
	(pc) =	sbr.rel @p1 .LBB2_21-.Ltmp9, $4  }
0x136: {  	v9 =	vadd.f32 v4, v9;
	v2 =	vld [tilespmem:s19+$0x20];
	v6 =	vadd.f32 v0, v6;
	v4 =	vshll.u32 v3, $0x10  }
0x137: {  	v7 =	vadd.f32 v3, v7;
	v16 =	vshll.u32 v15, $0x10;
	v0 =	vld [tilespmem:s19+$0x30];
	v8 =	vadd.f32 v4, v8  }
0x138: {  	v10 =	vadd.f32 v15, v10;
	v11 =	vadd.f32 v16, v11;
	v3 =	vshll.u32 v14, $0x10;
	v4 =	vld [tilespmem:s19+$0x60]  }
0x139: {  	v13 =	vadd.f32 v14, v13;
	v12 =	vadd.f32 v3, v12;
	v14 =	vshll.u32 v5, $0x10;
	v3 =	vld [tilespmem:s19+$0x70];
	s19 =	sadd.s32 $0x80, s19  }
0x13a: {  	v11 =	vadd.f32 v14, v11  }
0x13b: {  	v14 =	vshll.u32 v1, $0x10;
	v5 =	vadd.f32 v5, v10  }
0x13c: {  	v10 =	vshll.u32 v2, $0x10;
	v12 =	vadd.f32 v14, v12;
	v2 =	vadd.f32 v2, v9;
	[tilespmem:s17+$0x12C80] =	vst v11  }
0x13d: {  	v1 =	vadd.f32 v1, v13;
	v6 =	vadd.f32 v10, v6;
	v9 =	vshll.u32 v0, $0x10;
	[tilespmem:s17+$0x12CC0] =	vst v5  }
0x13e: {  	v0 =	vadd.f32 v0, v7;
	v10 =	vshll.u32 v4, $0x10;
	[tilespmem:s17+$0x12C90] =	vst v12;
	v2 =	vadd.f32 v4, v2  }
0x13f: {  	v5 =	vadd.f32 v9, v8;
	[tilespmem:s17+$0x12CD0] =	vst v1;
	v6 =	vadd.f32 v10, v6  }
0x140: {  	v4 =	vshll.u32 v3, $0x10;
	v0 =	vadd.f32 v3, v0;
	[tilespmem:s17+$0x12CE0] =	vst v2  }
0x141: {  	v1 =	vadd.f32 v4, v5;
	[tilespmem:s17+$0x12CA0] =	vst v6  }
0x142: {  	[tilespmem:s17+$0x12CF0] =	vst v0  }
0x143: {  	s19 =	simm.s32 $0xE100;
	[tilespmem:s17+$0x12CB0] =	vst v1  }
0x144: {  	v3 =	vld [tilespmem:s19+$0x0]  }
0x145: {  	v7 =	vld [tilespmem:s19+$0x10]  }
0x146: {  	v5 =	vld [tilespmem:s19+$0x40]  }
0x147: {  	v1 =	vld [tilespmem:s19+$0x50]  }
0x148: {  	v9 =	vimm.f32 $0.0e+00;
	v6 =	vimm.f32 $0.0e+00;
	v2 =	vld [tilespmem:s19+$0x20]  }
0x149: {  	v8 =	vimm.f32 $0.0e+00;
	v0 =	vld [tilespmem:s19+$0x30];
	v4 =	vshll.u32 v3, $0x10;
	v10 =	vadd.f32 v3, v6  }
0x14a: {  	v3 =	vshll.u32 v7, $0x10;
	v13 =	vadd.f32 v7, v6;
	v11 =	vadd.f32 v4, v6;
	v4 =	vld [tilespmem:s19+$0x60]  }
0x14b: {  	s18 =	simm.s32 $0x0;
	v14 =	vshll.u32 v5, $0x10;
	v7 =	vimm.f32 $0.0e+00;
	v12 =	vadd.f32 v3, v6;
	v3 =	vld [tilespmem:s19+$0x70];
	s19 =	simm.s32 $0xE180  }
.LBB2_23:
0x14c: {  	v15 =	vld [tilespmem:s19+$0x0];
	v11 =	vadd.f32 v14, v11;
	v10 =	vadd.f32 v5, v10;
	v5 =	vshll.u32 v1, $0x10  }
0x14d: {  	s18 =	sadd.s32 $0x2, s18;
	v14 =	vld [tilespmem:s19+$0x10];
	v16 =	vshll.u32 v2, $0x10;
	v12 =	vadd.f32 v5, v12;
	v13 =	vadd.f32 v1, v13  }
0x14e: {  	v9 =	vadd.f32 v2, v9;
	p1 =	slt.u32 s18, $0x30;
	v5 =	vld [tilespmem:s19+$0x40];
	v6 =	vadd.f32 v16, v6;
	v2 =	vshll.u32 v0, $0x10  }
.Ltmp10:
0x14f: {  	v7 =	vadd.f32 v0, v7;
	v1 =	vld [tilespmem:s19+$0x50];
	v8 =	vadd.f32 v2, v8;
	v0 =	vshll.u32 v4, $0x10;
	(pc) =	sbr.rel @p1 .LBB2_23-.Ltmp10, $4  }
0x150: {  	v9 =	vadd.f32 v4, v9;
	v2 =	vld [tilespmem:s19+$0x20];
	v6 =	vadd.f32 v0, v6;
	v4 =	vshll.u32 v3, $0x10  }
0x151: {  	v7 =	vadd.f32 v3, v7;
	v16 =	vshll.u32 v15, $0x10;
	v0 =	vld [tilespmem:s19+$0x30];
	v8 =	vadd.f32 v4, v8  }
0x152: {  	v10 =	vadd.f32 v15, v10;
	v11 =	vadd.f32 v16, v11;
	v3 =	vshll.u32 v14, $0x10;
	v4 =	vld [tilespmem:s19+$0x60]  }
0x153: {  	v13 =	vadd.f32 v14, v13;
	v12 =	vadd.f32 v3, v12;
	v14 =	vshll.u32 v5, $0x10;
	v3 =	vld [tilespmem:s19+$0x70];
	s19 =	sadd.s32 $0x80, s19  }
0x154: {  	v11 =	vadd.f32 v14, v11  }
0x155: {  	v14 =	vshll.u32 v1, $0x10;
	v5 =	vadd.f32 v5, v10  }
0x156: {  	v10 =	vshll.u32 v2, $0x10;
	v12 =	vadd.f32 v14, v12;
	v2 =	vadd.f32 v2, v9;
	[tilespmem:s17+$0x12D00] =	vst v11  }
0x157: {  	v1 =	vadd.f32 v1, v13;
	v6 =	vadd.f32 v10, v6;
	v9 =	vshll.u32 v0, $0x10;
	[tilespmem:s17+$0x12D40] =	vst v5  }
0x158: {  	v0 =	vadd.f32 v0, v7;
	v10 =	vshll.u32 v4, $0x10;
	[tilespmem:s17+$0x12D10] =	vst v12;
	v2 =	vadd.f32 v4, v2  }
0x159: {  	v5 =	vadd.f32 v9, v8;
	[tilespmem:s17+$0x12D50] =	vst v1;
	v6 =	vadd.f32 v10, v6  }
0x15a: {  	v4 =	vshll.u32 v3, $0x10;
	v0 =	vadd.f32 v3, v0;
	[tilespmem:s17+$0x12D60] =	vst v2  }
0x15b: {  	v1 =	vadd.f32 v4, v5;
	[tilespmem:s17+$0x12D20] =	vst v6  }
0x15c: {  	[tilespmem:s17+$0x12D70] =	vst v0  }
0x15d: {  	s19 =	simm.s32 $0xED80;
	[tilespmem:s17+$0x12D30] =	vst v1  }
0x15e: {  	v3 =	vld [tilespmem:s19+$0x0]  }
0x15f: {  	v7 =	vld [tilespmem:s19+$0x10]  }
0x160: {  	v5 =	vld [tilespmem:s19+$0x40]  }
0x161: {  	v1 =	vld [tilespmem:s19+$0x50]  }
0x162: {  	v9 =	vimm.f32 $0.0e+00;
	v6 =	vimm.f32 $0.0e+00;
	v2 =	vld [tilespmem:s19+$0x20]  }
0x163: {  	v8 =	vimm.f32 $0.0e+00;
	v0 =	vld [tilespmem:s19+$0x30];
	v4 =	vshll.u32 v3, $0x10;
	v10 =	vadd.f32 v3, v6  }
0x164: {  	v3 =	vshll.u32 v7, $0x10;
	v13 =	vadd.f32 v7, v6;
	v11 =	vadd.f32 v4, v6;
	v4 =	vld [tilespmem:s19+$0x60]  }
0x165: {  	s18 =	simm.s32 $0x0;
	v14 =	vshll.u32 v5, $0x10;
	v7 =	vimm.f32 $0.0e+00;
	v12 =	vadd.f32 v3, v6;
	v3 =	vld [tilespmem:s19+$0x70];
	s19 =	simm.s32 $0xEE00  }
.LBB2_25:
0x166: {  	v15 =	vld [tilespmem:s19+$0x0];
	v11 =	vadd.f32 v14, v11;
	v10 =	vadd.f32 v5, v10;
	v5 =	vshll.u32 v1, $0x10  }
0x167: {  	s18 =	sadd.s32 $0x2, s18;
	v14 =	vld [tilespmem:s19+$0x10];
	v16 =	vshll.u32 v2, $0x10;
	v12 =	vadd.f32 v5, v12;
	v13 =	vadd.f32 v1, v13  }
0x168: {  	v9 =	vadd.f32 v2, v9;
	p1 =	slt.u32 s18, $0x30;
	v5 =	vld [tilespmem:s19+$0x40];
	v6 =	vadd.f32 v16, v6;
	v2 =	vshll.u32 v0, $0x10  }
.Ltmp11:
0x169: {  	v7 =	vadd.f32 v0, v7;
	v1 =	vld [tilespmem:s19+$0x50];
	v8 =	vadd.f32 v2, v8;
	v0 =	vshll.u32 v4, $0x10;
	(pc) =	sbr.rel @p1 .LBB2_25-.Ltmp11, $4  }
0x16a: {  	v9 =	vadd.f32 v4, v9;
	v2 =	vld [tilespmem:s19+$0x20];
	v6 =	vadd.f32 v0, v6;
	v4 =	vshll.u32 v3, $0x10  }
0x16b: {  	v7 =	vadd.f32 v3, v7;
	v16 =	vshll.u32 v15, $0x10;
	v0 =	vld [tilespmem:s19+$0x30];
	v8 =	vadd.f32 v4, v8  }
0x16c: {  	v10 =	vadd.f32 v15, v10;
	v11 =	vadd.f32 v16, v11;
	v3 =	vshll.u32 v14, $0x10;
	v4 =	vld [tilespmem:s19+$0x60]  }
0x16d: {  	v13 =	vadd.f32 v14, v13;
	v12 =	vadd.f32 v3, v12;
	v14 =	vshll.u32 v5, $0x10;
	v3 =	vld [tilespmem:s19+$0x70];
	s19 =	sadd.s32 $0x80, s19  }
0x16e: {  	v11 =	vadd.f32 v14, v11  }
0x16f: {  	v14 =	vshll.u32 v1, $0x10;
	v5 =	vadd.f32 v5, v10  }
0x170: {  	v10 =	vshll.u32 v2, $0x10;
	v12 =	vadd.f32 v14, v12;
	v2 =	vadd.f32 v2, v9;
	[tilespmem:s17+$0x12D80] =	vst v11  }
0x171: {  	v1 =	vadd.f32 v1, v13;
	v6 =	vadd.f32 v10, v6;
	v9 =	vshll.u32 v0, $0x10;
	[tilespmem:s17+$0x12DC0] =	vst v5  }
0x172: {  	v0 =	vadd.f32 v0, v7;
	v10 =	vshll.u32 v4, $0x10;
	[tilespmem:s17+$0x12D90] =	vst v12;
	v2 =	vadd.f32 v4, v2  }
0x173: {  	v5 =	vadd.f32 v9, v8;
	[tilespmem:s17+$0x12DD0] =	vst v1;
	v6 =	vadd.f32 v10, v6  }
0x174: {  	v4 =	vshll.u32 v3, $0x10;
	v0 =	vadd.f32 v3, v0;
	[tilespmem:s17+$0x12DE0] =	vst v2  }
0x175: {  	v1 =	vadd.f32 v4, v5;
	[tilespmem:s17+$0x12DA0] =	vst v6  }
0x176: {  	[tilespmem:s17+$0x12DF0] =	vst v0  }
0x177: {  	s18 =	simm.s32 @!p0 $0x68;
	s19 =	simm.s32 @!p0 $0xC800;
	[tilespmem:s17+$0x12DB0] =	vst v1;
	s17 =	sadd.s32 @!p0 $0x4B0, s13  }
0x178: {  	[tilespmem:s19], [sflag:$0x5] =	stream.indirect.gather @!p0 [hbm4b:s3+s18], $0x40, s17, s18, $0xb8;
	[tilespmem:$0x16C00] =	vst v63  }
0x179: {  	s17 =	sadd.s32 @!p0 $0x518, s13;
	s18 =	simm.s32 @!p0 $0x60;
	s19 =	simm.s32 @!p0 $0xE200  }
0x17a: {  	[tilespmem:s19], [sflag:$0x6] =	stream.indirect.gather @!p0 [hbm4b:s3+s18], $0x40, s17, s18, $0xb8;
	[tilespmem:$0x16C00] =	vst v63  }
0x17b: {  	_ =	swait.ge [sflag:s31], $0x1A00  }
0x17c: {  	[sflag:s31] =	ssyncset.done $0x0  }
0x17d: {  	[sflag:s31] =	ssyncadd.s32 $0xFFFFE600  }
0x17e: {  	_ =	swait.ge [sflag:s1], $0x1800  }
0x17f: {  	[sflag:s1] =	ssyncset.done $0x0  }
0x180: {  	s19 =	simm.s32 $0xFA00;
	[sflag:s1] =	ssyncadd.s32 $0xFFFFE800  }
0x181: {  	v3 =	vld [tilespmem:s19+$0x0]  }
0x182: {  	v7 =	vld [tilespmem:s19+$0x10]  }
0x183: {  	v6 =	vld [tilespmem:s19+$0x40]  }
0x184: {  	v1 =	vld [tilespmem:s19+$0x50]  }
0x185: {  	v9 =	vimm.f32 $0.0e+00;
	v5 =	vimm.f32 $0.0e+00;
	v2 =	vld [tilespmem:s19+$0x20]  }
0x186: {  	v8 =	vimm.f32 $0.0e+00;
	v0 =	vld [tilespmem:s19+$0x30];
	v4 =	vshll.u32 v3, $0x10;
	v10 =	vadd.f32 v3, v5  }
0x187: {  	v3 =	vshll.u32 v7, $0x10;
	v11 =	vadd.f32 v7, v5;
	v13 =	vadd.f32 v4, v5;
	v4 =	vld [tilespmem:s19+$0x60]  }
0x188: {  	s17 =	simm.s32 $0x0;
	s18 =	simm.s32 $0xFA80;
	v14 =	vshll.u32 v6, $0x10;
	v7 =	vimm.f32 $0.0e+00;
	v12 =	vadd.f32 v3, v5;
	v3 =	vld [tilespmem:s19+$0x70]  }
.LBB2_27:
0x189: {  	v15 =	vld [tilespmem:s18+$0x0];
	v13 =	vadd.f32 v14, v13;
	v10 =	vadd.f32 v6, v10;
	v6 =	vshll.u32 v1, $0x10  }
0x18a: {  	s17 =	sadd.s32 $0x2, s17;
	v14 =	vld [tilespmem:s18+$0x10];
	v16 =	vshll.u32 v2, $0x10;
	v12 =	vadd.f32 v6, v12;
	v11 =	vadd.f32 v1, v11  }
0x18b: {  	v9 =	vadd.f32 v2, v9;
	p1 =	slt.u32 s17, $0x30;
	v6 =	vld [tilespmem:s18+$0x40];
	v5 =	vadd.f32 v16, v5;
	v2 =	vshll.u32 v0, $0x10  }
.Ltmp12:
0x18c: {  	v7 =	vadd.f32 v0, v7;
	v1 =	vld [tilespmem:s18+$0x50];
	v8 =	vadd.f32 v2, v8;
	v0 =	vshll.u32 v4, $0x10;
	(pc) =	sbr.rel @p1 .LBB2_27-.Ltmp12, $4  }
0x18d: {  	v9 =	vadd.f32 v4, v9;
	v2 =	vld [tilespmem:s18+$0x20];
	v5 =	vadd.f32 v0, v5;
	v4 =	vshll.u32 v3, $0x10  }
0x18e: {  	v7 =	vadd.f32 v3, v7;
	v16 =	vshll.u32 v15, $0x10;
	v0 =	vld [tilespmem:s18+$0x30];
	v8 =	vadd.f32 v4, v8  }
0x18f: {  	v10 =	vadd.f32 v15, v10;
	v13 =	vadd.f32 v16, v13;
	v3 =	vshll.u32 v14, $0x10;
	v4 =	vld [tilespmem:s18+$0x60]  }
0x190: {  	v11 =	vadd.f32 v14, v11;
	v12 =	vadd.f32 v3, v12;
	v14 =	vshll.u32 v6, $0x10;
	v3 =	vld [tilespmem:s18+$0x70];
	s18 =	sadd.s32 $0x80, s18  }
0x191: {  	s14 =	sor.u32 $0x3, s14  }
0x192: {  	s14 =	ssub.s32 s14, s15  }
0x193: {  	v13 =	vadd.f32 v14, v13;
	s14 =	sshll.u32 s14, $0xB  }
0x194: {  	v14 =	vshll.u32 v1, $0x10;
	v6 =	vadd.f32 v6, v10;
	s14 =	sshra.s32 s14, $0x2  }
0x195: {  	v10 =	vshll.u32 v2, $0x10;
	v12 =	vadd.f32 v14, v12;
	v2 =	vadd.f32 v2, v9;
	[tilespmem:s14+$0x12C00] =	vst v13  }
0x196: {  	v1 =	vadd.f32 v1, v11;
	v5 =	vadd.f32 v10, v5;
	v9 =	vshll.u32 v0, $0x10;
	[tilespmem:s14+$0x12C40] =	vst v6  }
0x197: {  	v0 =	vadd.f32 v0, v7;
	v10 =	vshll.u32 v4, $0x10;
	v2 =	vadd.f32 v4, v2;
	[tilespmem:s14+$0x12C10] =	vst v12  }
0x198: {  	v6 =	vadd.f32 v9, v8;
	v5 =	vadd.f32 v10, v5;
	[tilespmem:s14+$0x12C50] =	vst v1  }
0x199: {  	v4 =	vshll.u32 v3, $0x10;
	v0 =	vadd.f32 v3, v0;
	[tilespmem:s14+$0x12C60] =	vst v2  }
0x19a: {  	v1 =	vadd.f32 v4, v6;
	[tilespmem:s14+$0x12C20] =	vst v5  }
0x19b: {  	[tilespmem:s14+$0x12C70] =	vst v0  }
0x19c: {  	s17 =	simm.s32 $0x10680;
	[tilespmem:s14+$0x12C30] =	vst v1  }
0x19d: {  	v3 =	vld [tilespmem:s17+$0x0]  }
0x19e: {  	v7 =	vld [tilespmem:s17+$0x10]  }
0x19f: {  	v5 =	vld [tilespmem:s17+$0x40]  }
0x1a0: {  	v1 =	vld [tilespmem:s17+$0x50]  }
0x1a1: {  	v9 =	vimm.f32 $0.0e+00;
	v6 =	vimm.f32 $0.0e+00;
	v2 =	vld [tilespmem:s17+$0x20]  }
0x1a2: {  	v8 =	vimm.f32 $0.0e+00;
	v0 =	vld [tilespmem:s17+$0x30];
	v4 =	vshll.u32 v3, $0x10;
	v10 =	vadd.f32 v3, v6  }
0x1a3: {  	v3 =	vshll.u32 v7, $0x10;
	v13 =	vadd.f32 v7, v6;
	v11 =	vadd.f32 v4, v6;
	v4 =	vld [tilespmem:s17+$0x60]  }
0x1a4: {  	s15 =	simm.s32 $0x0;
	v14 =	vshll.u32 v5, $0x10;
	v7 =	vimm.f32 $0.0e+00;
	v12 =	vadd.f32 v3, v6;
	v3 =	vld [tilespmem:s17+$0x70];
	s17 =	simm.s32 $0x10700  }
.LBB2_29:
0x1a5: {  	v15 =	vld [tilespmem:s17+$0x0];
	v11 =	vadd.f32 v14, v11;
	v10 =	vadd.f32 v5, v10;
	v5 =	vshll.u32 v1, $0x10  }
0x1a6: {  	s15 =	sadd.s32 $0x2, s15;
	v14 =	vld [tilespmem:s17+$0x10];
	v16 =	vshll.u32 v2, $0x10;
	v12 =	vadd.f32 v5, v12;
	v13 =	vadd.f32 v1, v13  }
0x1a7: {  	v9 =	vadd.f32 v2, v9;
	p1 =	slt.u32 s15, $0x30;
	v5 =	vld [tilespmem:s17+$0x40];
	v6 =	vadd.f32 v16, v6;
	v2 =	vshll.u32 v0, $0x10  }
.Ltmp13:
0x1a8: {  	v7 =	vadd.f32 v0, v7;
	v1 =	vld [tilespmem:s17+$0x50];
	v8 =	vadd.f32 v2, v8;
	v0 =	vshll.u32 v4, $0x10;
	(pc) =	sbr.rel @p1 .LBB2_29-.Ltmp13, $4  }
0x1a9: {  	v9 =	vadd.f32 v4, v9;
	v2 =	vld [tilespmem:s17+$0x20];
	v6 =	vadd.f32 v0, v6;
	v4 =	vshll.u32 v3, $0x10  }
0x1aa: {  	v7 =	vadd.f32 v3, v7;
	v16 =	vshll.u32 v15, $0x10;
	v0 =	vld [tilespmem:s17+$0x30];
	v8 =	vadd.f32 v4, v8  }
0x1ab: {  	v10 =	vadd.f32 v15, v10;
	v11 =	vadd.f32 v16, v11;
	v3 =	vshll.u32 v14, $0x10;
	v4 =	vld [tilespmem:s17+$0x60]  }
0x1ac: {  	v13 =	vadd.f32 v14, v13;
	v12 =	vadd.f32 v3, v12;
	v14 =	vshll.u32 v5, $0x10;
	v3 =	vld [tilespmem:s17+$0x70];
	s17 =	sadd.s32 $0x80, s17  }
0x1ad: {  	v11 =	vadd.f32 v14, v11  }
0x1ae: {  	v14 =	vshll.u32 v1, $0x10;
	v5 =	vadd.f32 v5, v10  }
0x1af: {  	v10 =	vshll.u32 v2, $0x10;
	v12 =	vadd.f32 v14, v12;
	v2 =	vadd.f32 v2, v9;
	[tilespmem:s14+$0x12C80] =	vst v11  }
0x1b0: {  	v1 =	vadd.f32 v1, v13;
	v6 =	vadd.f32 v10, v6;
	v9 =	vshll.u32 v0, $0x10;
	[tilespmem:s14+$0x12CC0] =	vst v5  }
0x1b1: {  	v0 =	vadd.f32 v0, v7;
	v10 =	vshll.u32 v4, $0x10;
	[tilespmem:s14+$0x12C90] =	vst v12;
	v2 =	vadd.f32 v4, v2  }
0x1b2: {  	v5 =	vadd.f32 v9, v8;
	[tilespmem:s14+$0x12CD0] =	vst v1;
	v6 =	vadd.f32 v10, v6  }
0x1b3: {  	v4 =	vshll.u32 v3, $0x10;
	v0 =	vadd.f32 v3, v0;
	[tilespmem:s14+$0x12CE0] =	vst v2  }
0x1b4: {  	v1 =	vadd.f32 v4, v5;
	[tilespmem:s14+$0x12CA0] =	vst v6  }
0x1b5: {  	[tilespmem:s14+$0x12CF0] =	vst v0  }
0x1b6: {  	s17 =	simm.s32 $0x11300;
	[tilespmem:s14+$0x12CB0] =	vst v1  }
0x1b7: {  	v3 =	vld [tilespmem:s17+$0x0]  }
0x1b8: {  	v7 =	vld [tilespmem:s17+$0x10]  }
0x1b9: {  	v5 =	vld [tilespmem:s17+$0x40]  }
0x1ba: {  	v1 =	vld [tilespmem:s17+$0x50]  }
0x1bb: {  	v9 =	vimm.f32 $0.0e+00;
	v6 =	vimm.f32 $0.0e+00;
	v2 =	vld [tilespmem:s17+$0x20]  }
0x1bc: {  	v8 =	vimm.f32 $0.0e+00;
	v0 =	vld [tilespmem:s17+$0x30];
	v4 =	vshll.u32 v3, $0x10;
	v10 =	vadd.f32 v3, v6  }
0x1bd: {  	v3 =	vshll.u32 v7, $0x10;
	v13 =	vadd.f32 v7, v6;
	v11 =	vadd.f32 v4, v6;
	v4 =	vld [tilespmem:s17+$0x60]  }
0x1be: {  	s15 =	simm.s32 $0x0;
	v14 =	vshll.u32 v5, $0x10;
	v7 =	vimm.f32 $0.0e+00;
	v12 =	vadd.f32 v3, v6;
	v3 =	vld [tilespmem:s17+$0x70];
	s17 =	simm.s32 $0x11380  }
.LBB2_31:
0x1bf: {  	v15 =	vld [tilespmem:s17+$0x0];
	v11 =	vadd.f32 v14, v11;
	v10 =	vadd.f32 v5, v10;
	v5 =	vshll.u32 v1, $0x10  }
0x1c0: {  	s15 =	sadd.s32 $0x2, s15;
	v14 =	vld [tilespmem:s17+$0x10];
	v16 =	vshll.u32 v2, $0x10;
	v12 =	vadd.f32 v5, v12;
	v13 =	vadd.f32 v1, v13  }
0x1c1: {  	v9 =	vadd.f32 v2, v9;
	p1 =	slt.u32 s15, $0x30;
	v5 =	vld [tilespmem:s17+$0x40];
	v6 =	vadd.f32 v16, v6;
	v2 =	vshll.u32 v0, $0x10  }
.Ltmp14:
0x1c2: {  	v7 =	vadd.f32 v0, v7;
	v1 =	vld [tilespmem:s17+$0x50];
	v8 =	vadd.f32 v2, v8;
	v0 =	vshll.u32 v4, $0x10;
	(pc) =	sbr.rel @p1 .LBB2_31-.Ltmp14, $4  }
0x1c3: {  	v9 =	vadd.f32 v4, v9;
	v2 =	vld [tilespmem:s17+$0x20];
	v6 =	vadd.f32 v0, v6;
	v4 =	vshll.u32 v3, $0x10  }
0x1c4: {  	v7 =	vadd.f32 v3, v7;
	v16 =	vshll.u32 v15, $0x10;
	v0 =	vld [tilespmem:s17+$0x30];
	v8 =	vadd.f32 v4, v8  }
0x1c5: {  	v10 =	vadd.f32 v15, v10;
	v11 =	vadd.f32 v16, v11;
	v3 =	vshll.u32 v14, $0x10;
	v4 =	vld [tilespmem:s17+$0x60]  }
0x1c6: {  	v13 =	vadd.f32 v14, v13;
	v12 =	vadd.f32 v3, v12;
	v14 =	vshll.u32 v5, $0x10;
	v3 =	vld [tilespmem:s17+$0x70];
	s17 =	sadd.s32 $0x80, s17  }
0x1c7: {  	v11 =	vadd.f32 v14, v11  }
0x1c8: {  	v14 =	vshll.u32 v1, $0x10;
	v5 =	vadd.f32 v5, v10  }
0x1c9: {  	v10 =	vshll.u32 v2, $0x10;
	v12 =	vadd.f32 v14, v12;
	v2 =	vadd.f32 v2, v9;
	[tilespmem:s14+$0x12D00] =	vst v11  }
0x1ca: {  	v1 =	vadd.f32 v1, v13;
	v6 =	vadd.f32 v10, v6;
	v9 =	vshll.u32 v0, $0x10;
	[tilespmem:s14+$0x12D40] =	vst v5  }
0x1cb: {  	v0 =	vadd.f32 v0, v7;
	v10 =	vshll.u32 v4, $0x10;
	[tilespmem:s14+$0x12D10] =	vst v12;
	v2 =	vadd.f32 v4, v2  }
0x1cc: {  	v5 =	vadd.f32 v9, v8;
	[tilespmem:s14+$0x12D50] =	vst v1;
	v6 =	vadd.f32 v10, v6  }
0x1cd: {  	v4 =	vshll.u32 v3, $0x10;
	v0 =	vadd.f32 v3, v0;
	[tilespmem:s14+$0x12D60] =	vst v2  }
0x1ce: {  	v1 =	vadd.f32 v4, v5;
	[tilespmem:s14+$0x12D20] =	vst v6  }
0x1cf: {  	[tilespmem:s14+$0x12D70] =	vst v0  }
0x1d0: {  	s17 =	simm.s32 $0x11F80;
	[tilespmem:s14+$0x12D30] =	vst v1  }
0x1d1: {  	v3 =	vld [tilespmem:s17+$0x0]  }
0x1d2: {  	v7 =	vld [tilespmem:s17+$0x10]  }
0x1d3: {  	v5 =	vld [tilespmem:s17+$0x40]  }
0x1d4: {  	v1 =	vld [tilespmem:s17+$0x50]  }
0x1d5: {  	v9 =	vimm.f32 $0.0e+00;
	v6 =	vimm.f32 $0.0e+00;
	v2 =	vld [tilespmem:s17+$0x20]  }
0x1d6: {  	v8 =	vimm.f32 $0.0e+00;
	v0 =	vld [tilespmem:s17+$0x30];
	v4 =	vshll.u32 v3, $0x10;
	v10 =	vadd.f32 v3, v6  }
0x1d7: {  	v3 =	vshll.u32 v7, $0x10;
	v13 =	vadd.f32 v7, v6;
	v11 =	vadd.f32 v4, v6;
	v4 =	vld [tilespmem:s17+$0x60]  }
0x1d8: {  	s15 =	simm.s32 $0x0;
	v14 =	vshll.u32 v5, $0x10;
	v7 =	vimm.f32 $0.0e+00;
	v12 =	vadd.f32 v3, v6;
	v3 =	vld [tilespmem:s17+$0x70];
	s17 =	simm.s32 $0x12000  }
.LBB2_33:
0x1d9: {  	v15 =	vld [tilespmem:s17+$0x0];
	v11 =	vadd.f32 v14, v11;
	v10 =	vadd.f32 v5, v10;
	v5 =	vshll.u32 v1, $0x10  }
0x1da: {  	s15 =	sadd.s32 $0x2, s15;
	v14 =	vld [tilespmem:s17+$0x10];
	v16 =	vshll.u32 v2, $0x10;
	v12 =	vadd.f32 v5, v12;
	v13 =	vadd.f32 v1, v13  }
0x1db: {  	v9 =	vadd.f32 v2, v9;
	p1 =	slt.u32 s15, $0x30;
	v5 =	vld [tilespmem:s17+$0x40];
	v6 =	vadd.f32 v16, v6;
	v2 =	vshll.u32 v0, $0x10  }
.Ltmp15:
0x1dc: {  	v7 =	vadd.f32 v0, v7;
	v1 =	vld [tilespmem:s17+$0x50];
	v8 =	vadd.f32 v2, v8;
	v0 =	vshll.u32 v4, $0x10;
	(pc) =	sbr.rel @p1 .LBB2_33-.Ltmp15, $4  }
0x1dd: {  	v9 =	vadd.f32 v4, v9;
	v2 =	vld [tilespmem:s17+$0x20];
	v6 =	vadd.f32 v0, v6;
	v4 =	vshll.u32 v3, $0x10  }
0x1de: {  	v7 =	vadd.f32 v3, v7;
	v16 =	vshll.u32 v15, $0x10;
	v0 =	vld [tilespmem:s17+$0x30];
	v8 =	vadd.f32 v4, v8  }
0x1df: {  	v10 =	vadd.f32 v15, v10;
	v11 =	vadd.f32 v16, v11;
	v3 =	vshll.u32 v14, $0x10;
	v4 =	vld [tilespmem:s17+$0x60]  }
0x1e0: {  	v13 =	vadd.f32 v14, v13;
	v12 =	vadd.f32 v3, v12;
	v14 =	vshll.u32 v5, $0x10;
	v3 =	vld [tilespmem:s17+$0x70];
	s17 =	sadd.s32 $0x80, s17  }
0x1e1: {  	v11 =	vadd.f32 v14, v11  }
0x1e2: {  	v54 =	vshll.u32 v1, $0x10;
	v5 =	vadd.f32 v5, v10  }
0x1e3: {  	v55 =	vshll.u32 v2, $0x10;
	v12 =	vadd.f32 v54, v12;
	v57 =	vadd.f32 v2, v9;
	[tilespmem:s14+$0x12D80] =	vst v11  }
0x1e4: {  	v56 =	vadd.f32 v1, v13;
	v6 =	vadd.f32 v55, v6;
	v58 =	vshll.u32 v0, $0x10;
	[tilespmem:s14+$0x12DC0] =	vst v5  }
0x1e5: {  	v61 =	vadd.f32 v0, v7;
	v59 =	vshll.u32 v4, $0x10;
	[tilespmem:s14+$0x12D90] =	vst v12;
	v2 =	vadd.f32 v4, v57  }
0x1e6: {  	v60 =	vadd.f32 v58, v8;
	[tilespmem:s14+$0x12DD0] =	vst v56;
	v6 =	vadd.f32 v59, v6  }
0x1e7: {  	v62 =	vshll.u32 v3, $0x10;
	v0 =	vadd.f32 v3, v61;
	[tilespmem:s14+$0x12DE0] =	vst v2  }
0x1e8: {  	v63 =	vadd.f32 v62, v60;
	[tilespmem:s14+$0x12DA0] =	vst v6  }
0x1e9: {  	s15 =	simm.s32 @!p0 $0x68;
	[tilespmem:s14+$0x12DF0] =	vst v0  }
0x1ea: {  	s17 =	simm.s32 @!p0 $0xFA00;
	p1 =	sne.s32 @!p0 s16, $0x7;
	[tilespmem:s14+$0x12DB0] =	vst v63;
	s14 =	sadd.s32 @!p0 $0x578, s13  }
0x1eb: {  	[tilespmem:s17], [sflag:$0x7] =	stream.indirect.gather @!p0 [hbm4b:s3+s15], $0x40, s14, s15, $0xb8;
	[tilespmem:$0x16C00] =	vst v63  }
0x1ec: {  	s13 =	sadd.s32 @!p0 $0x5E0, s13;
	s14 =	simm.s32 @!p0 $0x60;
	s15 =	simm.s32 @!p0 $0x11400  }
0x1ed: {  	[tilespmem:s15], [sflag:$0x8] =	stream.indirect.gather @!p0 [hbm4b:s3+s14], $0x40, s13, s14, $0xb8;
	[tilespmem:$0x16C00] =	vst v63  }
0x1ee: {  	p0 =	por p0, !p1  }
0x1ef: {  	s12 =	sshll.u32 @p0 s12, $0xB  }
0x1f0: {  	s12 =	sadd.s32 @p0 s12, s5  }
0x1f1: {  	[hbm4b:s12+s2] =	stream.linear.scatter @p0 [tilespmem:s0], [sflag:$0x9], $0x4000, $0x38;
	[tilespmem:$0x16C00] =	vst v63  }
0x1f2: {  	_ =	swait.ge @p0 [sflag:s7], $0x4000  }
0x1f3: {  	s11 =	sadd.s32 $0x1, s11;
	[sflag:s7] =	ssyncset.done @p0 $0x0  }
0x1f4: {  	[sflag:s7] =	ssyncadd.s32 @p0 $0xFFFFC000;
	p0 =	sne.s32 s11, $0x20  }
.Ltmp16:
0x1f5: {  	_ = 	snop;
	(pc) =	sbr.rel @p0 .LBB2_2-.Ltmp16, $1  }
0x1f6: {  	_ =	sdelay $0x3  }
0x1f7: {  	s9 =	sadd.s32 $0x1, s9  }
0x1f8: {  	p0 =	sne.s32 s9, s6  }
.Ltmp17:
0x1f9: {  	_ = 	snop;
	(pc) =	sbr.rel @p0 .LBB2_1-.Ltmp17, $1  }
0x1fa: {  	_ =	sdelay $0x3  }
0x1fb: {  	_ =	sfence.sel $0x180000  }
0x1fc: {  	[bflag:$0x0] =	sbarrier.arrive $0xFFFF  }
0x1fd: {  	_ =	strace $0x9000004A  }
0x1fe: {  	s0 =	stileid.u32;
	[bflag:$0x2] =	sbarrier.arrive $0xFFFF  }
0x1ff: {  	p0 =	sne.s32 s0, $0x0;
	s0 =	rddreg [dreg:$0x2]  }
0x200: {  	s0 =	sadd.s32 @!p0 $0x100000, s0  }
0x201: {  	[sflag:s0] =	ssyncadd.tile.s32 @!p0 $0x1;
	_ =	shalt  }
.Lfunc_end2:
_tile_overlayer_lowered:
.L_overlay_start_2:
0x202: {  	(tag) =	ssettag $0x2  }
0x203: {  	s0 =	rddreg [dreg:$0x0];
	s2 =	stileid.u32  }
0x204: {  	s1 =	rddreg [dreg:$0x1];
	p0 =	sne.s32 s2, $0x0  }
0x205: {  	s3 =	rddreg [dreg:$0x2];
	[bflag:$0x3] =	sbarrier.arrive $0xFFFF;
	s2 =	simm.s32 @!p0 $0x1C09  }
0x206: {  	[timem:s3], [sflag:s2] =	dma.local @!p0 [hbm:s0], s1  }
0x207: {  	s0 =	simm.s32 @!p0 $0x9  }
0x208: {  	_ =	swait.ge @!p0 [sflag:s0], s1  }
0x209: {  	s1 =	ssub.s32 @!p0 $0x0, s1;
	[sflag:s0] =	ssyncset.done @!p0 $0x0  }
0x20a: {  	[sflag:s0] =	ssyncadd.s32 @!p0 s1  }
0x20b: {  	[bflag:$0x3] =	sbarrier.arrive $0xFFFF  }
0x20c: {  	_ =	shalt  }

</sc_bundles>
